<compile_context>
chip_gen: v7x
topology: tpu7x:2x2x1
jax: 0.10.2.dev20260603
libtpu: 0.0.44.dev20260713+nightly
codegen_flags: <defaults>
</compile_context>

<pallas_src>
import functools

import jax
import jax.numpy as jnp
from jax import lax
from jax.experimental import pallas as pl
from jax.experimental.pallas import tpu as pltpu
from jax.experimental.pallas import tpu_sc as plsc

NC = 2
NS = 16
NW = NC * NS
L = 16
W = 256


def _sc_fused(u, i, user_emb, item_emb, fc_w):
    B = u.shape[0]
    K = user_emb.shape[1]
    b_per_w = B // NW
    mesh = plsc.VectorSubcoreMesh(core_axis_name="c", subcore_axis_name="s")

    @functools.partial(
        pl.kernel,
        mesh=mesh,
        compiler_params=pltpu.CompilerParams(needs_layout_passes=False),
        out_type=jax.ShapeDtypeStruct((B,), jnp.float32),
        scratch_types=[
            pltpu.VMEM((b_per_w,), jnp.int32),
            pltpu.VMEM((b_per_w,), jnp.int32),
            pltpu.VMEM((W, K), jnp.float32),
            pltpu.VMEM((W, K), jnp.float32),
            pltpu.VMEM((K,), jnp.float32),
            pltpu.VMEM((b_per_w,), jnp.float32),
            pltpu.SemaphoreType.DMA,
            pltpu.SemaphoreType.DMA,
            pltpu.SemaphoreType.DMA,
        ],
    )
    def sc_fused(u_hbm, i_hbm, ue_hbm, ie_hbm, w_hbm, o_hbm,
                 uix_v, iix_v, urows_v, irows_v, w_v, out_v,
                 sem_u, sem_i, sem_w):
        wid = lax.axis_index("s") * NC + lax.axis_index("c")
        base = wid * b_per_w
        cw = pltpu.async_copy(w_hbm.at[0], w_v, sem_w)
        pltpu.sync_copy(u_hbm.at[pl.ds(base, b_per_w)], uix_v)
        pltpu.sync_copy(i_hbm.at[pl.ds(base, b_per_w)], iix_v)
        cw.wait()
        lanes = lax.iota(jnp.int32, L)
        zeros = jnp.zeros((L,), jnp.int32)

        for w0 in range(0, b_per_w, W):
            @pl.loop(0, W, step=L)
            def _(r):
                uvec = uix_v[pl.ds(w0 + r, L)]
                ivec = iix_v[pl.ds(w0 + r, L)]
                for j in range(L):
                    su = jnp.sum(jnp.where(lanes == j, uvec, zeros), axis=0)
                    si = jnp.sum(jnp.where(lanes == j, ivec, zeros), axis=0)
                    pltpu.async_copy(
                        ue_hbm.at[pl.ds(su, 1)],
                        urows_v.at[pl.ds(r + j, 1)], sem_u)
                    pltpu.async_copy(
                        ie_hbm.at[pl.ds(si, 1)],
                        irows_v.at[pl.ds(r + j, 1)], sem_i)

            @pl.loop(0, W)
            def _(r):
                pltpu.make_async_copy(
                    ue_hbm.at[pl.ds(0, 1)], urows_v.at[pl.ds(r, 1)],
                    sem_u).wait()
                pltpu.make_async_copy(
                    ie_hbm.at[pl.ds(0, 1)], irows_v.at[pl.ds(r, 1)],
                    sem_i).wait()

            @pl.loop(0, W, step=L)
            def _(r0):
                rows = r0 + lanes
                acc = jnp.zeros((L,), jnp.float32)
                for j in range(K):
                    col = lax.rem(lanes + j, jnp.int32(K))
                    wk = plsc.load_gather(w_v, [col])
                    uu = plsc.load_gather(urows_v, [rows, col])
                    ii = plsc.load_gather(irows_v, [rows, col])
                    acc = acc + uu * ii * wk
                out_v[pl.ds(w0 + r0, L)] = acc

        pltpu.sync_copy(out_v, o_hbm.at[pl.ds(base, b_per_w)])

    return sc_fused(u, i, user_emb, item_emb, fc_w)


def kernel(u, i, user_emb, item_emb, fc_w, fc_b):
    out = _sc_fused(u, i, user_emb, item_emb, fc_w)
    return out + fc_b[0]

# --- scband reference (transcript-rebuilt; emitter-appended) ---
"""Pipeline reference for scband-gmf-implicit-9216999817523 (READ-ONLY COPY).

The authoritative reference and input builder live on the scoring server;
editing this copy changes nothing except your own understanding.
"""

import jax, jax.numpy as jnp
import numpy as np

N_USERS = 1000000
N_ITEMS = 1000000
K = 32
BATCH = 16384

def setup_inputs(seed: int = 0) -> dict:
    key = jax.random.key(seed)
    k_u, k_i, k_ue, k_ie, k_fw = jax.random.split(key, 5)
    u = jax.random.randint(k_u, (BATCH,), 0, N_USERS, dtype=jnp.int64) if jax.config.jax_enable_x64 else jax.random.randint(k_u, (BATCH,), 0, N_USERS, dtype=jnp.int32)
    i = jax.random.randint(k_i, (BATCH,), 0, N_ITEMS, dtype=jnp.int32)
    u = u.astype(jnp.int32)
    user_emb = jax.random.normal(k_ue, (N_USERS, K), dtype=jnp.float32) * 0.01
    item_emb = jax.random.normal(k_ie, (N_ITEMS, K), dtype=jnp.float32) * 0.01
    # xavier_uniform for fc weight of shape (1, K): bound = sqrt(6/(fan_in+fan_out)) = sqrt(6/(K+1))
    bound = float(np.sqrt(6.0 / (K + 1)))
    fc_w = jax.random.uniform(k_fw, (1, K), dtype=jnp.float32, minval=-bound, maxval=bound)
    fc_b = jnp.zeros((1,), dtype=jnp.float32)
    return {"u": u, "i": i, "user_emb": user_emb, "item_emb": item_emb, "fc_w": fc_w, "fc_b": fc_b}

def reference(u, i, user_emb, item_emb, fc_w, fc_b):
    ue = jnp.take(user_emb, u, axis=0)          # [B, K] gather
    ie = jnp.take(item_emb, i, axis=0)          # [B, K] gather
    z = ue * ie                                  # [B, K]
    out = z @ fc_w.T + fc_b                      # [B, 1]
    return out.reshape(-1)                       # [B]

if __name__ == "__main__":
    import jax
    _d = setup_inputs()
    print(jax.jit(kernel)(*tuple(_d.values())))

</pallas_src>

<mosaic_0001>
#map = affine_map<(d0, d1) -> (0)>
#map1 = affine_map<(d0, d1) -> (0, 0)>
module attributes {stable_mosaic.version = 14 : i64} {
  func.func @sc_fused(%arg0: i32, %arg1: i32, %arg2: memref<16384xi32, #tpu.memory_space<hbm>>, %arg3: memref<16384xi32, #tpu.memory_space<hbm>>, %arg4: memref<1000000x32xf32, #tpu.memory_space<hbm>>, %arg5: memref<1000000x32xf32, #tpu.memory_space<hbm>>, %arg6: memref<1x32xf32, #tpu.memory_space<hbm>>, %arg7: memref<16384xf32, #tpu.memory_space<hbm>>, %arg8: memref<512xi32, #tpu.memory_space<vmem>>, %arg9: memref<512xi32, #tpu.memory_space<vmem>>, %arg10: memref<256x32xf32, #tpu.memory_space<vmem>>, %arg11: memref<256x32xf32, #tpu.memory_space<vmem>>, %arg12: memref<32xf32, #tpu.memory_space<vmem>>, %arg13: memref<512xf32, #tpu.memory_space<vmem>>, %arg14: memref<!tpu.dma_semaphore, #tpu.memory_space<semaphore_mem>>, %arg15: memref<!tpu.dma_semaphore, #tpu.memory_space<semaphore_mem>>, %arg16: memref<!tpu.dma_semaphore, #tpu.memory_space<semaphore_mem>>) attributes {dimension_semantics = [#tpu.dimension_semantics<core_parallel>, #tpu.dimension_semantics<subcore_parallel>], iteration_bounds = array<i64: 2, 16>, scalar_prefetch = 0 : i64, scratch_operands = 9 : i64, tpu.core_type = #tpu.core_type<sc_vector_subcore>, window_params = [{transform_indices = #map}, {transform_indices = #map}, {transform_indices = #map1}, {transform_indices = #map1}, {transform_indices = #map1}, {transform_indices = #map}]} {
    %mul3A = arith.constant 2 : i32
    %mul3A_0 = arith.muli %arg1, %mul3A : i32
    %add3A = arith.addi %mul3A_0, %arg0 : i32
    %mul3A_1 = arith.constant 512 : i32
    %mul3A_2 = arith.muli %add3A, %mul3A_1 : i32
    %dma_start3A = arith.constant 0 : i32
    %dma_start3A_3 = arith.constant 0 : i32
    %dma_start3A_4 = tpu.memref_slice %arg6[%dma_start3A, %dma_start3A_3] : memref<1x32xf32, #tpu.memory_space<hbm>> -> memref<1x32xf32, #tpu.memory_space<hbm>>
    %dma_start3A_5 = tpu.memref_squeeze %dma_start3A_4 : memref<1x32xf32, #tpu.memory_space<hbm>> -> memref<32xf32, #tpu.memory_space<hbm>>
    %dma_start3A_6 = arith.constant 0 : i32
    %dma_start3A_7 = tpu.memref_slice %arg6[%dma_start3A, %dma_start3A_6] : memref<1x32xf32, #tpu.memory_space<hbm>> -> memref<1x32xf32, #tpu.memory_space<hbm>>
    %dma_start3A_8 = tpu.memref_squeeze %dma_start3A_7 : memref<1x32xf32, #tpu.memory_space<hbm>> -> memref<32xf32, #tpu.memory_space<hbm>>
    tpu.enqueue_dma source(%dma_start3A_8 : memref<32xf32, #tpu.memory_space<hbm>>) target(%arg12 : memref<32xf32, #tpu.memory_space<vmem>>) target_semaphore(%arg16 : memref<!tpu.dma_semaphore, #tpu.memory_space<semaphore_mem>>)
    "tpu.region"() ({
      %run_scoped3A = tpu.sem_alloc : memref<!tpu.dma_semaphore, #tpu.memory_space<semaphore_mem>>
      %dma_start3A_45 = tpu.memref_slice %arg2[%mul3A_2] : memref<16384xi32, #tpu.memory_space<hbm>> -> memref<512xi32, #tpu.memory_space<hbm>>
      %dma_start3A_46 = tpu.memref_slice %arg2[%mul3A_2] : memref<16384xi32, #tpu.memory_space<hbm>> -> memref<512xi32, #tpu.memory_space<hbm>>
      tpu.enqueue_dma source(%dma_start3A_46 : memref<512xi32, #tpu.memory_space<hbm>>) target(%arg8 : memref<512xi32, #tpu.memory_space<vmem>>) target_semaphore(%run_scoped3A : memref<!tpu.dma_semaphore, #tpu.memory_space<semaphore_mem>>)
      %dma_wait3A_47 = tpu.memref_slice %arg2[%mul3A_2] : memref<16384xi32, #tpu.memory_space<hbm>> -> memref<512xi32, #tpu.memory_space<hbm>>
      %dma_wait3A_48 = tpu.memref_slice %arg2[%mul3A_2] : memref<16384xi32, #tpu.memory_space<hbm>> -> memref<512xi32, #tpu.memory_space<hbm>>
      tpu.wait_dma2 semaphore(%run_scoped3A : memref<!tpu.dma_semaphore, #tpu.memory_space<semaphore_mem>>) src(%dma_wait3A_48 : memref<512xi32, #tpu.memory_space<hbm>>) dst(%arg8 : memref<512xi32, #tpu.memory_space<vmem>>)
      tpu.yield
    }) : () -> ()
    "tpu.region"() ({
      %run_scoped3A = tpu.sem_alloc : memref<!tpu.dma_semaphore, #tpu.memory_space<semaphore_mem>>
      %dma_start3A_45 = tpu.memref_slice %arg3[%mul3A_2] : memref<16384xi32, #tpu.memory_space<hbm>> -> memref<512xi32, #tpu.memory_space<hbm>>
      %dma_start3A_46 = tpu.memref_slice %arg3[%mul3A_2] : memref<16384xi32, #tpu.memory_space<hbm>> -> memref<512xi32, #tpu.memory_space<hbm>>
      tpu.enqueue_dma source(%dma_start3A_46 : memref<512xi32, #tpu.memory_space<hbm>>) target(%arg9 : memref<512xi32, #tpu.memory_space<vmem>>) target_semaphore(%run_scoped3A : memref<!tpu.dma_semaphore, #tpu.memory_space<semaphore_mem>>)
      %dma_wait3A_47 = tpu.memref_slice %arg3[%mul3A_2] : memref<16384xi32, #tpu.memory_space<hbm>> -> memref<512xi32, #tpu.memory_space<hbm>>
      %dma_wait3A_48 = tpu.memref_slice %arg3[%mul3A_2] : memref<16384xi32, #tpu.memory_space<hbm>> -> memref<512xi32, #tpu.memory_space<hbm>>
      tpu.wait_dma2 semaphore(%run_scoped3A : memref<!tpu.dma_semaphore, #tpu.memory_space<semaphore_mem>>) src(%dma_wait3A_48 : memref<512xi32, #tpu.memory_space<hbm>>) dst(%arg9 : memref<512xi32, #tpu.memory_space<vmem>>)
      tpu.yield
    }) : () -> ()
    %dma_wait3A = arith.constant 0 : i32
    %dma_wait3A_9 = arith.constant 0 : i32
    %dma_wait3A_10 = tpu.memref_slice %arg6[%dma_wait3A, %dma_wait3A_9] : memref<1x32xf32, #tpu.memory_space<hbm>> -> memref<1x32xf32, #tpu.memory_space<hbm>>
    %dma_wait3A_11 = tpu.memref_squeeze %dma_wait3A_10 : memref<1x32xf32, #tpu.memory_space<hbm>> -> memref<32xf32, #tpu.memory_space<hbm>>
    %dma_wait3A_12 = arith.constant 0 : i32
    %dma_wait3A_13 = tpu.memref_slice %arg6[%dma_wait3A, %dma_wait3A_12] : memref<1x32xf32, #tpu.memory_space<hbm>> -> memref<1x32xf32, #tpu.memory_space<hbm>>
    %dma_wait3A_14 = tpu.memref_squeeze %dma_wait3A_13 : memref<1x32xf32, #tpu.memory_space<hbm>> -> memref<32xf32, #tpu.memory_space<hbm>>
    tpu.wait_dma2 semaphore(%arg16 : memref<!tpu.dma_semaphore, #tpu.memory_space<semaphore_mem>>) src(%dma_wait3A_14 : memref<32xf32, #tpu.memory_space<hbm>>) dst(%arg12 : memref<32xf32, #tpu.memory_space<vmem>>)
    %iota3A = tpu.iota {dimensions = array<i32: 0>} : vector<16xi32>
    %broadcast_in_dim3A = arith.constant 0 : i32
    %broadcast_in_dim3A_15 = vector.broadcast %broadcast_in_dim3A : i32 to vector<16xi32>
    %scan3A = arith.constant 0 : i32
    %scan3A_16 = arith.constant 16 : i32
    %scan3A_17 = arith.addi %scan3A, %scan3A_16 : i32
    %scan3A_18 = arith.constant 1 : i32
    scf.for %scan3A_45 = %scan3A to %scan3A_17 step %scan3A_18  : i32 {
      %mul3A_46 = arith.constant 16 : i32
      %mul3A_47 = arith.muli %scan3A_45, %mul3A_46 : i32
      %add3A_48 = arith.constant 0 : i32
      %add3A_49 = arith.addi %add3A_48, %mul3A_47 : i32
      %add3A_50 = arith.constant 0 : i32
      %add3A_51 = arith.addi %add3A_50, %add3A_49 : i32
      %get3A = arith.index_cast %add3A_51 : i32 to index
      %get3A_52 = tpu.vector_load %arg8[%get3A] {strides = array<i32>} : memref<512xi32, #tpu.memory_space<vmem>>, vector<16xi32>,
      %add3A_53 = arith.constant 0 : i32
      %add3A_54 = arith.addi %add3A_53, %add3A_49 : i32
      %get3A_55 = arith.index_cast %add3A_54 : i32 to index
      %get3A_56 = tpu.vector_load %arg9[%get3A_55] {strides = array<i32>} : memref<512xi32, #tpu.memory_space<vmem>>, vector<16xi32>,
      %eq3A = arith.constant 0 : i32
      %eq3A_57 = vector.broadcast %eq3A : i32 to vector<16xi32>
      %eq3A_58 = arith.cmpi eq, %iota3A, %eq3A_57 : vector<16xi32>
      %select_n3A = arith.select %eq3A_58, %get3A_52, %broadcast_in_dim3A_15 : vector<16xi1>, vector<16xi32>
      %reduce_sum3A = arith.constant true
      %reduce_sum3A_59 = vector.broadcast %reduce_sum3A : i1 to vector<16xi1>
      %reduce_sum3A_60 = tpu.scan <sum>, %select_n3A masked %reduce_sum3A_59 : vector<16xi32>, vector<16xi1> -> vector<16xi32>
      %reduce_sum3A_61 = vector.extract %reduce_sum3A_60[15] : i32 from vector<16xi32>
      %eq3A_62 = arith.constant 0 : i32
      %eq3A_63 = vector.broadcast %eq3A_62 : i32 to vector<16xi32>
      %eq3A_64 = arith.cmpi eq, %iota3A, %eq3A_63 : vector<16xi32>
      %select_n3A_65 = arith.select %eq3A_64, %get3A_56, %broadcast_in_dim3A_15 : vector<16xi1>, vector<16xi32>
      %reduce_sum3A_66 = arith.constant true
      %reduce_sum3A_67 = vector.broadcast %reduce_sum3A_66 : i1 to vector<16xi1>
      %reduce_sum3A_68 = tpu.scan <sum>, %select_n3A_65 masked %reduce_sum3A_67 : vector<16xi32>, vector<16xi1> -> vector<16xi32>
      %reduce_sum3A_69 = vector.extract %reduce_sum3A_68[15] : i32 from vector<16xi32>
      %add3A_70 = arith.constant 0 : i32
      %add3A_71 = arith.addi %add3A_49, %add3A_70 : i32
      %dma_start3A_72 = arith.constant 0 : i32
      %dma_start3A_73 = tpu.memref_slice %arg10[%add3A_71, %dma_start3A_72] : memref<256x32xf32, #tpu.memory_space<vmem>> -> memref<1x32xf32, #tpu.memory_space<vmem>>
      %dma_start3A_74 = arith.constant 0 : i32
      %dma_start3A_75 = tpu.memref_slice %arg4[%reduce_sum3A_61, %dma_start3A_74] : memref<1000000x32xf32, #tpu.memory_space<hbm>> -> memref<1x32xf32, #tpu.memory_space<hbm>>
      %dma_start3A_76 = arith.constant 0 : i32
      %dma_start3A_77 = tpu.memref_slice %arg10[%add3A_71, %dma_start3A_76] : memref<256x32xf32, #tpu.memory_space<vmem>> -> memref<1x32xf32, #tpu.memory_space<vmem>>
      %dma_start3A_78 = arith.constant 0 : i32
      %dma_start3A_79 = tpu.memref_slice %arg4[%reduce_sum3A_61, %dma_start3A_78] : memref<1000000x32xf32, #tpu.memory_space<hbm>> -> memref<1x32xf32, #tpu.memory_space<hbm>>
      tpu.enqueue_dma source(%dma_start3A_79 : memref<1x32xf32, #tpu.memory_space<hbm>>) target(%dma_start3A_77 : memref<1x32xf32, #tpu.memory_space<vmem>>) target_semaphore(%arg14 : memref<!tpu.dma_semaphore, #tpu.memory_space<semaphore_mem>>)
      %add3A_80 = arith.constant 0 : i32
      %add3A_81 = arith.addi %add3A_49, %add3A_80 : i32
      %dma_start3A_82 = arith.constant 0 : i32
      %dma_start3A_83 = tpu.memref_slice %arg11[%add3A_81, %dma_start3A_82] : memref<256x32xf32, #tpu.memory_space<vmem>> -> memref<1x32xf32, #tpu.memory_space<vmem>>
      %dma_start3A_84 = arith.constant 0 : i32
      %dma_start3A_85 = tpu.memref_slice %arg5[%reduce_sum3A_69, %dma_start3A_84] : memref<1000000x32xf32, #tpu.memory_space<hbm>> -> memref<1x32xf32, #tpu.memory_space<hbm>>
      %dma_start3A_86 = arith.constant 0 : i32
      %dma_start3A_87 = tpu.memref_slice %arg11[%add3A_81, %dma_start3A_86] : memref<256x32xf32, #tpu.memory_space<vmem>> -> memref<1x32xf32, #tpu.memory_space<vmem>>
      %dma_start3A_88 = arith.constant 0 : i32
      %dma_start3A_89 = tpu.memref_slice %arg5[%reduce_sum3A_69, %dma_start3A_88] : memref<1000000x32xf32, #tpu.memory_space<hbm>> -> memref<1x32xf32, #tpu.memory_space<hbm>>
      tpu.enqueue_dma source(%dma_start3A_89 : memref<1x32xf32, #tpu.memory_space<hbm>>) target(%dma_start3A_87 : memref<1x32xf32, #tpu.memory_space<vmem>>) target_semaphore(%arg15 : memref<!tpu.dma_semaphore, #tpu.memory_space<semaphore_mem>>)
      %eq3A_90 = arith.constant 1 : i32
      %eq3A_91 = vector.broadcast %eq3A_90 : i32 to vector<16xi32>
      %eq3A_92 = arith.cmpi eq, %iota3A, %eq3A_91 : vector<16xi32>
      %select_n3A_93 = arith.select %eq3A_92, %get3A_52, %broadcast_in_dim3A_15 : vector<16xi1>, vector<16xi32>
      %reduce_sum3A_94 = arith.constant true
      %reduce_sum3A_95 = vector.broadcast %reduce_sum3A_94 : i1 to vector<16xi1>
      %reduce_sum3A_96 = tpu.scan <sum>, %select_n3A_93 masked %reduce_sum3A_95 : vector<16xi32>, vector<16xi1> -> vector<16xi32>
      %reduce_sum3A_97 = vector.extract %reduce_sum3A_96[15] : i32 from vector<16xi32>
      %eq3A_98 = arith.constant 1 : i32
      %eq3A_99 = vector.broadcast %eq3A_98 : i32 to vector<16xi32>
      %eq3A_100 = arith.cmpi eq, %iota3A, %eq3A_99 : vector<16xi32>
      %select_n3A_101 = arith.select %eq3A_100, %get3A_56, %broadcast_in_dim3A_15 : vector<16xi1>, vector<16xi32>
      %reduce_sum3A_102 = arith.constant true
      %reduce_sum3A_103 = vector.broadcast %reduce_sum3A_102 : i1 to vector<16xi1>
      %reduce_sum3A_104 = tpu.scan <sum>, %select_n3A_101 masked %reduce_sum3A_103 : vector<16xi32>, vector<16xi1> -> vector<16xi32>
      %reduce_sum3A_105 = vector.extract %reduce_sum3A_104[15] : i32 from vector<16xi32>
      %add3A_106 = arith.constant 1 : i32
      %add3A_107 = arith.addi %add3A_49, %add3A_106 : i32
      %dma_start3A_108 = arith.constant 0 : i32
      %dma_start3A_109 = tpu.memref_slice %arg10[%add3A_107, %dma_start3A_108] : memref<256x32xf32, #tpu.memory_space<vmem>> -> memref<1x32xf32, #tpu.memory_space<vmem>>
      %dma_start3A_110 = arith.constant 0 : i32
      %dma_start3A_111 = tpu.memref_slice %arg4[%reduce_sum3A_97, %dma_start3A_110] : memref<1000000x32xf32, #tpu.memory_space<hbm>> -> memref<1x32xf32, #tpu.memory_space<hbm>>
      %dma_start3A_112 = arith.constant 0 : i32
      %dma_start3A_113 = tpu.memref_slice %arg10[%add3A_107, %dma_start3A_112] : memref<256x32xf32, #tpu.memory_space<vmem>> -> memref<1x32xf32, #tpu.memory_space<vmem>>
      %dma_start3A_114 = arith.constant 0 : i32
      %dma_start3A_115 = tpu.memref_slice %arg4[%reduce_sum3A_97, %dma_start3A_114] : memref<1000000x32xf32, #tpu.memory_space<hbm>> -> memref<1x32xf32, #tpu.memory_space<hbm>>
      tpu.enqueue_dma source(%dma_start3A_115 : memref<1x32xf32, #tpu.memory_space<hbm>>) target(%dma_start3A_113 : memref<1x32xf32, #tpu.memory_space<vmem>>) target_semaphore(%arg14 : memref<!tpu.dma_semaphore, #tpu.memory_space<semaphore_mem>>)
      %add3A_116 = arith.constant 1 : i32
      %add3A_117 = arith.addi %add3A_49, %add3A_116 : i32
      %dma_start3A_118 = arith.constant 0 : i32
      %dma_start3A_119 = tpu.memref_slice %arg11[%add3A_117, %dma_start3A_118] : memref<256x32xf32, #tpu.memory_space<vmem>> -> memref<1x32xf32, #tpu.memory_space<vmem>>
      %dma_start3A_120 = arith.constant 0 : i32
      %dma_start3A_121 = tpu.memref_slice %arg5[%reduce_sum3A_105, %dma_start3A_120] : memref<1000000x32xf32, #tpu.memory_space<hbm>> -> memref<1x32xf32, #tpu.memory_space<hbm>>
      %dma_start3A_122 = arith.constant 0 : i32
      %dma_start3A_123 = tpu.memref_slice %arg11[%add3A_117, %dma_start3A_122] : memref<256x32xf32, #tpu.memory_space<vmem>> -> memref<1x32xf32, #tpu.memory_space<vmem>>
      %dma_start3A_124 = arith.constant 0 : i32
      %dma_start3A_125 = tpu.memref_slice %arg5[%reduce_sum3A_105, %dma_start3A_124] : memref<1000000x32xf32, #tpu.memory_space<hbm>> -> memref<1x32xf32, #tpu.memory_space<hbm>>
      tpu.enqueue_dma source(%dma_start3A_125 : memref<1x32xf32, #tpu.memory_space<hbm>>) target(%dma_start3A_123 : memref<1x32xf32, #tpu.memory_space<vmem>>) target_semaphore(%arg15 : memref<!tpu.dma_semaphore, #tpu.memory_space<semaphore_mem>>)
      %eq3A_126 = arith.constant 2 : i32
      %eq3A_127 = vector.broadcast %eq3A_126 : i32 to vector<16xi32>
      %eq3A_128 = arith.cmpi eq, %iota3A, %eq3A_127 : vector<16xi32>
      %select_n3A_129 = arith.select %eq3A_128, %get3A_52, %broadcast_in_dim3A_15 : vector<16xi1>, vector<16xi32>
      %reduce_sum3A_130 = arith.constant true
      %reduce_sum3A_131 = vector.broadcast %reduce_sum3A_130 : i1 to vector<16xi1>
      %reduce_sum3A_132 = tpu.scan <sum>, %select_n3A_129 masked %reduce_sum3A_131 : vector<16xi32>, vector<16xi1> -> vector<16xi32>
      %reduce_sum3A_133 = vector.extract %reduce_sum3A_132[15] : i32 from vector<16xi32>
      %eq3A_134 = arith.constant 2 : i32
      %eq3A_135 = vector.broadcast %eq3A_134 : i32 to vector<16xi32>
      %eq3A_136 = arith.cmpi eq, %iota3A, %eq3A_135 : vector<16xi32>
      %select_n3A_137 = arith.select %eq3A_136, %get3A_56, %broadcast_in_dim3A_15 : vector<16xi1>, vector<16xi32>
      %reduce_sum3A_138 = arith.constant true
      %reduce_sum3A_139 = vector.broadcast %reduce_sum3A_138 : i1 to vector<16xi1>
      %reduce_sum3A_140 = tpu.scan <sum>, %select_n3A_137 masked %reduce_sum3A_139 : vector<16xi32>, vector<16xi1> -> vector<16xi32>
      %reduce_sum3A_141 = vector.extract %reduce_sum3A_140[15] : i32 from vector<16xi32>
      %add3A_142 = arith.constant 2 : i32
      %add3A_143 = arith.addi %add3A_49, %add3A_142 : i32
      %dma_start3A_144 = arith.constant 0 : i32
      %dma_start3A_145 = tpu.memref_slice %arg10[%add3A_143, %dma_start3A_144] : memref<256x32xf32, #tpu.memory_space<vmem>> -> memref<1x32xf32, #tpu.memory_space<vmem>>
      %dma_start3A_146 = arith.constant 0 : i32
      %dma_start3A_147 = tpu.memref_slice %arg4[%reduce_sum3A_133, %dma_start3A_146] : memref<1000000x32xf32, #tpu.memory_space<hbm>> -> memref<1x32xf32, #tpu.memory_space<hbm>>
      %dma_start3A_148 = arith.constant 0 : i32
      %dma_start3A_149 = tpu.memref_slice %arg10[%add3A_143, %dma_start3A_148] : memref<256x32xf32, #tpu.memory_space<vmem>> -> memref<1x32xf32, #tpu.memory_space<vmem>>
      %dma_start3A_150 = arith.constant 0 : i32
      %dma_start3A_151 = tpu.memref_slice %arg4[%reduce_sum3A_133, %dma_start3A_150] : memref<1000000x32xf32, #tpu.memory_space<hbm>> -> memref<1x32xf32, #tpu.memory_space<hbm>>
      tpu.enqueue_dma source(%dma_start3A_151 : memref<1x32xf32, #tpu.memory_space<hbm>>) target(%dma_start3A_149 : memref<1x32xf32, #tpu.memory_space<vmem>>) target_semaphore(%arg14 : memref<!tpu.dma_semaphore, #tpu.memory_space<semaphore_mem>>)
      %add3A_152 = arith.constant 2 : i32
      %add3A_153 = arith.addi %add3A_49, %add3A_152 : i32
      %dma_start3A_154 = arith.constant 0 : i32
      %dma_start3A_155 = tpu.memref_slice %arg11[%add3A_153, %dma_start3A_154] : memref<256x32xf32, #tpu.memory_space<vmem>> -> memref<1x32xf32, #tpu.memory_space<vmem>>
      %dma_start3A_156 = arith.constant 0 : i32
      %dma_start3A_157 = tpu.memref_slice %arg5[%reduce_sum3A_141, %dma_start3A_156] : memref<1000000x32xf32, #tpu.memory_space<hbm>> -> memref<1x32xf32, #tpu.memory_space<hbm>>
      %dma_start3A_158 = arith.constant 0 : i32
      %dma_start3A_159 = tpu.memref_slice %arg11[%add3A_153, %dma_start3A_158] : memref<256x32xf32, #tpu.memory_space<vmem>> -> memref<1x32xf32, #tpu.memory_space<vmem>>
      %dma_start3A_160 = arith.constant 0 : i32
      %dma_start3A_161 = tpu.memref_slice %arg5[%reduce_sum3A_141, %dma_start3A_160] : memref<1000000x32xf32, #tpu.memory_space<hbm>> -> memref<1x32xf32, #tpu.memory_space<hbm>>
      tpu.enqueue_dma source(%dma_start3A_161 : memref<1x32xf32, #tpu.memory_space<hbm>>) target(%dma_start3A_159 : memref<1x32xf32, #tpu.memory_space<vmem>>) target_semaphore(%arg15 : memref<!tpu.dma_semaphore, #tpu.memory_space<semaphore_mem>>)
      %eq3A_162 = arith.constant 3 : i32
      %eq3A_163 = vector.broadcast %eq3A_162 : i32 to vector<16xi32>
      %eq3A_164 = arith.cmpi eq, %iota3A, %eq3A_163 : vector<16xi32>
      %select_n3A_165 = arith.select %eq3A_164, %get3A_52, %broadcast_in_dim3A_15 : vector<16xi1>, vector<16xi32>
      %reduce_sum3A_166 = arith.constant true
      %reduce_sum3A_167 = vector.broadcast %reduce_sum3A_166 : i1 to vector<16xi1>
      %reduce_sum3A_168 = tpu.scan <sum>, %select_n3A_165 masked %reduce_sum3A_167 : vector<16xi32>, vector<16xi1> -> vector<16xi32>
      %reduce_sum3A_169 = vector.extract %reduce_sum3A_168[15] : i32 from vector<16xi32>
      %eq3A_170 = arith.constant 3 : i32
      %eq3A_171 = vector.broadcast %eq3A_170 : i32 to vector<16xi32>
      %eq3A_172 = arith.cmpi eq, %iota3A, %eq3A_171 : vector<16xi32>
      %select_n3A_173 = arith.select %eq3A_172, %get3A_56, %broadcast_in_dim3A_15 : vector<16xi1>, vector<16xi32>
      %reduce_sum3A_174 = arith.constant true
      %reduce_sum3A_175 = vector.broadcast %reduce_sum3A_174 : i1 to vector<16xi1>
      %reduce_sum3A_176 = tpu.scan <sum>, %select_n3A_173 masked %reduce_sum3A_175 : vector<16xi32>, vector<16xi1> -> vector<16xi32>
      %reduce_sum3A_177 = vector.extract %reduce_sum3A_176[15] : i32 from vector<16xi32>
      %add3A_178 = arith.constant 3 : i32
      %add3A_179 = arith.addi %add3A_49, %add3A_178 : i32
      %dma_start3A_180 = arith.constant 0 : i32
      %dma_start3A_181 = tpu.memref_slice %arg10[%add3A_179, %dma_start3A_180] : memref<256x32xf32, #tpu.memory_space<vmem>> -> memref<1x32xf32, #tpu.memory_space<vmem>>
      %dma_start3A_182 = arith.constant 0 : i32
      %dma_start3A_183 = tpu.memref_slice %arg4[%reduce_sum3A_169, %dma_start3A_182] : memref<1000000x32xf32, #tpu.memory_space<hbm>> -> memref<1x32xf32, #tpu.memory_space<hbm>>
      %dma_start3A_184 = arith.constant 0 : i32
      %dma_start3A_185 = tpu.memref_slice %arg10[%add3A_179, %dma_start3A_184] : memref<256x32xf32, #tpu.memory_space<vmem>> -> memref<1x32xf32, #tpu.memory_space<vmem>>
      %dma_start3A_186 = arith.constant 0 : i32
      %dma_start3A_187 = tpu.memref_slice %arg4[%reduce_sum3A_169, %dma_start3A_186] : memref<1000000x32xf32, #tpu.memory_space<hbm>> -> memref<1x32xf32, #tpu.memory_space<hbm>>
      tpu.enqueue_dma source(%dma_start3A_187 : memref<1x32xf32, #tpu.memory_space<hbm>>) target(%dma_start3A_185 : memref<1x32xf32, #tpu.memory_space<vmem>>) target_semaphore(%arg14 : memref<!tpu.dma_semaphore, #tpu.memory_space<semaphore_mem>>)
      %add3A_188 = arith.constant 3 : i32
      %add3A_189 = arith.addi %add3A_49, %add3A_188 : i32
      %dma_start3A_190 = arith.constant 0 : i32
      %dma_start3A_191 = tpu.memref_slice %arg11[%add3A_189, %dma_start3A_190] : memref<256x32xf32, #tpu.memory_space<vmem>> -> memref<1x32xf32, #tpu.memory_space<vmem>>
      %dma_start3A_192 = arith.constant 0 : i32
      %dma_start3A_193 = tpu.memref_slice %arg5[%reduce_sum3A_177, %dma_start3A_192] : memref<1000000x32xf32, #tpu.memory_space<hbm>> -> memref<1x32xf32, #tpu.memory_space<hbm>>
      %dma_start3A_194 = arith.constant 0 : i32
      %dma_start3A_195 = tpu.memref_slice %arg11[%add3A_189, %dma_start3A_194] : memref<256x32xf32, #tpu.memory_space<vmem>> -> memref<1x32xf32, #tpu.memory_space<vmem>>
      %dma_start3A_196 = arith.constant 0 : i32
      %dma_start3A_197 = tpu.memref_slice %arg5[%reduce_sum3A_177, %dma_start3A_196] : memref<1000000x32xf32, #tpu.memory_space<hbm>> -> memref<1x32xf32, #tpu.memory_space<hbm>>
      tpu.enqueue_dma source(%dma_start3A_197 : memref<1x32xf32, #tpu.memory_space<hbm>>) target(%dma_start3A_195 : memref<1x32xf32, #tpu.memory_space<vmem>>) target_semaphore(%arg15 : memref<!tpu.dma_semaphore, #tpu.memory_space<semaphore_mem>>)
      %eq3A_198 = arith.constant 4 : i32
      %eq3A_199 = vector.broadcast %eq3A_198 : i32 to vector<16xi32>
      %eq3A_200 = arith.cmpi eq, %iota3A, %eq3A_199 : vector<16xi32>
      %select_n3A_201 = arith.select %eq3A_200, %get3A_52, %broadcast_in_dim3A_15 : vector<16xi1>, vector<16xi32>
      %reduce_sum3A_202 = arith.constant true
      %reduce_sum3A_203 = vector.broadcast %reduce_sum3A_202 : i1 to vector<16xi1>
      %reduce_sum3A_204 = tpu.scan <sum>, %select_n3A_201 masked %reduce_sum3A_203 : vector<16xi32>, vector<16xi1> -> vector<16xi32>
      %reduce_sum3A_205 = vector.extract %reduce_sum3A_204[15] : i32 from vector<16xi32>
      %eq3A_206 = arith.constant 4 : i32
      %eq3A_207 = vector.broadcast %eq3A_206 : i32 to vector<16xi32>
      %eq3A_208 = arith.cmpi eq, %iota3A, %eq3A_207 : vector<16xi32>
      %select_n3A_209 = arith.select %eq3A_208, %get3A_56, %broadcast_in_dim3A_15 : vector<16xi1>, vector<16xi32>
      %reduce_sum3A_210 = arith.constant true
      %reduce_sum3A_211 = vector.broadcast %reduce_sum3A_210 : i1 to vector<16xi1>
      %reduce_sum3A_212 = tpu.scan <sum>, %select_n3A_209 masked %reduce_sum3A_211 : vector<16xi32>, vector<16xi1> -> vector<16xi32>
      %reduce_sum3A_213 = vector.extract %reduce_sum3A_212[15] : i32 from vector<16xi32>
      %add3A_214 = arith.constant 4 : i32
      %add3A_215 = arith.addi %add3A_49, %add3A_214 : i32
      %dma_start3A_216 = arith.constant 0 : i32
      %dma_start3A_217 = tpu.memref_slice %arg10[%add3A_215, %dma_start3A_216] : memref<256x32xf32, #tpu.memory_space<vmem>> -> memref<1x32xf32, #tpu.memory_space<vmem>>
      %dma_start3A_218 = arith.constant 0 : i32
      %dma_start3A_219 = tpu.memref_slice %arg4[%reduce_sum3A_205, %dma_start3A_218] : memref<1000000x32xf32, #tpu.memory_space<hbm>> -> memref<1x32xf32, #tpu.memory_space<hbm>>
      %dma_start3A_220 = arith.constant 0 : i32
      %dma_start3A_221 = tpu.memref_slice %arg10[%add3A_215, %dma_start3A_220] : memref<256x32xf32, #tpu.memory_space<vmem>> -> memref<1x32xf32, #tpu.memory_space<vmem>>
      %dma_start3A_222 = arith.constant 0 : i32
      %dma_start3A_223 = tpu.memref_slice %arg4[%reduce_sum3A_205, %dma_start3A_222] : memref<1000000x32xf32, #tpu.memory_space<hbm>> -> memref<1x32xf32, #tpu.memory_space<hbm>>
      tpu.enqueue_dma source(%dma_start3A_223 : memref<1x32xf32, #tpu.memory_space<hbm>>) target(%dma_start3A_221 : memref<1x32xf32, #tpu.memory_space<vmem>>) target_semaphore(%arg14 : memref<!tpu.dma_semaphore, #tpu.memory_space<semaphore_mem>>)
      %add3A_224 = arith.constant 4 : i32
      %add3A_225 = arith.addi %add3A_49, %add3A_224 : i32
      %dma_start3A_226 = arith.constant 0 : i32
      %dma_start3A_227 = tpu.memref_slice %arg11[%add3A_225, %dma_start3A_226] : memref<256x32xf32, #tpu.memory_space<vmem>> -> memref<1x32xf32, #tpu.memory_space<vmem>>
      %dma_start3A_228 = arith.constant 0 : i32
      %dma_start3A_229 = tpu.memref_slice %arg5[%reduce_sum3A_213, %dma_start3A_228] : memref<1000000x32xf32, #tpu.memory_space<hbm>> -> memref<1x32xf32, #tpu.memory_space<hbm>>
      %dma_start3A_230 = arith.constant 0 : i32
      %dma_start3A_231 = tpu.memref_slice %arg11[%add3A_225, %dma_start3A_230] : memref<256x32xf32, #tpu.memory_space<vmem>> -> memref<1x32xf32, #tpu.memory_space<vmem>>
      %dma_start3A_232 = arith.constant 0 : i32
      %dma_start3A_233 = tpu.memref_slice %arg5[%reduce_sum3A_213, %dma_start3A_232] : memref<1000000x32xf32, #tpu.memory_space<hbm>> -> memref<1x32xf32, #tpu.memory_space<hbm>>
      tpu.enqueue_dma source(%dma_start3A_233 : memref<1x32xf32, #tpu.memory_space<hbm>>) target(%dma_start3A_231 : memref<1x32xf32, #tpu.memory_space<vmem>>) target_semaphore(%arg15 : memref<!tpu.dma_semaphore, #tpu.memory_space<semaphore_mem>>)
      %eq3A_234 = arith.constant 5 : i32
      %eq3A_235 = vector.broadcast %eq3A_234 : i32 to vector<16xi32>
      %eq3A_236 = arith.cmpi eq, %iota3A, %eq3A_235 : vector<16xi32>
      %select_n3A_237 = arith.select %eq3A_236, %get3A_52, %broadcast_in_dim3A_15 : vector<16xi1>, vector<16xi32>
      %reduce_sum3A_238 = arith.constant true
      %reduce_sum3A_239 = vector.broadcast %reduce_sum3A_238 : i1 to vector<16xi1>
      %reduce_sum3A_240 = tpu.scan <sum>, %select_n3A_237 masked %reduce_sum3A_239 : vector<16xi32>, vector<16xi1> -> vector<16xi32>
      %reduce_sum3A_241 = vector.extract %reduce_sum3A_240[15] : i32 from vector<16xi32>
      %eq3A_242 = arith.constant 5 : i32
      %eq3A_243 = vector.broadcast %eq3A_242 : i32 to vector<16xi32>
      %eq3A_244 = arith.cmpi eq, %iota3A, %eq3A_243 : vector<16xi32>
      %select_n3A_245 = arith.select %eq3A_244, %get3A_56, %broadcast_in_dim3A_15 : vector<16xi1>, vector<16xi32>
      %reduce_sum3A_246 = arith.constant true
      %reduce_sum3A_247 = vector.broadcast %reduce_sum3A_246 : i1 to vector<16xi1>
      %reduce_sum3A_248 = tpu.scan <sum>, %select_n3A_245 masked %reduce_sum3A_247 : vector<16xi32>, vector<16xi1> -> vector<16xi32>
      %reduce_sum3A_249 = vector.extract %reduce_sum3A_248[15] : i32 from vector<16xi32>
      %add3A_250 = arith.constant 5 : i32
      %add3A_251 = arith.addi %add3A_49, %add3A_250 : i32
      %dma_start3A_252 = arith.constant 0 : i32
      %dma_start3A_253 = tpu.memref_slice %arg10[%add3A_251, %dma_start3A_252] : memref<256x32xf32, #tpu.memory_space<vmem>> -> memref<1x32xf32, #tpu.memory_space<vmem>>
      %dma_start3A_254 = arith.constant 0 : i32
      %dma_start3A_255 = tpu.memref_slice %arg4[%reduce_sum3A_241, %dma_start3A_254] : memref<1000000x32xf32, #tpu.memory_space<hbm>> -> memref<1x32xf32, #tpu.memory_space<hbm>>
      %dma_start3A_256 = arith.constant 0 : i32
      %dma_start3A_257 = tpu.memref_slice %arg10[%add3A_251, %dma_start3A_256] : memref<256x32xf32, #tpu.memory_space<vmem>> -> memref<1x32xf32, #tpu.memory_space<vmem>>
      %dma_start3A_258 = arith.constant 0 : i32
      %dma_start3A_259 = tpu.memref_slice %arg4[%reduce_sum3A_241, %dma_start3A_258] : memref<1000000x32xf32, #tpu.memory_space<hbm>> -> memref<1x32xf32, #tpu.memory_space<hbm>>
      tpu.enqueue_dma source(%dma_start3A_259 : memref<1x32xf32, #tpu.memory_space<hbm>>) target(%dma_start3A_257 : memref<1x32xf32, #tpu.memory_space<vmem>>) target_semaphore(%arg14 : memref<!tpu.dma_semaphore, #tpu.memory_space<semaphore_mem>>)
      %add3A_260 = arith.constant 5 : i32
      %add3A_261 = arith.addi %add3A_49, %add3A_260 : i32
      %dma_start3A_262 = arith.constant 0 : i32
      %dma_start3A_263 = tpu.memref_slice %arg11[%add3A_261, %dma_start3A_262] : memref<256x32xf32, #tpu.memory_space<vmem>> -> memref<1x32xf32, #tpu.memory_space<vmem>>
      %dma_start3A_264 = arith.constant 0 : i32
      %dma_start3A_265 = tpu.memref_slice %arg5[%reduce_sum3A_249, %dma_start3A_264] : memref<1000000x32xf32, #tpu.memory_space<hbm>> -> memref<1x32xf32, #tpu.memory_space<hbm>>
      %dma_start3A_266 = arith.constant 0 : i32
      %dma_start3A_267 = tpu.memref_slice %arg11[%add3A_261, %dma_start3A_266] : memref<256x32xf32, #tpu.memory_space<vmem>> -> memref<1x32xf32, #tpu.memory_space<vmem>>
      %dma_start3A_268 = arith.constant 0 : i32
      %dma_start3A_269 = tpu.memref_slice %arg5[%reduce_sum3A_249, %dma_start3A_268] : memref<1000000x32xf32, #tpu.memory_space<hbm>> -> memref<1x32xf32, #tpu.memory_space<hbm>>
      tpu.enqueue_dma source(%dma_start3A_269 : memref<1x32xf32, #tpu.memory_space<hbm>>) target(%dma_start3A_267 : memref<1x32xf32, #tpu.memory_space<vmem>>) target_semaphore(%arg15 : memref<!tpu.dma_semaphore, #tpu.memory_space<semaphore_mem>>)
      %eq3A_270 = arith.constant 6 : i32
      %eq3A_271 = vector.broadcast %eq3A_270 : i32 to vector<16xi32>
      %eq3A_272 = arith.cmpi eq, %iota3A, %eq3A_271 : vector<16xi32>
      %select_n3A_273 = arith.select %eq3A_272, %get3A_52, %broadcast_in_dim3A_15 : vector<16xi1>, vector<16xi32>
      %reduce_sum3A_274 = arith.constant true
      %reduce_sum3A_275 = vector.broadcast %reduce_sum3A_274 : i1 to vector<16xi1>
      %reduce_sum3A_276 = tpu.scan <sum>, %select_n3A_273 masked %reduce_sum3A_275 : vector<16xi32>, vector<16xi1> -> vector<16xi32>
      %reduce_sum3A_277 = vector.extract %reduce_sum3A_276[15] : i32 from vector<16xi32>
      %eq3A_278 = arith.constant 6 : i32
      %eq3A_279 = vector.broadcast %eq3A_278 : i32 to vector<16xi32>
      %eq3A_280 = arith.cmpi eq, %iota3A, %eq3A_279 : vector<16xi32>
      %select_n3A_281 = arith.select %eq3A_280, %get3A_56, %broadcast_in_dim3A_15 : vector<16xi1>, vector<16xi32>
      %reduce_sum3A_282 = arith.constant true
      %reduce_sum3A_283 = vector.broadcast %reduce_sum3A_282 : i1 to vector<16xi1>
      %reduce_sum3A_284 = tpu.scan <sum>, %select_n3A_281 masked %reduce_sum3A_283 : vector<16xi32>, vector<16xi1> -> vector<16xi32>
      %reduce_sum3A_285 = vector.extract %reduce_sum3A_284[15] : i32 from vector<16xi32>
      %add3A_286 = arith.constant 6 : i32
      %add3A_287 = arith.addi %add3A_49, %add3A_286 : i32
      %dma_start3A_288 = arith.constant 0 : i32
      %dma_start3A_289 = tpu.memref_slice %arg10[%add3A_287, %dma_start3A_288] : memref<256x32xf32, #tpu.memory_space<vmem>> -> memref<1x32xf32, #tpu.memory_space<vmem>>
      %dma_start3A_290 = arith.constant 0 : i32
      %dma_start3A_291 = tpu.memref_slice %arg4[%reduce_sum3A_277, %dma_start3A_290] : memref<1000000x32xf32, #tpu.memory_space<hbm>> -> memref<1x32xf32, #tpu.memory_space<hbm>>
      %dma_start3A_292 = arith.constant 0 : i32
      %dma_start3A_293 = tpu.memref_slice %arg10[%add3A_287, %dma_start3A_292] : memref<256x32xf32, #tpu.memory_space<vmem>> -> memref<1x32xf32, #tpu.memory_space<vmem>>
      %dma_start3A_294 = arith.constant 0 : i32
      %dma_start3A_295 = tpu.memref_slice %arg4[%reduce_sum3A_277, %dma_start3A_294] : memref<1000000x32xf32, #tpu.memory_space<hbm>> -> memref<1x32xf32, #tpu.memory_space<hbm>>
      tpu.enqueue_dma source(%dma_start3A_295 : memref<1x32xf32, #tpu.memory_space<hbm>>) target(%dma_start3A_293 : memref<1x32xf32, #tpu.memory_space<vmem>>) target_semaphore(%arg14 : memref<!tpu.dma_semaphore, #tpu.memory_space<semaphore_mem>>)
      %add3A_296 = arith.constant 6 : i32
      %add3A_297 = arith.addi %add3A_49, %add3A_296 : i32
      %dma_start3A_298 = arith.constant 0 : i32
      %dma_start3A_299 = tpu.memref_slice %arg11[%add3A_297, %dma_start3A_298] : memref<256x32xf32, #tpu.memory_space<vmem>> -> memref<1x32xf32, #tpu.memory_space<vmem>>
      %dma_start3A_300 = arith.constant 0 : i32
      %dma_start3A_301 = tpu.memref_slice %arg5[%reduce_sum3A_285, %dma_start3A_300] : memref<1000000x32xf32, #tpu.memory_space<hbm>> -> memref<1x32xf32, #tpu.memory_space<hbm>>
      %dma_start3A_302 = arith.constant 0 : i32
      %dma_start3A_303 = tpu.memref_slice %arg11[%add3A_297, %dma_start3A_302] : memref<256x32xf32, #tpu.memory_space<vmem>> -> memref<1x32xf32, #tpu.memory_space<vmem>>
      %dma_start3A_304 = arith.constant 0 : i32
      %dma_start3A_305 = tpu.memref_slice %arg5[%reduce_sum3A_285, %dma_start3A_304] : memref<1000000x32xf32, #tpu.memory_space<hbm>> -> memref<1x32xf32, #tpu.memory_space<hbm>>
      tpu.enqueue_dma source(%dma_start3A_305 : memref<1x32xf32, #tpu.memory_space<hbm>>) target(%dma_start3A_303 : memref<1x32xf32, #tpu.memory_space<vmem>>) target_semaphore(%arg15 : memref<!tpu.dma_semaphore, #tpu.memory_space<semaphore_mem>>)
      %eq3A_306 = arith.constant 7 : i32
      %eq3A_307 = vector.broadcast %eq3A_306 : i32 to vector<16xi32>
      %eq3A_308 = arith.cmpi eq, %iota3A, %eq3A_307 : vector<16xi32>
      %select_n3A_309 = arith.select %eq3A_308, %get3A_52, %broadcast_in_dim3A_15 : vector<16xi1>, vector<16xi32>
      %reduce_sum3A_310 = arith.constant true
      %reduce_sum3A_311 = vector.broadcast %reduce_sum3A_310 : i1 to vector<16xi1>
      %reduce_sum3A_312 = tpu.scan <sum>, %select_n3A_309 masked %reduce_sum3A_311 : vector<16xi32>, vector<16xi1> -> vector<16xi32>
      %reduce_sum3A_313 = vector.extract %reduce_sum3A_312[15] : i32 from vector<16xi32>
      %eq3A_314 = arith.constant 7 : i32
      %eq3A_315 = vector.broadcast %eq3A_314 : i32 to vector<16xi32>
      %eq3A_316 = arith.cmpi eq, %iota3A, %eq3A_315 : vector<16xi32>
      %select_n3A_317 = arith.select %eq3A_316, %get3A_56, %broadcast_in_dim3A_15 : vector<16xi1>, vector<16xi32>
      %reduce_sum3A_318 = arith.constant true
      %reduce_sum3A_319 = vector.broadcast %reduce_sum3A_318 : i1 to vector<16xi1>
      %reduce_sum3A_320 = tpu.scan <sum>, %select_n3A_317 masked %reduce_sum3A_319 : vector<16xi32>, vector<16xi1> -> vector<16xi32>
      %reduce_sum3A_321 = vector.extract %reduce_sum3A_320[15] : i32 from vector<16xi32>
      %add3A_322 = arith.constant 7 : i32
      %add3A_323 = arith.addi %add3A_49, %add3A_322 : i32
      %dma_start3A_324 = arith.constant 0 : i32
      %dma_start3A_325 = tpu.memref_slice %arg10[%add3A_323, %dma_start3A_324] : memref<256x32xf32, #tpu.memory_space<vmem>> -> memref<1x32xf32, #tpu.memory_space<vmem>>
      %dma_start3A_326 = arith.constant 0 : i32
      %dma_start3A_327 = tpu.memref_slice %arg4[%reduce_sum3A_313, %dma_start3A_326] : memref<1000000x32xf32, #tpu.memory_space<hbm>> -> memref<1x32xf32, #tpu.memory_space<hbm>>
      %dma_start3A_328 = arith.constant 0 : i32
      %dma_start3A_329 = tpu.memref_slice %arg10[%add3A_323, %dma_start3A_328] : memref<256x32xf32, #tpu.memory_space<vmem>> -> memref<1x32xf32, #tpu.memory_space<vmem>>
      %dma_start3A_330 = arith.constant 0 : i32
      %dma_start3A_331 = tpu.memref_slice %arg4[%reduce_sum3A_313, %dma_start3A_330] : memref<1000000x32xf32, #tpu.memory_space<hbm>> -> memref<1x32xf32, #tpu.memory_space<hbm>>
      tpu.enqueue_dma source(%dma_start3A_331 : memref<1x32xf32, #tpu.memory_space<hbm>>) target(%dma_start3A_329 : memref<1x32xf32, #tpu.memory_space<vmem>>) target_semaphore(%arg14 : memref<!tpu.dma_semaphore, #tpu.memory_space<semaphore_mem>>)
      %add3A_332 = arith.constant 7 : i32
      %add3A_333 = arith.addi %add3A_49, %add3A_332 : i32
      %dma_start3A_334 = arith.constant 0 : i32
      %dma_start3A_335 = tpu.memref_slice %arg11[%add3A_333, %dma_start3A_334] : memref<256x32xf32, #tpu.memory_space<vmem>> -> memref<1x32xf32, #tpu.memory_space<vmem>>
      %dma_start3A_336 = arith.constant 0 : i32
      %dma_start3A_337 = tpu.memref_slice %arg5[%reduce_sum3A_321, %dma_start3A_336] : memref<1000000x32xf32, #tpu.memory_space<hbm>> -> memref<1x32xf32, #tpu.memory_space<hbm>>
      %dma_start3A_338 = arith.constant 0 : i32
      %dma_start3A_339 = tpu.memref_slice %arg11[%add3A_333, %dma_start3A_338] : memref<256x32xf32, #tpu.memory_space<vmem>> -> memref<1x32xf32, #tpu.memory_space<vmem>>
      %dma_start3A_340 = arith.constant 0 : i32
      %dma_start3A_341 = tpu.memref_slice %arg5[%reduce_sum3A_321, %dma_start3A_340] : memref<1000000x32xf32, #tpu.memory_space<hbm>> -> memref<1x32xf32, #tpu.memory_space<hbm>>
      tpu.enqueue_dma source(%dma_start3A_341 : memref<1x32xf32, #tpu.memory_space<hbm>>) target(%dma_start3A_339 : memref<1x32xf32, #tpu.memory_space<vmem>>) target_semaphore(%arg15 : memref<!tpu.dma_semaphore, #tpu.memory_space<semaphore_mem>>)
      %eq3A_342 = arith.constant 8 : i32
      %eq3A_343 = vector.broadcast %eq3A_342 : i32 to vector<16xi32>
      %eq3A_344 = arith.cmpi eq, %iota3A, %eq3A_343 : vector<16xi32>
      %select_n3A_345 = arith.select %eq3A_344, %get3A_52, %broadcast_in_dim3A_15 : vector<16xi1>, vector<16xi32>
      %reduce_sum3A_346 = arith.constant true
      %reduce_sum3A_347 = vector.broadcast %reduce_sum3A_346 : i1 to vector<16xi1>
      %reduce_sum3A_348 = tpu.scan <sum>, %select_n3A_345 masked %reduce_sum3A_347 : vector<16xi32>, vector<16xi1> -> vector<16xi32>
      %reduce_sum3A_349 = vector.extract %reduce_sum3A_348[15] : i32 from vector<16xi32>
      %eq3A_350 = arith.constant 8 : i32
      %eq3A_351 = vector.broadcast %eq3A_350 : i32 to vector<16xi32>
      %eq3A_352 = arith.cmpi eq, %iota3A, %eq3A_351 : vector<16xi32>
      %select_n3A_353 = arith.select %eq3A_352, %get3A_56, %broadcast_in_dim3A_15 : vector<16xi1>, vector<16xi32>
      %reduce_sum3A_354 = arith.constant true
      %reduce_sum3A_355 = vector.broadcast %reduce_sum3A_354 : i1 to vector<16xi1>
      %reduce_sum3A_356 = tpu.scan <sum>, %select_n3A_353 masked %reduce_sum3A_355 : vector<16xi32>, vector<16xi1> -> vector<16xi32>
      %reduce_sum3A_357 = vector.extract %reduce_sum3A_356[15] : i32 from vector<16xi32>
      %add3A_358 = arith.constant 8 : i32
      %add3A_359 = arith.addi %add3A_49, %add3A_358 : i32
      %dma_start3A_360 = arith.constant 0 : i32
      %dma_start3A_361 = tpu.memref_slice %arg10[%add3A_359, %dma_start3A_360] : memref<256x32xf32, #tpu.memory_space<vmem>> -> memref<1x32xf32, #tpu.memory_space<vmem>>
      %dma_start3A_362 = arith.constant 0 : i32
      %dma_start3A_363 = tpu.memref_slice %arg4[%reduce_sum3A_349, %dma_start3A_362] : memref<1000000x32xf32, #tpu.memory_space<hbm>> -> memref<1x32xf32, #tpu.memory_space<hbm>>
      %dma_start3A_364 = arith.constant 0 : i32
      %dma_start3A_365 = tpu.memref_slice %arg10[%add3A_359, %dma_start3A_364] : memref<256x32xf32, #tpu.memory_space<vmem>> -> memref<1x32xf32, #tpu.memory_space<vmem>>
      %dma_start3A_366 = arith.constant 0 : i32
      %dma_start3A_367 = tpu.memref_slice %arg4[%reduce_sum3A_349, %dma_start3A_366] : memref<1000000x32xf32, #tpu.memory_space<hbm>> -> memref<1x32xf32, #tpu.memory_space<hbm>>
      tpu.enqueue_dma source(%dma_start3A_367 : memref<1x32xf32, #tpu.memory_space<hbm>>) target(%dma_start3A_365 : memref<1x32xf32, #tpu.memory_space<vmem>>) target_semaphore(%arg14 : memref<!tpu.dma_semaphore, #tpu.memory_space<semaphore_mem>>)
      %add3A_368 = arith.constant 8 : i32
      %add3A_369 = arith.addi %add3A_49, %add3A_368 : i32
      %dma_start3A_370 = arith.constant 0 : i32
      %dma_start3A_371 = tpu.memref_slice %arg11[%add3A_369, %dma_start3A_370] : memref<256x32xf32, #tpu.memory_space<vmem>> -> memref<1x32xf32, #tpu.memory_space<vmem>>
      %dma_start3A_372 = arith.constant 0 : i32
      %dma_start3A_373 = tpu.memref_slice %arg5[%reduce_sum3A_357, %dma_start3A_372] : memref<1000000x32xf32, #tpu.memory_space<hbm>> -> memref<1x32xf32, #tpu.memory_space<hbm>>
      %dma_start3A_374 = arith.constant 0 : i32
      %dma_start3A_375 = tpu.memref_slice %arg11[%add3A_369, %dma_start3A_374] : memref<256x32xf32, #tpu.memory_space<vmem>> -> memref<1x32xf32, #tpu.memory_space<vmem>>
      %dma_start3A_376 = arith.constant 0 : i32
      %dma_start3A_377 = tpu.memref_slice %arg5[%reduce_sum3A_357, %dma_start3A_376] : memref<1000000x32xf32, #tpu.memory_space<hbm>> -> memref<1x32xf32, #tpu.memory_space<hbm>>
      tpu.enqueue_dma source(%dma_start3A_377 : memref<1x32xf32, #tpu.memory_space<hbm>>) target(%dma_start3A_375 : memref<1x32xf32, #tpu.memory_space<vmem>>) target_semaphore(%arg15 : memref<!tpu.dma_semaphore, #tpu.memory_space<semaphore_mem>>)
      %eq3A_378 = arith.constant 9 : i32
      %eq3A_379 = vector.broadcast %eq3A_378 : i32 to vector<16xi32>
      %eq3A_380 = arith.cmpi eq, %iota3A, %eq3A_379 : vector<16xi32>
      %select_n3A_381 = arith.select %eq3A_380, %get3A_52, %broadcast_in_dim3A_15 : vector<16xi1>, vector<16xi32>
      %reduce_sum3A_382 = arith.constant true
      %reduce_sum3A_383 = vector.broadcast %reduce_sum3A_382 : i1 to vector<16xi1>
      %reduce_sum3A_384 = tpu.scan <sum>, %select_n3A_381 masked %reduce_sum3A_383 : vector<16xi32>, vector<16xi1> -> vector<16xi32>
      %reduce_sum3A_385 = vector.extract %reduce_sum3A_384[15] : i32 from vector<16xi32>
      %eq3A_386 = arith.constant 9 : i32
      %eq3A_387 = vector.broadcast %eq3A_386 : i32 to vector<16xi32>
      %eq3A_388 = arith.cmpi eq, %iota3A, %eq3A_387 : vector<16xi32>
      %select_n3A_389 = arith.select %eq3A_388, %get3A_56, %broadcast_in_dim3A_15 : vector<16xi1>, vector<16xi32>
      %reduce_sum3A_390 = arith.constant true
      %reduce_sum3A_391 = vector.broadcast %reduce_sum3A_390 : i1 to vector<16xi1>
      %reduce_sum3A_392 = tpu.scan <sum>, %select_n3A_389 masked %reduce_sum3A_391 : vector<16xi32>, vector<16xi1> -> vector<16xi32>
      %reduce_sum3A_393 = vector.extract %reduce_sum3A_392[15] : i32 from vector<16xi32>
      %add3A_394 = arith.constant 9 : i32
      %add3A_395 = arith.addi %add3A_49, %add3A_394 : i32
      %dma_start3A_396 = arith.constant 0 : i32
      %dma_start3A_397 = tpu.memref_slice %arg10[%add3A_395, %dma_start3A_396] : memref<256x32xf32, #tpu.memory_space<vmem>> -> memref<1x32xf32, #tpu.memory_space<vmem>>
      %dma_start3A_398 = arith.constant 0 : i32
      %dma_start3A_399 = tpu.memref_slice %arg4[%reduce_sum3A_385, %dma_start3A_398] : memref<1000000x32xf32, #tpu.memory_space<hbm>> -> memref<1x32xf32, #tpu.memory_space<hbm>>
      %dma_start3A_400 = arith.constant 0 : i32
      %dma_start3A_401 = tpu.memref_slice %arg10[%add3A_395, %dma_start3A_400] : memref<256x32xf32, #tpu.memory_space<vmem>> -> memref<1x32xf32, #tpu.memory_space<vmem>>
      %dma_start3A_402 = arith.constant 0 : i32
      %dma_start3A_403 = tpu.memref_slice %arg4[%reduce_sum3A_385, %dma_start3A_402] : memref<1000000x32xf32, #tpu.memory_space<hbm>> -> memref<1x32xf32, #tpu.memory_space<hbm>>
      tpu.enqueue_dma source(%dma_start3A_403 : memref<1x32xf32, #tpu.memory_space<hbm>>) target(%dma_start3A_401 : memref<1x32xf32, #tpu.memory_space<vmem>>) target_semaphore(%arg14 : memref<!tpu.dma_semaphore, #tpu.memory_space<semaphore_mem>>)
      %add3A_404 = arith.constant 9 : i32
      %add3A_405 = arith.addi %add3A_49, %add3A_404 : i32
      %dma_start3A_406 = arith.constant 0 : i32
      %dma_start3A_407 = tpu.memref_slice %arg11[%add3A_405, %dma_start3A_406] : memref<256x32xf32, #tpu.memory_space<vmem>> -> memref<1x32xf32, #tpu.memory_space<vmem>>
      %dma_start3A_408 = arith.constant 0 : i32
      %dma_start3A_409 = tpu.memref_slice %arg5[%reduce_sum3A_393, %dma_start3A_408] : memref<1000000x32xf32, #tpu.memory_space<hbm>> -> memref<1x32xf32, #tpu.memory_space<hbm>>
      %dma_start3A_410 = arith.constant 0 : i32
      %dma_start3A_411 = tpu.memref_slice %arg11[%add3A_405, %dma_start3A_410] : memref<256x32xf32, #tpu.memory_space<vmem>> -> memref<1x32xf32, #tpu.memory_space<vmem>>
      %dma_start3A_412 = arith.constant 0 : i32
      %dma_start3A_413 = tpu.memref_slice %arg5[%reduce_sum3A_393, %dma_start3A_412] : memref<1000000x32xf32, #tpu.memory_space<hbm>> -> memref<1x32xf32, #tpu.memory_space<hbm>>
      tpu.enqueue_dma source(%dma_start3A_413 : memref<1x32xf32, #tpu.memory_space<hbm>>) target(%dma_start3A_411 : memref<1x32xf32, #tpu.memory_space<vmem>>) target_semaphore(%arg15 : memref<!tpu.dma_semaphore, #tpu.memory_space<semaphore_mem>>)
      %eq3A_414 = arith.constant 10 : i32
      %eq3A_415 = vector.broadcast %eq3A_414 : i32 to vector<16xi32>
      %eq3A_416 = arith.cmpi eq, %iota3A, %eq3A_415 : vector<16xi32>
      %select_n3A_417 = arith.select %eq3A_416, %get3A_52, %broadcast_in_dim3A_15 : vector<16xi1>, vector<16xi32>
      %reduce_sum3A_418 = arith.constant true
      %reduce_sum3A_419 = vector.broadcast %reduce_sum3A_418 : i1 to vector<16xi1>
      %reduce_sum3A_420 = tpu.scan <sum>, %select_n3A_417 masked %reduce_sum3A_419 : vector<16xi32>, vector<16xi1> -> vector<16xi32>
      %reduce_sum3A_421 = vector.extract %reduce_sum3A_420[15] : i32 from vector<16xi32>
      %eq3A_422 = arith.constant 10 : i32
      %eq3A_423 = vector.broadcast %eq3A_422 : i32 to vector<16xi32>
      %eq3A_424 = arith.cmpi eq, %iota3A, %eq3A_423 : vector<16xi32>
      %select_n3A_425 = arith.select %eq3A_424, %get3A_56, %broadcast_in_dim3A_15 : vector<16xi1>, vector<16xi32>
      %reduce_sum3A_426 = arith.constant true
      %reduce_sum3A_427 = vector.broadcast %reduce_sum3A_426 : i1 to vector<16xi1>
      %reduce_sum3A_428 = tpu.scan <sum>, %select_n3A_425 masked %reduce_sum3A_427 : vector<16xi32>, vector<16xi1> -> vector<16xi32>
      %reduce_sum3A_429 = vector.extract %reduce_sum3A_428[15] : i32 from vector<16xi32>
      %add3A_430 = arith.constant 10 : i32
      %add3A_431 = arith.addi %add3A_49, %add3A_430 : i32
      %dma_start3A_432 = arith.constant 0 : i32
      %dma_start3A_433 = tpu.memref_slice %arg10[%add3A_431, %dma_start3A_432] : memref<256x32xf32, #tpu.memory_space<vmem>> -> memref<1x32xf32, #tpu.memory_space<vmem>>
      %dma_start3A_434 = arith.constant 0 : i32
      %dma_start3A_435 = tpu.memref_slice %arg4[%reduce_sum3A_421, %dma_start3A_434] : memref<1000000x32xf32, #tpu.memory_space<hbm>> -> memref<1x32xf32, #tpu.memory_space<hbm>>
      %dma_start3A_436 = arith.constant 0 : i32
      %dma_start3A_437 = tpu.memref_slice %arg10[%add3A_431, %dma_start3A_436] : memref<256x32xf32, #tpu.memory_space<vmem>> -> memref<1x32xf32, #tpu.memory_space<vmem>>
      %dma_start3A_438 = arith.constant 0 : i32
      %dma_start3A_439 = tpu.memref_slice %arg4[%reduce_sum3A_421, %dma_start3A_438] : memref<1000000x32xf32, #tpu.memory_space<hbm>> -> memref<1x32xf32, #tpu.memory_space<hbm>>
      tpu.enqueue_dma source(%dma_start3A_439 : memref<1x32xf32, #tpu.memory_space<hbm>>) target(%dma_start3A_437 : memref<1x32xf32, #tpu.memory_space<vmem>>) target_semaphore(%arg14 : memref<!tpu.dma_semaphore, #tpu.memory_space<semaphore_mem>>)
      %add3A_440 = arith.constant 10 : i32
      %add3A_441 = arith.addi %add3A_49, %add3A_440 : i32
      %dma_start3A_442 = arith.constant 0 : i32
      %dma_start3A_443 = tpu.memref_slice %arg11[%add3A_441, %dma_start3A_442] : memref<256x32xf32, #tpu.memory_space<vmem>> -> memref<1x32xf32, #tpu.memory_space<vmem>>
      %dma_start3A_444 = arith.constant 0 : i32
      %dma_start3A_445 = tpu.memref_slice %arg5[%reduce_sum3A_429, %dma_start3A_444] : memref<1000000x32xf32, #tpu.memory_space<hbm>> -> memref<1x32xf32, #tpu.memory_space<hbm>>
      %dma_start3A_446 = arith.constant 0 : i32
      %dma_start3A_447 = tpu.memref_slice %arg11[%add3A_441, %dma_start3A_446] : memref<256x32xf32, #tpu.memory_space<vmem>> -> memref<1x32xf32, #tpu.memory_space<vmem>>
      %dma_start3A_448 = arith.constant 0 : i32
      %dma_start3A_449 = tpu.memref_slice %arg5[%reduce_sum3A_429, %dma_start3A_448] : memref<1000000x32xf32, #tpu.memory_space<hbm>> -> memref<1x32xf32, #tpu.memory_space<hbm>>
      tpu.enqueue_dma source(%dma_start3A_449 : memref<1x32xf32, #tpu.memory_space<hbm>>) target(%dma_start3A_447 : memref<1x32xf32, #tpu.memory_space<vmem>>) target_semaphore(%arg15 : memref<!tpu.dma_semaphore, #tpu.memory_space<semaphore_mem>>)
      %eq3A_450 = arith.constant 11 : i32
      %eq3A_451 = vector.broadcast %eq3A_450 : i32 to vector<16xi32>
      %eq3A_452 = arith.cmpi eq, %iota3A, %eq3A_451 : vector<16xi32>
      %select_n3A_453 = arith.select %eq3A_452, %get3A_52, %broadcast_in_dim3A_15 : vector<16xi1>, vector<16xi32>
      %reduce_sum3A_454 = arith.constant true
      %reduce_sum3A_455 = vector.broadcast %reduce_sum3A_454 : i1 to vector<16xi1>
      %reduce_sum3A_456 = tpu.scan <sum>, %select_n3A_453 masked %reduce_sum3A_455 : vector<16xi32>, vector<16xi1> -> vector<16xi32>
      %reduce_sum3A_457 = vector.extract %reduce_sum3A_456[15] : i32 from vector<16xi32>
      %eq3A_458 = arith.constant 11 : i32
      %eq3A_459 = vector.broadcast %eq3A_458 : i32 to vector<16xi32>
      %eq3A_460 = arith.cmpi eq, %iota3A, %eq3A_459 : vector<16xi32>
      %select_n3A_461 = arith.select %eq3A_460, %get3A_56, %broadcast_in_dim3A_15 : vector<16xi1>, vector<16xi32>
      %reduce_sum3A_462 = arith.constant true
      %reduce_sum3A_463 = vector.broadcast %reduce_sum3A_462 : i1 to vector<16xi1>
      %reduce_sum3A_464 = tpu.scan <sum>, %select_n3A_461 masked %reduce_sum3A_463 : vector<16xi32>, vector<16xi1> -> vector<16xi32>
      %reduce_sum3A_465 = vector.extract %reduce_sum3A_464[15] : i32 from vector<16xi32>
      %add3A_466 = arith.constant 11 : i32
      %add3A_467 = arith.addi %add3A_49, %add3A_466 : i32
      %dma_start3A_468 = arith.constant 0 : i32
      %dma_start3A_469 = tpu.memref_slice %arg10[%add3A_467, %dma_start3A_468] : memref<256x32xf32, #tpu.memory_space<vmem>> -> memref<1x32xf32, #tpu.memory_space<vmem>>
      %dma_start3A_470 = arith.constant 0 : i32
      %dma_start3A_471 = tpu.memref_slice %arg4[%reduce_sum3A_457, %dma_start3A_470] : memref<1000000x32xf32, #tpu.memory_space<hbm>> -> memref<1x32xf32, #tpu.memory_space<hbm>>
      %dma_start3A_472 = arith.constant 0 : i32
      %dma_start3A_473 = tpu.memref_slice %arg10[%add3A_467, %dma_start3A_472] : memref<256x32xf32, #tpu.memory_space<vmem>> -> memref<1x32xf32, #tpu.memory_space<vmem>>
      %dma_start3A_474 = arith.constant 0 : i32
      %dma_start3A_475 = tpu.memref_slice %arg4[%reduce_sum3A_457, %dma_start3A_474] : memref<1000000x32xf32, #tpu.memory_space<hbm>> -> memref<1x32xf32, #tpu.memory_space<hbm>>
      tpu.enqueue_dma source(%dma_start3A_475 : memref<1x32xf32, #tpu.memory_space<hbm>>) target(%dma_start3A_473 : memref<1x32xf32, #tpu.memory_space<vmem>>) target_semaphore(%arg14 : memref<!tpu.dma_semaphore, #tpu.memory_space<semaphore_mem>>)
      %add3A_476 = arith.constant 11 : i32
      %add3A_477 = arith.addi %add3A_49, %add3A_476 : i32
      %dma_start3A_478 = arith.constant 0 : i32
      %dma_start3A_479 = tpu.memref_slice %arg11[%add3A_477, %dma_start3A_478] : memref<256x32xf32, #tpu.memory_space<vmem>> -> memref<1x32xf32, #tpu.memory_space<vmem>>
      %dma_start3A_480 = arith.constant 0 : i32
      %dma_start3A_481 = tpu.memref_slice %arg5[%reduce_sum3A_465, %dma_start3A_480] : memref<1000000x32xf32, #tpu.memory_space<hbm>> -> memref<1x32xf32, #tpu.memory_space<hbm>>
      %dma_start3A_482 = arith.constant 0 : i32
      %dma_start3A_483 = tpu.memref_slice %arg11[%add3A_477, %dma_start3A_482] : memref<256x32xf32, #tpu.memory_space<vmem>> -> memref<1x32xf32, #tpu.memory_space<vmem>>
      %dma_start3A_484 = arith.constant 0 : i32
      %dma_start3A_485 = tpu.memref_slice %arg5[%reduce_sum3A_465, %dma_start3A_484] : memref<1000000x32xf32, #tpu.memory_space<hbm>> -> memref<1x32xf32, #tpu.memory_space<hbm>>
      tpu.enqueue_dma source(%dma_start3A_485 : memref<1x32xf32, #tpu.memory_space<hbm>>) target(%dma_start3A_483 : memref<1x32xf32, #tpu.memory_space<vmem>>) target_semaphore(%arg15 : memref<!tpu.dma_semaphore, #tpu.memory_space<semaphore_mem>>)
      %eq3A_486 = arith.constant 12 : i32
      %eq3A_487 = vector.broadcast %eq3A_486 : i32 to vector<16xi32>
      %eq3A_488 = arith.cmpi eq, %iota3A, %eq3A_487 : vector<16xi32>
      %select_n3A_489 = arith.select %eq3A_488, %get3A_52, %broadcast_in_dim3A_15 : vector<16xi1>, vector<16xi32>
      %reduce_sum3A_490 = arith.constant true
      %reduce_sum3A_491 = vector.broadcast %reduce_sum3A_490 : i1 to vector<16xi1>
      %reduce_sum3A_492 = tpu.scan <sum>, %select_n3A_489 masked %reduce_sum3A_491 : vector<16xi32>, vector<16xi1> -> vector<16xi32>
      %reduce_sum3A_493 = vector.extract %reduce_sum3A_492[15] : i32 from vector<16xi32>
      %eq3A_494 = arith.constant 12 : i32
      %eq3A_495 = vector.broadcast %eq3A_494 : i32 to vector<16xi32>
      %eq3A_496 = arith.cmpi eq, %iota3A, %eq3A_495 : vector<16xi32>
      %select_n3A_497 = arith.select %eq3A_496, %get3A_56, %broadcast_in_dim3A_15 : vector<16xi1>, vector<16xi32>
      %reduce_sum3A_498 = arith.constant true
      %reduce_sum3A_499 = vector.broadcast %reduce_sum3A_498 : i1 to vector<16xi1>
      %reduce_sum3A_500 = tpu.scan <sum>, %select_n3A_497 masked %reduce_sum3A_499 : vector<16xi32>, vector<16xi1> -> vector<16xi32>
      %reduce_sum3A_501 = vector.extract %reduce_sum3A_500[15] : i32 from vector<16xi32>
      %add3A_502 = arith.constant 12 : i32
      %add3A_503 = arith.addi %add3A_49, %add3A_502 : i32
      %dma_start3A_504 = arith.constant 0 : i32
      %dma_start3A_505 = tpu.memref_slice %arg10[%add3A_503, %dma_start3A_504] : memref<256x32xf32, #tpu.memory_space<vmem>> -> memref<1x32xf32, #tpu.memory_space<vmem>>
      %dma_start3A_506 = arith.constant 0 : i32
      %dma_start3A_507 = tpu.memref_slice %arg4[%reduce_sum3A_493, %dma_start3A_506] : memref<1000000x32xf32, #tpu.memory_space<hbm>> -> memref<1x32xf32, #tpu.memory_space<hbm>>
      %dma_start3A_508 = arith.constant 0 : i32
      %dma_start3A_509 = tpu.memref_slice %arg10[%add3A_503, %dma_start3A_508] : memref<256x32xf32, #tpu.memory_space<vmem>> -> memref<1x32xf32, #tpu.memory_space<vmem>>
      %dma_start3A_510 = arith.constant 0 : i32
      %dma_start3A_511 = tpu.memref_slice %arg4[%reduce_sum3A_493, %dma_start3A_510] : memref<1000000x32xf32, #tpu.memory_space<hbm>> -> memref<1x32xf32, #tpu.memory_space<hbm>>
      tpu.enqueue_dma source(%dma_start3A_511 : memref<1x32xf32, #tpu.memory_space<hbm>>) target(%dma_start3A_509 : memref<1x32xf32, #tpu.memory_space<vmem>>) target_semaphore(%arg14 : memref<!tpu.dma_semaphore, #tpu.memory_space<semaphore_mem>>)
      %add3A_512 = arith.constant 12 : i32
      %add3A_513 = arith.addi %add3A_49, %add3A_512 : i32
      %dma_start3A_514 = arith.constant 0 : i32
      %dma_start3A_515 = tpu.memref_slice %arg11[%add3A_513, %dma_start3A_514] : memref<256x32xf32, #tpu.memory_space<vmem>> -> memref<1x32xf32, #tpu.memory_space<vmem>>
      %dma_start3A_516 = arith.constant 0 : i32
      %dma_start3A_517 = tpu.memref_slice %arg5[%reduce_sum3A_501, %dma_start3A_516] : memref<1000000x32xf32, #tpu.memory_space<hbm>> -> memref<1x32xf32, #tpu.memory_space<hbm>>
      %dma_start3A_518 = arith.constant 0 : i32
      %dma_start3A_519 = tpu.memref_slice %arg11[%add3A_513, %dma_start3A_518] : memref<256x32xf32, #tpu.memory_space<vmem>> -> memref<1x32xf32, #tpu.memory_space<vmem>>
      %dma_start3A_520 = arith.constant 0 : i32
      %dma_start3A_521 = tpu.memref_slice %arg5[%reduce_sum3A_501, %dma_start3A_520] : memref<1000000x32xf32, #tpu.memory_space<hbm>> -> memref<1x32xf32, #tpu.memory_space<hbm>>
      tpu.enqueue_dma source(%dma_start3A_521 : memref<1x32xf32, #tpu.memory_space<hbm>>) target(%dma_start3A_519 : memref<1x32xf32, #tpu.memory_space<vmem>>) target_semaphore(%arg15 : memref<!tpu.dma_semaphore, #tpu.memory_space<semaphore_mem>>)
      %eq3A_522 = arith.constant 13 : i32
      %eq3A_523 = vector.broadcast %eq3A_522 : i32 to vector<16xi32>
      %eq3A_524 = arith.cmpi eq, %iota3A, %eq3A_523 : vector<16xi32>
      %select_n3A_525 = arith.select %eq3A_524, %get3A_52, %broadcast_in_dim3A_15 : vector<16xi1>, vector<16xi32>
      %reduce_sum3A_526 = arith.constant true
      %reduce_sum3A_527 = vector.broadcast %reduce_sum3A_526 : i1 to vector<16xi1>
      %reduce_sum3A_528 = tpu.scan <sum>, %select_n3A_525 masked %reduce_sum3A_527 : vector<16xi32>, vector<16xi1> -> vector<16xi32>
      %reduce_sum3A_529 = vector.extract %reduce_sum3A_528[15] : i32 from vector<16xi32>
      %eq3A_530 = arith.constant 13 : i32
      %eq3A_531 = vector.broadcast %eq3A_530 : i32 to vector<16xi32>
      %eq3A_532 = arith.cmpi eq, %iota3A, %eq3A_531 : vector<16xi32>
      %select_n3A_533 = arith.select %eq3A_532, %get3A_56, %broadcast_in_dim3A_15 : vector<16xi1>, vector<16xi32>
      %reduce_sum3A_534 = arith.constant true
      %reduce_sum3A_535 = vector.broadcast %reduce_sum3A_534 : i1 to vector<16xi1>
      %reduce_sum3A_536 = tpu.scan <sum>, %select_n3A_533 masked %reduce_sum3A_535 : vector<16xi32>, vector<16xi1> -> vector<16xi32>
      %reduce_sum3A_537 = vector.extract %reduce_sum3A_536[15] : i32 from vector<16xi32>
      %add3A_538 = arith.constant 13 : i32
      %add3A_539 = arith.addi %add3A_49, %add3A_538 : i32
      %dma_start3A_540 = arith.constant 0 : i32
      %dma_start3A_541 = tpu.memref_slice %arg10[%add3A_539, %dma_start3A_540] : memref<256x32xf32, #tpu.memory_space<vmem>> -> memref<1x32xf32, #tpu.memory_space<vmem>>
      %dma_start3A_542 = arith.constant 0 : i32
      %dma_start3A_543 = tpu.memref_slice %arg4[%reduce_sum3A_529, %dma_start3A_542] : memref<1000000x32xf32, #tpu.memory_space<hbm>> -> memref<1x32xf32, #tpu.memory_space<hbm>>
      %dma_start3A_544 = arith.constant 0 : i32
      %dma_start3A_545 = tpu.memref_slice %arg10[%add3A_539, %dma_start3A_544] : memref<256x32xf32, #tpu.memory_space<vmem>> -> memref<1x32xf32, #tpu.memory_space<vmem>>
      %dma_start3A_546 = arith.constant 0 : i32
      %dma_start3A_547 = tpu.memref_slice %arg4[%reduce_sum3A_529, %dma_start3A_546] : memref<1000000x32xf32, #tpu.memory_space<hbm>> -> memref<1x32xf32, #tpu.memory_space<hbm>>
      tpu.enqueue_dma source(%dma_start3A_547 : memref<1x32xf32, #tpu.memory_space<hbm>>) target(%dma_start3A_545 : memref<1x32xf32, #tpu.memory_space<vmem>>) target_semaphore(%arg14 : memref<!tpu.dma_semaphore, #tpu.memory_space<semaphore_mem>>)
      %add3A_548 = arith.constant 13 : i32
      %add3A_549 = arith.addi %add3A_49, %add3A_548 : i32
      %dma_start3A_550 = arith.constant 0 : i32
      %dma_start3A_551 = tpu.memref_slice %arg11[%add3A_549, %dma_start3A_550] : memref<256x32xf32, #tpu.memory_space<vmem>> -> memref<1x32xf32, #tpu.memory_space<vmem>>
      %dma_start3A_552 = arith.constant 0 : i32
      %dma_start3A_553 = tpu.memref_slice %arg5[%reduce_sum3A_537, %dma_start3A_552] : memref<1000000x32xf32, #tpu.memory_space<hbm>> -> memref<1x32xf32, #tpu.memory_space<hbm>>
      %dma_start3A_554 = arith.constant 0 : i32
      %dma_start3A_555 = tpu.memref_slice %arg11[%add3A_549, %dma_start3A_554] : memref<256x32xf32, #tpu.memory_space<vmem>> -> memref<1x32xf32, #tpu.memory_space<vmem>>
      %dma_start3A_556 = arith.constant 0 : i32
      %dma_start3A_557 = tpu.memref_slice %arg5[%reduce_sum3A_537, %dma_start3A_556] : memref<1000000x32xf32, #tpu.memory_space<hbm>> -> memref<1x32xf32, #tpu.memory_space<hbm>>
      tpu.enqueue_dma source(%dma_start3A_557 : memref<1x32xf32, #tpu.memory_space<hbm>>) target(%dma_start3A_555 : memref<1x32xf32, #tpu.memory_space<vmem>>) target_semaphore(%arg15 : memref<!tpu.dma_semaphore, #tpu.memory_space<semaphore_mem>>)
      %eq3A_558 = arith.constant 14 : i32
      %eq3A_559 = vector.broadcast %eq3A_558 : i32 to vector<16xi32>
      %eq3A_560 = arith.cmpi eq, %iota3A, %eq3A_559 : vector<16xi32>
      %select_n3A_561 = arith.select %eq3A_560, %get3A_52, %broadcast_in_dim3A_15 : vector<16xi1>, vector<16xi32>
      %reduce_sum3A_562 = arith.constant true
      %reduce_sum3A_563 = vector.broadcast %reduce_sum3A_562 : i1 to vector<16xi1>
      %reduce_sum3A_564 = tpu.scan <sum>, %select_n3A_561 masked %reduce_sum3A_563 : vector<16xi32>, vector<16xi1> -> vector<16xi32>
      %reduce_sum3A_565 = vector.extract %reduce_sum3A_564[15] : i32 from vector<16xi32>
      %eq3A_566 = arith.constant 14 : i32
      %eq3A_567 = vector.broadcast %eq3A_566 : i32 to vector<16xi32>
      %eq3A_568 = arith.cmpi eq, %iota3A, %eq3A_567 : vector<16xi32>
      %select_n3A_569 = arith.select %eq3A_568, %get3A_56, %broadcast_in_dim3A_15 : vector<16xi1>, vector<16xi32>
      %reduce_sum3A_570 = arith.constant true
      %reduce_sum3A_571 = vector.broadcast %reduce_sum3A_570 : i1 to vector<16xi1>
      %reduce_sum3A_572 = tpu.scan <sum>, %select_n3A_569 masked %reduce_sum3A_571 : vector<16xi32>, vector<16xi1> -> vector<16xi32>
      %reduce_sum3A_573 = vector.extract %reduce_sum3A_572[15] : i32 from vector<16xi32>
      %add3A_574 = arith.constant 14 : i32
      %add3A_575 = arith.addi %add3A_49, %add3A_574 : i32
      %dma_start3A_576 = arith.constant 0 : i32
      %dma_start3A_577 = tpu.memref_slice %arg10[%add3A_575, %dma_start3A_576] : memref<256x32xf32, #tpu.memory_space<vmem>> -> memref<1x32xf32, #tpu.memory_space<vmem>>
      %dma_start3A_578 = arith.constant 0 : i32
      %dma_start3A_579 = tpu.memref_slice %arg4[%reduce_sum3A_565, %dma_start3A_578] : memref<1000000x32xf32, #tpu.memory_space<hbm>> -> memref<1x32xf32, #tpu.memory_space<hbm>>
      %dma_start3A_580 = arith.constant 0 : i32
      %dma_start3A_581 = tpu.memref_slice %arg10[%add3A_575, %dma_start3A_580] : memref<256x32xf32, #tpu.memory_space<vmem>> -> memref<1x32xf32, #tpu.memory_space<vmem>>
      %dma_start3A_582 = arith.constant 0 : i32
      %dma_start3A_583 = tpu.memref_slice %arg4[%reduce_sum3A_565, %dma_start3A_582] : memref<1000000x32xf32, #tpu.memory_space<hbm>> -> memref<1x32xf32, #tpu.memory_space<hbm>>
      tpu.enqueue_dma source(%dma_start3A_583 : memref<1x32xf32, #tpu.memory_space<hbm>>) target(%dma_start3A_581 : memref<1x32xf32, #tpu.memory_space<vmem>>) target_semaphore(%arg14 : memref<!tpu.dma_semaphore, #tpu.memory_space<semaphore_mem>>)
      %add3A_584 = arith.constant 14 : i32
      %add3A_585 = arith.addi %add3A_49, %add3A_584 : i32
      %dma_start3A_586 = arith.constant 0 : i32
      %dma_start3A_587 = tpu.memref_slice %arg11[%add3A_585, %dma_start3A_586] : memref<256x32xf32, #tpu.memory_space<vmem>> -> memref<1x32xf32, #tpu.memory_space<vmem>>
      %dma_start3A_588 = arith.constant 0 : i32
      %dma_start3A_589 = tpu.memref_slice %arg5[%reduce_sum3A_573, %dma_start3A_588] : memref<1000000x32xf32, #tpu.memory_space<hbm>> -> memref<1x32xf32, #tpu.memory_space<hbm>>
      %dma_start3A_590 = arith.constant 0 : i32
      %dma_start3A_591 = tpu.memref_slice %arg11[%add3A_585, %dma_start3A_590] : memref<256x32xf32, #tpu.memory_space<vmem>> -> memref<1x32xf32, #tpu.memory_space<vmem>>
      %dma_start3A_592 = arith.constant 0 : i32
      %dma_start3A_593 = tpu.memref_slice %arg5[%reduce_sum3A_573, %dma_start3A_592] : memref<1000000x32xf32, #tpu.memory_space<hbm>> -> memref<1x32xf32, #tpu.memory_space<hbm>>
      tpu.enqueue_dma source(%dma_start3A_593 : memref<1x32xf32, #tpu.memory_space<hbm>>) target(%dma_start3A_591 : memref<1x32xf32, #tpu.memory_space<vmem>>) target_semaphore(%arg15 : memref<!tpu.dma_semaphore, #tpu.memory_space<semaphore_mem>>)
      %eq3A_594 = arith.constant 15 : i32
      %eq3A_595 = vector.broadcast %eq3A_594 : i32 to vector<16xi32>
      %eq3A_596 = arith.cmpi eq, %iota3A, %eq3A_595 : vector<16xi32>
      %select_n3A_597 = arith.select %eq3A_596, %get3A_52, %broadcast_in_dim3A_15 : vector<16xi1>, vector<16xi32>
      %reduce_sum3A_598 = arith.constant true
      %reduce_sum3A_599 = vector.broadcast %reduce_sum3A_598 : i1 to vector<16xi1>
      %reduce_sum3A_600 = tpu.scan <sum>, %select_n3A_597 masked %reduce_sum3A_599 : vector<16xi32>, vector<16xi1> -> vector<16xi32>
      %reduce_sum3A_601 = vector.extract %reduce_sum3A_600[15] : i32 from vector<16xi32>
      %eq3A_602 = arith.constant 15 : i32
      %eq3A_603 = vector.broadcast %eq3A_602 : i32 to vector<16xi32>
      %eq3A_604 = arith.cmpi eq, %iota3A, %eq3A_603 : vector<16xi32>
      %select_n3A_605 = arith.select %eq3A_604, %get3A_56, %broadcast_in_dim3A_15 : vector<16xi1>, vector<16xi32>
      %reduce_sum3A_606 = arith.constant true
      %reduce_sum3A_607 = vector.broadcast %reduce_sum3A_606 : i1 to vector<16xi1>
      %reduce_sum3A_608 = tpu.scan <sum>, %select_n3A_605 masked %reduce_sum3A_607 : vector<16xi32>, vector<16xi1> -> vector<16xi32>
      %reduce_sum3A_609 = vector.extract %reduce_sum3A_608[15] : i32 from vector<16xi32>
      %add3A_610 = arith.constant 15 : i32
      %add3A_611 = arith.addi %add3A_49, %add3A_610 : i32
      %dma_start3A_612 = arith.constant 0 : i32
      %dma_start3A_613 = tpu.memref_slice %arg10[%add3A_611, %dma_start3A_612] : memref<256x32xf32, #tpu.memory_space<vmem>> -> memref<1x32xf32, #tpu.memory_space<vmem>>
      %dma_start3A_614 = arith.constant 0 : i32
      %dma_start3A_615 = tpu.memref_slice %arg4[%reduce_sum3A_601, %dma_start3A_614] : memref<1000000x32xf32, #tpu.memory_space<hbm>> -> memref<1x32xf32, #tpu.memory_space<hbm>>
      %dma_start3A_616 = arith.constant 0 : i32
      %dma_start3A_617 = tpu.memref_slice %arg10[%add3A_611, %dma_start3A_616] : memref<256x32xf32, #tpu.memory_space<vmem>> -> memref<1x32xf32, #tpu.memory_space<vmem>>
      %dma_start3A_618 = arith.constant 0 : i32
      %dma_start3A_619 = tpu.memref_slice %arg4[%reduce_sum3A_601, %dma_start3A_618] : memref<1000000x32xf32, #tpu.memory_space<hbm>> -> memref<1x32xf32, #tpu.memory_space<hbm>>
      tpu.enqueue_dma source(%dma_start3A_619 : memref<1x32xf32, #tpu.memory_space<hbm>>) target(%dma_start3A_617 : memref<1x32xf32, #tpu.memory_space<vmem>>) target_semaphore(%arg14 : memref<!tpu.dma_semaphore, #tpu.memory_space<semaphore_mem>>)
      %add3A_620 = arith.constant 15 : i32
      %add3A_621 = arith.addi %add3A_49, %add3A_620 : i32
      %dma_start3A_622 = arith.constant 0 : i32
      %dma_start3A_623 = tpu.memref_slice %arg11[%add3A_621, %dma_start3A_622] : memref<256x32xf32, #tpu.memory_space<vmem>> -> memref<1x32xf32, #tpu.memory_space<vmem>>
      %dma_start3A_624 = arith.constant 0 : i32
      %dma_start3A_625 = tpu.memref_slice %arg5[%reduce_sum3A_609, %dma_start3A_624] : memref<1000000x32xf32, #tpu.memory_space<hbm>> -> memref<1x32xf32, #tpu.memory_space<hbm>>
      %dma_start3A_626 = arith.constant 0 : i32
      %dma_start3A_627 = tpu.memref_slice %arg11[%add3A_621, %dma_start3A_626] : memref<256x32xf32, #tpu.memory_space<vmem>> -> memref<1x32xf32, #tpu.memory_space<vmem>>
      %dma_start3A_628 = arith.constant 0 : i32
      %dma_start3A_629 = tpu.memref_slice %arg5[%reduce_sum3A_609, %dma_start3A_628] : memref<1000000x32xf32, #tpu.memory_space<hbm>> -> memref<1x32xf32, #tpu.memory_space<hbm>>
      tpu.enqueue_dma source(%dma_start3A_629 : memref<1x32xf32, #tpu.memory_space<hbm>>) target(%dma_start3A_627 : memref<1x32xf32, #tpu.memory_space<vmem>>) target_semaphore(%arg15 : memref<!tpu.dma_semaphore, #tpu.memory_space<semaphore_mem>>)
    }
    %scan3A_19 = arith.constant 16 : i32
    %scan3A_20 = arith.constant 0 : i32
    %scan3A_21 = arith.constant 256 : i32
    %scan3A_22 = arith.addi %scan3A_20, %scan3A_21 : i32
    %scan3A_23 = arith.constant 1 : i32
    scf.for %scan3A_45 = %scan3A_20 to %scan3A_22 step %scan3A_23  : i32 {
      %mul3A_46 = arith.constant 1 : i32
      %mul3A_47 = arith.muli %scan3A_45, %mul3A_46 : i32
      %add3A_48 = arith.constant 0 : i32
      %add3A_49 = arith.addi %add3A_48, %mul3A_47 : i32
      %dma_wait3A_50 = arith.constant 0 : i32
      %dma_wait3A_51 = tpu.memref_slice %arg10[%add3A_49, %dma_wait3A_50] : memref<256x32xf32, #tpu.memory_space<vmem>> -> memref<1x32xf32, #tpu.memory_space<vmem>>
      %dma_wait3A_52 = arith.constant 0 : i32
      %dma_wait3A_53 = arith.constant 0 : i32
      %dma_wait3A_54 = tpu.memref_slice %arg4[%dma_wait3A_52, %dma_wait3A_53] : memref<1000000x32xf32, #tpu.memory_space<hbm>> -> memref<1x32xf32, #tpu.memory_space<hbm>>
      %dma_wait3A_55 = arith.constant 0 : i32
      %dma_wait3A_56 = tpu.memref_slice %arg10[%add3A_49, %dma_wait3A_55] : memref<256x32xf32, #tpu.memory_space<vmem>> -> memref<1x32xf32, #tpu.memory_space<vmem>>
      %dma_wait3A_57 = arith.constant 0 : i32
      %dma_wait3A_58 = arith.constant 0 : i32
      %dma_wait3A_59 = tpu.memref_slice %arg4[%dma_wait3A_57, %dma_wait3A_58] : memref<1000000x32xf32, #tpu.memory_space<hbm>> -> memref<1x32xf32, #tpu.memory_space<hbm>>
      tpu.wait_dma2 semaphore(%arg14 : memref<!tpu.dma_semaphore, #tpu.memory_space<semaphore_mem>>) src(%dma_wait3A_59 : memref<1x32xf32, #tpu.memory_space<hbm>>) dst(%dma_wait3A_56 : memref<1x32xf32, #tpu.memory_space<vmem>>)
      %dma_wait3A_60 = arith.constant 0 : i32
      %dma_wait3A_61 = tpu.memref_slice %arg11[%add3A_49, %dma_wait3A_60] : memref<256x32xf32, #tpu.memory_space<vmem>> -> memref<1x32xf32, #tpu.memory_space<vmem>>
      %dma_wait3A_62 = arith.constant 0 : i32
      %dma_wait3A_63 = arith.constant 0 : i32
      %dma_wait3A_64 = tpu.memref_slice %arg5[%dma_wait3A_62, %dma_wait3A_63] : memref<1000000x32xf32, #tpu.memory_space<hbm>> -> memref<1x32xf32, #tpu.memory_space<hbm>>
      %dma_wait3A_65 = arith.constant 0 : i32
      %dma_wait3A_66 = tpu.memref_slice %arg11[%add3A_49, %dma_wait3A_65] : memref<256x32xf32, #tpu.memory_space<vmem>> -> memref<1x32xf32, #tpu.memory_space<vmem>>
      %dma_wait3A_67 = arith.constant 0 : i32
      %dma_wait3A_68 = arith.constant 0 : i32
      %dma_wait3A_69 = tpu.memref_slice %arg5[%dma_wait3A_67, %dma_wait3A_68] : memref<1000000x32xf32, #tpu.memory_space<hbm>> -> memref<1x32xf32, #tpu.memory_space<hbm>>
      tpu.wait_dma2 semaphore(%arg15 : memref<!tpu.dma_semaphore, #tpu.memory_space<semaphore_mem>>) src(%dma_wait3A_69 : memref<1x32xf32, #tpu.memory_space<hbm>>) dst(%dma_wait3A_66 : memref<1x32xf32, #tpu.memory_space<vmem>>)
    }
    %scan3A_24 = arith.constant 256 : i32
    %scan3A_25 = arith.constant 0 : i32
    %scan3A_26 = arith.constant 16 : i32
    %scan3A_27 = arith.addi %scan3A_25, %scan3A_26 : i32
    %scan3A_28 = arith.constant 1 : i32
    scf.for %scan3A_45 = %scan3A_25 to %scan3A_27 step %scan3A_28  : i32 {
      %mul3A_46 = arith.constant 16 : i32
      %mul3A_47 = arith.muli %scan3A_45, %mul3A_46 : i32
      %add3A_48 = arith.constant 0 : i32
      %add3A_49 = arith.addi %add3A_48, %mul3A_47 : i32
      %add3A_50 = vector.broadcast %add3A_49 : i32 to vector<16xi32>
      %add3A_51 = arith.addi %add3A_50, %iota3A : vector<16xi32>
      %broadcast_in_dim3A_52 = arith.constant 0.000000e+00 : f32
      %broadcast_in_dim3A_53 = vector.broadcast %broadcast_in_dim3A_52 : f32 to vector<16xf32>
      %add3A_54 = arith.constant 0 : i32
      %add3A_55 = vector.broadcast %add3A_54 : i32 to vector<16xi32>
      %add3A_56 = arith.addi %iota3A, %add3A_55 : vector<16xi32>
      %rem3A = arith.constant 32 : i32
      %rem3A_57 = vector.broadcast %rem3A : i32 to vector<16xi32>
      %rem3A_58 = arith.remsi %add3A_56, %rem3A_57 : vector<16xi32>
      %gather3A = tpu.vector_load_idx %arg12[%rem3A_58] : memref<32xf32, #tpu.memory_space<vmem>>[vector<16xi32>], vector<16xf32>,
      %gather3A_59 = tpu.vector_load_idx %arg10[%add3A_51, %rem3A_58] : memref<256x32xf32, #tpu.memory_space<vmem>>[vector<16xi32>, vector<16xi32>], vector<16xf32>,
      %gather3A_60 = tpu.vector_load_idx %arg11[%add3A_51, %rem3A_58] : memref<256x32xf32, #tpu.memory_space<vmem>>[vector<16xi32>, vector<16xi32>], vector<16xf32>,
      %mul3A_61 = arith.mulf %gather3A_59, %gather3A_60 : vector<16xf32>
      %mul3A_62 = arith.mulf %mul3A_61, %gather3A : vector<16xf32>
      %add3A_63 = arith.addf %broadcast_in_dim3A_53, %mul3A_62 : vector<16xf32>
      %add3A_64 = arith.constant 1 : i32
      %add3A_65 = vector.broadcast %add3A_64 : i32 to vector<16xi32>
      %add3A_66 = arith.addi %iota3A, %add3A_65 : vector<16xi32>
      %rem3A_67 = arith.constant 32 : i32
      %rem3A_68 = vector.broadcast %rem3A_67 : i32 to vector<16xi32>
      %rem3A_69 = arith.remsi %add3A_66, %rem3A_68 : vector<16xi32>
      %gather3A_70 = tpu.vector_load_idx %arg12[%rem3A_69] : memref<32xf32, #tpu.memory_space<vmem>>[vector<16xi32>], vector<16xf32>,
      %gather3A_71 = tpu.vector_load_idx %arg10[%add3A_51, %rem3A_69] : memref<256x32xf32, #tpu.memory_space<vmem>>[vector<16xi32>, vector<16xi32>], vector<16xf32>,
      %gather3A_72 = tpu.vector_load_idx %arg11[%add3A_51, %rem3A_69] : memref<256x32xf32, #tpu.memory_space<vmem>>[vector<16xi32>, vector<16xi32>], vector<16xf32>,
      %mul3A_73 = arith.mulf %gather3A_71, %gather3A_72 : vector<16xf32>
      %mul3A_74 = arith.mulf %mul3A_73, %gather3A_70 : vector<16xf32>
      %add3A_75 = arith.addf %add3A_63, %mul3A_74 : vector<16xf32>
      %add3A_76 = arith.constant 2 : i32
      %add3A_77 = vector.broadcast %add3A_76 : i32 to vector<16xi32>
      %add3A_78 = arith.addi %iota3A, %add3A_77 : vector<16xi32>
      %rem3A_79 = arith.constant 32 : i32
      %rem3A_80 = vector.broadcast %rem3A_79 : i32 to vector<16xi32>
      %rem3A_81 = arith.remsi %add3A_78, %rem3A_80 : vector<16xi32>
      %gather3A_82 = tpu.vector_load_idx %arg12[%rem3A_81] : memref<32xf32, #tpu.memory_space<vmem>>[vector<16xi32>], vector<16xf32>,
      %gather3A_83 = tpu.vector_load_idx %arg10[%add3A_51, %rem3A_81] : memref<256x32xf32, #tpu.memory_space<vmem>>[vector<16xi32>, vector<16xi32>], vector<16xf32>,
      %gather3A_84 = tpu.vector_load_idx %arg11[%add3A_51, %rem3A_81] : memref<256x32xf32, #tpu.memory_space<vmem>>[vector<16xi32>, vector<16xi32>], vector<16xf32>,
      %mul3A_85 = arith.mulf %gather3A_83, %gather3A_84 : vector<16xf32>
      %mul3A_86 = arith.mulf %mul3A_85, %gather3A_82 : vector<16xf32>
      %add3A_87 = arith.addf %add3A_75, %mul3A_86 : vector<16xf32>
      %add3A_88 = arith.constant 3 : i32
      %add3A_89 = vector.broadcast %add3A_88 : i32 to vector<16xi32>
      %add3A_90 = arith.addi %iota3A, %add3A_89 : vector<16xi32>
      %rem3A_91 = arith.constant 32 : i32
      %rem3A_92 = vector.broadcast %rem3A_91 : i32 to vector<16xi32>
      %rem3A_93 = arith.remsi %add3A_90, %rem3A_92 : vector<16xi32>
      %gather3A_94 = tpu.vector_load_idx %arg12[%rem3A_93] : memref<32xf32, #tpu.memory_space<vmem>>[vector<16xi32>], vector<16xf32>,
      %gather3A_95 = tpu.vector_load_idx %arg10[%add3A_51, %rem3A_93] : memref<256x32xf32, #tpu.memory_space<vmem>>[vector<16xi32>, vector<16xi32>], vector<16xf32>,
      %gather3A_96 = tpu.vector_load_idx %arg11[%add3A_51, %rem3A_93] : memref<256x32xf32, #tpu.memory_space<vmem>>[vector<16xi32>, vector<16xi32>], vector<16xf32>,
      %mul3A_97 = arith.mulf %gather3A_95, %gather3A_96 : vector<16xf32>
      %mul3A_98 = arith.mulf %mul3A_97, %gather3A_94 : vector<16xf32>
      %add3A_99 = arith.addf %add3A_87, %mul3A_98 : vector<16xf32>
      %add3A_100 = arith.constant 4 : i32
      %add3A_101 = vector.broadcast %add3A_100 : i32 to vector<16xi32>
      %add3A_102 = arith.addi %iota3A, %add3A_101 : vector<16xi32>
      %rem3A_103 = arith.constant 32 : i32
      %rem3A_104 = vector.broadcast %rem3A_103 : i32 to vector<16xi32>
      %rem3A_105 = arith.remsi %add3A_102, %rem3A_104 : vector<16xi32>
      %gather3A_106 = tpu.vector_load_idx %arg12[%rem3A_105] : memref<32xf32, #tpu.memory_space<vmem>>[vector<16xi32>], vector<16xf32>,
      %gather3A_107 = tpu.vector_load_idx %arg10[%add3A_51, %rem3A_105] : memref<256x32xf32, #tpu.memory_space<vmem>>[vector<16xi32>, vector<16xi32>], vector<16xf32>,
      %gather3A_108 = tpu.vector_load_idx %arg11[%add3A_51, %rem3A_105] : memref<256x32xf32, #tpu.memory_space<vmem>>[vector<16xi32>, vector<16xi32>], vector<16xf32>,
      %mul3A_109 = arith.mulf %gather3A_107, %gather3A_108 : vector<16xf32>
      %mul3A_110 = arith.mulf %mul3A_109, %gather3A_106 : vector<16xf32>
      %add3A_111 = arith.addf %add3A_99, %mul3A_110 : vector<16xf32>
      %add3A_112 = arith.constant 5 : i32
      %add3A_113 = vector.broadcast %add3A_112 : i32 to vector<16xi32>
      %add3A_114 = arith.addi %iota3A, %add3A_113 : vector<16xi32>
      %rem3A_115 = arith.constant 32 : i32
      %rem3A_116 = vector.broadcast %rem3A_115 : i32 to vector<16xi32>
      %rem3A_117 = arith.remsi %add3A_114, %rem3A_116 : vector<16xi32>
      %gather3A_118 = tpu.vector_load_idx %arg12[%rem3A_117] : memref<32xf32, #tpu.memory_space<vmem>>[vector<16xi32>], vector<16xf32>,
      %gather3A_119 = tpu.vector_load_idx %arg10[%add3A_51, %rem3A_117] : memref<256x32xf32, #tpu.memory_space<vmem>>[vector<16xi32>, vector<16xi32>], vector<16xf32>,
      %gather3A_120 = tpu.vector_load_idx %arg11[%add3A_51, %rem3A_117] : memref<256x32xf32, #tpu.memory_space<vmem>>[vector<16xi32>, vector<16xi32>], vector<16xf32>,
      %mul3A_121 = arith.mulf %gather3A_119, %gather3A_120 : vector<16xf32>
      %mul3A_122 = arith.mulf %mul3A_121, %gather3A_118 : vector<16xf32>
      %add3A_123 = arith.addf %add3A_111, %mul3A_122 : vector<16xf32>
      %add3A_124 = arith.constant 6 : i32
      %add3A_125 = vector.broadcast %add3A_124 : i32 to vector<16xi32>
      %add3A_126 = arith.addi %iota3A, %add3A_125 : vector<16xi32>
      %rem3A_127 = arith.constant 32 : i32
      %rem3A_128 = vector.broadcast %rem3A_127 : i32 to vector<16xi32>
      %rem3A_129 = arith.remsi %add3A_126, %rem3A_128 : vector<16xi32>
      %gather3A_130 = tpu.vector_load_idx %arg12[%rem3A_129] : memref<32xf32, #tpu.memory_space<vmem>>[vector<16xi32>], vector<16xf32>,
      %gather3A_131 = tpu.vector_load_idx %arg10[%add3A_51, %rem3A_129] : memref<256x32xf32, #tpu.memory_space<vmem>>[vector<16xi32>, vector<16xi32>], vector<16xf32>,
      %gather3A_132 = tpu.vector_load_idx %arg11[%add3A_51, %rem3A_129] : memref<256x32xf32, #tpu.memory_space<vmem>>[vector<16xi32>, vector<16xi32>], vector<16xf32>,
      %mul3A_133 = arith.mulf %gather3A_131, %gather3A_132 : vector<16xf32>
      %mul3A_134 = arith.mulf %mul3A_133, %gather3A_130 : vector<16xf32>
      %add3A_135 = arith.addf %add3A_123, %mul3A_134 : vector<16xf32>
      %add3A_136 = arith.constant 7 : i32
      %add3A_137 = vector.broadcast %add3A_136 : i32 to vector<16xi32>
      %add3A_138 = arith.addi %iota3A, %add3A_137 : vector<16xi32>
      %rem3A_139 = arith.constant 32 : i32
      %rem3A_140 = vector.broadcast %rem3A_139 : i32 to vector<16xi32>
      %rem3A_141 = arith.remsi %add3A_138, %rem3A_140 : vector<16xi32>
      %gather3A_142 = tpu.vector_load_idx %arg12[%rem3A_141] : memref<32xf32, #tpu.memory_space<vmem>>[vector<16xi32>], vector<16xf32>,
      %gather3A_143 = tpu.vector_load_idx %arg10[%add3A_51, %rem3A_141] : memref<256x32xf32, #tpu.memory_space<vmem>>[vector<16xi32>, vector<16xi32>], vector<16xf32>,
      %gather3A_144 = tpu.vector_load_idx %arg11[%add3A_51, %rem3A_141] : memref<256x32xf32, #tpu.memory_space<vmem>>[vector<16xi32>, vector<16xi32>], vector<16xf32>,
      %mul3A_145 = arith.mulf %gather3A_143, %gather3A_144 : vector<16xf32>
      %mul3A_146 = arith.mulf %mul3A_145, %gather3A_142 : vector<16xf32>
      %add3A_147 = arith.addf %add3A_135, %mul3A_146 : vector<16xf32>
      %add3A_148 = arith.constant 8 : i32
      %add3A_149 = vector.broadcast %add3A_148 : i32 to vector<16xi32>
      %add3A_150 = arith.addi %iota3A, %add3A_149 : vector<16xi32>
      %rem3A_151 = arith.constant 32 : i32
      %rem3A_152 = vector.broadcast %rem3A_151 : i32 to vector<16xi32>
      %rem3A_153 = arith.remsi %add3A_150, %rem3A_152 : vector<16xi32>
      %gather3A_154 = tpu.vector_load_idx %arg12[%rem3A_153] : memref<32xf32, #tpu.memory_space<vmem>>[vector<16xi32>], vector<16xf32>,
      %gather3A_155 = tpu.vector_load_idx %arg10[%add3A_51, %rem3A_153] : memref<256x32xf32, #tpu.memory_space<vmem>>[vector<16xi32>, vector<16xi32>], vector<16xf32>,
      %gather3A_156 = tpu.vector_load_idx %arg11[%add3A_51, %rem3A_153] : memref<256x32xf32, #tpu.memory_space<vmem>>[vector<16xi32>, vector<16xi32>], vector<16xf32>,
      %mul3A_157 = arith.mulf %gather3A_155, %gather3A_156 : vector<16xf32>
      %mul3A_158 = arith.mulf %mul3A_157, %gather3A_154 : vector<16xf32>
      %add3A_159 = arith.addf %add3A_147, %mul3A_158 : vector<16xf32>
      %add3A_160 = arith.constant 9 : i32
      %add3A_161 = vector.broadcast %add3A_160 : i32 to vector<16xi32>
      %add3A_162 = arith.addi %iota3A, %add3A_161 : vector<16xi32>
      %rem3A_163 = arith.constant 32 : i32
      %rem3A_164 = vector.broadcast %rem3A_163 : i32 to vector<16xi32>
      %rem3A_165 = arith.remsi %add3A_162, %rem3A_164 : vector<16xi32>
      %gather3A_166 = tpu.vector_load_idx %arg12[%rem3A_165] : memref<32xf32, #tpu.memory_space<vmem>>[vector<16xi32>], vector<16xf32>,
      %gather3A_167 = tpu.vector_load_idx %arg10[%add3A_51, %rem3A_165] : memref<256x32xf32, #tpu.memory_space<vmem>>[vector<16xi32>, vector<16xi32>], vector<16xf32>,
      %gather3A_168 = tpu.vector_load_idx %arg11[%add3A_51, %rem3A_165] : memref<256x32xf32, #tpu.memory_space<vmem>>[vector<16xi32>, vector<16xi32>], vector<16xf32>,
      %mul3A_169 = arith.mulf %gather3A_167, %gather3A_168 : vector<16xf32>
      %mul3A_170 = arith.mulf %mul3A_169, %gather3A_166 : vector<16xf32>
      %add3A_171 = arith.addf %add3A_159, %mul3A_170 : vector<16xf32>
      %add3A_172 = arith.constant 10 : i32
      %add3A_173 = vector.broadcast %add3A_172 : i32 to vector<16xi32>
      %add3A_174 = arith.addi %iota3A, %add3A_173 : vector<16xi32>
      %rem3A_175 = arith.constant 32 : i32
      %rem3A_176 = vector.broadcast %rem3A_175 : i32 to vector<16xi32>
      %rem3A_177 = arith.remsi %add3A_174, %rem3A_176 : vector<16xi32>
      %gather3A_178 = tpu.vector_load_idx %arg12[%rem3A_177] : memref<32xf32, #tpu.memory_space<vmem>>[vector<16xi32>], vector<16xf32>,
      %gather3A_179 = tpu.vector_load_idx %arg10[%add3A_51, %rem3A_177] : memref<256x32xf32, #tpu.memory_space<vmem>>[vector<16xi32>, vector<16xi32>], vector<16xf32>,
      %gather3A_180 = tpu.vector_load_idx %arg11[%add3A_51, %rem3A_177] : memref<256x32xf32, #tpu.memory_space<vmem>>[vector<16xi32>, vector<16xi32>], vector<16xf32>,
      %mul3A_181 = arith.mulf %gather3A_179, %gather3A_180 : vector<16xf32>
      %mul3A_182 = arith.mulf %mul3A_181, %gather3A_178 : vector<16xf32>
      %add3A_183 = arith.addf %add3A_171, %mul3A_182 : vector<16xf32>
      %add3A_184 = arith.constant 11 : i32
      %add3A_185 = vector.broadcast %add3A_184 : i32 to vector<16xi32>
      %add3A_186 = arith.addi %iota3A, %add3A_185 : vector<16xi32>
      %rem3A_187 = arith.constant 32 : i32
      %rem3A_188 = vector.broadcast %rem3A_187 : i32 to vector<16xi32>
      %rem3A_189 = arith.remsi %add3A_186, %rem3A_188 : vector<16xi32>
      %gather3A_190 = tpu.vector_load_idx %arg12[%rem3A_189] : memref<32xf32, #tpu.memory_space<vmem>>[vector<16xi32>], vector<16xf32>,
      %gather3A_191 = tpu.vector_load_idx %arg10[%add3A_51, %rem3A_189] : memref<256x32xf32, #tpu.memory_space<vmem>>[vector<16xi32>, vector<16xi32>], vector<16xf32>,
      %gather3A_192 = tpu.vector_load_idx %arg11[%add3A_51, %rem3A_189] : memref<256x32xf32, #tpu.memory_space<vmem>>[vector<16xi32>, vector<16xi32>], vector<16xf32>,
      %mul3A_193 = arith.mulf %gather3A_191, %gather3A_192 : vector<16xf32>
      %mul3A_194 = arith.mulf %mul3A_193, %gather3A_190 : vector<16xf32>
      %add3A_195 = arith.addf %add3A_183, %mul3A_194 : vector<16xf32>
      %add3A_196 = arith.constant 12 : i32
      %add3A_197 = vector.broadcast %add3A_196 : i32 to vector<16xi32>
      %add3A_198 = arith.addi %iota3A, %add3A_197 : vector<16xi32>
      %rem3A_199 = arith.constant 32 : i32
      %rem3A_200 = vector.broadcast %rem3A_199 : i32 to vector<16xi32>
      %rem3A_201 = arith.remsi %add3A_198, %rem3A_200 : vector<16xi32>
      %gather3A_202 = tpu.vector_load_idx %arg12[%rem3A_201] : memref<32xf32, #tpu.memory_space<vmem>>[vector<16xi32>], vector<16xf32>,
      %gather3A_203 = tpu.vector_load_idx %arg10[%add3A_51, %rem3A_201] : memref<256x32xf32, #tpu.memory_space<vmem>>[vector<16xi32>, vector<16xi32>], vector<16xf32>,
      %gather3A_204 = tpu.vector_load_idx %arg11[%add3A_51, %rem3A_201] : memref<256x32xf32, #tpu.memory_space<vmem>>[vector<16xi32>, vector<16xi32>], vector<16xf32>,
      %mul3A_205 = arith.mulf %gather3A_203, %gather3A_204 : vector<16xf32>
      %mul3A_206 = arith.mulf %mul3A_205, %gather3A_202 : vector<16xf32>
      %add3A_207 = arith.addf %add3A_195, %mul3A_206 : vector<16xf32>
      %add3A_208 = arith.constant 13 : i32
      %add3A_209 = vector.broadcast %add3A_208 : i32 to vector<16xi32>
      %add3A_210 = arith.addi %iota3A, %add3A_209 : vector<16xi32>
      %rem3A_211 = arith.constant 32 : i32
      %rem3A_212 = vector.broadcast %rem3A_211 : i32 to vector<16xi32>
      %rem3A_213 = arith.remsi %add3A_210, %rem3A_212 : vector<16xi32>
      %gather3A_214 = tpu.vector_load_idx %arg12[%rem3A_213] : memref<32xf32, #tpu.memory_space<vmem>>[vector<16xi32>], vector<16xf32>,
      %gather3A_215 = tpu.vector_load_idx %arg10[%add3A_51, %rem3A_213] : memref<256x32xf32, #tpu.memory_space<vmem>>[vector<16xi32>, vector<16xi32>], vector<16xf32>,
      %gather3A_216 = tpu.vector_load_idx %arg11[%add3A_51, %rem3A_213] : memref<256x32xf32, #tpu.memory_space<vmem>>[vector<16xi32>, vector<16xi32>], vector<16xf32>,
      %mul3A_217 = arith.mulf %gather3A_215, %gather3A_216 : vector<16xf32>
      %mul3A_218 = arith.mulf %mul3A_217, %gather3A_214 : vector<16xf32>
      %add3A_219 = arith.addf %add3A_207, %mul3A_218 : vector<16xf32>
      %add3A_220 = arith.constant 14 : i32
      %add3A_221 = vector.broadcast %add3A_220 : i32 to vector<16xi32>
      %add3A_222 = arith.addi %iota3A, %add3A_221 : vector<16xi32>
      %rem3A_223 = arith.constant 32 : i32
      %rem3A_224 = vector.broadcast %rem3A_223 : i32 to vector<16xi32>
      %rem3A_225 = arith.remsi %add3A_222, %rem3A_224 : vector<16xi32>
      %gather3A_226 = tpu.vector_load_idx %arg12[%rem3A_225] : memref<32xf32, #tpu.memory_space<vmem>>[vector<16xi32>], vector<16xf32>,
      %gather3A_227 = tpu.vector_load_idx %arg10[%add3A_51, %rem3A_225] : memref<256x32xf32, #tpu.memory_space<vmem>>[vector<16xi32>, vector<16xi32>], vector<16xf32>,
      %gather3A_228 = tpu.vector_load_idx %arg11[%add3A_51, %rem3A_225] : memref<256x32xf32, #tpu.memory_space<vmem>>[vector<16xi32>, vector<16xi32>], vector<16xf32>,
      %mul3A_229 = arith.mulf %gather3A_227, %gather3A_228 : vector<16xf32>
      %mul3A_230 = arith.mulf %mul3A_229, %gather3A_226 : vector<16xf32>
      %add3A_231 = arith.addf %add3A_219, %mul3A_230 : vector<16xf32>
      %add3A_232 = arith.constant 15 : i32
      %add3A_233 = vector.broadcast %add3A_232 : i32 to vector<16xi32>
      %add3A_234 = arith.addi %iota3A, %add3A_233 : vector<16xi32>
      %rem3A_235 = arith.constant 32 : i32
      %rem3A_236 = vector.broadcast %rem3A_235 : i32 to vector<16xi32>
      %rem3A_237 = arith.remsi %add3A_234, %rem3A_236 : vector<16xi32>
      %gather3A_238 = tpu.vector_load_idx %arg12[%rem3A_237] : memref<32xf32, #tpu.memory_space<vmem>>[vector<16xi32>], vector<16xf32>,
      %gather3A_239 = tpu.vector_load_idx %arg10[%add3A_51, %rem3A_237] : memref<256x32xf32, #tpu.memory_space<vmem>>[vector<16xi32>, vector<16xi32>], vector<16xf32>,
      %gather3A_240 = tpu.vector_load_idx %arg11[%add3A_51, %rem3A_237] : memref<256x32xf32, #tpu.memory_space<vmem>>[vector<16xi32>, vector<16xi32>], vector<16xf32>,
      %mul3A_241 = arith.mulf %gather3A_239, %gather3A_240 : vector<16xf32>
      %mul3A_242 = arith.mulf %mul3A_241, %gather3A_238 : vector<16xf32>
      %add3A_243 = arith.addf %add3A_231, %mul3A_242 : vector<16xf32>
      %add3A_244 = arith.constant 16 : i32
      %add3A_245 = vector.broadcast %add3A_244 : i32 to vector<16xi32>
      %add3A_246 = arith.addi %iota3A, %add3A_245 : vector<16xi32>
      %rem3A_247 = arith.constant 32 : i32
      %rem3A_248 = vector.broadcast %rem3A_247 : i32 to vector<16xi32>
      %rem3A_249 = arith.remsi %add3A_246, %rem3A_248 : vector<16xi32>
      %gather3A_250 = tpu.vector_load_idx %arg12[%rem3A_249] : memref<32xf32, #tpu.memory_space<vmem>>[vector<16xi32>], vector<16xf32>,
      %gather3A_251 = tpu.vector_load_idx %arg10[%add3A_51, %rem3A_249] : memref<256x32xf32, #tpu.memory_space<vmem>>[vector<16xi32>, vector<16xi32>], vector<16xf32>,
      %gather3A_252 = tpu.vector_load_idx %arg11[%add3A_51, %rem3A_249] : memref<256x32xf32, #tpu.memory_space<vmem>>[vector<16xi32>, vector<16xi32>], vector<16xf32>,
      %mul3A_253 = arith.mulf %gather3A_251, %gather3A_252 : vector<16xf32>
      %mul3A_254 = arith.mulf %mul3A_253, %gather3A_250 : vector<16xf32>
      %add3A_255 = arith.addf %add3A_243, %mul3A_254 : vector<16xf32>
      %add3A_256 = arith.constant 17 : i32
      %add3A_257 = vector.broadcast %add3A_256 : i32 to vector<16xi32>
      %add3A_258 = arith.addi %iota3A, %add3A_257 : vector<16xi32>
      %rem3A_259 = arith.constant 32 : i32
      %rem3A_260 = vector.broadcast %rem3A_259 : i32 to vector<16xi32>
      %rem3A_261 = arith.remsi %add3A_258, %rem3A_260 : vector<16xi32>
      %gather3A_262 = tpu.vector_load_idx %arg12[%rem3A_261] : memref<32xf32, #tpu.memory_space<vmem>>[vector<16xi32>], vector<16xf32>,
      %gather3A_263 = tpu.vector_load_idx %arg10[%add3A_51, %rem3A_261] : memref<256x32xf32, #tpu.memory_space<vmem>>[vector<16xi32>, vector<16xi32>], vector<16xf32>,
      %gather3A_264 = tpu.vector_load_idx %arg11[%add3A_51, %rem3A_261] : memref<256x32xf32, #tpu.memory_space<vmem>>[vector<16xi32>, vector<16xi32>], vector<16xf32>,
      %mul3A_265 = arith.mulf %gather3A_263, %gather3A_264 : vector<16xf32>
      %mul3A_266 = arith.mulf %mul3A_265, %gather3A_262 : vector<16xf32>
      %add3A_267 = arith.addf %add3A_255, %mul3A_266 : vector<16xf32>
      %add3A_268 = arith.constant 18 : i32
      %add3A_269 = vector.broadcast %add3A_268 : i32 to vector<16xi32>
      %add3A_270 = arith.addi %iota3A, %add3A_269 : vector<16xi32>
      %rem3A_271 = arith.constant 32 : i32
      %rem3A_272 = vector.broadcast %rem3A_271 : i32 to vector<16xi32>
      %rem3A_273 = arith.remsi %add3A_270, %rem3A_272 : vector<16xi32>
      %gather3A_274 = tpu.vector_load_idx %arg12[%rem3A_273] : memref<32xf32, #tpu.memory_space<vmem>>[vector<16xi32>], vector<16xf32>,
      %gather3A_275 = tpu.vector_load_idx %arg10[%add3A_51, %rem3A_273] : memref<256x32xf32, #tpu.memory_space<vmem>>[vector<16xi32>, vector<16xi32>], vector<16xf32>,
      %gather3A_276 = tpu.vector_load_idx %arg11[%add3A_51, %rem3A_273] : memref<256x32xf32, #tpu.memory_space<vmem>>[vector<16xi32>, vector<16xi32>], vector<16xf32>,
      %mul3A_277 = arith.mulf %gather3A_275, %gather3A_276 : vector<16xf32>
      %mul3A_278 = arith.mulf %mul3A_277, %gather3A_274 : vector<16xf32>
      %add3A_279 = arith.addf %add3A_267, %mul3A_278 : vector<16xf32>
      %add3A_280 = arith.constant 19 : i32
      %add3A_281 = vector.broadcast %add3A_280 : i32 to vector<16xi32>
      %add3A_282 = arith.addi %iota3A, %add3A_281 : vector<16xi32>
      %rem3A_283 = arith.constant 32 : i32
      %rem3A_284 = vector.broadcast %rem3A_283 : i32 to vector<16xi32>
      %rem3A_285 = arith.remsi %add3A_282, %rem3A_284 : vector<16xi32>
      %gather3A_286 = tpu.vector_load_idx %arg12[%rem3A_285] : memref<32xf32, #tpu.memory_space<vmem>>[vector<16xi32>], vector<16xf32>,
      %gather3A_287 = tpu.vector_load_idx %arg10[%add3A_51, %rem3A_285] : memref<256x32xf32, #tpu.memory_space<vmem>>[vector<16xi32>, vector<16xi32>], vector<16xf32>,
      %gather3A_288 = tpu.vector_load_idx %arg11[%add3A_51, %rem3A_285] : memref<256x32xf32, #tpu.memory_space<vmem>>[vector<16xi32>, vector<16xi32>], vector<16xf32>,
      %mul3A_289 = arith.mulf %gather3A_287, %gather3A_288 : vector<16xf32>
      %mul3A_290 = arith.mulf %mul3A_289, %gather3A_286 : vector<16xf32>
      %add3A_291 = arith.addf %add3A_279, %mul3A_290 : vector<16xf32>
      %add3A_292 = arith.constant 20 : i32
      %add3A_293 = vector.broadcast %add3A_292 : i32 to vector<16xi32>
      %add3A_294 = arith.addi %iota3A, %add3A_293 : vector<16xi32>
      %rem3A_295 = arith.constant 32 : i32
      %rem3A_296 = vector.broadcast %rem3A_295 : i32 to vector<16xi32>
      %rem3A_297 = arith.remsi %add3A_294, %rem3A_296 : vector<16xi32>
      %gather3A_298 = tpu.vector_load_idx %arg12[%rem3A_297] : memref<32xf32, #tpu.memory_space<vmem>>[vector<16xi32>], vector<16xf32>,
      %gather3A_299 = tpu.vector_load_idx %arg10[%add3A_51, %rem3A_297] : memref<256x32xf32, #tpu.memory_space<vmem>>[vector<16xi32>, vector<16xi32>], vector<16xf32>,
      %gather3A_300 = tpu.vector_load_idx %arg11[%add3A_51, %rem3A_297] : memref<256x32xf32, #tpu.memory_space<vmem>>[vector<16xi32>, vector<16xi32>], vector<16xf32>,
      %mul3A_301 = arith.mulf %gather3A_299, %gather3A_300 : vector<16xf32>
      %mul3A_302 = arith.mulf %mul3A_301, %gather3A_298 : vector<16xf32>
      %add3A_303 = arith.addf %add3A_291, %mul3A_302 : vector<16xf32>
      %add3A_304 = arith.constant 21 : i32
      %add3A_305 = vector.broadcast %add3A_304 : i32 to vector<16xi32>
      %add3A_306 = arith.addi %iota3A, %add3A_305 : vector<16xi32>
      %rem3A_307 = arith.constant 32 : i32
      %rem3A_308 = vector.broadcast %rem3A_307 : i32 to vector<16xi32>
      %rem3A_309 = arith.remsi %add3A_306, %rem3A_308 : vector<16xi32>
      %gather3A_310 = tpu.vector_load_idx %arg12[%rem3A_309] : memref<32xf32, #tpu.memory_space<vmem>>[vector<16xi32>], vector<16xf32>,
      %gather3A_311 = tpu.vector_load_idx %arg10[%add3A_51, %rem3A_309] : memref<256x32xf32, #tpu.memory_space<vmem>>[vector<16xi32>, vector<16xi32>], vector<16xf32>,
      %gather3A_312 = tpu.vector_load_idx %arg11[%add3A_51, %rem3A_309] : memref<256x32xf32, #tpu.memory_space<vmem>>[vector<16xi32>, vector<16xi32>], vector<16xf32>,
      %mul3A_313 = arith.mulf %gather3A_311, %gather3A_312 : vector<16xf32>
      %mul3A_314 = arith.mulf %mul3A_313, %gather3A_310 : vector<16xf32>
      %add3A_315 = arith.addf %add3A_303, %mul3A_314 : vector<16xf32>
      %add3A_316 = arith.constant 22 : i32
      %add3A_317 = vector.broadcast %add3A_316 : i32 to vector<16xi32>
      %add3A_318 = arith.addi %iota3A, %add3A_317 : vector<16xi32>
      %rem3A_319 = arith.constant 32 : i32
      %rem3A_320 = vector.broadcast %rem3A_319 : i32 to vector<16xi32>
      %rem3A_321 = arith.remsi %add3A_318, %rem3A_320 : vector<16xi32>
      %gather3A_322 = tpu.vector_load_idx %arg12[%rem3A_321] : memref<32xf32, #tpu.memory_space<vmem>>[vector<16xi32>], vector<16xf32>,
      %gather3A_323 = tpu.vector_load_idx %arg10[%add3A_51, %rem3A_321] : memref<256x32xf32, #tpu.memory_space<vmem>>[vector<16xi32>, vector<16xi32>], vector<16xf32>,
      %gather3A_324 = tpu.vector_load_idx %arg11[%add3A_51, %rem3A_321] : memref<256x32xf32, #tpu.memory_space<vmem>>[vector<16xi32>, vector<16xi32>], vector<16xf32>,
      %mul3A_325 = arith.mulf %gather3A_323, %gather3A_324 : vector<16xf32>
      %mul3A_326 = arith.mulf %mul3A_325, %gather3A_322 : vector<16xf32>
      %add3A_327 = arith.addf %add3A_315, %mul3A_326 : vector<16xf32>
      %add3A_328 = arith.constant 23 : i32
      %add3A_329 = vector.broadcast %add3A_328 : i32 to vector<16xi32>
      %add3A_330 = arith.addi %iota3A, %add3A_329 : vector<16xi32>
      %rem3A_331 = arith.constant 32 : i32
      %rem3A_332 = vector.broadcast %rem3A_331 : i32 to vector<16xi32>
      %rem3A_333 = arith.remsi %add3A_330, %rem3A_332 : vector<16xi32>
      %gather3A_334 = tpu.vector_load_idx %arg12[%rem3A_333] : memref<32xf32, #tpu.memory_space<vmem>>[vector<16xi32>], vector<16xf32>,
      %gather3A_335 = tpu.vector_load_idx %arg10[%add3A_51, %rem3A_333] : memref<256x32xf32, #tpu.memory_space<vmem>>[vector<16xi32>, vector<16xi32>], vector<16xf32>,
      %gather3A_336 = tpu.vector_load_idx %arg11[%add3A_51, %rem3A_333] : memref<256x32xf32, #tpu.memory_space<vmem>>[vector<16xi32>, vector<16xi32>], vector<16xf32>,
      %mul3A_337 = arith.mulf %gather3A_335, %gather3A_336 : vector<16xf32>
      %mul3A_338 = arith.mulf %mul3A_337, %gather3A_334 : vector<16xf32>
      %add3A_339 = arith.addf %add3A_327, %mul3A_338 : vector<16xf32>
      %add3A_340 = arith.constant 24 : i32
      %add3A_341 = vector.broadcast %add3A_340 : i32 to vector<16xi32>
      %add3A_342 = arith.addi %iota3A, %add3A_341 : vector<16xi32>
      %rem3A_343 = arith.constant 32 : i32
      %rem3A_344 = vector.broadcast %rem3A_343 : i32 to vector<16xi32>
      %rem3A_345 = arith.remsi %add3A_342, %rem3A_344 : vector<16xi32>
      %gather3A_346 = tpu.vector_load_idx %arg12[%rem3A_345] : memref<32xf32, #tpu.memory_space<vmem>>[vector<16xi32>], vector<16xf32>,
      %gather3A_347 = tpu.vector_load_idx %arg10[%add3A_51, %rem3A_345] : memref<256x32xf32, #tpu.memory_space<vmem>>[vector<16xi32>, vector<16xi32>], vector<16xf32>,
      %gather3A_348 = tpu.vector_load_idx %arg11[%add3A_51, %rem3A_345] : memref<256x32xf32, #tpu.memory_space<vmem>>[vector<16xi32>, vector<16xi32>], vector<16xf32>,
      %mul3A_349 = arith.mulf %gather3A_347, %gather3A_348 : vector<16xf32>
      %mul3A_350 = arith.mulf %mul3A_349, %gather3A_346 : vector<16xf32>
      %add3A_351 = arith.addf %add3A_339, %mul3A_350 : vector<16xf32>
      %add3A_352 = arith.constant 25 : i32
      %add3A_353 = vector.broadcast %add3A_352 : i32 to vector<16xi32>
      %add3A_354 = arith.addi %iota3A, %add3A_353 : vector<16xi32>
      %rem3A_355 = arith.constant 32 : i32
      %rem3A_356 = vector.broadcast %rem3A_355 : i32 to vector<16xi32>
      %rem3A_357 = arith.remsi %add3A_354, %rem3A_356 : vector<16xi32>
      %gather3A_358 = tpu.vector_load_idx %arg12[%rem3A_357] : memref<32xf32, #tpu.memory_space<vmem>>[vector<16xi32>], vector<16xf32>,
      %gather3A_359 = tpu.vector_load_idx %arg10[%add3A_51, %rem3A_357] : memref<256x32xf32, #tpu.memory_space<vmem>>[vector<16xi32>, vector<16xi32>], vector<16xf32>,
      %gather3A_360 = tpu.vector_load_idx %arg11[%add3A_51, %rem3A_357] : memref<256x32xf32, #tpu.memory_space<vmem>>[vector<16xi32>, vector<16xi32>], vector<16xf32>,
      %mul3A_361 = arith.mulf %gather3A_359, %gather3A_360 : vector<16xf32>
      %mul3A_362 = arith.mulf %mul3A_361, %gather3A_358 : vector<16xf32>
      %add3A_363 = arith.addf %add3A_351, %mul3A_362 : vector<16xf32>
      %add3A_364 = arith.constant 26 : i32
      %add3A_365 = vector.broadcast %add3A_364 : i32 to vector<16xi32>
      %add3A_366 = arith.addi %iota3A, %add3A_365 : vector<16xi32>
      %rem3A_367 = arith.constant 32 : i32
      %rem3A_368 = vector.broadcast %rem3A_367 : i32 to vector<16xi32>
      %rem3A_369 = arith.remsi %add3A_366, %rem3A_368 : vector<16xi32>
      %gather3A_370 = tpu.vector_load_idx %arg12[%rem3A_369] : memref<32xf32, #tpu.memory_space<vmem>>[vector<16xi32>], vector<16xf32>,
      %gather3A_371 = tpu.vector_load_idx %arg10[%add3A_51, %rem3A_369] : memref<256x32xf32, #tpu.memory_space<vmem>>[vector<16xi32>, vector<16xi32>], vector<16xf32>,
      %gather3A_372 = tpu.vector_load_idx %arg11[%add3A_51, %rem3A_369] : memref<256x32xf32, #tpu.memory_space<vmem>>[vector<16xi32>, vector<16xi32>], vector<16xf32>,
      %mul3A_373 = arith.mulf %gather3A_371, %gather3A_372 : vector<16xf32>
      %mul3A_374 = arith.mulf %mul3A_373, %gather3A_370 : vector<16xf32>
      %add3A_375 = arith.addf %add3A_363, %mul3A_374 : vector<16xf32>
      %add3A_376 = arith.constant 27 : i32
      %add3A_377 = vector.broadcast %add3A_376 : i32 to vector<16xi32>
      %add3A_378 = arith.addi %iota3A, %add3A_377 : vector<16xi32>
      %rem3A_379 = arith.constant 32 : i32
      %rem3A_380 = vector.broadcast %rem3A_379 : i32 to vector<16xi32>
      %rem3A_381 = arith.remsi %add3A_378, %rem3A_380 : vector<16xi32>
      %gather3A_382 = tpu.vector_load_idx %arg12[%rem3A_381] : memref<32xf32, #tpu.memory_space<vmem>>[vector<16xi32>], vector<16xf32>,
      %gather3A_383 = tpu.vector_load_idx %arg10[%add3A_51, %rem3A_381] : memref<256x32xf32, #tpu.memory_space<vmem>>[vector<16xi32>, vector<16xi32>], vector<16xf32>,
      %gather3A_384 = tpu.vector_load_idx %arg11[%add3A_51, %rem3A_381] : memref<256x32xf32, #tpu.memory_space<vmem>>[vector<16xi32>, vector<16xi32>], vector<16xf32>,
      %mul3A_385 = arith.mulf %gather3A_383, %gather3A_384 : vector<16xf32>
      %mul3A_386 = arith.mulf %mul3A_385, %gather3A_382 : vector<16xf32>
      %add3A_387 = arith.addf %add3A_375, %mul3A_386 : vector<16xf32>
      %add3A_388 = arith.constant 28 : i32
      %add3A_389 = vector.broadcast %add3A_388 : i32 to vector<16xi32>
      %add3A_390 = arith.addi %iota3A, %add3A_389 : vector<16xi32>
      %rem3A_391 = arith.constant 32 : i32
      %rem3A_392 = vector.broadcast %rem3A_391 : i32 to vector<16xi32>
      %rem3A_393 = arith.remsi %add3A_390, %rem3A_392 : vector<16xi32>
      %gather3A_394 = tpu.vector_load_idx %arg12[%rem3A_393] : memref<32xf32, #tpu.memory_space<vmem>>[vector<16xi32>], vector<16xf32>,
      %gather3A_395 = tpu.vector_load_idx %arg10[%add3A_51, %rem3A_393] : memref<256x32xf32, #tpu.memory_space<vmem>>[vector<16xi32>, vector<16xi32>], vector<16xf32>,
      %gather3A_396 = tpu.vector_load_idx %arg11[%add3A_51, %rem3A_393] : memref<256x32xf32, #tpu.memory_space<vmem>>[vector<16xi32>, vector<16xi32>], vector<16xf32>,
      %mul3A_397 = arith.mulf %gather3A_395, %gather3A_396 : vector<16xf32>
      %mul3A_398 = arith.mulf %mul3A_397, %gather3A_394 : vector<16xf32>
      %add3A_399 = arith.addf %add3A_387, %mul3A_398 : vector<16xf32>
      %add3A_400 = arith.constant 29 : i32
      %add3A_401 = vector.broadcast %add3A_400 : i32 to vector<16xi32>
      %add3A_402 = arith.addi %iota3A, %add3A_401 : vector<16xi32>
      %rem3A_403 = arith.constant 32 : i32
      %rem3A_404 = vector.broadcast %rem3A_403 : i32 to vector<16xi32>
      %rem3A_405 = arith.remsi %add3A_402, %rem3A_404 : vector<16xi32>
      %gather3A_406 = tpu.vector_load_idx %arg12[%rem3A_405] : memref<32xf32, #tpu.memory_space<vmem>>[vector<16xi32>], vector<16xf32>,
      %gather3A_407 = tpu.vector_load_idx %arg10[%add3A_51, %rem3A_405] : memref<256x32xf32, #tpu.memory_space<vmem>>[vector<16xi32>, vector<16xi32>], vector<16xf32>,
      %gather3A_408 = tpu.vector_load_idx %arg11[%add3A_51, %rem3A_405] : memref<256x32xf32, #tpu.memory_space<vmem>>[vector<16xi32>, vector<16xi32>], vector<16xf32>,
      %mul3A_409 = arith.mulf %gather3A_407, %gather3A_408 : vector<16xf32>
      %mul3A_410 = arith.mulf %mul3A_409, %gather3A_406 : vector<16xf32>
      %add3A_411 = arith.addf %add3A_399, %mul3A_410 : vector<16xf32>
      %add3A_412 = arith.constant 30 : i32
      %add3A_413 = vector.broadcast %add3A_412 : i32 to vector<16xi32>
      %add3A_414 = arith.addi %iota3A, %add3A_413 : vector<16xi32>
      %rem3A_415 = arith.constant 32 : i32
      %rem3A_416 = vector.broadcast %rem3A_415 : i32 to vector<16xi32>
      %rem3A_417 = arith.remsi %add3A_414, %rem3A_416 : vector<16xi32>
      %gather3A_418 = tpu.vector_load_idx %arg12[%rem3A_417] : memref<32xf32, #tpu.memory_space<vmem>>[vector<16xi32>], vector<16xf32>,
      %gather3A_419 = tpu.vector_load_idx %arg10[%add3A_51, %rem3A_417] : memref<256x32xf32, #tpu.memory_space<vmem>>[vector<16xi32>, vector<16xi32>], vector<16xf32>,
      %gather3A_420 = tpu.vector_load_idx %arg11[%add3A_51, %rem3A_417] : memref<256x32xf32, #tpu.memory_space<vmem>>[vector<16xi32>, vector<16xi32>], vector<16xf32>,
      %mul3A_421 = arith.mulf %gather3A_419, %gather3A_420 : vector<16xf32>
      %mul3A_422 = arith.mulf %mul3A_421, %gather3A_418 : vector<16xf32>
      %add3A_423 = arith.addf %add3A_411, %mul3A_422 : vector<16xf32>
      %add3A_424 = arith.constant 31 : i32
      %add3A_425 = vector.broadcast %add3A_424 : i32 to vector<16xi32>
      %add3A_426 = arith.addi %iota3A, %add3A_425 : vector<16xi32>
      %rem3A_427 = arith.constant 32 : i32
      %rem3A_428 = vector.broadcast %rem3A_427 : i32 to vector<16xi32>
      %rem3A_429 = arith.remsi %add3A_426, %rem3A_428 : vector<16xi32>
      %gather3A_430 = tpu.vector_load_idx %arg12[%rem3A_429] : memref<32xf32, #tpu.memory_space<vmem>>[vector<16xi32>], vector<16xf32>,
      %gather3A_431 = tpu.vector_load_idx %arg10[%add3A_51, %rem3A_429] : memref<256x32xf32, #tpu.memory_space<vmem>>[vector<16xi32>, vector<16xi32>], vector<16xf32>,
      %gather3A_432 = tpu.vector_load_idx %arg11[%add3A_51, %rem3A_429] : memref<256x32xf32, #tpu.memory_space<vmem>>[vector<16xi32>, vector<16xi32>], vector<16xf32>,
      %mul3A_433 = arith.mulf %gather3A_431, %gather3A_432 : vector<16xf32>
      %mul3A_434 = arith.mulf %mul3A_433, %gather3A_430 : vector<16xf32>
      %add3A_435 = arith.addf %add3A_423, %mul3A_434 : vector<16xf32>
      %add3A_436 = arith.constant 0 : i32
      %add3A_437 = arith.addi %add3A_436, %add3A_49 : i32
      %swap3A = arith.index_cast %add3A_437 : i32 to index
      %swap3A_438 = tpu.vector_load %arg13[%swap3A] {strides = array<i32>} : memref<512xf32, #tpu.memory_space<vmem>>, vector<16xf32>,
      tpu.vector_store %arg13[%swap3A], %add3A_435 {strides = array<i32>} : memref<512xf32, #tpu.memory_space<vmem>>, vector<16xf32>,
    }
    %scan3A_29 = arith.constant 16 : i32
    %scan3A_30 = arith.constant 0 : i32
    %scan3A_31 = arith.constant 16 : i32
    %scan3A_32 = arith.addi %scan3A_30, %scan3A_31 : i32
    %scan3A_33 = arith.constant 1 : i32
    scf.for %scan3A_45 = %scan3A_30 to %scan3A_32 step %scan3A_33  : i32 {
      %mul3A_46 = arith.constant 16 : i32
      %mul3A_47 = arith.muli %scan3A_45, %mul3A_46 : i32
      %add3A_48 = arith.constant 0 : i32
      %add3A_49 = arith.addi %add3A_48, %mul3A_47 : i32
      %add3A_50 = arith.constant 256 : i32
      %add3A_51 = arith.addi %add3A_50, %add3A_49 : i32
      %get3A = arith.index_cast %add3A_51 : i32 to index
      %get3A_52 = tpu.vector_load %arg8[%get3A] {strides = array<i32>} : memref<512xi32, #tpu.memory_space<vmem>>, vector<16xi32>,
      %add3A_53 = arith.constant 256 : i32
      %add3A_54 = arith.addi %add3A_53, %add3A_49 : i32
      %get3A_55 = arith.index_cast %add3A_54 : i32 to index
      %get3A_56 = tpu.vector_load %arg9[%get3A_55] {strides = array<i32>} : memref<512xi32, #tpu.memory_space<vmem>>, vector<16xi32>,
      %eq3A = arith.constant 0 : i32
      %eq3A_57 = vector.broadcast %eq3A : i32 to vector<16xi32>
      %eq3A_58 = arith.cmpi eq, %iota3A, %eq3A_57 : vector<16xi32>
      %select_n3A = arith.select %eq3A_58, %get3A_52, %broadcast_in_dim3A_15 : vector<16xi1>, vector<16xi32>
      %reduce_sum3A = arith.constant true
      %reduce_sum3A_59 = vector.broadcast %reduce_sum3A : i1 to vector<16xi1>
      %reduce_sum3A_60 = tpu.scan <sum>, %select_n3A masked %reduce_sum3A_59 : vector<16xi32>, vector<16xi1> -> vector<16xi32>
      %reduce_sum3A_61 = vector.extract %reduce_sum3A_60[15] : i32 from vector<16xi32>
      %eq3A_62 = arith.constant 0 : i32
      %eq3A_63 = vector.broadcast %eq3A_62 : i32 to vector<16xi32>
      %eq3A_64 = arith.cmpi eq, %iota3A, %eq3A_63 : vector<16xi32>
      %select_n3A_65 = arith.select %eq3A_64, %get3A_56, %broadcast_in_dim3A_15 : vector<16xi1>, vector<16xi32>
      %reduce_sum3A_66 = arith.constant true
      %reduce_sum3A_67 = vector.broadcast %reduce_sum3A_66 : i1 to vector<16xi1>
      %reduce_sum3A_68 = tpu.scan <sum>, %select_n3A_65 masked %reduce_sum3A_67 : vector<16xi32>, vector<16xi1> -> vector<16xi32>
      %reduce_sum3A_69 = vector.extract %reduce_sum3A_68[15] : i32 from vector<16xi32>
      %add3A_70 = arith.constant 0 : i32
      %add3A_71 = arith.addi %add3A_49, %add3A_70 : i32
      %dma_start3A_72 = arith.constant 0 : i32
      %dma_start3A_73 = tpu.memref_slice %arg10[%add3A_71, %dma_start3A_72] : memref<256x32xf32, #tpu.memory_space<vmem>> -> memref<1x32xf32, #tpu.memory_space<vmem>>
      %dma_start3A_74 = arith.constant 0 : i32
      %dma_start3A_75 = tpu.memref_slice %arg4[%reduce_sum3A_61, %dma_start3A_74] : memref<1000000x32xf32, #tpu.memory_space<hbm>> -> memref<1x32xf32, #tpu.memory_space<hbm>>
      %dma_start3A_76 = arith.constant 0 : i32
      %dma_start3A_77 = tpu.memref_slice %arg10[%add3A_71, %dma_start3A_76] : memref<256x32xf32, #tpu.memory_space<vmem>> -> memref<1x32xf32, #tpu.memory_space<vmem>>
      %dma_start3A_78 = arith.constant 0 : i32
      %dma_start3A_79 = tpu.memref_slice %arg4[%reduce_sum3A_61, %dma_start3A_78] : memref<1000000x32xf32, #tpu.memory_space<hbm>> -> memref<1x32xf32, #tpu.memory_space<hbm>>
      tpu.enqueue_dma source(%dma_start3A_79 : memref<1x32xf32, #tpu.memory_space<hbm>>) target(%dma_start3A_77 : memref<1x32xf32, #tpu.memory_space<vmem>>) target_semaphore(%arg14 : memref<!tpu.dma_semaphore, #tpu.memory_space<semaphore_mem>>)
      %add3A_80 = arith.constant 0 : i32
      %add3A_81 = arith.addi %add3A_49, %add3A_80 : i32
      %dma_start3A_82 = arith.constant 0 : i32
      %dma_start3A_83 = tpu.memref_slice %arg11[%add3A_81, %dma_start3A_82] : memref<256x32xf32, #tpu.memory_space<vmem>> -> memref<1x32xf32, #tpu.memory_space<vmem>>
      %dma_start3A_84 = arith.constant 0 : i32
      %dma_start3A_85 = tpu.memref_slice %arg5[%reduce_sum3A_69, %dma_start3A_84] : memref<1000000x32xf32, #tpu.memory_space<hbm>> -> memref<1x32xf32, #tpu.memory_space<hbm>>
      %dma_start3A_86 = arith.constant 0 : i32
      %dma_start3A_87 = tpu.memref_slice %arg11[%add3A_81, %dma_start3A_86] : memref<256x32xf32, #tpu.memory_space<vmem>> -> memref<1x32xf32, #tpu.memory_space<vmem>>
      %dma_start3A_88 = arith.constant 0 : i32
      %dma_start3A_89 = tpu.memref_slice %arg5[%reduce_sum3A_69, %dma_start3A_88] : memref<1000000x32xf32, #tpu.memory_space<hbm>> -> memref<1x32xf32, #tpu.memory_space<hbm>>
      tpu.enqueue_dma source(%dma_start3A_89 : memref<1x32xf32, #tpu.memory_space<hbm>>) target(%dma_start3A_87 : memref<1x32xf32, #tpu.memory_space<vmem>>) target_semaphore(%arg15 : memref<!tpu.dma_semaphore, #tpu.memory_space<semaphore_mem>>)
      %eq3A_90 = arith.constant 1 : i32
      %eq3A_91 = vector.broadcast %eq3A_90 : i32 to vector<16xi32>
      %eq3A_92 = arith.cmpi eq, %iota3A, %eq3A_91 : vector<16xi32>
      %select_n3A_93 = arith.select %eq3A_92, %get3A_52, %broadcast_in_dim3A_15 : vector<16xi1>, vector<16xi32>
      %reduce_sum3A_94 = arith.constant true
      %reduce_sum3A_95 = vector.broadcast %reduce_sum3A_94 : i1 to vector<16xi1>
      %reduce_sum3A_96 = tpu.scan <sum>, %select_n3A_93 masked %reduce_sum3A_95 : vector<16xi32>, vector<16xi1> -> vector<16xi32>
      %reduce_sum3A_97 = vector.extract %reduce_sum3A_96[15] : i32 from vector<16xi32>
      %eq3A_98 = arith.constant 1 : i32
      %eq3A_99 = vector.broadcast %eq3A_98 : i32 to vector<16xi32>
      %eq3A_100 = arith.cmpi eq, %iota3A, %eq3A_99 : vector<16xi32>
      %select_n3A_101 = arith.select %eq3A_100, %get3A_56, %broadcast_in_dim3A_15 : vector<16xi1>, vector<16xi32>
      %reduce_sum3A_102 = arith.constant true
      %reduce_sum3A_103 = vector.broadcast %reduce_sum3A_102 : i1 to vector<16xi1>
      %reduce_sum3A_104 = tpu.scan <sum>, %select_n3A_101 masked %reduce_sum3A_103 : vector<16xi32>, vector<16xi1> -> vector<16xi32>
      %reduce_sum3A_105 = vector.extract %reduce_sum3A_104[15] : i32 from vector<16xi32>
      %add3A_106 = arith.constant 1 : i32
      %add3A_107 = arith.addi %add3A_49, %add3A_106 : i32
      %dma_start3A_108 = arith.constant 0 : i32
      %dma_start3A_109 = tpu.memref_slice %arg10[%add3A_107, %dma_start3A_108] : memref<256x32xf32, #tpu.memory_space<vmem>> -> memref<1x32xf32, #tpu.memory_space<vmem>>
      %dma_start3A_110 = arith.constant 0 : i32
      %dma_start3A_111 = tpu.memref_slice %arg4[%reduce_sum3A_97, %dma_start3A_110] : memref<1000000x32xf32, #tpu.memory_space<hbm>> -> memref<1x32xf32, #tpu.memory_space<hbm>>
      %dma_start3A_112 = arith.constant 0 : i32
      %dma_start3A_113 = tpu.memref_slice %arg10[%add3A_107, %dma_start3A_112] : memref<256x32xf32, #tpu.memory_space<vmem>> -> memref<1x32xf32, #tpu.memory_space<vmem>>
      %dma_start3A_114 = arith.constant 0 : i32
      %dma_start3A_115 = tpu.memref_slice %arg4[%reduce_sum3A_97, %dma_start3A_114] : memref<1000000x32xf32, #tpu.memory_space<hbm>> -> memref<1x32xf32, #tpu.memory_space<hbm>>
      tpu.enqueue_dma source(%dma_start3A_115 : memref<1x32xf32, #tpu.memory_space<hbm>>) target(%dma_start3A_113 : memref<1x32xf32, #tpu.memory_space<vmem>>) target_semaphore(%arg14 : memref<!tpu.dma_semaphore, #tpu.memory_space<semaphore_mem>>)
      %add3A_116 = arith.constant 1 : i32
      %add3A_117 = arith.addi %add3A_49, %add3A_116 : i32
      %dma_start3A_118 = arith.constant 0 : i32
      %dma_start3A_119 = tpu.memref_slice %arg11[%add3A_117, %dma_start3A_118] : memref<256x32xf32, #tpu.memory_space<vmem>> -> memref<1x32xf32, #tpu.memory_space<vmem>>
      %dma_start3A_120 = arith.constant 0 : i32
      %dma_start3A_121 = tpu.memref_slice %arg5[%reduce_sum3A_105, %dma_start3A_120] : memref<1000000x32xf32, #tpu.memory_space<hbm>> -> memref<1x32xf32, #tpu.memory_space<hbm>>
      %dma_start3A_122 = arith.constant 0 : i32
      %dma_start3A_123 = tpu.memref_slice %arg11[%add3A_117, %dma_start3A_122] : memref<256x32xf32, #tpu.memory_space<vmem>> -> memref<1x32xf32, #tpu.memory_space<vmem>>
      %dma_start3A_124 = arith.constant 0 : i32
      %dma_start3A_125 = tpu.memref_slice %arg5[%reduce_sum3A_105, %dma_start3A_124] : memref<1000000x32xf32, #tpu.memory_space<hbm>> -> memref<1x32xf32, #tpu.memory_space<hbm>>
      tpu.enqueue_dma source(%dma_start3A_125 : memref<1x32xf32, #tpu.memory_space<hbm>>) target(%dma_start3A_123 : memref<1x32xf32, #tpu.memory_space<vmem>>) target_semaphore(%arg15 : memref<!tpu.dma_semaphore, #tpu.memory_space<semaphore_mem>>)
      %eq3A_126 = arith.constant 2 : i32
      %eq3A_127 = vector.broadcast %eq3A_126 : i32 to vector<16xi32>
      %eq3A_128 = arith.cmpi eq, %iota3A, %eq3A_127 : vector<16xi32>
      %select_n3A_129 = arith.select %eq3A_128, %get3A_52, %broadcast_in_dim3A_15 : vector<16xi1>, vector<16xi32>
      %reduce_sum3A_130 = arith.constant true
      %reduce_sum3A_131 = vector.broadcast %reduce_sum3A_130 : i1 to vector<16xi1>
      %reduce_sum3A_132 = tpu.scan <sum>, %select_n3A_129 masked %reduce_sum3A_131 : vector<16xi32>, vector<16xi1> -> vector<16xi32>
      %reduce_sum3A_133 = vector.extract %reduce_sum3A_132[15] : i32 from vector<16xi32>
      %eq3A_134 = arith.constant 2 : i32
      %eq3A_135 = vector.broadcast %eq3A_134 : i32 to vector<16xi32>
      %eq3A_136 = arith.cmpi eq, %iota3A, %eq3A_135 : vector<16xi32>
      %select_n3A_137 = arith.select %eq3A_136, %get3A_56, %broadcast_in_dim3A_15 : vector<16xi1>, vector<16xi32>
      %reduce_sum3A_138 = arith.constant true
      %reduce_sum3A_139 = vector.broadcast %reduce_sum3A_138 : i1 to vector<16xi1>
      %reduce_sum3A_140 = tpu.scan <sum>, %select_n3A_137 masked %reduce_sum3A_139 : vector<16xi32>, vector<16xi1> -> vector<16xi32>
      %reduce_sum3A_141 = vector.extract %reduce_sum3A_140[15] : i32 from vector<16xi32>
      %add3A_142 = arith.constant 2 : i32
      %add3A_143 = arith.addi %add3A_49, %add3A_142 : i32
      %dma_start3A_144 = arith.constant 0 : i32
      %dma_start3A_145 = tpu.memref_slice %arg10[%add3A_143, %dma_start3A_144] : memref<256x32xf32, #tpu.memory_space<vmem>> -> memref<1x32xf32, #tpu.memory_space<vmem>>
      %dma_start3A_146 = arith.constant 0 : i32
      %dma_start3A_147 = tpu.memref_slice %arg4[%reduce_sum3A_133, %dma_start3A_146] : memref<1000000x32xf32, #tpu.memory_space<hbm>> -> memref<1x32xf32, #tpu.memory_space<hbm>>
      %dma_start3A_148 = arith.constant 0 : i32
      %dma_start3A_149 = tpu.memref_slice %arg10[%add3A_143, %dma_start3A_148] : memref<256x32xf32, #tpu.memory_space<vmem>> -> memref<1x32xf32, #tpu.memory_space<vmem>>
      %dma_start3A_150 = arith.constant 0 : i32
      %dma_start3A_151 = tpu.memref_slice %arg4[%reduce_sum3A_133, %dma_start3A_150] : memref<1000000x32xf32, #tpu.memory_space<hbm>> -> memref<1x32xf32, #tpu.memory_space<hbm>>
      tpu.enqueue_dma source(%dma_start3A_151 : memref<1x32xf32, #tpu.memory_space<hbm>>) target(%dma_start3A_149 : memref<1x32xf32, #tpu.memory_space<vmem>>) target_semaphore(%arg14 : memref<!tpu.dma_semaphore, #tpu.memory_space<semaphore_mem>>)
      %add3A_152 = arith.constant 2 : i32
      %add3A_153 = arith.addi %add3A_49, %add3A_152 : i32
      %dma_start3A_154 = arith.constant 0 : i32
      %dma_start3A_155 = tpu.memref_slice %arg11[%add3A_153, %dma_start3A_154] : memref<256x32xf32, #tpu.memory_space<vmem>> -> memref<1x32xf32, #tpu.memory_space<vmem>>
      %dma_start3A_156 = arith.constant 0 : i32
      %dma_start3A_157 = tpu.memref_slice %arg5[%reduce_sum3A_141, %dma_start3A_156] : memref<1000000x32xf32, #tpu.memory_space<hbm>> -> memref<1x32xf32, #tpu.memory_space<hbm>>
      %dma_start3A_158 = arith.constant 0 : i32
      %dma_start3A_159 = tpu.memref_slice %arg11[%add3A_153, %dma_start3A_158] : memref<256x32xf32, #tpu.memory_space<vmem>> -> memref<1x32xf32, #tpu.memory_space<vmem>>
      %dma_start3A_160 = arith.constant 0 : i32
      %dma_start3A_161 = tpu.memref_slice %arg5[%reduce_sum3A_141, %dma_start3A_160] : memref<1000000x32xf32, #tpu.memory_space<hbm>> -> memref<1x32xf32, #tpu.memory_space<hbm>>
      tpu.enqueue_dma source(%dma_start3A_161 : memref<1x32xf32, #tpu.memory_space<hbm>>) target(%dma_start3A_159 : memref<1x32xf32, #tpu.memory_space<vmem>>) target_semaphore(%arg15 : memref<!tpu.dma_semaphore, #tpu.memory_space<semaphore_mem>>)
      %eq3A_162 = arith.constant 3 : i32
      %eq3A_163 = vector.broadcast %eq3A_162 : i32 to vector<16xi32>
      %eq3A_164 = arith.cmpi eq, %iota3A, %eq3A_163 : vector<16xi32>
      %select_n3A_165 = arith.select %eq3A_164, %get3A_52, %broadcast_in_dim3A_15 : vector<16xi1>, vector<16xi32>
      %reduce_sum3A_166 = arith.constant true
      %reduce_sum3A_167 = vector.broadcast %reduce_sum3A_166 : i1 to vector<16xi1>
      %reduce_sum3A_168 = tpu.scan <sum>, %select_n3A_165 masked %reduce_sum3A_167 : vector<16xi32>, vector<16xi1> -> vector<16xi32>
      %reduce_sum3A_169 = vector.extract %reduce_sum3A_168[15] : i32 from vector<16xi32>
      %eq3A_170 = arith.constant 3 : i32
      %eq3A_171 = vector.broadcast %eq3A_170 : i32 to vector<16xi32>
      %eq3A_172 = arith.cmpi eq, %iota3A, %eq3A_171 : vector<16xi32>
      %select_n3A_173 = arith.select %eq3A_172, %get3A_56, %broadcast_in_dim3A_15 : vector<16xi1>, vector<16xi32>
      %reduce_sum3A_174 = arith.constant true
      %reduce_sum3A_175 = vector.broadcast %reduce_sum3A_174 : i1 to vector<16xi1>
      %reduce_sum3A_176 = tpu.scan <sum>, %select_n3A_173 masked %reduce_sum3A_175 : vector<16xi32>, vector<16xi1> -> vector<16xi32>
      %reduce_sum3A_177 = vector.extract %reduce_sum3A_176[15] : i32 from vector<16xi32>
      %add3A_178 = arith.constant 3 : i32
      %add3A_179 = arith.addi %add3A_49, %add3A_178 : i32
      %dma_start3A_180 = arith.constant 0 : i32
      %dma_start3A_181 = tpu.memref_slice %arg10[%add3A_179, %dma_start3A_180] : memref<256x32xf32, #tpu.memory_space<vmem>> -> memref<1x32xf32, #tpu.memory_space<vmem>>
      %dma_start3A_182 = arith.constant 0 : i32
      %dma_start3A_183 = tpu.memref_slice %arg4[%reduce_sum3A_169, %dma_start3A_182] : memref<1000000x32xf32, #tpu.memory_space<hbm>> -> memref<1x32xf32, #tpu.memory_space<hbm>>
      %dma_start3A_184 = arith.constant 0 : i32
      %dma_start3A_185 = tpu.memref_slice %arg10[%add3A_179, %dma_start3A_184] : memref<256x32xf32, #tpu.memory_space<vmem>> -> memref<1x32xf32, #tpu.memory_space<vmem>>
      %dma_start3A_186 = arith.constant 0 : i32
      %dma_start3A_187 = tpu.memref_slice %arg4[%reduce_sum3A_169, %dma_start3A_186] : memref<1000000x32xf32, #tpu.memory_space<hbm>> -> memref<1x32xf32, #tpu.memory_space<hbm>>
      tpu.enqueue_dma source(%dma_start3A_187 : memref<1x32xf32, #tpu.memory_space<hbm>>) target(%dma_start3A_185 : memref<1x32xf32, #tpu.memory_space<vmem>>) target_semaphore(%arg14 : memref<!tpu.dma_semaphore, #tpu.memory_space<semaphore_mem>>)
      %add3A_188 = arith.constant 3 : i32
      %add3A_189 = arith.addi %add3A_49, %add3A_188 : i32
      %dma_start3A_190 = arith.constant 0 : i32
      %dma_start3A_191 = tpu.memref_slice %arg11[%add3A_189, %dma_start3A_190] : memref<256x32xf32, #tpu.memory_space<vmem>> -> memref<1x32xf32, #tpu.memory_space<vmem>>
      %dma_start3A_192 = arith.constant 0 : i32
      %dma_start3A_193 = tpu.memref_slice %arg5[%reduce_sum3A_177, %dma_start3A_192] : memref<1000000x32xf32, #tpu.memory_space<hbm>> -> memref<1x32xf32, #tpu.memory_space<hbm>>
      %dma_start3A_194 = arith.constant 0 : i32
      %dma_start3A_195 = tpu.memref_slice %arg11[%add3A_189, %dma_start3A_194] : memref<256x32xf32, #tpu.memory_space<vmem>> -> memref<1x32xf32, #tpu.memory_space<vmem>>
      %dma_start3A_196 = arith.constant 0 : i32
      %dma_start3A_197 = tpu.memref_slice %arg5[%reduce_sum3A_177, %dma_start3A_196] : memref<1000000x32xf32, #tpu.memory_space<hbm>> -> memref<1x32xf32, #tpu.memory_space<hbm>>
      tpu.enqueue_dma source(%dma_start3A_197 : memref<1x32xf32, #tpu.memory_space<hbm>>) target(%dma_start3A_195 : memref<1x32xf32, #tpu.memory_space<vmem>>) target_semaphore(%arg15 : memref<!tpu.dma_semaphore, #tpu.memory_space<semaphore_mem>>)
      %eq3A_198 = arith.constant 4 : i32
      %eq3A_199 = vector.broadcast %eq3A_198 : i32 to vector<16xi32>
      %eq3A_200 = arith.cmpi eq, %iota3A, %eq3A_199 : vector<16xi32>
      %select_n3A_201 = arith.select %eq3A_200, %get3A_52, %broadcast_in_dim3A_15 : vector<16xi1>, vector<16xi32>
      %reduce_sum3A_202 = arith.constant true
      %reduce_sum3A_203 = vector.broadcast %reduce_sum3A_202 : i1 to vector<16xi1>
      %reduce_sum3A_204 = tpu.scan <sum>, %select_n3A_201 masked %reduce_sum3A_203 : vector<16xi32>, vector<16xi1> -> vector<16xi32>
      %reduce_sum3A_205 = vector.extract %reduce_sum3A_204[15] : i32 from vector<16xi32>
      %eq3A_206 = arith.constant 4 : i32
      %eq3A_207 = vector.broadcast %eq3A_206 : i32 to vector<16xi32>
      %eq3A_208 = arith.cmpi eq, %iota3A, %eq3A_207 : vector<16xi32>
      %select_n3A_209 = arith.select %eq3A_208, %get3A_56, %broadcast_in_dim3A_15 : vector<16xi1>, vector<16xi32>
      %reduce_sum3A_210 = arith.constant true
      %reduce_sum3A_211 = vector.broadcast %reduce_sum3A_210 : i1 to vector<16xi1>
      %reduce_sum3A_212 = tpu.scan <sum>, %select_n3A_209 masked %reduce_sum3A_211 : vector<16xi32>, vector<16xi1> -> vector<16xi32>
      %reduce_sum3A_213 = vector.extract %reduce_sum3A_212[15] : i32 from vector<16xi32>
      %add3A_214 = arith.constant 4 : i32
      %add3A_215 = arith.addi %add3A_49, %add3A_214 : i32
      %dma_start3A_216 = arith.constant 0 : i32
      %dma_start3A_217 = tpu.memref_slice %arg10[%add3A_215, %dma_start3A_216] : memref<256x32xf32, #tpu.memory_space<vmem>> -> memref<1x32xf32, #tpu.memory_space<vmem>>
      %dma_start3A_218 = arith.constant 0 : i32
      %dma_start3A_219 = tpu.memref_slice %arg4[%reduce_sum3A_205, %dma_start3A_218] : memref<1000000x32xf32, #tpu.memory_space<hbm>> -> memref<1x32xf32, #tpu.memory_space<hbm>>
      %dma_start3A_220 = arith.constant 0 : i32
      %dma_start3A_221 = tpu.memref_slice %arg10[%add3A_215, %dma_start3A_220] : memref<256x32xf32, #tpu.memory_space<vmem>> -> memref<1x32xf32, #tpu.memory_space<vmem>>
      %dma_start3A_222 = arith.constant 0 : i32
      %dma_start3A_223 = tpu.memref_slice %arg4[%reduce_sum3A_205, %dma_start3A_222] : memref<1000000x32xf32, #tpu.memory_space<hbm>> -> memref<1x32xf32, #tpu.memory_space<hbm>>
      tpu.enqueue_dma source(%dma_start3A_223 : memref<1x32xf32, #tpu.memory_space<hbm>>) target(%dma_start3A_221 : memref<1x32xf32, #tpu.memory_space<vmem>>) target_semaphore(%arg14 : memref<!tpu.dma_semaphore, #tpu.memory_space<semaphore_mem>>)
      %add3A_224 = arith.constant 4 : i32
      %add3A_225 = arith.addi %add3A_49, %add3A_224 : i32
      %dma_start3A_226 = arith.constant 0 : i32
      %dma_start3A_227 = tpu.memref_slice %arg11[%add3A_225, %dma_start3A_226] : memref<256x32xf32, #tpu.memory_space<vmem>> -> memref<1x32xf32, #tpu.memory_space<vmem>>
      %dma_start3A_228 = arith.constant 0 : i32
      %dma_start3A_229 = tpu.memref_slice %arg5[%reduce_sum3A_213, %dma_start3A_228] : memref<1000000x32xf32, #tpu.memory_space<hbm>> -> memref<1x32xf32, #tpu.memory_space<hbm>>
      %dma_start3A_230 = arith.constant 0 : i32
      %dma_start3A_231 = tpu.memref_slice %arg11[%add3A_225, %dma_start3A_230] : memref<256x32xf32, #tpu.memory_space<vmem>> -> memref<1x32xf32, #tpu.memory_space<vmem>>
      %dma_start3A_232 = arith.constant 0 : i32
      %dma_start3A_233 = tpu.memref_slice %arg5[%reduce_sum3A_213, %dma_start3A_232] : memref<1000000x32xf32, #tpu.memory_space<hbm>> -> memref<1x32xf32, #tpu.memory_space<hbm>>
      tpu.enqueue_dma source(%dma_start3A_233 : memref<1x32xf32, #tpu.memory_space<hbm>>) target(%dma_start3A_231 : memref<1x32xf32, #tpu.memory_space<vmem>>) target_semaphore(%arg15 : memref<!tpu.dma_semaphore, #tpu.memory_space<semaphore_mem>>)
      %eq3A_234 = arith.constant 5 : i32
      %eq3A_235 = vector.broadcast %eq3A_234 : i32 to vector<16xi32>
      %eq3A_236 = arith.cmpi eq, %iota3A, %eq3A_235 : vector<16xi32>
      %select_n3A_237 = arith.select %eq3A_236, %get3A_52, %broadcast_in_dim3A_15 : vector<16xi1>, vector<16xi32>
      %reduce_sum3A_238 = arith.constant true
      %reduce_sum3A_239 = vector.broadcast %reduce_sum3A_238 : i1 to vector<16xi1>
      %reduce_sum3A_240 = tpu.scan <sum>, %select_n3A_237 masked %reduce_sum3A_239 : vector<16xi32>, vector<16xi1> -> vector<16xi32>
      %reduce_sum3A_241 = vector.extract %reduce_sum3A_240[15] : i32 from vector<16xi32>
      %eq3A_242 = arith.constant 5 : i32
      %eq3A_243 = vector.broadcast %eq3A_242 : i32 to vector<16xi32>
      %eq3A_244 = arith.cmpi eq, %iota3A, %eq3A_243 : vector<16xi32>
      %select_n3A_245 = arith.select %eq3A_244, %get3A_56, %broadcast_in_dim3A_15 : vector<16xi1>, vector<16xi32>
      %reduce_sum3A_246 = arith.constant true
      %reduce_sum3A_247 = vector.broadcast %reduce_sum3A_246 : i1 to vector<16xi1>
      %reduce_sum3A_248 = tpu.scan <sum>, %select_n3A_245 masked %reduce_sum3A_247 : vector<16xi32>, vector<16xi1> -> vector<16xi32>
      %reduce_sum3A_249 = vector.extract %reduce_sum3A_248[15] : i32 from vector<16xi32>
      %add3A_250 = arith.constant 5 : i32
      %add3A_251 = arith.addi %add3A_49, %add3A_250 : i32
      %dma_start3A_252 = arith.constant 0 : i32
      %dma_start3A_253 = tpu.memref_slice %arg10[%add3A_251, %dma_start3A_252] : memref<256x32xf32, #tpu.memory_space<vmem>> -> memref<1x32xf32, #tpu.memory_space<vmem>>
      %dma_start3A_254 = arith.constant 0 : i32
      %dma_start3A_255 = tpu.memref_slice %arg4[%reduce_sum3A_241, %dma_start3A_254] : memref<1000000x32xf32, #tpu.memory_space<hbm>> -> memref<1x32xf32, #tpu.memory_space<hbm>>
      %dma_start3A_256 = arith.constant 0 : i32
      %dma_start3A_257 = tpu.memref_slice %arg10[%add3A_251, %dma_start3A_256] : memref<256x32xf32, #tpu.memory_space<vmem>> -> memref<1x32xf32, #tpu.memory_space<vmem>>
      %dma_start3A_258 = arith.constant 0 : i32
      %dma_start3A_259 = tpu.memref_slice %arg4[%reduce_sum3A_241, %dma_start3A_258] : memref<1000000x32xf32, #tpu.memory_space<hbm>> -> memref<1x32xf32, #tpu.memory_space<hbm>>
      tpu.enqueue_dma source(%dma_start3A_259 : memref<1x32xf32, #tpu.memory_space<hbm>>) target(%dma_start3A_257 : memref<1x32xf32, #tpu.memory_space<vmem>>) target_semaphore(%arg14 : memref<!tpu.dma_semaphore, #tpu.memory_space<semaphore_mem>>)
      %add3A_260 = arith.constant 5 : i32
      %add3A_261 = arith.addi %add3A_49, %add3A_260 : i32
      %dma_start3A_262 = arith.constant 0 : i32
      %dma_start3A_263 = tpu.memref_slice %arg11[%add3A_261, %dma_start3A_262] : memref<256x32xf32, #tpu.memory_space<vmem>> -> memref<1x32xf32, #tpu.memory_space<vmem>>
      %dma_start3A_264 = arith.constant 0 : i32
      %dma_start3A_265 = tpu.memref_slice %arg5[%reduce_sum3A_249, %dma_start3A_264] : memref<1000000x32xf32, #tpu.memory_space<hbm>> -> memref<1x32xf32, #tpu.memory_space<hbm>>
      %dma_start3A_266 = arith.constant 0 : i32
      %dma_start3A_267 = tpu.memref_slice %arg11[%add3A_261, %dma_start3A_266] : memref<256x32xf32, #tpu.memory_space<vmem>> -> memref<1x32xf32, #tpu.memory_space<vmem>>
      %dma_start3A_268 = arith.constant 0 : i32
      %dma_start3A_269 = tpu.memref_slice %arg5[%reduce_sum3A_249, %dma_start3A_268] : memref<1000000x32xf32, #tpu.memory_space<hbm>> -> memref<1x32xf32, #tpu.memory_space<hbm>>
      tpu.enqueue_dma source(%dma_start3A_269 : memref<1x32xf32, #tpu.memory_space<hbm>>) target(%dma_start3A_267 : memref<1x32xf32, #tpu.memory_space<vmem>>) target_semaphore(%arg15 : memref<!tpu.dma_semaphore, #tpu.memory_space<semaphore_mem>>)
      %eq3A_270 = arith.constant 6 : i32
      %eq3A_271 = vector.broadcast %eq3A_270 : i32 to vector<16xi32>
      %eq3A_272 = arith.cmpi eq, %iota3A, %eq3A_271 : vector<16xi32>
      %select_n3A_273 = arith.select %eq3A_272, %get3A_52, %broadcast_in_dim3A_15 : vector<16xi1>, vector<16xi32>
      %reduce_sum3A_274 = arith.constant true
      %reduce_sum3A_275 = vector.broadcast %reduce_sum3A_274 : i1 to vector<16xi1>
      %reduce_sum3A_276 = tpu.scan <sum>, %select_n3A_273 masked %reduce_sum3A_275 : vector<16xi32>, vector<16xi1> -> vector<16xi32>
      %reduce_sum3A_277 = vector.extract %reduce_sum3A_276[15] : i32 from vector<16xi32>
      %eq3A_278 = arith.constant 6 : i32
      %eq3A_279 = vector.broadcast %eq3A_278 : i32 to vector<16xi32>
      %eq3A_280 = arith.cmpi eq, %iota3A, %eq3A_279 : vector<16xi32>
      %select_n3A_281 = arith.select %eq3A_280, %get3A_56, %broadcast_in_dim3A_15 : vector<16xi1>, vector<16xi32>
      %reduce_sum3A_282 = arith.constant true
      %reduce_sum3A_283 = vector.broadcast %reduce_sum3A_282 : i1 to vector<16xi1>
      %reduce_sum3A_284 = tpu.scan <sum>, %select_n3A_281 masked %reduce_sum3A_283 : vector<16xi32>, vector<16xi1> -> vector<16xi32>
      %reduce_sum3A_285 = vector.extract %reduce_sum3A_284[15] : i32 from vector<16xi32>
      %add3A_286 = arith.constant 6 : i32
      %add3A_287 = arith.addi %add3A_49, %add3A_286 : i32
      %dma_start3A_288 = arith.constant 0 : i32
      %dma_start3A_289 = tpu.memref_slice %arg10[%add3A_287, %dma_start3A_288] : memref<256x32xf32, #tpu.memory_space<vmem>> -> memref<1x32xf32, #tpu.memory_space<vmem>>
      %dma_start3A_290 = arith.constant 0 : i32
      %dma_start3A_291 = tpu.memref_slice %arg4[%reduce_sum3A_277, %dma_start3A_290] : memref<1000000x32xf32, #tpu.memory_space<hbm>> -> memref<1x32xf32, #tpu.memory_space<hbm>>
      %dma_start3A_292 = arith.constant 0 : i32
      %dma_start3A_293 = tpu.memref_slice %arg10[%add3A_287, %dma_start3A_292] : memref<256x32xf32, #tpu.memory_space<vmem>> -> memref<1x32xf32, #tpu.memory_space<vmem>>
      %dma_start3A_294 = arith.constant 0 : i32
      %dma_start3A_295 = tpu.memref_slice %arg4[%reduce_sum3A_277, %dma_start3A_294] : memref<1000000x32xf32, #tpu.memory_space<hbm>> -> memref<1x32xf32, #tpu.memory_space<hbm>>
      tpu.enqueue_dma source(%dma_start3A_295 : memref<1x32xf32, #tpu.memory_space<hbm>>) target(%dma_start3A_293 : memref<1x32xf32, #tpu.memory_space<vmem>>) target_semaphore(%arg14 : memref<!tpu.dma_semaphore, #tpu.memory_space<semaphore_mem>>)
      %add3A_296 = arith.constant 6 : i32
      %add3A_297 = arith.addi %add3A_49, %add3A_296 : i32
      %dma_start3A_298 = arith.constant 0 : i32
      %dma_start3A_299 = tpu.memref_slice %arg11[%add3A_297, %dma_start3A_298] : memref<256x32xf32, #tpu.memory_space<vmem>> -> memref<1x32xf32, #tpu.memory_space<vmem>>
      %dma_start3A_300 = arith.constant 0 : i32
      %dma_start3A_301 = tpu.memref_slice %arg5[%reduce_sum3A_285, %dma_start3A_300] : memref<1000000x32xf32, #tpu.memory_space<hbm>> -> memref<1x32xf32, #tpu.memory_space<hbm>>
      %dma_start3A_302 = arith.constant 0 : i32
      %dma_start3A_303 = tpu.memref_slice %arg11[%add3A_297, %dma_start3A_302] : memref<256x32xf32, #tpu.memory_space<vmem>> -> memref<1x32xf32, #tpu.memory_space<vmem>>
      %dma_start3A_304 = arith.constant 0 : i32
      %dma_start3A_305 = tpu.memref_slice %arg5[%reduce_sum3A_285, %dma_start3A_304] : memref<1000000x32xf32, #tpu.memory_space<hbm>> -> memref<1x32xf32, #tpu.memory_space<hbm>>
      tpu.enqueue_dma source(%dma_start3A_305 : memref<1x32xf32, #tpu.memory_space<hbm>>) target(%dma_start3A_303 : memref<1x32xf32, #tpu.memory_space<vmem>>) target_semaphore(%arg15 : memref<!tpu.dma_semaphore, #tpu.memory_space<semaphore_mem>>)
      %eq3A_306 = arith.constant 7 : i32
      %eq3A_307 = vector.broadcast %eq3A_306 : i32 to vector<16xi32>
      %eq3A_308 = arith.cmpi eq, %iota3A, %eq3A_307 : vector<16xi32>
      %select_n3A_309 = arith.select %eq3A_308, %get3A_52, %broadcast_in_dim3A_15 : vector<16xi1>, vector<16xi32>
      %reduce_sum3A_310 = arith.constant true
      %reduce_sum3A_311 = vector.broadcast %reduce_sum3A_310 : i1 to vector<16xi1>
      %reduce_sum3A_312 = tpu.scan <sum>, %select_n3A_309 masked %reduce_sum3A_311 : vector<16xi32>, vector<16xi1> -> vector<16xi32>
      %reduce_sum3A_313 = vector.extract %reduce_sum3A_312[15] : i32 from vector<16xi32>
      %eq3A_314 = arith.constant 7 : i32
      %eq3A_315 = vector.broadcast %eq3A_314 : i32 to vector<16xi32>
      %eq3A_316 = arith.cmpi eq, %iota3A, %eq3A_315 : vector<16xi32>
      %select_n3A_317 = arith.select %eq3A_316, %get3A_56, %broadcast_in_dim3A_15 : vector<16xi1>, vector<16xi32>
      %reduce_sum3A_318 = arith.constant true
      %reduce_sum3A_319 = vector.broadcast %reduce_sum3A_318 : i1 to vector<16xi1>
      %reduce_sum3A_320 = tpu.scan <sum>, %select_n3A_317 masked %reduce_sum3A_319 : vector<16xi32>, vector<16xi1> -> vector<16xi32>
      %reduce_sum3A_321 = vector.extract %reduce_sum3A_320[15] : i32 from vector<16xi32>
      %add3A_322 = arith.constant 7 : i32
      %add3A_323 = arith.addi %add3A_49, %add3A_322 : i32
      %dma_start3A_324 = arith.constant 0 : i32
      %dma_start3A_325 = tpu.memref_slice %arg10[%add3A_323, %dma_start3A_324] : memref<256x32xf32, #tpu.memory_space<vmem>> -> memref<1x32xf32, #tpu.memory_space<vmem>>
      %dma_start3A_326 = arith.constant 0 : i32
      %dma_start3A_327 = tpu.memref_slice %arg4[%reduce_sum3A_313, %dma_start3A_326] : memref<1000000x32xf32, #tpu.memory_space<hbm>> -> memref<1x32xf32, #tpu.memory_space<hbm>>
      %dma_start3A_328 = arith.constant 0 : i32
      %dma_start3A_329 = tpu.memref_slice %arg10[%add3A_323, %dma_start3A_328] : memref<256x32xf32, #tpu.memory_space<vmem>> -> memref<1x32xf32, #tpu.memory_space<vmem>>
      %dma_start3A_330 = arith.constant 0 : i32
      %dma_start3A_331 = tpu.memref_slice %arg4[%reduce_sum3A_313, %dma_start3A_330] : memref<1000000x32xf32, #tpu.memory_space<hbm>> -> memref<1x32xf32, #tpu.memory_space<hbm>>
      tpu.enqueue_dma source(%dma_start3A_331 : memref<1x32xf32, #tpu.memory_space<hbm>>) target(%dma_start3A_329 : memref<1x32xf32, #tpu.memory_space<vmem>>) target_semaphore(%arg14 : memref<!tpu.dma_semaphore, #tpu.memory_space<semaphore_mem>>)
      %add3A_332 = arith.constant 7 : i32
      %add3A_333 = arith.addi %add3A_49, %add3A_332 : i32
      %dma_start3A_334 = arith.constant 0 : i32
      %dma_start3A_335 = tpu.memref_slice %arg11[%add3A_333, %dma_start3A_334] : memref<256x32xf32, #tpu.memory_space<vmem>> -> memref<1x32xf32, #tpu.memory_space<vmem>>
      %dma_start3A_336 = arith.constant 0 : i32
      %dma_start3A_337 = tpu.memref_slice %arg5[%reduce_sum3A_321, %dma_start3A_336] : memref<1000000x32xf32, #tpu.memory_space<hbm>> -> memref<1x32xf32, #tpu.memory_space<hbm>>
      %dma_start3A_338 = arith.constant 0 : i32
      %dma_start3A_339 = tpu.memref_slice %arg11[%add3A_333, %dma_start3A_338] : memref<256x32xf32, #tpu.memory_space<vmem>> -> memref<1x32xf32, #tpu.memory_space<vmem>>
      %dma_start3A_340 = arith.constant 0 : i32
      %dma_start3A_341 = tpu.memref_slice %arg5[%reduce_sum3A_321, %dma_start3A_340] : memref<1000000x32xf32, #tpu.memory_space<hbm>> -> memref<1x32xf32, #tpu.memory_space<hbm>>
      tpu.enqueue_dma source(%dma_start3A_341 : memref<1x32xf32, #tpu.memory_space<hbm>>) target(%dma_start3A_339 : memref<1x32xf32, #tpu.memory_space<vmem>>) target_semaphore(%arg15 : memref<!tpu.dma_semaphore, #tpu.memory_space<semaphore_mem>>)
      %eq3A_342 = arith.constant 8 : i32
      %eq3A_343 = vector.broadcast %eq3A_342 : i32 to vector<16xi32>
      %eq3A_344 = arith.cmpi eq, %iota3A, %eq3A_343 : vector<16xi32>
      %select_n3A_345 = arith.select %eq3A_344, %get3A_52, %broadcast_in_dim3A_15 : vector<16xi1>, vector<16xi32>
      %reduce_sum3A_346 = arith.constant true
      %reduce_sum3A_347 = vector.broadcast %reduce_sum3A_346 : i1 to vector<16xi1>
      %reduce_sum3A_348 = tpu.scan <sum>, %select_n3A_345 masked %reduce_sum3A_347 : vector<16xi32>, vector<16xi1> -> vector<16xi32>
      %reduce_sum3A_349 = vector.extract %reduce_sum3A_348[15] : i32 from vector<16xi32>
      %eq3A_350 = arith.constant 8 : i32
      %eq3A_351 = vector.broadcast %eq3A_350 : i32 to vector<16xi32>
      %eq3A_352 = arith.cmpi eq, %iota3A, %eq3A_351 : vector<16xi32>
      %select_n3A_353 = arith.select %eq3A_352, %get3A_56, %broadcast_in_dim3A_15 : vector<16xi1>, vector<16xi32>
      %reduce_sum3A_354 = arith.constant true
      %reduce_sum3A_355 = vector.broadcast %reduce_sum3A_354 : i1 to vector<16xi1>
      %reduce_sum3A_356 = tpu.scan <sum>, %select_n3A_353 masked %reduce_sum3A_355 : vector<16xi32>, vector<16xi1> -> vector<16xi32>
      %reduce_sum3A_357 = vector.extract %reduce_sum3A_356[15] : i32 from vector<16xi32>
      %add3A_358 = arith.constant 8 : i32
      %add3A_359 = arith.addi %add3A_49, %add3A_358 : i32
      %dma_start3A_360 = arith.constant 0 : i32
      %dma_start3A_361 = tpu.memref_slice %arg10[%add3A_359, %dma_start3A_360] : memref<256x32xf32, #tpu.memory_space<vmem>> -> memref<1x32xf32, #tpu.memory_space<vmem>>
      %dma_start3A_362 = arith.constant 0 : i32
      %dma_start3A_363 = tpu.memref_slice %arg4[%reduce_sum3A_349, %dma_start3A_362] : memref<1000000x32xf32, #tpu.memory_space<hbm>> -> memref<1x32xf32, #tpu.memory_space<hbm>>
      %dma_start3A_364 = arith.constant 0 : i32
      %dma_start3A_365 = tpu.memref_slice %arg10[%add3A_359, %dma_start3A_364] : memref<256x32xf32, #tpu.memory_space<vmem>> -> memref<1x32xf32, #tpu.memory_space<vmem>>
      %dma_start3A_366 = arith.constant 0 : i32
      %dma_start3A_367 = tpu.memref_slice %arg4[%reduce_sum3A_349, %dma_start3A_366] : memref<1000000x32xf32, #tpu.memory_space<hbm>> -> memref<1x32xf32, #tpu.memory_space<hbm>>
      tpu.enqueue_dma source(%dma_start3A_367 : memref<1x32xf32, #tpu.memory_space<hbm>>) target(%dma_start3A_365 : memref<1x32xf32, #tpu.memory_space<vmem>>) target_semaphore(%arg14 : memref<!tpu.dma_semaphore, #tpu.memory_space<semaphore_mem>>)
      %add3A_368 = arith.constant 8 : i32
      %add3A_369 = arith.addi %add3A_49, %add3A_368 : i32
      %dma_start3A_370 = arith.constant 0 : i32
      %dma_start3A_371 = tpu.memref_slice %arg11[%add3A_369, %dma_start3A_370] : memref<256x32xf32, #tpu.memory_space<vmem>> -> memref<1x32xf32, #tpu.memory_space<vmem>>
      %dma_start3A_372 = arith.constant 0 : i32
      %dma_start3A_373 = tpu.memref_slice %arg5[%reduce_sum3A_357, %dma_start3A_372] : memref<1000000x32xf32, #tpu.memory_space<hbm>> -> memref<1x32xf32, #tpu.memory_space<hbm>>
      %dma_start3A_374 = arith.constant 0 : i32
      %dma_start3A_375 = tpu.memref_slice %arg11[%add3A_369, %dma_start3A_374] : memref<256x32xf32, #tpu.memory_space<vmem>> -> memref<1x32xf32, #tpu.memory_space<vmem>>
      %dma_start3A_376 = arith.constant 0 : i32
      %dma_start3A_377 = tpu.memref_slice %arg5[%reduce_sum3A_357, %dma_start3A_376] : memref<1000000x32xf32, #tpu.memory_space<hbm>> -> memref<1x32xf32, #tpu.memory_space<hbm>>
      tpu.enqueue_dma source(%dma_start3A_377 : memref<1x32xf32, #tpu.memory_space<hbm>>) target(%dma_start3A_375 : memref<1x32xf32, #tpu.memory_space<vmem>>) target_semaphore(%arg15 : memref<!tpu.dma_semaphore, #tpu.memory_space<semaphore_mem>>)
      %eq3A_378 = arith.constant 9 : i32
      %eq3A_379 = vector.broadcast %eq3A_378 : i32 to vector<16xi32>
      %eq3A_380 = arith.cmpi eq, %iota3A, %eq3A_379 : vector<16xi32>
      %select_n3A_381 = arith.select %eq3A_380, %get3A_52, %broadcast_in_dim3A_15 : vector<16xi1>, vector<16xi32>
      %reduce_sum3A_382 = arith.constant true
      %reduce_sum3A_383 = vector.broadcast %reduce_sum3A_382 : i1 to vector<16xi1>
      %reduce_sum3A_384 = tpu.scan <sum>, %select_n3A_381 masked %reduce_sum3A_383 : vector<16xi32>, vector<16xi1> -> vector<16xi32>
      %reduce_sum3A_385 = vector.extract %reduce_sum3A_384[15] : i32 from vector<16xi32>
      %eq3A_386 = arith.constant 9 : i32
      %eq3A_387 = vector.broadcast %eq3A_386 : i32 to vector<16xi32>
      %eq3A_388 = arith.cmpi eq, %iota3A, %eq3A_387 : vector<16xi32>
      %select_n3A_389 = arith.select %eq3A_388, %get3A_56, %broadcast_in_dim3A_15 : vector<16xi1>, vector<16xi32>
      %reduce_sum3A_390 = arith.constant true
      %reduce_sum3A_391 = vector.broadcast %reduce_sum3A_390 : i1 to vector<16xi1>
      %reduce_sum3A_392 = tpu.scan <sum>, %select_n3A_389 masked %reduce_sum3A_391 : vector<16xi32>, vector<16xi1> -> vector<16xi32>
      %reduce_sum3A_393 = vector.extract %reduce_sum3A_392[15] : i32 from vector<16xi32>
      %add3A_394 = arith.constant 9 : i32
      %add3A_395 = arith.addi %add3A_49, %add3A_394 : i32
      %dma_start3A_396 = arith.constant 0 : i32
      %dma_start3A_397 = tpu.memref_slice %arg10[%add3A_395, %dma_start3A_396] : memref<256x32xf32, #tpu.memory_space<vmem>> -> memref<1x32xf32, #tpu.memory_space<vmem>>
      %dma_start3A_398 = arith.constant 0 : i32
      %dma_start3A_399 = tpu.memref_slice %arg4[%reduce_sum3A_385, %dma_start3A_398] : memref<1000000x32xf32, #tpu.memory_space<hbm>> -> memref<1x32xf32, #tpu.memory_space<hbm>>
      %dma_start3A_400 = arith.constant 0 : i32
      %dma_start3A_401 = tpu.memref_slice %arg10[%add3A_395, %dma_start3A_400] : memref<256x32xf32, #tpu.memory_space<vmem>> -> memref<1x32xf32, #tpu.memory_space<vmem>>
      %dma_start3A_402 = arith.constant 0 : i32
      %dma_start3A_403 = tpu.memref_slice %arg4[%reduce_sum3A_385, %dma_start3A_402] : memref<1000000x32xf32, #tpu.memory_space<hbm>> -> memref<1x32xf32, #tpu.memory_space<hbm>>
      tpu.enqueue_dma source(%dma_start3A_403 : memref<1x32xf32, #tpu.memory_space<hbm>>) target(%dma_start3A_401 : memref<1x32xf32, #tpu.memory_space<vmem>>) target_semaphore(%arg14 : memref<!tpu.dma_semaphore, #tpu.memory_space<semaphore_mem>>)
      %add3A_404 = arith.constant 9 : i32
      %add3A_405 = arith.addi %add3A_49, %add3A_404 : i32
      %dma_start3A_406 = arith.constant 0 : i32
      %dma_start3A_407 = tpu.memref_slice %arg11[%add3A_405, %dma_start3A_406] : memref<256x32xf32, #tpu.memory_space<vmem>> -> memref<1x32xf32, #tpu.memory_space<vmem>>
      %dma_start3A_408 = arith.constant 0 : i32
      %dma_start3A_409 = tpu.memref_slice %arg5[%reduce_sum3A_393, %dma_start3A_408] : memref<1000000x32xf32, #tpu.memory_space<hbm>> -> memref<1x32xf32, #tpu.memory_space<hbm>>
      %dma_start3A_410 = arith.constant 0 : i32
      %dma_start3A_411 = tpu.memref_slice %arg11[%add3A_405, %dma_start3A_410] : memref<256x32xf32, #tpu.memory_space<vmem>> -> memref<1x32xf32, #tpu.memory_space<vmem>>
      %dma_start3A_412 = arith.constant 0 : i32
      %dma_start3A_413 = tpu.memref_slice %arg5[%reduce_sum3A_393, %dma_start3A_412] : memref<1000000x32xf32, #tpu.memory_space<hbm>> -> memref<1x32xf32, #tpu.memory_space<hbm>>
      tpu.enqueue_dma source(%dma_start3A_413 : memref<1x32xf32, #tpu.memory_space<hbm>>) target(%dma_start3A_411 : memref<1x32xf32, #tpu.memory_space<vmem>>) target_semaphore(%arg15 : memref<!tpu.dma_semaphore, #tpu.memory_space<semaphore_mem>>)
      %eq3A_414 = arith.constant 10 : i32
      %eq3A_415 = vector.broadcast %eq3A_414 : i32 to vector<16xi32>
      %eq3A_416 = arith.cmpi eq, %iota3A, %eq3A_415 : vector<16xi32>
      %select_n3A_417 = arith.select %eq3A_416, %get3A_52, %broadcast_in_dim3A_15 : vector<16xi1>, vector<16xi32>
      %reduce_sum3A_418 = arith.constant true
      %reduce_sum3A_419 = vector.broadcast %reduce_sum3A_418 : i1 to vector<16xi1>
      %reduce_sum3A_420 = tpu.scan <sum>, %select_n3A_417 masked %reduce_sum3A_419 : vector<16xi32>, vector<16xi1> -> vector<16xi32>
      %reduce_sum3A_421 = vector.extract %reduce_sum3A_420[15] : i32 from vector<16xi32>
      %eq3A_422 = arith.constant 10 : i32
      %eq3A_423 = vector.broadcast %eq3A_422 : i32 to vector<16xi32>
      %eq3A_424 = arith.cmpi eq, %iota3A, %eq3A_423 : vector<16xi32>
      %select_n3A_425 = arith.select %eq3A_424, %get3A_56, %broadcast_in_dim3A_15 : vector<16xi1>, vector<16xi32>
      %reduce_sum3A_426 = arith.constant true
      %reduce_sum3A_427 = vector.broadcast %reduce_sum3A_426 : i1 to vector<16xi1>
      %reduce_sum3A_428 = tpu.scan <sum>, %select_n3A_425 masked %reduce_sum3A_427 : vector<16xi32>, vector<16xi1> -> vector<16xi32>
      %reduce_sum3A_429 = vector.extract %reduce_sum3A_428[15] : i32 from vector<16xi32>
      %add3A_430 = arith.constant 10 : i32
      %add3A_431 = arith.addi %add3A_49, %add3A_430 : i32
      %dma_start3A_432 = arith.constant 0 : i32
      %dma_start3A_433 = tpu.memref_slice %arg10[%add3A_431, %dma_start3A_432] : memref<256x32xf32, #tpu.memory_space<vmem>> -> memref<1x32xf32, #tpu.memory_space<vmem>>
      %dma_start3A_434 = arith.constant 0 : i32
      %dma_start3A_435 = tpu.memref_slice %arg4[%reduce_sum3A_421, %dma_start3A_434] : memref<1000000x32xf32, #tpu.memory_space<hbm>> -> memref<1x32xf32, #tpu.memory_space<hbm>>
      %dma_start3A_436 = arith.constant 0 : i32
      %dma_start3A_437 = tpu.memref_slice %arg10[%add3A_431, %dma_start3A_436] : memref<256x32xf32, #tpu.memory_space<vmem>> -> memref<1x32xf32, #tpu.memory_space<vmem>>
      %dma_start3A_438 = arith.constant 0 : i32
      %dma_start3A_439 = tpu.memref_slice %arg4[%reduce_sum3A_421, %dma_start3A_438] : memref<1000000x32xf32, #tpu.memory_space<hbm>> -> memref<1x32xf32, #tpu.memory_space<hbm>>
      tpu.enqueue_dma source(%dma_start3A_439 : memref<1x32xf32, #tpu.memory_space<hbm>>) target(%dma_start3A_437 : memref<1x32xf32, #tpu.memory_space<vmem>>) target_semaphore(%arg14 : memref<!tpu.dma_semaphore, #tpu.memory_space<semaphore_mem>>)
      %add3A_440 = arith.constant 10 : i32
      %add3A_441 = arith.addi %add3A_49, %add3A_440 : i32
      %dma_start3A_442 = arith.constant 0 : i32
      %dma_start3A_443 = tpu.memref_slice %arg11[%add3A_441, %dma_start3A_442] : memref<256x32xf32, #tpu.memory_space<vmem>> -> memref<1x32xf32, #tpu.memory_space<vmem>>
      %dma_start3A_444 = arith.constant 0 : i32
      %dma_start3A_445 = tpu.memref_slice %arg5[%reduce_sum3A_429, %dma_start3A_444] : memref<1000000x32xf32, #tpu.memory_space<hbm>> -> memref<1x32xf32, #tpu.memory_space<hbm>>
      %dma_start3A_446 = arith.constant 0 : i32
      %dma_start3A_447 = tpu.memref_slice %arg11[%add3A_441, %dma_start3A_446] : memref<256x32xf32, #tpu.memory_space<vmem>> -> memref<1x32xf32, #tpu.memory_space<vmem>>
      %dma_start3A_448 = arith.constant 0 : i32
      %dma_start3A_449 = tpu.memref_slice %arg5[%reduce_sum3A_429, %dma_start3A_448] : memref<1000000x32xf32, #tpu.memory_space<hbm>> -> memref<1x32xf32, #tpu.memory_space<hbm>>
      tpu.enqueue_dma source(%dma_start3A_449 : memref<1x32xf32, #tpu.memory_space<hbm>>) target(%dma_start3A_447 : memref<1x32xf32, #tpu.memory_space<vmem>>) target_semaphore(%arg15 : memref<!tpu.dma_semaphore, #tpu.memory_space<semaphore_mem>>)
      %eq3A_450 = arith.constant 11 : i32
      %eq3A_451 = vector.broadcast %eq3A_450 : i32 to vector<16xi32>
      %eq3A_452 = arith.cmpi eq, %iota3A, %eq3A_451 : vector<16xi32>
      %select_n3A_453 = arith.select %eq3A_452, %get3A_52, %broadcast_in_dim3A_15 : vector<16xi1>, vector<16xi32>
      %reduce_sum3A_454 = arith.constant true
      %reduce_sum3A_455 = vector.broadcast %reduce_sum3A_454 : i1 to vector<16xi1>
      %reduce_sum3A_456 = tpu.scan <sum>, %select_n3A_453 masked %reduce_sum3A_455 : vector<16xi32>, vector<16xi1> -> vector<16xi32>
      %reduce_sum3A_457 = vector.extract %reduce_sum3A_456[15] : i32 from vector<16xi32>
      %eq3A_458 = arith.constant 11 : i32
      %eq3A_459 = vector.broadcast %eq3A_458 : i32 to vector<16xi32>
      %eq3A_460 = arith.cmpi eq, %iota3A, %eq3A_459 : vector<16xi32>
      %select_n3A_461 = arith.select %eq3A_460, %get3A_56, %broadcast_in_dim3A_15 : vector<16xi1>, vector<16xi32>
      %reduce_sum3A_462 = arith.constant true
      %reduce_sum3A_463 = vector.broadcast %reduce_sum3A_462 : i1 to vector<16xi1>
      %reduce_sum3A_464 = tpu.scan <sum>, %select_n3A_461 masked %reduce_sum3A_463 : vector<16xi32>, vector<16xi1> -> vector<16xi32>
      %reduce_sum3A_465 = vector.extract %reduce_sum3A_464[15] : i32 from vector<16xi32>
      %add3A_466 = arith.constant 11 : i32
      %add3A_467 = arith.addi %add3A_49, %add3A_466 : i32
      %dma_start3A_468 = arith.constant 0 : i32
      %dma_start3A_469 = tpu.memref_slice %arg10[%add3A_467, %dma_start3A_468] : memref<256x32xf32, #tpu.memory_space<vmem>> -> memref<1x32xf32, #tpu.memory_space<vmem>>
      %dma_start3A_470 = arith.constant 0 : i32
      %dma_start3A_471 = tpu.memref_slice %arg4[%reduce_sum3A_457, %dma_start3A_470] : memref<1000000x32xf32, #tpu.memory_space<hbm>> -> memref<1x32xf32, #tpu.memory_space<hbm>>
      %dma_start3A_472 = arith.constant 0 : i32
      %dma_start3A_473 = tpu.memref_slice %arg10[%add3A_467, %dma_start3A_472] : memref<256x32xf32, #tpu.memory_space<vmem>> -> memref<1x32xf32, #tpu.memory_space<vmem>>
      %dma_start3A_474 = arith.constant 0 : i32
      %dma_start3A_475 = tpu.memref_slice %arg4[%reduce_sum3A_457, %dma_start3A_474] : memref<1000000x32xf32, #tpu.memory_space<hbm>> -> memref<1x32xf32, #tpu.memory_space<hbm>>
      tpu.enqueue_dma source(%dma_start3A_475 : memref<1x32xf32, #tpu.memory_space<hbm>>) target(%dma_start3A_473 : memref<1x32xf32, #tpu.memory_space<vmem>>) target_semaphore(%arg14 : memref<!tpu.dma_semaphore, #tpu.memory_space<semaphore_mem>>)
      %add3A_476 = arith.constant 11 : i32
      %add3A_477 = arith.addi %add3A_49, %add3A_476 : i32
      %dma_start3A_478 = arith.constant 0 : i32
      %dma_start3A_479 = tpu.memref_slice %arg11[%add3A_477, %dma_start3A_478] : memref<256x32xf32, #tpu.memory_space<vmem>> -> memref<1x32xf32, #tpu.memory_space<vmem>>
      %dma_start3A_480 = arith.constant 0 : i32
      %dma_start3A_481 = tpu.memref_slice %arg5[%reduce_sum3A_465, %dma_start3A_480] : memref<1000000x32xf32, #tpu.memory_space<hbm>> -> memref<1x32xf32, #tpu.memory_space<hbm>>
      %dma_start3A_482 = arith.constant 0 : i32
      %dma_start3A_483 = tpu.memref_slice %arg11[%add3A_477, %dma_start3A_482] : memref<256x32xf32, #tpu.memory_space<vmem>> -> memref<1x32xf32, #tpu.memory_space<vmem>>
      %dma_start3A_484 = arith.constant 0 : i32
      %dma_start3A_485 = tpu.memref_slice %arg5[%reduce_sum3A_465, %dma_start3A_484] : memref<1000000x32xf32, #tpu.memory_space<hbm>> -> memref<1x32xf32, #tpu.memory_space<hbm>>
      tpu.enqueue_dma source(%dma_start3A_485 : memref<1x32xf32, #tpu.memory_space<hbm>>) target(%dma_start3A_483 : memref<1x32xf32, #tpu.memory_space<vmem>>) target_semaphore(%arg15 : memref<!tpu.dma_semaphore, #tpu.memory_space<semaphore_mem>>)
      %eq3A_486 = arith.constant 12 : i32
      %eq3A_487 = vector.broadcast %eq3A_486 : i32 to vector<16xi32>
      %eq3A_488 = arith.cmpi eq, %iota3A, %eq3A_487 : vector<16xi32>
      %select_n3A_489 = arith.select %eq3A_488, %get3A_52, %broadcast_in_dim3A_15 : vector<16xi1>, vector<16xi32>
      %reduce_sum3A_490 = arith.constant true
      %reduce_sum3A_491 = vector.broadcast %reduce_sum3A_490 : i1 to vector<16xi1>
      %reduce_sum3A_492 = tpu.scan <sum>, %select_n3A_489 masked %reduce_sum3A_491 : vector<16xi32>, vector<16xi1> -> vector<16xi32>
      %reduce_sum3A_493 = vector.extract %reduce_sum3A_492[15] : i32 from vector<16xi32>
      %eq3A_494 = arith.constant 12 : i32
      %eq3A_495 = vector.broadcast %eq3A_494 : i32 to vector<16xi32>
      %eq3A_496 = arith.cmpi eq, %iota3A, %eq3A_495 : vector<16xi32>
      %select_n3A_497 = arith.select %eq3A_496, %get3A_56, %broadcast_in_dim3A_15 : vector<16xi1>, vector<16xi32>
      %reduce_sum3A_498 = arith.constant true
      %reduce_sum3A_499 = vector.broadcast %reduce_sum3A_498 : i1 to vector<16xi1>
      %reduce_sum3A_500 = tpu.scan <sum>, %select_n3A_497 masked %reduce_sum3A_499 : vector<16xi32>, vector<16xi1> -> vector<16xi32>
      %reduce_sum3A_501 = vector.extract %reduce_sum3A_500[15] : i32 from vector<16xi32>
      %add3A_502 = arith.constant 12 : i32
      %add3A_503 = arith.addi %add3A_49, %add3A_502 : i32
      %dma_start3A_504 = arith.constant 0 : i32
      %dma_start3A_505 = tpu.memref_slice %arg10[%add3A_503, %dma_start3A_504] : memref<256x32xf32, #tpu.memory_space<vmem>> -> memref<1x32xf32, #tpu.memory_space<vmem>>
      %dma_start3A_506 = arith.constant 0 : i32
      %dma_start3A_507 = tpu.memref_slice %arg4[%reduce_sum3A_493, %dma_start3A_506] : memref<1000000x32xf32, #tpu.memory_space<hbm>> -> memref<1x32xf32, #tpu.memory_space<hbm>>
      %dma_start3A_508 = arith.constant 0 : i32
      %dma_start3A_509 = tpu.memref_slice %arg10[%add3A_503, %dma_start3A_508] : memref<256x32xf32, #tpu.memory_space<vmem>> -> memref<1x32xf32, #tpu.memory_space<vmem>>
      %dma_start3A_510 = arith.constant 0 : i32
      %dma_start3A_511 = tpu.memref_slice %arg4[%reduce_sum3A_493, %dma_start3A_510] : memref<1000000x32xf32, #tpu.memory_space<hbm>> -> memref<1x32xf32, #tpu.memory_space<hbm>>
      tpu.enqueue_dma source(%dma_start3A_511 : memref<1x32xf32, #tpu.memory_space<hbm>>) target(%dma_start3A_509 : memref<1x32xf32, #tpu.memory_space<vmem>>) target_semaphore(%arg14 : memref<!tpu.dma_semaphore, #tpu.memory_space<semaphore_mem>>)
      %add3A_512 = arith.constant 12 : i32
      %add3A_513 = arith.addi %add3A_49, %add3A_512 : i32
      %dma_start3A_514 = arith.constant 0 : i32
      %dma_start3A_515 = tpu.memref_slice %arg11[%add3A_513, %dma_start3A_514] : memref<256x32xf32, #tpu.memory_space<vmem>> -> memref<1x32xf32, #tpu.memory_space<vmem>>
      %dma_start3A_516 = arith.constant 0 : i32
      %dma_start3A_517 = tpu.memref_slice %arg5[%reduce_sum3A_501, %dma_start3A_516] : memref<1000000x32xf32, #tpu.memory_space<hbm>> -> memref<1x32xf32, #tpu.memory_space<hbm>>
      %dma_start3A_518 = arith.constant 0 : i32
      %dma_start3A_519 = tpu.memref_slice %arg11[%add3A_513, %dma_start3A_518] : memref<256x32xf32, #tpu.memory_space<vmem>> -> memref<1x32xf32, #tpu.memory_space<vmem>>
      %dma_start3A_520 = arith.constant 0 : i32
      %dma_start3A_521 = tpu.memref_slice %arg5[%reduce_sum3A_501, %dma_start3A_520] : memref<1000000x32xf32, #tpu.memory_space<hbm>> -> memref<1x32xf32, #tpu.memory_space<hbm>>
      tpu.enqueue_dma source(%dma_start3A_521 : memref<1x32xf32, #tpu.memory_space<hbm>>) target(%dma_start3A_519 : memref<1x32xf32, #tpu.memory_space<vmem>>) target_semaphore(%arg15 : memref<!tpu.dma_semaphore, #tpu.memory_space<semaphore_mem>>)
      %eq3A_522 = arith.constant 13 : i32
      %eq3A_523 = vector.broadcast %eq3A_522 : i32 to vector<16xi32>
      %eq3A_524 = arith.cmpi eq, %iota3A, %eq3A_523 : vector<16xi32>
      %select_n3A_525 = arith.select %eq3A_524, %get3A_52, %broadcast_in_dim3A_15 : vector<16xi1>, vector<16xi32>
      %reduce_sum3A_526 = arith.constant true
      %reduce_sum3A_527 = vector.broadcast %reduce_sum3A_526 : i1 to vector<16xi1>
      %reduce_sum3A_528 = tpu.scan <sum>, %select_n3A_525 masked %reduce_sum3A_527 : vector<16xi32>, vector<16xi1> -> vector<16xi32>
      %reduce_sum3A_529 = vector.extract %reduce_sum3A_528[15] : i32 from vector<16xi32>
      %eq3A_530 = arith.constant 13 : i32
      %eq3A_531 = vector.broadcast %eq3A_530 : i32 to vector<16xi32>
      %eq3A_532 = arith.cmpi eq, %iota3A, %eq3A_531 : vector<16xi32>
      %select_n3A_533 = arith.select %eq3A_532, %get3A_56, %broadcast_in_dim3A_15 : vector<16xi1>, vector<16xi32>
      %reduce_sum3A_534 = arith.constant true
      %reduce_sum3A_535 = vector.broadcast %reduce_sum3A_534 : i1 to vector<16xi1>
      %reduce_sum3A_536 = tpu.scan <sum>, %select_n3A_533 masked %reduce_sum3A_535 : vector<16xi32>, vector<16xi1> -> vector<16xi32>
      %reduce_sum3A_537 = vector.extract %reduce_sum3A_536[15] : i32 from vector<16xi32>
      %add3A_538 = arith.constant 13 : i32
      %add3A_539 = arith.addi %add3A_49, %add3A_538 : i32
      %dma_start3A_540 = arith.constant 0 : i32
      %dma_start3A_541 = tpu.memref_slice %arg10[%add3A_539, %dma_start3A_540] : memref<256x32xf32, #tpu.memory_space<vmem>> -> memref<1x32xf32, #tpu.memory_space<vmem>>
      %dma_start3A_542 = arith.constant 0 : i32
      %dma_start3A_543 = tpu.memref_slice %arg4[%reduce_sum3A_529, %dma_start3A_542] : memref<1000000x32xf32, #tpu.memory_space<hbm>> -> memref<1x32xf32, #tpu.memory_space<hbm>>
      %dma_start3A_544 = arith.constant 0 : i32
      %dma_start3A_545 = tpu.memref_slice %arg10[%add3A_539, %dma_start3A_544] : memref<256x32xf32, #tpu.memory_space<vmem>> -> memref<1x32xf32, #tpu.memory_space<vmem>>
      %dma_start3A_546 = arith.constant 0 : i32
      %dma_start3A_547 = tpu.memref_slice %arg4[%reduce_sum3A_529, %dma_start3A_546] : memref<1000000x32xf32, #tpu.memory_space<hbm>> -> memref<1x32xf32, #tpu.memory_space<hbm>>
      tpu.enqueue_dma source(%dma_start3A_547 : memref<1x32xf32, #tpu.memory_space<hbm>>) target(%dma_start3A_545 : memref<1x32xf32, #tpu.memory_space<vmem>>) target_semaphore(%arg14 : memref<!tpu.dma_semaphore, #tpu.memory_space<semaphore_mem>>)
      %add3A_548 = arith.constant 13 : i32
      %add3A_549 = arith.addi %add3A_49, %add3A_548 : i32
      %dma_start3A_550 = arith.constant 0 : i32
      %dma_start3A_551 = tpu.memref_slice %arg11[%add3A_549, %dma_start3A_550] : memref<256x32xf32, #tpu.memory_space<vmem>> -> memref<1x32xf32, #tpu.memory_space<vmem>>
      %dma_start3A_552 = arith.constant 0 : i32
      %dma_start3A_553 = tpu.memref_slice %arg5[%reduce_sum3A_537, %dma_start3A_552] : memref<1000000x32xf32, #tpu.memory_space<hbm>> -> memref<1x32xf32, #tpu.memory_space<hbm>>
      %dma_start3A_554 = arith.constant 0 : i32
      %dma_start3A_555 = tpu.memref_slice %arg11[%add3A_549, %dma_start3A_554] : memref<256x32xf32, #tpu.memory_space<vmem>> -> memref<1x32xf32, #tpu.memory_space<vmem>>
      %dma_start3A_556 = arith.constant 0 : i32
      %dma_start3A_557 = tpu.memref_slice %arg5[%reduce_sum3A_537, %dma_start3A_556] : memref<1000000x32xf32, #tpu.memory_space<hbm>> -> memref<1x32xf32, #tpu.memory_space<hbm>>
      tpu.enqueue_dma source(%dma_start3A_557 : memref<1x32xf32, #tpu.memory_space<hbm>>) target(%dma_start3A_555 : memref<1x32xf32, #tpu.memory_space<vmem>>) target_semaphore(%arg15 : memref<!tpu.dma_semaphore, #tpu.memory_space<semaphore_mem>>)
      %eq3A_558 = arith.constant 14 : i32
      %eq3A_559 = vector.broadcast %eq3A_558 : i32 to vector<16xi32>
      %eq3A_560 = arith.cmpi eq, %iota3A, %eq3A_559 : vector<16xi32>
      %select_n3A_561 = arith.select %eq3A_560, %get3A_52, %broadcast_in_dim3A_15 : vector<16xi1>, vector<16xi32>
      %reduce_sum3A_562 = arith.constant true
      %reduce_sum3A_563 = vector.broadcast %reduce_sum3A_562 : i1 to vector<16xi1>
      %reduce_sum3A_564 = tpu.scan <sum>, %select_n3A_561 masked %reduce_sum3A_563 : vector<16xi32>, vector<16xi1> -> vector<16xi32>
      %reduce_sum3A_565 = vector.extract %reduce_sum3A_564[15] : i32 from vector<16xi32>
      %eq3A_566 = arith.constant 14 : i32
      %eq3A_567 = vector.broadcast %eq3A_566 : i32 to vector<16xi32>
      %eq3A_568 = arith.cmpi eq, %iota3A, %eq3A_567 : vector<16xi32>
      %select_n3A_569 = arith.select %eq3A_568, %get3A_56, %broadcast_in_dim3A_15 : vector<16xi1>, vector<16xi32>
      %reduce_sum3A_570 = arith.constant true
      %reduce_sum3A_571 = vector.broadcast %reduce_sum3A_570 : i1 to vector<16xi1>
      %reduce_sum3A_572 = tpu.scan <sum>, %select_n3A_569 masked %reduce_sum3A_571 : vector<16xi32>, vector<16xi1> -> vector<16xi32>
      %reduce_sum3A_573 = vector.extract %reduce_sum3A_572[15] : i32 from vector<16xi32>
      %add3A_574 = arith.constant 14 : i32
      %add3A_575 = arith.addi %add3A_49, %add3A_574 : i32
      %dma_start3A_576 = arith.constant 0 : i32
      %dma_start3A_577 = tpu.memref_slice %arg10[%add3A_575, %dma_start3A_576] : memref<256x32xf32, #tpu.memory_space<vmem>> -> memref<1x32xf32, #tpu.memory_space<vmem>>
      %dma_start3A_578 = arith.constant 0 : i32
      %dma_start3A_579 = tpu.memref_slice %arg4[%reduce_sum3A_565, %dma_start3A_578] : memref<1000000x32xf32, #tpu.memory_space<hbm>> -> memref<1x32xf32, #tpu.memory_space<hbm>>
      %dma_start3A_580 = arith.constant 0 : i32
      %dma_start3A_581 = tpu.memref_slice %arg10[%add3A_575, %dma_start3A_580] : memref<256x32xf32, #tpu.memory_space<vmem>> -> memref<1x32xf32, #tpu.memory_space<vmem>>
      %dma_start3A_582 = arith.constant 0 : i32
      %dma_start3A_583 = tpu.memref_slice %arg4[%reduce_sum3A_565, %dma_start3A_582] : memref<1000000x32xf32, #tpu.memory_space<hbm>> -> memref<1x32xf32, #tpu.memory_space<hbm>>
      tpu.enqueue_dma source(%dma_start3A_583 : memref<1x32xf32, #tpu.memory_space<hbm>>) target(%dma_start3A_581 : memref<1x32xf32, #tpu.memory_space<vmem>>) target_semaphore(%arg14 : memref<!tpu.dma_semaphore, #tpu.memory_space<semaphore_mem>>)
      %add3A_584 = arith.constant 14 : i32
      %add3A_585 = arith.addi %add3A_49, %add3A_584 : i32
      %dma_start3A_586 = arith.constant 0 : i32
      %dma_start3A_587 = tpu.memref_slice %arg11[%add3A_585, %dma_start3A_586] : memref<256x32xf32, #tpu.memory_space<vmem>> -> memref<1x32xf32, #tpu.memory_space<vmem>>
      %dma_start3A_588 = arith.constant 0 : i32
      %dma_start3A_589 = tpu.memref_slice %arg5[%reduce_sum3A_573, %dma_start3A_588] : memref<1000000x32xf32, #tpu.memory_space<hbm>> -> memref<1x32xf32, #tpu.memory_space<hbm>>
      %dma_start3A_590 = arith.constant 0 : i32
      %dma_start3A_591 = tpu.memref_slice %arg11[%add3A_585, %dma_start3A_590] : memref<256x32xf32, #tpu.memory_space<vmem>> -> memref<1x32xf32, #tpu.memory_space<vmem>>
      %dma_start3A_592 = arith.constant 0 : i32
      %dma_start3A_593 = tpu.memref_slice %arg5[%reduce_sum3A_573, %dma_start3A_592] : memref<1000000x32xf32, #tpu.memory_space<hbm>> -> memref<1x32xf32, #tpu.memory_space<hbm>>
      tpu.enqueue_dma source(%dma_start3A_593 : memref<1x32xf32, #tpu.memory_space<hbm>>) target(%dma_start3A_591 : memref<1x32xf32, #tpu.memory_space<vmem>>) target_semaphore(%arg15 : memref<!tpu.dma_semaphore, #tpu.memory_space<semaphore_mem>>)
      %eq3A_594 = arith.constant 15 : i32
      %eq3A_595 = vector.broadcast %eq3A_594 : i32 to vector<16xi32>
      %eq3A_596 = arith.cmpi eq, %iota3A, %eq3A_595 : vector<16xi32>
      %select_n3A_597 = arith.select %eq3A_596, %get3A_52, %broadcast_in_dim3A_15 : vector<16xi1>, vector<16xi32>
      %reduce_sum3A_598 = arith.constant true
      %reduce_sum3A_599 = vector.broadcast %reduce_sum3A_598 : i1 to vector<16xi1>
      %reduce_sum3A_600 = tpu.scan <sum>, %select_n3A_597 masked %reduce_sum3A_599 : vector<16xi32>, vector<16xi1> -> vector<16xi32>
      %reduce_sum3A_601 = vector.extract %reduce_sum3A_600[15] : i32 from vector<16xi32>
      %eq3A_602 = arith.constant 15 : i32
      %eq3A_603 = vector.broadcast %eq3A_602 : i32 to vector<16xi32>
      %eq3A_604 = arith.cmpi eq, %iota3A, %eq3A_603 : vector<16xi32>
      %select_n3A_605 = arith.select %eq3A_604, %get3A_56, %broadcast_in_dim3A_15 : vector<16xi1>, vector<16xi32>
      %reduce_sum3A_606 = arith.constant true
      %reduce_sum3A_607 = vector.broadcast %reduce_sum3A_606 : i1 to vector<16xi1>
      %reduce_sum3A_608 = tpu.scan <sum>, %select_n3A_605 masked %reduce_sum3A_607 : vector<16xi32>, vector<16xi1> -> vector<16xi32>
      %reduce_sum3A_609 = vector.extract %reduce_sum3A_608[15] : i32 from vector<16xi32>
      %add3A_610 = arith.constant 15 : i32
      %add3A_611 = arith.addi %add3A_49, %add3A_610 : i32
      %dma_start3A_612 = arith.constant 0 : i32
      %dma_start3A_613 = tpu.memref_slice %arg10[%add3A_611, %dma_start3A_612] : memref<256x32xf32, #tpu.memory_space<vmem>> -> memref<1x32xf32, #tpu.memory_space<vmem>>
      %dma_start3A_614 = arith.constant 0 : i32
      %dma_start3A_615 = tpu.memref_slice %arg4[%reduce_sum3A_601, %dma_start3A_614] : memref<1000000x32xf32, #tpu.memory_space<hbm>> -> memref<1x32xf32, #tpu.memory_space<hbm>>
      %dma_start3A_616 = arith.constant 0 : i32
      %dma_start3A_617 = tpu.memref_slice %arg10[%add3A_611, %dma_start3A_616] : memref<256x32xf32, #tpu.memory_space<vmem>> -> memref<1x32xf32, #tpu.memory_space<vmem>>
      %dma_start3A_618 = arith.constant 0 : i32
      %dma_start3A_619 = tpu.memref_slice %arg4[%reduce_sum3A_601, %dma_start3A_618] : memref<1000000x32xf32, #tpu.memory_space<hbm>> -> memref<1x32xf32, #tpu.memory_space<hbm>>
      tpu.enqueue_dma source(%dma_start3A_619 : memref<1x32xf32, #tpu.memory_space<hbm>>) target(%dma_start3A_617 : memref<1x32xf32, #tpu.memory_space<vmem>>) target_semaphore(%arg14 : memref<!tpu.dma_semaphore, #tpu.memory_space<semaphore_mem>>)
      %add3A_620 = arith.constant 15 : i32
      %add3A_621 = arith.addi %add3A_49, %add3A_620 : i32
      %dma_start3A_622 = arith.constant 0 : i32
      %dma_start3A_623 = tpu.memref_slice %arg11[%add3A_621, %dma_start3A_622] : memref<256x32xf32, #tpu.memory_space<vmem>> -> memref<1x32xf32, #tpu.memory_space<vmem>>
      %dma_start3A_624 = arith.constant 0 : i32
      %dma_start3A_625 = tpu.memref_slice %arg5[%reduce_sum3A_609, %dma_start3A_624] : memref<1000000x32xf32, #tpu.memory_space<hbm>> -> memref<1x32xf32, #tpu.memory_space<hbm>>
      %dma_start3A_626 = arith.constant 0 : i32
      %dma_start3A_627 = tpu.memref_slice %arg11[%add3A_621, %dma_start3A_626] : memref<256x32xf32, #tpu.memory_space<vmem>> -> memref<1x32xf32, #tpu.memory_space<vmem>>
      %dma_start3A_628 = arith.constant 0 : i32
      %dma_start3A_629 = tpu.memref_slice %arg5[%reduce_sum3A_609, %dma_start3A_628] : memref<1000000x32xf32, #tpu.memory_space<hbm>> -> memref<1x32xf32, #tpu.memory_space<hbm>>
      tpu.enqueue_dma source(%dma_start3A_629 : memref<1x32xf32, #tpu.memory_space<hbm>>) target(%dma_start3A_627 : memref<1x32xf32, #tpu.memory_space<vmem>>) target_semaphore(%arg15 : memref<!tpu.dma_semaphore, #tpu.memory_space<semaphore_mem>>)
    }
    %scan3A_34 = arith.constant 16 : i32
    %scan3A_35 = arith.constant 0 : i32
    %scan3A_36 = arith.constant 256 : i32
    %scan3A_37 = arith.addi %scan3A_35, %scan3A_36 : i32
    %scan3A_38 = arith.constant 1 : i32
    scf.for %scan3A_45 = %scan3A_35 to %scan3A_37 step %scan3A_38  : i32 {
      %mul3A_46 = arith.constant 1 : i32
      %mul3A_47 = arith.muli %scan3A_45, %mul3A_46 : i32
      %add3A_48 = arith.constant 0 : i32
      %add3A_49 = arith.addi %add3A_48, %mul3A_47 : i32
      %dma_wait3A_50 = arith.constant 0 : i32
      %dma_wait3A_51 = tpu.memref_slice %arg10[%add3A_49, %dma_wait3A_50] : memref<256x32xf32, #tpu.memory_space<vmem>> -> memref<1x32xf32, #tpu.memory_space<vmem>>
      %dma_wait3A_52 = arith.constant 0 : i32
      %dma_wait3A_53 = arith.constant 0 : i32
      %dma_wait3A_54 = tpu.memref_slice %arg4[%dma_wait3A_52, %dma_wait3A_53] : memref<1000000x32xf32, #tpu.memory_space<hbm>> -> memref<1x32xf32, #tpu.memory_space<hbm>>
      %dma_wait3A_55 = arith.constant 0 : i32
      %dma_wait3A_56 = tpu.memref_slice %arg10[%add3A_49, %dma_wait3A_55] : memref<256x32xf32, #tpu.memory_space<vmem>> -> memref<1x32xf32, #tpu.memory_space<vmem>>
      %dma_wait3A_57 = arith.constant 0 : i32
      %dma_wait3A_58 = arith.constant 0 : i32
      %dma_wait3A_59 = tpu.memref_slice %arg4[%dma_wait3A_57, %dma_wait3A_58] : memref<1000000x32xf32, #tpu.memory_space<hbm>> -> memref<1x32xf32, #tpu.memory_space<hbm>>
      tpu.wait_dma2 semaphore(%arg14 : memref<!tpu.dma_semaphore, #tpu.memory_space<semaphore_mem>>) src(%dma_wait3A_59 : memref<1x32xf32, #tpu.memory_space<hbm>>) dst(%dma_wait3A_56 : memref<1x32xf32, #tpu.memory_space<vmem>>)
      %dma_wait3A_60 = arith.constant 0 : i32
      %dma_wait3A_61 = tpu.memref_slice %arg11[%add3A_49, %dma_wait3A_60] : memref<256x32xf32, #tpu.memory_space<vmem>> -> memref<1x32xf32, #tpu.memory_space<vmem>>
      %dma_wait3A_62 = arith.constant 0 : i32
      %dma_wait3A_63 = arith.constant 0 : i32
      %dma_wait3A_64 = tpu.memref_slice %arg5[%dma_wait3A_62, %dma_wait3A_63] : memref<1000000x32xf32, #tpu.memory_space<hbm>> -> memref<1x32xf32, #tpu.memory_space<hbm>>
      %dma_wait3A_65 = arith.constant 0 : i32
      %dma_wait3A_66 = tpu.memref_slice %arg11[%add3A_49, %dma_wait3A_65] : memref<256x32xf32, #tpu.memory_space<vmem>> -> memref<1x32xf32, #tpu.memory_space<vmem>>
      %dma_wait3A_67 = arith.constant 0 : i32
      %dma_wait3A_68 = arith.constant 0 : i32
      %dma_wait3A_69 = tpu.memref_slice %arg5[%dma_wait3A_67, %dma_wait3A_68] : memref<1000000x32xf32, #tpu.memory_space<hbm>> -> memref<1x32xf32, #tpu.memory_space<hbm>>
      tpu.wait_dma2 semaphore(%arg15 : memref<!tpu.dma_semaphore, #tpu.memory_space<semaphore_mem>>) src(%dma_wait3A_69 : memref<1x32xf32, #tpu.memory_space<hbm>>) dst(%dma_wait3A_66 : memref<1x32xf32, #tpu.memory_space<vmem>>)
    }
    %scan3A_39 = arith.constant 256 : i32
    %scan3A_40 = arith.constant 0 : i32
    %scan3A_41 = arith.constant 16 : i32
    %scan3A_42 = arith.addi %scan3A_40, %scan3A_41 : i32
    %scan3A_43 = arith.constant 1 : i32
    scf.for %scan3A_45 = %scan3A_40 to %scan3A_42 step %scan3A_43  : i32 {
      %mul3A_46 = arith.constant 16 : i32
      %mul3A_47 = arith.muli %scan3A_45, %mul3A_46 : i32
      %add3A_48 = arith.constant 0 : i32
      %add3A_49 = arith.addi %add3A_48, %mul3A_47 : i32
      %add3A_50 = vector.broadcast %add3A_49 : i32 to vector<16xi32>
      %add3A_51 = arith.addi %add3A_50, %iota3A : vector<16xi32>
      %broadcast_in_dim3A_52 = arith.constant 0.000000e+00 : f32
      %broadcast_in_dim3A_53 = vector.broadcast %broadcast_in_dim3A_52 : f32 to vector<16xf32>
      %add3A_54 = arith.constant 0 : i32
      %add3A_55 = vector.broadcast %add3A_54 : i32 to vector<16xi32>
      %add3A_56 = arith.addi %iota3A, %add3A_55 : vector<16xi32>
      %rem3A = arith.constant 32 : i32
      %rem3A_57 = vector.broadcast %rem3A : i32 to vector<16xi32>
      %rem3A_58 = arith.remsi %add3A_56, %rem3A_57 : vector<16xi32>
      %gather3A = tpu.vector_load_idx %arg12[%rem3A_58] : memref<32xf32, #tpu.memory_space<vmem>>[vector<16xi32>], vector<16xf32>,
      %gather3A_59 = tpu.vector_load_idx %arg10[%add3A_51, %rem3A_58] : memref<256x32xf32, #tpu.memory_space<vmem>>[vector<16xi32>, vector<16xi32>], vector<16xf32>,
      %gather3A_60 = tpu.vector_load_idx %arg11[%add3A_51, %rem3A_58] : memref<256x32xf32, #tpu.memory_space<vmem>>[vector<16xi32>, vector<16xi32>], vector<16xf32>,
      %mul3A_61 = arith.mulf %gather3A_59, %gather3A_60 : vector<16xf32>
      %mul3A_62 = arith.mulf %mul3A_61, %gather3A : vector<16xf32>
      %add3A_63 = arith.addf %broadcast_in_dim3A_53, %mul3A_62 : vector<16xf32>
      %add3A_64 = arith.constant 1 : i32
      %add3A_65 = vector.broadcast %add3A_64 : i32 to vector<16xi32>
      %add3A_66 = arith.addi %iota3A, %add3A_65 : vector<16xi32>
      %rem3A_67 = arith.constant 32 : i32
      %rem3A_68 = vector.broadcast %rem3A_67 : i32 to vector<16xi32>
      %rem3A_69 = arith.remsi %add3A_66, %rem3A_68 : vector<16xi32>
      %gather3A_70 = tpu.vector_load_idx %arg12[%rem3A_69] : memref<32xf32, #tpu.memory_space<vmem>>[vector<16xi32>], vector<16xf32>,
      %gather3A_71 = tpu.vector_load_idx %arg10[%add3A_51, %rem3A_69] : memref<256x32xf32, #tpu.memory_space<vmem>>[vector<16xi32>, vector<16xi32>], vector<16xf32>,
      %gather3A_72 = tpu.vector_load_idx %arg11[%add3A_51, %rem3A_69] : memref<256x32xf32, #tpu.memory_space<vmem>>[vector<16xi32>, vector<16xi32>], vector<16xf32>,
      %mul3A_73 = arith.mulf %gather3A_71, %gather3A_72 : vector<16xf32>
      %mul3A_74 = arith.mulf %mul3A_73, %gather3A_70 : vector<16xf32>
      %add3A_75 = arith.addf %add3A_63, %mul3A_74 : vector<16xf32>
      %add3A_76 = arith.constant 2 : i32
      %add3A_77 = vector.broadcast %add3A_76 : i32 to vector<16xi32>
      %add3A_78 = arith.addi %iota3A, %add3A_77 : vector<16xi32>
      %rem3A_79 = arith.constant 32 : i32
      %rem3A_80 = vector.broadcast %rem3A_79 : i32 to vector<16xi32>
      %rem3A_81 = arith.remsi %add3A_78, %rem3A_80 : vector<16xi32>
      %gather3A_82 = tpu.vector_load_idx %arg12[%rem3A_81] : memref<32xf32, #tpu.memory_space<vmem>>[vector<16xi32>], vector<16xf32>,
      %gather3A_83 = tpu.vector_load_idx %arg10[%add3A_51, %rem3A_81] : memref<256x32xf32, #tpu.memory_space<vmem>>[vector<16xi32>, vector<16xi32>], vector<16xf32>,
      %gather3A_84 = tpu.vector_load_idx %arg11[%add3A_51, %rem3A_81] : memref<256x32xf32, #tpu.memory_space<vmem>>[vector<16xi32>, vector<16xi32>], vector<16xf32>,
      %mul3A_85 = arith.mulf %gather3A_83, %gather3A_84 : vector<16xf32>
      %mul3A_86 = arith.mulf %mul3A_85, %gather3A_82 : vector<16xf32>
      %add3A_87 = arith.addf %add3A_75, %mul3A_86 : vector<16xf32>
      %add3A_88 = arith.constant 3 : i32
      %add3A_89 = vector.broadcast %add3A_88 : i32 to vector<16xi32>
      %add3A_90 = arith.addi %iota3A, %add3A_89 : vector<16xi32>
      %rem3A_91 = arith.constant 32 : i32
      %rem3A_92 = vector.broadcast %rem3A_91 : i32 to vector<16xi32>
      %rem3A_93 = arith.remsi %add3A_90, %rem3A_92 : vector<16xi32>
      %gather3A_94 = tpu.vector_load_idx %arg12[%rem3A_93] : memref<32xf32, #tpu.memory_space<vmem>>[vector<16xi32>], vector<16xf32>,
      %gather3A_95 = tpu.vector_load_idx %arg10[%add3A_51, %rem3A_93] : memref<256x32xf32, #tpu.memory_space<vmem>>[vector<16xi32>, vector<16xi32>], vector<16xf32>,
      %gather3A_96 = tpu.vector_load_idx %arg11[%add3A_51, %rem3A_93] : memref<256x32xf32, #tpu.memory_space<vmem>>[vector<16xi32>, vector<16xi32>], vector<16xf32>,
      %mul3A_97 = arith.mulf %gather3A_95, %gather3A_96 : vector<16xf32>
      %mul3A_98 = arith.mulf %mul3A_97, %gather3A_94 : vector<16xf32>
      %add3A_99 = arith.addf %add3A_87, %mul3A_98 : vector<16xf32>
      %add3A_100 = arith.constant 4 : i32
      %add3A_101 = vector.broadcast %add3A_100 : i32 to vector<16xi32>
      %add3A_102 = arith.addi %iota3A, %add3A_101 : vector<16xi32>
      %rem3A_103 = arith.constant 32 : i32
      %rem3A_104 = vector.broadcast %rem3A_103 : i32 to vector<16xi32>
      %rem3A_105 = arith.remsi %add3A_102, %rem3A_104 : vector<16xi32>
      %gather3A_106 = tpu.vector_load_idx %arg12[%rem3A_105] : memref<32xf32, #tpu.memory_space<vmem>>[vector<16xi32>], vector<16xf32>,
      %gather3A_107 = tpu.vector_load_idx %arg10[%add3A_51, %rem3A_105] : memref<256x32xf32, #tpu.memory_space<vmem>>[vector<16xi32>, vector<16xi32>], vector<16xf32>,
      %gather3A_108 = tpu.vector_load_idx %arg11[%add3A_51, %rem3A_105] : memref<256x32xf32, #tpu.memory_space<vmem>>[vector<16xi32>, vector<16xi32>], vector<16xf32>,
      %mul3A_109 = arith.mulf %gather3A_107, %gather3A_108 : vector<16xf32>
      %mul3A_110 = arith.mulf %mul3A_109, %gather3A_106 : vector<16xf32>
      %add3A_111 = arith.addf %add3A_99, %mul3A_110 : vector<16xf32>
      %add3A_112 = arith.constant 5 : i32
      %add3A_113 = vector.broadcast %add3A_112 : i32 to vector<16xi32>
      %add3A_114 = arith.addi %iota3A, %add3A_113 : vector<16xi32>
      %rem3A_115 = arith.constant 32 : i32
      %rem3A_116 = vector.broadcast %rem3A_115 : i32 to vector<16xi32>
      %rem3A_117 = arith.remsi %add3A_114, %rem3A_116 : vector<16xi32>
      %gather3A_118 = tpu.vector_load_idx %arg12[%rem3A_117] : memref<32xf32, #tpu.memory_space<vmem>>[vector<16xi32>], vector<16xf32>,
      %gather3A_119 = tpu.vector_load_idx %arg10[%add3A_51, %rem3A_117] : memref<256x32xf32, #tpu.memory_space<vmem>>[vector<16xi32>, vector<16xi32>], vector<16xf32>,
      %gather3A_120 = tpu.vector_load_idx %arg11[%add3A_51, %rem3A_117] : memref<256x32xf32, #tpu.memory_space<vmem>>[vector<16xi32>, vector<16xi32>], vector<16xf32>,
      %mul3A_121 = arith.mulf %gather3A_119, %gather3A_120 : vector<16xf32>
      %mul3A_122 = arith.mulf %mul3A_121, %gather3A_118 : vector<16xf32>
      %add3A_123 = arith.addf %add3A_111, %mul3A_122 : vector<16xf32>
      %add3A_124 = arith.constant 6 : i32
      %add3A_125 = vector.broadcast %add3A_124 : i32 to vector<16xi32>
      %add3A_126 = arith.addi %iota3A, %add3A_125 : vector<16xi32>
      %rem3A_127 = arith.constant 32 : i32
      %rem3A_128 = vector.broadcast %rem3A_127 : i32 to vector<16xi32>
      %rem3A_129 = arith.remsi %add3A_126, %rem3A_128 : vector<16xi32>
      %gather3A_130 = tpu.vector_load_idx %arg12[%rem3A_129] : memref<32xf32, #tpu.memory_space<vmem>>[vector<16xi32>], vector<16xf32>,
      %gather3A_131 = tpu.vector_load_idx %arg10[%add3A_51, %rem3A_129] : memref<256x32xf32, #tpu.memory_space<vmem>>[vector<16xi32>, vector<16xi32>], vector<16xf32>,
      %gather3A_132 = tpu.vector_load_idx %arg11[%add3A_51, %rem3A_129] : memref<256x32xf32, #tpu.memory_space<vmem>>[vector<16xi32>, vector<16xi32>], vector<16xf32>,
      %mul3A_133 = arith.mulf %gather3A_131, %gather3A_132 : vector<16xf32>
      %mul3A_134 = arith.mulf %mul3A_133, %gather3A_130 : vector<16xf32>
      %add3A_135 = arith.addf %add3A_123, %mul3A_134 : vector<16xf32>
      %add3A_136 = arith.constant 7 : i32
      %add3A_137 = vector.broadcast %add3A_136 : i32 to vector<16xi32>
      %add3A_138 = arith.addi %iota3A, %add3A_137 : vector<16xi32>
      %rem3A_139 = arith.constant 32 : i32
      %rem3A_140 = vector.broadcast %rem3A_139 : i32 to vector<16xi32>
      %rem3A_141 = arith.remsi %add3A_138, %rem3A_140 : vector<16xi32>
      %gather3A_142 = tpu.vector_load_idx %arg12[%rem3A_141] : memref<32xf32, #tpu.memory_space<vmem>>[vector<16xi32>], vector<16xf32>,
      %gather3A_143 = tpu.vector_load_idx %arg10[%add3A_51, %rem3A_141] : memref<256x32xf32, #tpu.memory_space<vmem>>[vector<16xi32>, vector<16xi32>], vector<16xf32>,
      %gather3A_144 = tpu.vector_load_idx %arg11[%add3A_51, %rem3A_141] : memref<256x32xf32, #tpu.memory_space<vmem>>[vector<16xi32>, vector<16xi32>], vector<16xf32>,
      %mul3A_145 = arith.mulf %gather3A_143, %gather3A_144 : vector<16xf32>
      %mul3A_146 = arith.mulf %mul3A_145, %gather3A_142 : vector<16xf32>
      %add3A_147 = arith.addf %add3A_135, %mul3A_146 : vector<16xf32>
      %add3A_148 = arith.constant 8 : i32
      %add3A_149 = vector.broadcast %add3A_148 : i32 to vector<16xi32>
      %add3A_150 = arith.addi %iota3A, %add3A_149 : vector<16xi32>
      %rem3A_151 = arith.constant 32 : i32
      %rem3A_152 = vector.broadcast %rem3A_151 : i32 to vector<16xi32>
      %rem3A_153 = arith.remsi %add3A_150, %rem3A_152 : vector<16xi32>
      %gather3A_154 = tpu.vector_load_idx %arg12[%rem3A_153] : memref<32xf32, #tpu.memory_space<vmem>>[vector<16xi32>], vector<16xf32>,
      %gather3A_155 = tpu.vector_load_idx %arg10[%add3A_51, %rem3A_153] : memref<256x32xf32, #tpu.memory_space<vmem>>[vector<16xi32>, vector<16xi32>], vector<16xf32>,
      %gather3A_156 = tpu.vector_load_idx %arg11[%add3A_51, %rem3A_153] : memref<256x32xf32, #tpu.memory_space<vmem>>[vector<16xi32>, vector<16xi32>], vector<16xf32>,
      %mul3A_157 = arith.mulf %gather3A_155, %gather3A_156 : vector<16xf32>
      %mul3A_158 = arith.mulf %mul3A_157, %gather3A_154 : vector<16xf32>
      %add3A_159 = arith.addf %add3A_147, %mul3A_158 : vector<16xf32>
      %add3A_160 = arith.constant 9 : i32
      %add3A_161 = vector.broadcast %add3A_160 : i32 to vector<16xi32>
      %add3A_162 = arith.addi %iota3A, %add3A_161 : vector<16xi32>
      %rem3A_163 = arith.constant 32 : i32
      %rem3A_164 = vector.broadcast %rem3A_163 : i32 to vector<16xi32>
      %rem3A_165 = arith.remsi %add3A_162, %rem3A_164 : vector<16xi32>
      %gather3A_166 = tpu.vector_load_idx %arg12[%rem3A_165] : memref<32xf32, #tpu.memory_space<vmem>>[vector<16xi32>], vector<16xf32>,
      %gather3A_167 = tpu.vector_load_idx %arg10[%add3A_51, %rem3A_165] : memref<256x32xf32, #tpu.memory_space<vmem>>[vector<16xi32>, vector<16xi32>], vector<16xf32>,
      %gather3A_168 = tpu.vector_load_idx %arg11[%add3A_51, %rem3A_165] : memref<256x32xf32, #tpu.memory_space<vmem>>[vector<16xi32>, vector<16xi32>], vector<16xf32>,
      %mul3A_169 = arith.mulf %gather3A_167, %gather3A_168 : vector<16xf32>
      %mul3A_170 = arith.mulf %mul3A_169, %gather3A_166 : vector<16xf32>
      %add3A_171 = arith.addf %add3A_159, %mul3A_170 : vector<16xf32>
      %add3A_172 = arith.constant 10 : i32
      %add3A_173 = vector.broadcast %add3A_172 : i32 to vector<16xi32>
      %add3A_174 = arith.addi %iota3A, %add3A_173 : vector<16xi32>
      %rem3A_175 = arith.constant 32 : i32
      %rem3A_176 = vector.broadcast %rem3A_175 : i32 to vector<16xi32>
      %rem3A_177 = arith.remsi %add3A_174, %rem3A_176 : vector<16xi32>
      %gather3A_178 = tpu.vector_load_idx %arg12[%rem3A_177] : memref<32xf32, #tpu.memory_space<vmem>>[vector<16xi32>], vector<16xf32>,
      %gather3A_179 = tpu.vector_load_idx %arg10[%add3A_51, %rem3A_177] : memref<256x32xf32, #tpu.memory_space<vmem>>[vector<16xi32>, vector<16xi32>], vector<16xf32>,
      %gather3A_180 = tpu.vector_load_idx %arg11[%add3A_51, %rem3A_177] : memref<256x32xf32, #tpu.memory_space<vmem>>[vector<16xi32>, vector<16xi32>], vector<16xf32>,
      %mul3A_181 = arith.mulf %gather3A_179, %gather3A_180 : vector<16xf32>
      %mul3A_182 = arith.mulf %mul3A_181, %gather3A_178 : vector<16xf32>
      %add3A_183 = arith.addf %add3A_171, %mul3A_182 : vector<16xf32>
      %add3A_184 = arith.constant 11 : i32
      %add3A_185 = vector.broadcast %add3A_184 : i32 to vector<16xi32>
      %add3A_186 = arith.addi %iota3A, %add3A_185 : vector<16xi32>
      %rem3A_187 = arith.constant 32 : i32
      %rem3A_188 = vector.broadcast %rem3A_187 : i32 to vector<16xi32>
      %rem3A_189 = arith.remsi %add3A_186, %rem3A_188 : vector<16xi32>
      %gather3A_190 = tpu.vector_load_idx %arg12[%rem3A_189] : memref<32xf32, #tpu.memory_space<vmem>>[vector<16xi32>], vector<16xf32>,
      %gather3A_191 = tpu.vector_load_idx %arg10[%add3A_51, %rem3A_189] : memref<256x32xf32, #tpu.memory_space<vmem>>[vector<16xi32>, vector<16xi32>], vector<16xf32>,
      %gather3A_192 = tpu.vector_load_idx %arg11[%add3A_51, %rem3A_189] : memref<256x32xf32, #tpu.memory_space<vmem>>[vector<16xi32>, vector<16xi32>], vector<16xf32>,
      %mul3A_193 = arith.mulf %gather3A_191, %gather3A_192 : vector<16xf32>
      %mul3A_194 = arith.mulf %mul3A_193, %gather3A_190 : vector<16xf32>
      %add3A_195 = arith.addf %add3A_183, %mul3A_194 : vector<16xf32>
      %add3A_196 = arith.constant 12 : i32
      %add3A_197 = vector.broadcast %add3A_196 : i32 to vector<16xi32>
      %add3A_198 = arith.addi %iota3A, %add3A_197 : vector<16xi32>
      %rem3A_199 = arith.constant 32 : i32
      %rem3A_200 = vector.broadcast %rem3A_199 : i32 to vector<16xi32>
      %rem3A_201 = arith.remsi %add3A_198, %rem3A_200 : vector<16xi32>
      %gather3A_202 = tpu.vector_load_idx %arg12[%rem3A_201] : memref<32xf32, #tpu.memory_space<vmem>>[vector<16xi32>], vector<16xf32>,
      %gather3A_203 = tpu.vector_load_idx %arg10[%add3A_51, %rem3A_201] : memref<256x32xf32, #tpu.memory_space<vmem>>[vector<16xi32>, vector<16xi32>], vector<16xf32>,
      %gather3A_204 = tpu.vector_load_idx %arg11[%add3A_51, %rem3A_201] : memref<256x32xf32, #tpu.memory_space<vmem>>[vector<16xi32>, vector<16xi32>], vector<16xf32>,
      %mul3A_205 = arith.mulf %gather3A_203, %gather3A_204 : vector<16xf32>
      %mul3A_206 = arith.mulf %mul3A_205, %gather3A_202 : vector<16xf32>
      %add3A_207 = arith.addf %add3A_195, %mul3A_206 : vector<16xf32>
      %add3A_208 = arith.constant 13 : i32
      %add3A_209 = vector.broadcast %add3A_208 : i32 to vector<16xi32>
      %add3A_210 = arith.addi %iota3A, %add3A_209 : vector<16xi32>
      %rem3A_211 = arith.constant 32 : i32
      %rem3A_212 = vector.broadcast %rem3A_211 : i32 to vector<16xi32>
      %rem3A_213 = arith.remsi %add3A_210, %rem3A_212 : vector<16xi32>
      %gather3A_214 = tpu.vector_load_idx %arg12[%rem3A_213] : memref<32xf32, #tpu.memory_space<vmem>>[vector<16xi32>], vector<16xf32>,
      %gather3A_215 = tpu.vector_load_idx %arg10[%add3A_51, %rem3A_213] : memref<256x32xf32, #tpu.memory_space<vmem>>[vector<16xi32>, vector<16xi32>], vector<16xf32>,
      %gather3A_216 = tpu.vector_load_idx %arg11[%add3A_51, %rem3A_213] : memref<256x32xf32, #tpu.memory_space<vmem>>[vector<16xi32>, vector<16xi32>], vector<16xf32>,
      %mul3A_217 = arith.mulf %gather3A_215, %gather3A_216 : vector<16xf32>
      %mul3A_218 = arith.mulf %mul3A_217, %gather3A_214 : vector<16xf32>
      %add3A_219 = arith.addf %add3A_207, %mul3A_218 : vector<16xf32>
      %add3A_220 = arith.constant 14 : i32
      %add3A_221 = vector.broadcast %add3A_220 : i32 to vector<16xi32>
      %add3A_222 = arith.addi %iota3A, %add3A_221 : vector<16xi32>
      %rem3A_223 = arith.constant 32 : i32
      %rem3A_224 = vector.broadcast %rem3A_223 : i32 to vector<16xi32>
      %rem3A_225 = arith.remsi %add3A_222, %rem3A_224 : vector<16xi32>
      %gather3A_226 = tpu.vector_load_idx %arg12[%rem3A_225] : memref<32xf32, #tpu.memory_space<vmem>>[vector<16xi32>], vector<16xf32>,
      %gather3A_227 = tpu.vector_load_idx %arg10[%add3A_51, %rem3A_225] : memref<256x32xf32, #tpu.memory_space<vmem>>[vector<16xi32>, vector<16xi32>], vector<16xf32>,
      %gather3A_228 = tpu.vector_load_idx %arg11[%add3A_51, %rem3A_225] : memref<256x32xf32, #tpu.memory_space<vmem>>[vector<16xi32>, vector<16xi32>], vector<16xf32>,
      %mul3A_229 = arith.mulf %gather3A_227, %gather3A_228 : vector<16xf32>
      %mul3A_230 = arith.mulf %mul3A_229, %gather3A_226 : vector<16xf32>
      %add3A_231 = arith.addf %add3A_219, %mul3A_230 : vector<16xf32>
      %add3A_232 = arith.constant 15 : i32
      %add3A_233 = vector.broadcast %add3A_232 : i32 to vector<16xi32>
      %add3A_234 = arith.addi %iota3A, %add3A_233 : vector<16xi32>
      %rem3A_235 = arith.constant 32 : i32
      %rem3A_236 = vector.broadcast %rem3A_235 : i32 to vector<16xi32>
      %rem3A_237 = arith.remsi %add3A_234, %rem3A_236 : vector<16xi32>
      %gather3A_238 = tpu.vector_load_idx %arg12[%rem3A_237] : memref<32xf32, #tpu.memory_space<vmem>>[vector<16xi32>], vector<16xf32>,
      %gather3A_239 = tpu.vector_load_idx %arg10[%add3A_51, %rem3A_237] : memref<256x32xf32, #tpu.memory_space<vmem>>[vector<16xi32>, vector<16xi32>], vector<16xf32>,
      %gather3A_240 = tpu.vector_load_idx %arg11[%add3A_51, %rem3A_237] : memref<256x32xf32, #tpu.memory_space<vmem>>[vector<16xi32>, vector<16xi32>], vector<16xf32>,
      %mul3A_241 = arith.mulf %gather3A_239, %gather3A_240 : vector<16xf32>
      %mul3A_242 = arith.mulf %mul3A_241, %gather3A_238 : vector<16xf32>
      %add3A_243 = arith.addf %add3A_231, %mul3A_242 : vector<16xf32>
      %add3A_244 = arith.constant 16 : i32
      %add3A_245 = vector.broadcast %add3A_244 : i32 to vector<16xi32>
      %add3A_246 = arith.addi %iota3A, %add3A_245 : vector<16xi32>
      %rem3A_247 = arith.constant 32 : i32
      %rem3A_248 = vector.broadcast %rem3A_247 : i32 to vector<16xi32>
      %rem3A_249 = arith.remsi %add3A_246, %rem3A_248 : vector<16xi32>
      %gather3A_250 = tpu.vector_load_idx %arg12[%rem3A_249] : memref<32xf32, #tpu.memory_space<vmem>>[vector<16xi32>], vector<16xf32>,
      %gather3A_251 = tpu.vector_load_idx %arg10[%add3A_51, %rem3A_249] : memref<256x32xf32, #tpu.memory_space<vmem>>[vector<16xi32>, vector<16xi32>], vector<16xf32>,
      %gather3A_252 = tpu.vector_load_idx %arg11[%add3A_51, %rem3A_249] : memref<256x32xf32, #tpu.memory_space<vmem>>[vector<16xi32>, vector<16xi32>], vector<16xf32>,
      %mul3A_253 = arith.mulf %gather3A_251, %gather3A_252 : vector<16xf32>
      %mul3A_254 = arith.mulf %mul3A_253, %gather3A_250 : vector<16xf32>
      %add3A_255 = arith.addf %add3A_243, %mul3A_254 : vector<16xf32>
      %add3A_256 = arith.constant 17 : i32
      %add3A_257 = vector.broadcast %add3A_256 : i32 to vector<16xi32>
      %add3A_258 = arith.addi %iota3A, %add3A_257 : vector<16xi32>
      %rem3A_259 = arith.constant 32 : i32
      %rem3A_260 = vector.broadcast %rem3A_259 : i32 to vector<16xi32>
      %rem3A_261 = arith.remsi %add3A_258, %rem3A_260 : vector<16xi32>
      %gather3A_262 = tpu.vector_load_idx %arg12[%rem3A_261] : memref<32xf32, #tpu.memory_space<vmem>>[vector<16xi32>], vector<16xf32>,
      %gather3A_263 = tpu.vector_load_idx %arg10[%add3A_51, %rem3A_261] : memref<256x32xf32, #tpu.memory_space<vmem>>[vector<16xi32>, vector<16xi32>], vector<16xf32>,
      %gather3A_264 = tpu.vector_load_idx %arg11[%add3A_51, %rem3A_261] : memref<256x32xf32, #tpu.memory_space<vmem>>[vector<16xi32>, vector<16xi32>], vector<16xf32>,
      %mul3A_265 = arith.mulf %gather3A_263, %gather3A_264 : vector<16xf32>
      %mul3A_266 = arith.mulf %mul3A_265, %gather3A_262 : vector<16xf32>
      %add3A_267 = arith.addf %add3A_255, %mul3A_266 : vector<16xf32>
      %add3A_268 = arith.constant 18 : i32
      %add3A_269 = vector.broadcast %add3A_268 : i32 to vector<16xi32>
      %add3A_270 = arith.addi %iota3A, %add3A_269 : vector<16xi32>
      %rem3A_271 = arith.constant 32 : i32
      %rem3A_272 = vector.broadcast %rem3A_271 : i32 to vector<16xi32>
      %rem3A_273 = arith.remsi %add3A_270, %rem3A_272 : vector<16xi32>
      %gather3A_274 = tpu.vector_load_idx %arg12[%rem3A_273] : memref<32xf32, #tpu.memory_space<vmem>>[vector<16xi32>], vector<16xf32>,
      %gather3A_275 = tpu.vector_load_idx %arg10[%add3A_51, %rem3A_273] : memref<256x32xf32, #tpu.memory_space<vmem>>[vector<16xi32>, vector<16xi32>], vector<16xf32>,
      %gather3A_276 = tpu.vector_load_idx %arg11[%add3A_51, %rem3A_273] : memref<256x32xf32, #tpu.memory_space<vmem>>[vector<16xi32>, vector<16xi32>], vector<16xf32>,
      %mul3A_277 = arith.mulf %gather3A_275, %gather3A_276 : vector<16xf32>
      %mul3A_278 = arith.mulf %mul3A_277, %gather3A_274 : vector<16xf32>
      %add3A_279 = arith.addf %add3A_267, %mul3A_278 : vector<16xf32>
      %add3A_280 = arith.constant 19 : i32
      %add3A_281 = vector.broadcast %add3A_280 : i32 to vector<16xi32>
      %add3A_282 = arith.addi %iota3A, %add3A_281 : vector<16xi32>
      %rem3A_283 = arith.constant 32 : i32
      %rem3A_284 = vector.broadcast %rem3A_283 : i32 to vector<16xi32>
      %rem3A_285 = arith.remsi %add3A_282, %rem3A_284 : vector<16xi32>
      %gather3A_286 = tpu.vector_load_idx %arg12[%rem3A_285] : memref<32xf32, #tpu.memory_space<vmem>>[vector<16xi32>], vector<16xf32>,
      %gather3A_287 = tpu.vector_load_idx %arg10[%add3A_51, %rem3A_285] : memref<256x32xf32, #tpu.memory_space<vmem>>[vector<16xi32>, vector<16xi32>], vector<16xf32>,
      %gather3A_288 = tpu.vector_load_idx %arg11[%add3A_51, %rem3A_285] : memref<256x32xf32, #tpu.memory_space<vmem>>[vector<16xi32>, vector<16xi32>], vector<16xf32>,
      %mul3A_289 = arith.mulf %gather3A_287, %gather3A_288 : vector<16xf32>
      %mul3A_290 = arith.mulf %mul3A_289, %gather3A_286 : vector<16xf32>
      %add3A_291 = arith.addf %add3A_279, %mul3A_290 : vector<16xf32>
      %add3A_292 = arith.constant 20 : i32
      %add3A_293 = vector.broadcast %add3A_292 : i32 to vector<16xi32>
      %add3A_294 = arith.addi %iota3A, %add3A_293 : vector<16xi32>
      %rem3A_295 = arith.constant 32 : i32
      %rem3A_296 = vector.broadcast %rem3A_295 : i32 to vector<16xi32>
      %rem3A_297 = arith.remsi %add3A_294, %rem3A_296 : vector<16xi32>
      %gather3A_298 = tpu.vector_load_idx %arg12[%rem3A_297] : memref<32xf32, #tpu.memory_space<vmem>>[vector<16xi32>], vector<16xf32>,
      %gather3A_299 = tpu.vector_load_idx %arg10[%add3A_51, %rem3A_297] : memref<256x32xf32, #tpu.memory_space<vmem>>[vector<16xi32>, vector<16xi32>], vector<16xf32>,
      %gather3A_300 = tpu.vector_load_idx %arg11[%add3A_51, %rem3A_297] : memref<256x32xf32, #tpu.memory_space<vmem>>[vector<16xi32>, vector<16xi32>], vector<16xf32>,
      %mul3A_301 = arith.mulf %gather3A_299, %gather3A_300 : vector<16xf32>
      %mul3A_302 = arith.mulf %mul3A_301, %gather3A_298 : vector<16xf32>
      %add3A_303 = arith.addf %add3A_291, %mul3A_302 : vector<16xf32>
      %add3A_304 = arith.constant 21 : i32
      %add3A_305 = vector.broadcast %add3A_304 : i32 to vector<16xi32>
      %add3A_306 = arith.addi %iota3A, %add3A_305 : vector<16xi32>
      %rem3A_307 = arith.constant 32 : i32
      %rem3A_308 = vector.broadcast %rem3A_307 : i32 to vector<16xi32>
      %rem3A_309 = arith.remsi %add3A_306, %rem3A_308 : vector<16xi32>
      %gather3A_310 = tpu.vector_load_idx %arg12[%rem3A_309] : memref<32xf32, #tpu.memory_space<vmem>>[vector<16xi32>], vector<16xf32>,
      %gather3A_311 = tpu.vector_load_idx %arg10[%add3A_51, %rem3A_309] : memref<256x32xf32, #tpu.memory_space<vmem>>[vector<16xi32>, vector<16xi32>], vector<16xf32>,
      %gather3A_312 = tpu.vector_load_idx %arg11[%add3A_51, %rem3A_309] : memref<256x32xf32, #tpu.memory_space<vmem>>[vector<16xi32>, vector<16xi32>], vector<16xf32>,
      %mul3A_313 = arith.mulf %gather3A_311, %gather3A_312 : vector<16xf32>
      %mul3A_314 = arith.mulf %mul3A_313, %gather3A_310 : vector<16xf32>
      %add3A_315 = arith.addf %add3A_303, %mul3A_314 : vector<16xf32>
      %add3A_316 = arith.constant 22 : i32
      %add3A_317 = vector.broadcast %add3A_316 : i32 to vector<16xi32>
      %add3A_318 = arith.addi %iota3A, %add3A_317 : vector<16xi32>
      %rem3A_319 = arith.constant 32 : i32
      %rem3A_320 = vector.broadcast %rem3A_319 : i32 to vector<16xi32>
      %rem3A_321 = arith.remsi %add3A_318, %rem3A_320 : vector<16xi32>
      %gather3A_322 = tpu.vector_load_idx %arg12[%rem3A_321] : memref<32xf32, #tpu.memory_space<vmem>>[vector<16xi32>], vector<16xf32>,
      %gather3A_323 = tpu.vector_load_idx %arg10[%add3A_51, %rem3A_321] : memref<256x32xf32, #tpu.memory_space<vmem>>[vector<16xi32>, vector<16xi32>], vector<16xf32>,
      %gather3A_324 = tpu.vector_load_idx %arg11[%add3A_51, %rem3A_321] : memref<256x32xf32, #tpu.memory_space<vmem>>[vector<16xi32>, vector<16xi32>], vector<16xf32>,
      %mul3A_325 = arith.mulf %gather3A_323, %gather3A_324 : vector<16xf32>
      %mul3A_326 = arith.mulf %mul3A_325, %gather3A_322 : vector<16xf32>
      %add3A_327 = arith.addf %add3A_315, %mul3A_326 : vector<16xf32>
      %add3A_328 = arith.constant 23 : i32
      %add3A_329 = vector.broadcast %add3A_328 : i32 to vector<16xi32>
      %add3A_330 = arith.addi %iota3A, %add3A_329 : vector<16xi32>
      %rem3A_331 = arith.constant 32 : i32
      %rem3A_332 = vector.broadcast %rem3A_331 : i32 to vector<16xi32>
      %rem3A_333 = arith.remsi %add3A_330, %rem3A_332 : vector<16xi32>
      %gather3A_334 = tpu.vector_load_idx %arg12[%rem3A_333] : memref<32xf32, #tpu.memory_space<vmem>>[vector<16xi32>], vector<16xf32>,
      %gather3A_335 = tpu.vector_load_idx %arg10[%add3A_51, %rem3A_333] : memref<256x32xf32, #tpu.memory_space<vmem>>[vector<16xi32>, vector<16xi32>], vector<16xf32>,
      %gather3A_336 = tpu.vector_load_idx %arg11[%add3A_51, %rem3A_333] : memref<256x32xf32, #tpu.memory_space<vmem>>[vector<16xi32>, vector<16xi32>], vector<16xf32>,
      %mul3A_337 = arith.mulf %gather3A_335, %gather3A_336 : vector<16xf32>
      %mul3A_338 = arith.mulf %mul3A_337, %gather3A_334 : vector<16xf32>
      %add3A_339 = arith.addf %add3A_327, %mul3A_338 : vector<16xf32>
      %add3A_340 = arith.constant 24 : i32
      %add3A_341 = vector.broadcast %add3A_340 : i32 to vector<16xi32>
      %add3A_342 = arith.addi %iota3A, %add3A_341 : vector<16xi32>
      %rem3A_343 = arith.constant 32 : i32
      %rem3A_344 = vector.broadcast %rem3A_343 : i32 to vector<16xi32>
      %rem3A_345 = arith.remsi %add3A_342, %rem3A_344 : vector<16xi32>
      %gather3A_346 = tpu.vector_load_idx %arg12[%rem3A_345] : memref<32xf32, #tpu.memory_space<vmem>>[vector<16xi32>], vector<16xf32>,
      %gather3A_347 = tpu.vector_load_idx %arg10[%add3A_51, %rem3A_345] : memref<256x32xf32, #tpu.memory_space<vmem>>[vector<16xi32>, vector<16xi32>], vector<16xf32>,
      %gather3A_348 = tpu.vector_load_idx %arg11[%add3A_51, %rem3A_345] : memref<256x32xf32, #tpu.memory_space<vmem>>[vector<16xi32>, vector<16xi32>], vector<16xf32>,
      %mul3A_349 = arith.mulf %gather3A_347, %gather3A_348 : vector<16xf32>
      %mul3A_350 = arith.mulf %mul3A_349, %gather3A_346 : vector<16xf32>
      %add3A_351 = arith.addf %add3A_339, %mul3A_350 : vector<16xf32>
      %add3A_352 = arith.constant 25 : i32
      %add3A_353 = vector.broadcast %add3A_352 : i32 to vector<16xi32>
      %add3A_354 = arith.addi %iota3A, %add3A_353 : vector<16xi32>
      %rem3A_355 = arith.constant 32 : i32
      %rem3A_356 = vector.broadcast %rem3A_355 : i32 to vector<16xi32>
      %rem3A_357 = arith.remsi %add3A_354, %rem3A_356 : vector<16xi32>
      %gather3A_358 = tpu.vector_load_idx %arg12[%rem3A_357] : memref<32xf32, #tpu.memory_space<vmem>>[vector<16xi32>], vector<16xf32>,
      %gather3A_359 = tpu.vector_load_idx %arg10[%add3A_51, %rem3A_357] : memref<256x32xf32, #tpu.memory_space<vmem>>[vector<16xi32>, vector<16xi32>], vector<16xf32>,
      %gather3A_360 = tpu.vector_load_idx %arg11[%add3A_51, %rem3A_357] : memref<256x32xf32, #tpu.memory_space<vmem>>[vector<16xi32>, vector<16xi32>], vector<16xf32>,
      %mul3A_361 = arith.mulf %gather3A_359, %gather3A_360 : vector<16xf32>
      %mul3A_362 = arith.mulf %mul3A_361, %gather3A_358 : vector<16xf32>
      %add3A_363 = arith.addf %add3A_351, %mul3A_362 : vector<16xf32>
      %add3A_364 = arith.constant 26 : i32
      %add3A_365 = vector.broadcast %add3A_364 : i32 to vector<16xi32>
      %add3A_366 = arith.addi %iota3A, %add3A_365 : vector<16xi32>
      %rem3A_367 = arith.constant 32 : i32
      %rem3A_368 = vector.broadcast %rem3A_367 : i32 to vector<16xi32>
      %rem3A_369 = arith.remsi %add3A_366, %rem3A_368 : vector<16xi32>
      %gather3A_370 = tpu.vector_load_idx %arg12[%rem3A_369] : memref<32xf32, #tpu.memory_space<vmem>>[vector<16xi32>], vector<16xf32>,
      %gather3A_371 = tpu.vector_load_idx %arg10[%add3A_51, %rem3A_369] : memref<256x32xf32, #tpu.memory_space<vmem>>[vector<16xi32>, vector<16xi32>], vector<16xf32>,
      %gather3A_372 = tpu.vector_load_idx %arg11[%add3A_51, %rem3A_369] : memref<256x32xf32, #tpu.memory_space<vmem>>[vector<16xi32>, vector<16xi32>], vector<16xf32>,
      %mul3A_373 = arith.mulf %gather3A_371, %gather3A_372 : vector<16xf32>
      %mul3A_374 = arith.mulf %mul3A_373, %gather3A_370 : vector<16xf32>
      %add3A_375 = arith.addf %add3A_363, %mul3A_374 : vector<16xf32>
      %add3A_376 = arith.constant 27 : i32
      %add3A_377 = vector.broadcast %add3A_376 : i32 to vector<16xi32>
      %add3A_378 = arith.addi %iota3A, %add3A_377 : vector<16xi32>
      %rem3A_379 = arith.constant 32 : i32
      %rem3A_380 = vector.broadcast %rem3A_379 : i32 to vector<16xi32>
      %rem3A_381 = arith.remsi %add3A_378, %rem3A_380 : vector<16xi32>
      %gather3A_382 = tpu.vector_load_idx %arg12[%rem3A_381] : memref<32xf32, #tpu.memory_space<vmem>>[vector<16xi32>], vector<16xf32>,
      %gather3A_383 = tpu.vector_load_idx %arg10[%add3A_51, %rem3A_381] : memref<256x32xf32, #tpu.memory_space<vmem>>[vector<16xi32>, vector<16xi32>], vector<16xf32>,
      %gather3A_384 = tpu.vector_load_idx %arg11[%add3A_51, %rem3A_381] : memref<256x32xf32, #tpu.memory_space<vmem>>[vector<16xi32>, vector<16xi32>], vector<16xf32>,
      %mul3A_385 = arith.mulf %gather3A_383, %gather3A_384 : vector<16xf32>
      %mul3A_386 = arith.mulf %mul3A_385, %gather3A_382 : vector<16xf32>
      %add3A_387 = arith.addf %add3A_375, %mul3A_386 : vector<16xf32>
      %add3A_388 = arith.constant 28 : i32
      %add3A_389 = vector.broadcast %add3A_388 : i32 to vector<16xi32>
      %add3A_390 = arith.addi %iota3A, %add3A_389 : vector<16xi32>
      %rem3A_391 = arith.constant 32 : i32
      %rem3A_392 = vector.broadcast %rem3A_391 : i32 to vector<16xi32>
      %rem3A_393 = arith.remsi %add3A_390, %rem3A_392 : vector<16xi32>
      %gather3A_394 = tpu.vector_load_idx %arg12[%rem3A_393] : memref<32xf32, #tpu.memory_space<vmem>>[vector<16xi32>], vector<16xf32>,
      %gather3A_395 = tpu.vector_load_idx %arg10[%add3A_51, %rem3A_393] : memref<256x32xf32, #tpu.memory_space<vmem>>[vector<16xi32>, vector<16xi32>], vector<16xf32>,
      %gather3A_396 = tpu.vector_load_idx %arg11[%add3A_51, %rem3A_393] : memref<256x32xf32, #tpu.memory_space<vmem>>[vector<16xi32>, vector<16xi32>], vector<16xf32>,
      %mul3A_397 = arith.mulf %gather3A_395, %gather3A_396 : vector<16xf32>
      %mul3A_398 = arith.mulf %mul3A_397, %gather3A_394 : vector<16xf32>
      %add3A_399 = arith.addf %add3A_387, %mul3A_398 : vector<16xf32>
      %add3A_400 = arith.constant 29 : i32
      %add3A_401 = vector.broadcast %add3A_400 : i32 to vector<16xi32>
      %add3A_402 = arith.addi %iota3A, %add3A_401 : vector<16xi32>
      %rem3A_403 = arith.constant 32 : i32
      %rem3A_404 = vector.broadcast %rem3A_403 : i32 to vector<16xi32>
      %rem3A_405 = arith.remsi %add3A_402, %rem3A_404 : vector<16xi32>
      %gather3A_406 = tpu.vector_load_idx %arg12[%rem3A_405] : memref<32xf32, #tpu.memory_space<vmem>>[vector<16xi32>], vector<16xf32>,
      %gather3A_407 = tpu.vector_load_idx %arg10[%add3A_51, %rem3A_405] : memref<256x32xf32, #tpu.memory_space<vmem>>[vector<16xi32>, vector<16xi32>], vector<16xf32>,
      %gather3A_408 = tpu.vector_load_idx %arg11[%add3A_51, %rem3A_405] : memref<256x32xf32, #tpu.memory_space<vmem>>[vector<16xi32>, vector<16xi32>], vector<16xf32>,
      %mul3A_409 = arith.mulf %gather3A_407, %gather3A_408 : vector<16xf32>
      %mul3A_410 = arith.mulf %mul3A_409, %gather3A_406 : vector<16xf32>
      %add3A_411 = arith.addf %add3A_399, %mul3A_410 : vector<16xf32>
      %add3A_412 = arith.constant 30 : i32
      %add3A_413 = vector.broadcast %add3A_412 : i32 to vector<16xi32>
      %add3A_414 = arith.addi %iota3A, %add3A_413 : vector<16xi32>
      %rem3A_415 = arith.constant 32 : i32
      %rem3A_416 = vector.broadcast %rem3A_415 : i32 to vector<16xi32>
      %rem3A_417 = arith.remsi %add3A_414, %rem3A_416 : vector<16xi32>
      %gather3A_418 = tpu.vector_load_idx %arg12[%rem3A_417] : memref<32xf32, #tpu.memory_space<vmem>>[vector<16xi32>], vector<16xf32>,
      %gather3A_419 = tpu.vector_load_idx %arg10[%add3A_51, %rem3A_417] : memref<256x32xf32, #tpu.memory_space<vmem>>[vector<16xi32>, vector<16xi32>], vector<16xf32>,
      %gather3A_420 = tpu.vector_load_idx %arg11[%add3A_51, %rem3A_417] : memref<256x32xf32, #tpu.memory_space<vmem>>[vector<16xi32>, vector<16xi32>], vector<16xf32>,
      %mul3A_421 = arith.mulf %gather3A_419, %gather3A_420 : vector<16xf32>
      %mul3A_422 = arith.mulf %mul3A_421, %gather3A_418 : vector<16xf32>
      %add3A_423 = arith.addf %add3A_411, %mul3A_422 : vector<16xf32>
      %add3A_424 = arith.constant 31 : i32
      %add3A_425 = vector.broadcast %add3A_424 : i32 to vector<16xi32>
      %add3A_426 = arith.addi %iota3A, %add3A_425 : vector<16xi32>
      %rem3A_427 = arith.constant 32 : i32
      %rem3A_428 = vector.broadcast %rem3A_427 : i32 to vector<16xi32>
      %rem3A_429 = arith.remsi %add3A_426, %rem3A_428 : vector<16xi32>
      %gather3A_430 = tpu.vector_load_idx %arg12[%rem3A_429] : memref<32xf32, #tpu.memory_space<vmem>>[vector<16xi32>], vector<16xf32>,
      %gather3A_431 = tpu.vector_load_idx %arg10[%add3A_51, %rem3A_429] : memref<256x32xf32, #tpu.memory_space<vmem>>[vector<16xi32>, vector<16xi32>], vector<16xf32>,
      %gather3A_432 = tpu.vector_load_idx %arg11[%add3A_51, %rem3A_429] : memref<256x32xf32, #tpu.memory_space<vmem>>[vector<16xi32>, vector<16xi32>], vector<16xf32>,
      %mul3A_433 = arith.mulf %gather3A_431, %gather3A_432 : vector<16xf32>
      %mul3A_434 = arith.mulf %mul3A_433, %gather3A_430 : vector<16xf32>
      %add3A_435 = arith.addf %add3A_423, %mul3A_434 : vector<16xf32>
      %add3A_436 = arith.constant 256 : i32
      %add3A_437 = arith.addi %add3A_436, %add3A_49 : i32
      %swap3A = arith.index_cast %add3A_437 : i32 to index
      %swap3A_438 = tpu.vector_load %arg13[%swap3A] {strides = array<i32>} : memref<512xf32, #tpu.memory_space<vmem>>, vector<16xf32>,
      tpu.vector_store %arg13[%swap3A], %add3A_435 {strides = array<i32>} : memref<512xf32, #tpu.memory_space<vmem>>, vector<16xf32>,
    }
    %scan3A_44 = arith.constant 16 : i32
    "tpu.region"() ({
      %run_scoped3A = tpu.sem_alloc : memref<!tpu.dma_semaphore, #tpu.memory_space<semaphore_mem>>
      %dma_start3A_45 = tpu.memref_slice %arg7[%mul3A_2] : memref<16384xf32, #tpu.memory_space<hbm>> -> memref<512xf32, #tpu.memory_space<hbm>>
      %dma_start3A_46 = tpu.memref_slice %arg7[%mul3A_2] : memref<16384xf32, #tpu.memory_space<hbm>> -> memref<512xf32, #tpu.memory_space<hbm>>
      tpu.enqueue_dma source(%arg13 : memref<512xf32, #tpu.memory_space<vmem>>) target(%dma_start3A_46 : memref<512xf32, #tpu.memory_space<hbm>>) target_semaphore(%run_scoped3A : memref<!tpu.dma_semaphore, #tpu.memory_space<semaphore_mem>>)
      %dma_wait3A_47 = tpu.memref_slice %arg7[%mul3A_2] : memref<16384xf32, #tpu.memory_space<hbm>> -> memref<512xf32, #tpu.memory_space<hbm>>
      %dma_wait3A_48 = tpu.memref_slice %arg7[%mul3A_2] : memref<16384xf32, #tpu.memory_space<hbm>> -> memref<512xf32, #tpu.memory_space<hbm>>
      tpu.wait_dma2 semaphore(%run_scoped3A : memref<!tpu.dma_semaphore, #tpu.memory_space<semaphore_mem>>) src(%arg13 : memref<512xf32, #tpu.memory_space<vmem>>) dst(%dma_wait3A_48 : memref<512xf32, #tpu.memory_space<hbm>>)
      tpu.yield
    }) : () -> ()
    return
  }
}

</mosaic_0001>

<sc_bundles>
// kernel: kernel.3.cloned.1.call-start
scs
__scs_entry_jumppad:
0x0: {  	(pc) =	sbr.rel $0x88, $3  }
0x1: {  	(tag) =	ssettag $0x0;
	lr =	simm.s32 $0x1  }
0x2: {  	[smem:$0x3F9B] =	sst lr;
	_ =	strace $0xD0000000  }
0x3: {  	_ = 	snop  }
0x4: {  	_ = 	snop  }
0x5: {  	_ = 	snop  }
0x6: {  	_ = 	snop  }
0x7: {  	_ = 	snop  }
__scs_overlays_trampoline_lowered:
0x8: {  	[smem:$0x3FAA] =	sst s0  }
0x9: {  	[smem:$0x3FAB] =	sst s1  }
0xa: {  	[smem:$0x3FAC] =	sst s2  }
0xb: {  	[smem:$0x3FAD] =	sst s3  }
0xc: {  	[smem:$0x3FAE] =	sst s4  }
0xd: {  	[smem:$0x3FAF] =	sst s5  }
0xe: {  	[smem:$0x3FB0] =	sst s6  }
0xf: {  	[smem:$0x3FB1] =	sst s7  }
0x10: {  	[smem:$0x3FB2] =	sst s8  }
0x11: {  	[smem:$0x3FB3] =	sst s9;
	s0 =	simm.s32 @!p0 $0x0  }
0x12: {  	s1 =	sld [smem:$0x3F99];
	s0 =	simm.s32 @p0 $0x1  }
0x13: {  	[smem:$0x3FB4] =	sst s0;
	s0 =	simm.s32 @!p1 $0x0  }
0x14: {  	s2 =	sld [smem:$0x3F98];
	s0 =	simm.s32 @p1 $0x1  }
0x15: {  	[smem:$0x3FB5] =	sst s0;
	s0 =	simm.s32 @!p2 $0x0  }
0x16: {  	s3 =	sld [smem:$0x3FDB];
	s0 =	simm.s32 @p2 $0x1  }
0x17: {  	s4 =	simm.s32 $0x1BF5;
	[smem:$0x3FB7] =	sst s0  }
0x18: {  	s0 =	sld [smem:$0x3F9A];
	_ =	swait.ge [sflag:s4], $0x0  }
0x19: {  	s7 =	sld [smem:$0x3F9B]  }
0x1a: {  	s8 =	sadd.s32 $0xFFFFE003, lr  }
0x1b: {  	s9 =	sadd.s32 $0xFFFFFEF7, lr;
	s5 =	simm.s32 $0xFFFFFFFF;
	p2 =	slt.u32 s8, $0xFFFFF086  }
0x1c: {  	p1 =	slt.u32 s9, $0xF7A;
	s5 =	simm.s32 @!p2 $0x0  }
0x1d: {  	s5 =	simm.s32 @p1 $0x1;
	p0 =	seq.s32 s7, s2  }
0x1e: {  	s7 =	smul.u32 @!p0 $0xF7A, s2;
	p2 =	seq.s32 @!p0 s5, $0x0  }
0x1f: {  	s9 =	smul.u32 $0xF7A, s1;
	s8 =	simm.s32 @!p0 $0x1BF5;
	p2 =	por !p2, p0  }
0x20: {  	[sflag:s8] =	ssyncset.s32 @!p0 $0xFFFFF086;
	s6 =	sadd.s32 @!p0 s3, s7;
	s7 =	simm.s32 @!p0 $0x108  }
0x21: {  	s3 =	sadd.s32 s3, s9;
	s6 =	sadd.s32 @!p0 $0x88, s6;
	s7 =	simm.s32 @p2 $0x1082  }
0x22: {  	[simem:s7], [sflag:s8] =	dma.local @!p0 [hbm:s6], $0xF7A  }
0x23: {  	s9 =	sor.u32 $0xD0000000, s2;
	s6 =	simm.s32 $0x108;
	_ =	swait.ge @!p0 [sflag:s8], $0x0  }
0x24: {  	s3 =	sadd.s32 $0x88, s3;
	s6 =	simm.s32 @!p1 $0x1082;
	[sflag:s4] =	ssyncset.s32 $0xFFFFF086  }
0x25: {  	[simem:s6], [sflag:s4] =	dma.local [hbm:s3], $0xF7A  }
0x26: {  	[smem:$0x3F9B] =	sst s1;
	(tag) =	ssettag s2;
	_ =	strace s9  }
0x27: {  	s1 =	sld [smem:$0x3FAB]  }
0x28: {  	s2 =	sld [smem:$0x3FAC]  }
0x29: {  	s4 =	sld [smem:$0x3FAE]  }
0x2a: {  	p0 =	seq.s32 s5, $0x0;
	s5 =	sld [smem:$0x3FAF]  }
0x2b: {  	s6 =	sld [smem:$0x3FB0]  }
0x2c: {  	s7 =	sld [smem:$0x3FB1]  }
0x2d: {  	s3 =	simm.s32 $0x108;
	s8 =	sld [smem:$0x3FB2]  }
0x2e: {  	s3 =	simm.s32 @!p0 $0x1082;
	s9 =	sld [smem:$0x3FB3]  }
0x2f: {  	lr =	sadd.s32 s0, s3;
	s0 =	sld [smem:$0x3FAA]  }
0x30: {  	s3 =	sld [smem:$0x3FAD]  }
0x31: {  	[smem:$0x3FB6] =	sst s10  }
0x32: {  	s10 =	sld [smem:$0x3FB4];
	_ =	sdelay $0x3  }
0x33: {  	p0 =	seq.s32 s10, $0x1;
	s10 =	sld [smem:$0x3FB6];
	_ =	sdelay $0x3  }
0x34: {  	[smem:$0x3FB6] =	sst s10  }
0x35: {  	s10 =	sld [smem:$0x3FB5];
	_ =	sdelay $0x3  }
0x36: {  	p1 =	seq.s32 s10, $0x1;
	s10 =	sld [smem:$0x3FB6];
	_ =	sdelay $0x3  }
0x37: {  	[smem:$0x3FB6] =	sst s10  }
0x38: {  	s10 =	sld [smem:$0x3FB7]  }
0x39: {  	_ = 	snop;
	(pc) =	sbr.ind lr, $3  }
0x3a: {  	_ = 	snop  }
0x3b: {  	_ = 	snop  }
0x3c: {  	p2 =	seq.s32 s10, $0x1;
	s10 =	sld [smem:$0x3FB6]  }
0x3d: {  	_ =	shalt  }
0x3e: {  	_ =	shalt  }
0x3f: {  	_ =	shalt  }
0x40: {  	_ =	shalt  }
0x41: {  	_ =	shalt  }
0x42: {  	_ =	shalt  }
0x43: {  	_ =	shalt  }
0x44: {  	_ =	shalt  }
0x45: {  	_ =	shalt  }
0x46: {  	_ =	shalt  }
0x47: {  	_ =	shalt  }
0x48: {  	_ =	shalt  }
0x49: {  	_ =	shalt  }
0x4a: {  	_ =	shalt  }
0x4b: {  	_ =	shalt  }
0x4c: {  	_ =	shalt  }
0x4d: {  	_ =	shalt  }
0x4e: {  	_ =	shalt  }
0x4f: {  	_ =	shalt  }
0x50: {  	_ =	shalt  }
0x51: {  	_ =	shalt  }
0x52: {  	_ =	shalt  }
0x53: {  	_ =	shalt  }
0x54: {  	_ =	shalt  }
0x55: {  	_ =	shalt  }
0x56: {  	_ =	shalt  }
0x57: {  	_ =	shalt  }
0x58: {  	_ =	shalt  }
0x59: {  	_ =	shalt  }
0x5a: {  	_ =	shalt  }
0x5b: {  	_ =	shalt  }
0x5c: {  	_ =	shalt  }
0x5d: {  	_ =	shalt  }
0x5e: {  	_ =	shalt  }
0x5f: {  	_ =	shalt  }
0x60: {  	_ =	shalt  }
0x61: {  	_ =	shalt  }
0x62: {  	_ =	shalt  }
0x63: {  	_ =	shalt  }
0x64: {  	_ =	shalt  }
0x65: {  	_ =	shalt  }
0x66: {  	_ =	shalt  }
0x67: {  	_ =	shalt  }
0x68: {  	_ =	shalt  }
0x69: {  	_ =	shalt  }
0x6a: {  	_ =	shalt  }
0x6b: {  	_ =	shalt  }
0x6c: {  	_ =	shalt  }
0x6d: {  	_ =	shalt  }
0x6e: {  	_ =	shalt  }
0x6f: {  	_ =	shalt  }
0x70: {  	_ =	shalt  }
0x71: {  	_ =	shalt  }
0x72: {  	_ =	shalt  }
0x73: {  	_ =	shalt  }
0x74: {  	_ =	shalt  }
0x75: {  	_ =	shalt  }
0x76: {  	_ =	shalt  }
0x77: {  	_ =	shalt  }
0x78: {  	_ =	shalt  }
0x79: {  	_ =	shalt  }
0x7a: {  	_ =	shalt  }
0x7b: {  	_ =	shalt  }
0x7c: {  	_ =	shalt  }
0x7d: {  	_ =	shalt  }
0x7e: {  	_ =	shalt  }
0x7f: {  	_ =	shalt  }
0x80: {  	_ =	shalt  }
0x81: {  	_ =	shalt  }
0x82: {  	_ =	shalt  }
0x83: {  	_ =	shalt  }
0x84: {  	_ =	shalt  }
0x85: {  	_ =	shalt  }
0x86: {  	_ =	shalt  }
0x87: {  	_ =	shalt  }
.Lfunc_end0:
.L_simem_size_0:
called_computation_lowered:
.L_overlay_start_0:
0x88: {  	s2 =	sld [smem:$0x3FD9]  }
0x89: {  	s3 =	sld [smem:$0x3FFE];
	_ =	sdelay $0x1  }
0x8a: {  	s1 =	srdreg.scid  }
0x8b: {  	s0 =	sand.u32 $0x1, s1  }
0x8c: {  	s17 =	sshll.u32 s0, $0xA;
	s2 =	sadd.s32 s3, s2  }
0x8d: {  	s2 =	sadd.s32 s2, s17  }
0x8e: {  	[smem:$0x3FC2] =	sst s2  }
0x8f: {  	_ = 	snop  }
0x90: {  	s2 =	sld [smem:$0x3FC9]  }
0x91: {  	s18 =	sld [smem:$0x3FC8]  }
0x92: {  	s4 =	sld [smem:$0x3FC5]  }
0x93: {  	s5 =	sld [smem:$0x3FD0];
	(tm) =	ssettm $0x1  }
0x94: {  	s6 =	sld [smem:$0x3FFB];
	_ =	sdelay $0x3  }
0x95: {  	_ =	strace s6  }
0x96: {  	s6 =	sld [smem:$0x3FFC];
	_ =	sdelay $0x3  }
0x97: {  	_ =	strace s6  }
0x98: {  	s6 =	sld [smem:$0x3FFD];
	_ =	sdelay $0x3  }
0x99: {  	_ =	strace s6  }
0x9a: {  	_ =	strace $0x8FFFFFFF  }
0x9b: {  	s19 =	sld [smem:$0x3FDB];
	_ =	sdelay $0x1  }
0x9c: {  	s7 =	simm.s32 $_scs_section_size  }
0x9d: {  	s8 =	simm.s32 $_size__tile_overlayer_lowered;
	s9 =	simm.s32 $_tile_overlayer_lowered  }
0x9e: {  	s22 =	simm.s32 $0x1BFF;
	s21 =	sshll.u32 s9, $0x1;
	s6 =	sadd.s32 s7, s19  }
0x9f: {  	s10 =	simm.s32 $0x0;
	s20 =	sshll.u32 s8, $0x1;
	s8 =	sadd.s32 s21, s6  }
0xa0: {  	[timem:s10], [sflag:s22] =	dma.local [hbm:s8], s20  }
0xa1: {  	_ =	swait.ge [sflag:s22], s20  }
0xa2: {  	s7 =	ssub.s32 $0x0, s20;
	[sflag:s22] =	ssyncset.done $0x0  }
0xa3: {  	[sflag:s22] =	ssyncadd.s32 s7;
	_ =	sdelay $0x1  }
0xa4: {  	s23 =	simm.s32 $0x1B8B  }
0xa5: {  	_ =	swait.ge [sflag:s23], $0x1  }
0xa6: {  	[sflag:s23] =	ssyncset.done $0x0  }
0xa7: {  	s25 =	simm.s32 $0x1B8E;
	s24 =	sld [smem:$0x3FFE];
	[sflag:s23] =	ssyncadd.s32 $0xFFFFFFFF  }
0xa8: {  	s26 =	simm.s32 $execute0_lowered;
	[smem:$0x3FD2] =	sst s25  }
0xa9: {  	s8 =	sshll.u32 s26, $0x1;
	_ =	strace $0x80000046;
	[dreg:$0x1] =	wrdreg $0xFFFFFFFF  }
0xaa: {  	s28 =	simm.s32 $_size_execute0_lowered;
	s6 =	sadd.s32 s6, s8;
	[dreg:$0x0] =	wrdreg $0x0  }
0xab: {  	s8 =	sshll.u32 s28, $0x1;
	[dreg:$0x2] =	wrdreg s6  }
0xac: {  	[dreg:$0x3] =	wrdreg s8  }
0xad: {  	[dreg:$0x4] =	wrdreg $0xC0  }
0xae: {  	_ =	task [dreg:s10], $0x5FFFF  }
0xaf: {  	[dreg:$0x1] =	wrdreg $0xFFFFFFFF  }
0xb0: {  	[dreg:$0x0] =	wrdreg $0x60  }
0xb1: {  	[dreg:$0x2] =	wrdreg s2  }
0xb2: {  	[dreg:$0x3] =	wrdreg s18  }
0xb3: {  	[dreg:$0x4] =	wrdreg s24  }
0xb4: {  	[dreg:$0x5] =	wrdreg s4  }
0xb5: {  	[dreg:$0x6] =	wrdreg s5  }
0xb6: {  	[dreg:$0x7] =	wrdreg $0x9  }
0xb7: {  	_ =	task.clear_ibuf [dreg:s10], $0x8FFFF;
	_ =	strace $0x90000046  }
0xb8: {  	s29 =	simm.s32 $0x9;
	_ =	strace $0x80000048  }
0xb9: {  	_ =	swait.ge [sflag:s29], $0x1  }
0xba: {  	[sflag:s29] =	ssyncadd.s32 $0xFFFFFFFF  }
0xbb: {  	_ =	strace $0x90000048  }
0xbc: {  	_ =	sfence  }
0xbd: {  	s30 =	sld [smem:$0x0];
	_ =	sdelay $0x2  }
0xbe: {  	s31 =	sshll.u32 s1, $0xD;
	s1 =	sshrl.u32 s1, $0x2  }
0xbf: {  	s3 =	sand.u32 $0x4000, s31;
	s1 =	sadd.s32 s1, s30  }
0xc0: {  	s0 =	sor.u32 s3, s0;
	s1 =	sshll.u32 s1, $0x11  }
0xc1: {  	s0 =	sor.u32 s1, s0  }
0xc2: {  	s0 =	sadd.s32 $0x8F2B, s0  }
0xc3: {  	[sflag:s0] =	ssyncadd.remote.s32 $0x1  }
0xc4: {  	_ =	sfence.sel $0xFFFF  }
0xc5: {  	[dreg:$0x0] =	wrdreg $0xFFFFFFFF;
	(pc) =	sbr.abs _section_cstart, $3  }
0xc6: {  	[dreg:$0x1] =	wrdreg $0xFFFFFFFF  }
0xc7: {  	_ =	task.clear_ibuf [dreg:s10], $0x2FFFF;
	_ =	strace $0x9FFFFFFF  }
0xc8: {  	(tm) =	ssettm $0x7FFFFFFF  }
0xc9: {  	_ =	shalt  }
tec
execute0_lowered:
.L_overlay_start_1:
0x0: {  	(tag) =	ssettag $0x1  }
0x1: {  	v0 =	vlaneseq.u32;
	v13 =	vimm.s32 $0x14131211  }
0x2: {  	v14 =	vimm.s32 $0x18171615;
	v49 =	vimm.s32 $0x1F1E1D;
	v15 =	vimm.s32 $0x32107654  }
0x3: {  	v16 =	vimm.s32 $0x1001F1E;
	v17 =	vimm.s32 $0x201001F;
	v50 =	vimm.s32 $0x1F1E1D1C  }
0x4: {  	v19 =	vimm.s32 $0x54329876;
	v20 =	vimm.s32 $0x6543A987;
	vm15 =	vcmask $0x2F10  }
0x5: {  	v23 =	vimm.s32 $0xE0D0C0B;
	v26 =	vimm.s32 $0x15141312;
	v31 =	vmul.u32 $0x80, v0  }
0x6: {  	v1 =	vadd.s32 $0x1, v0;
	v2 =	vadd.s32 $0x2, v0;
	v3 =	vadd.s32 $0x3, v0  }
0x7: {  	v4 =	vadd.s32 $0x4, v0;
	v5 =	vadd.s32 $0x5, v0;
	v32 =	vadd.s32 $0x6, v0  }
0x8: {  	v40 =	vadd.s32 $0x7, v0;
	v6 =	vadd.s32 $0x8, v0;
	v46 =	vadd.s32 $0x9, v0  }
0x9: {  	v43 =	vadd.s32 $0xA, v0;
	v47 =	vadd.s32 $0xB, v0;
	v13 =	vunpack.c.0.s8.s32 v13  }
0xa: {  	v7 =	vunpack.c.0.s8.s32 v14;
	v15 =	vunpack.c.l.s4.s8 v15;
	v8 =	vunpack.c.0.s8.s32 v49  }
0xb: {  	v9 =	vunpack.c.0.s8.s32 v16;
	v10 =	vunpack.c.0.s8.s32 v17;
	v17 =	vimm.s32 $0x43218765  }
0xc: {  	v11 =	vunpack.c.0.s8.s32 v50;
	v51 =	vunpack.c.l.s4.s8 v19;
	v18 =	vunpack.c.l.s4.s8 v17  }
0xd: {  	v19 =	vunpack.c.l.s4.s8 v20;
	v20 =	vimm.s32 $0xB0A0908;
	v15 =	vunpack.c.0.s8.s32 v15  }
0xe: {  	v23 =	vunpack.c.0.s8.s32 v23;
	v14 =	vunpack.c.0.s8.s32 v51;
	v18 =	vunpack.c.0.s8.s32 v18  }
0xf: {  	v20 =	vunpack.c.0.s8.s32 v20;
	v19 =	vunpack.c.0.s8.s32 v19;
	v15 =	vand.u32 $0xF, v15  }
0x10: {  	v14 =	vand.u32 $0xF, v14;
	v15 =	vsel vm15, v15, v11;
	v18 =	vand.u32 $0xF, v18  }
0x11: {  	v21 =	vsel vm15, v18, v8;
	v18 =	vand.u32 $0xF, v19;
	v19 =	vimm.s32 $0xD0C0B0A  }
0x12: {  	v22 =	vsel vm15, v18, v10;
	v18 =	vimm.s32 $0xC0B0A09;
	v25 =	vunpack.c.0.s8.s32 v19  }
0x13: {  	v14 =	vsel vm15, v14, v9;
	vm15 =	vcmask $0x3F30;
	v24 =	vunpack.c.0.s8.s32 v18  }
0x14: {  	v0 =	vadd.s32 $0xC, v0;
	[tilespmem:$0x1FDF0] =	vst v6;
	v51 =	vsel vm15, v20, v15;
	v17 =	vsel vm15, v25, v14  }
0x15: {  	[tilespmem:$0x1FE10] =	vst v0;
	v20 =	vmovc v3;
	v18 =	vmovc v1;
	v3 =	vsel vm15, v24, v21;
	v1 =	vsel vm15, v23, v22;
	vm15 =	vcmask $0x1F10  }
0x16: {  	v27 =	vimm.s32 $0x19181716;
	v53 =	vimm.s32 $0x1C1B1A19;
	[tilespmem:$0x1FE00] =	vst v1;
	v0 =	vsel vm15, v7, v13  }
0x17: {  	v52 =	vunpack.c.0.s8.s32 v26;
	v1 =	vunpack.c.0.s8.s32 v27;
	[tilespmem:$0x1FE30] =	vst v0;
	v0 =	vunpack.c.0.s8.s32 v53  }
0x18: {  	[tilespmem:$0x1FE20] =	vst v7  }
0x19: {  	v54 =	vimm.s32 $0x1D1C1B1A;
	[tilespmem:$0x1FE40] =	vst v0;
	v0 =	vsel vm15, v1, v52  }
0x1a: {  	[tilespmem:$0x1FE60] =	vst v0;
	v0 =	vunpack.c.0.s8.s32 v54  }
0x1b: {  	v55 =	vimm.s32 $0x16151413;
	v56 =	vimm.s32 $0x1A191817;
	[tilespmem:$0x1FEB0] =	vst v11  }
0x1c: {  	v13 =	vunpack.c.0.s8.s32 v55;
	[tilespmem:$0x1FE70] =	vst v0;
	v0 =	vunpack.c.0.s8.s32 v56  }
0x1d: {  	v22 =	vimm.s32 $0x1B1A1918;
	[tilespmem:$0x1FE50] =	vst v1  }
0x1e: {  	s0 =	rddreg [dreg:$0x0];
	v58 =	vimm.s32 $0x1E1D1C1B;
	v1 =	vunpack.c.0.s8.s32 v22;
	[tilespmem:$0x1FE80] =	vst v0;
	v0 =	vsel vm15, v0, v13  }
0x1f: {  	s1 =	rddreg [dreg:$0x1];
	[tilespmem:$0x1FE90] =	vst v0;
	v0 =	vunpack.c.0.s8.s32 v58  }
0x20: {  	s3 =	rddreg [dreg:$0x2];
	s2 =	simm.s32 $0x0;
	[tilespmem:$0x1FEC0] =	vst v1  }
0x21: {  	[smem:$0x7FF] =	sst s2;
	[tilespmem:$0x1FEA0] =	vst v0  }
0x22: {  	s6 =	rddreg [dreg:$0x4];
	_ =	strace $0x80000047;
	[tilespmem:$0x1FEE0] =	vst v8  }
0x23: {  	[tilespmem:$0x1FF00] =	vst v9  }
0x24: {  	[tilespmem:$0x1FF20] =	vst v10  }
0x25: {  	vm1 =	vcmask $0x308;
	vm2 =	vcmask $0x70C;
	[tilespmem:$0x1FF80] =	vst v40  }
0x26: {  	vm3 =	vcmask $0xB10;
	v57 =	vimm.s32 $0x3020100;
	v15 =	vimm.s32 $0x17161514;
	[tilespmem:$0x1FF90] =	vst v47  }
0x27: {  	vm4 =	vcmask $0xF14;
	v14 =	vunpack.c.0.s8.s32 v57;
	v15 =	vunpack.c.0.s8.s32 v15;
	[tilespmem:$0x1FFA0] =	vst v17  }
0x28: {  	vm5 =	vcmask $0x1318;
	vm6 =	vcmask $0x171C;
	v61 =	vimm.s32 $0x5040302;
	[tilespmem:$0x1FFB0] =	vst v3  }
0x29: {  	v59 =	vsel vm15, v14, v11;
	v22 =	vimm.s32 $0x4030201;
	v60 =	vsel vm15, v1, v15;
	[tilespmem:$0x1FFC0] =	vst v51  }
0x2a: {  	v26 =	vimm.s32 $0x76543210;
	v22 =	vunpack.c.0.s8.s32 v22;
	v0 =	vcombine.low v60, v59;
	[tilespmem:$0x1FFD0] =	vst v31  }
0x2b: {  	v62 =	vimm.s32 $0x6050403;
	v26 =	vunpack.c.l.s4.s8 v26;
	v13 =	vunpack.c.0.s8.s32 v61;
	[tilespmem:$0x1FFE0] =	vst v46  }
0x2c: {  	s4 =	srdreg.scid;
	v14 =	vunpack.c.0.s8.s32 v62;
	v15 =	vimm.s32 $0x87654321;
	[tilespmem:$0x1FED0] =	vst v0;
	v0 =	vsel vm15, v22, v8  }
0x2d: {  	s5 =	stileid.u32;
	s4 =	sand.u32 $0x1, s4;
	v15 =	vunpack.c.l.s4.s8 v15;
	v22 =	vimm.s32 $0x98765432;
	[tilespmem:$0x1FEF0] =	vst v0;
	v0 =	vsel vm15, v13, v9  }
0x2e: {  	s5 =	sshll.u32 s5, $0x7;
	s8 =	sshll.u32 s4, $0x6;
	v24 =	vimm.s32 $0xA9876543;
	v22 =	vunpack.c.l.s4.s8 v22;
	[tilespmem:$0x1FF10] =	vst v0;
	v0 =	vsel vm15, v14, v10  }
0x2f: {  	s10 =	simm.s32 $0x10400;
	s16 =	simm.s32 $0x8400;
	s8 =	sor.u32 s8, s5;
	v24 =	vunpack.c.l.s4.s8 v24;
	v15 =	vunpack.c.0.s8.s32 v15;
	[tilespmem:$0x1FF30] =	vst v0;
	v0 =	vunpack.c.0.s8.s32 v26  }
0x30: {  	vm7 =	vcmask $0x1B20;
	vm8 =	vcmask $0x1F24;
	s7 =	ssub.s32 $0x2, s4;
	s4 =	sadd.s32 $0x400, s3;
	s0 =	sadd.s32 s0, s8;
	v23 =	vmovc v5;
	[tilespmem:$0x1FFF0] =	vst v43;
	v63 =	vunpack.c.0.s8.s32 v22  }
0x31: {  	vm9 =	vcmask $0x2328;
	s9 =	sshrl.u32 s7, $0x1;
	s29 =	sadd.s32 s1, s8;
	v21 =	vmovc v4;
	[smem:$0x7FA] =	sst s0;
	v22 =	vunpack.c.0.s8.s32 v24;
	[tilespmem:$0x1FF40] =	vst v0;
	v0 =	vand.u32 $0xF, v15  }
0x32: {  	vm10 =	vcmask $0x272C;
	vm11 =	vcmask $0x2B30;
	s28 =	ssub.s32 s7, s9;
	s30 =	sadd.s32 s6, s8;
	[smem:$0x7FB] =	sst s29;
	[tilespmem:$0x1FF50] =	vst v0;
	v0 =	vand.u32 $0xF, v63  }
0x33: {  	vm0 =	vmmov $0x1;
	vm12 =	vcmask $0x2F34;
	s5 =	sadd.s32 $0xF42800, s3;
	s31 =	smax.u32 s28, $0x1;
	v19 =	vmovc v2;
	[smem:$0x7FC] =	sst s30;
	[tilespmem:$0x1FF60] =	vst v0;
	v0 =	vand.u32 $0xF, v22  }
0x34: {  	vm13 =	vcmask $0x3338;
	vm14 =	vcmask $0x373C;
	s3 =	simm.s32 $0x4;
	s1 =	simm.s32 $0x0;
	v27 =	vmovc v47;
	[smem:$0x7FD] =	sst s31;
	vm15 =	vmmov $0x7fff;
	[tilespmem:$0x1FF70] =	vst v0  }
.LBB2_1:
0x35: {  	s0 =	rddreg [dreg:$0x3]  }
0x36: {  	s18 =	sld [smem:$0x7FA]  }
0x37: {  	[tilespmem:s10], [sflag:$0x3] =	stream.linear.gather [hbm4b:s0+s2], $0x80, $0x38;
	[tilespmem:$0x10680] =	vst v63  }
0x38: {  	[smem:$0x7F9] =	sst s1  }
0x39: {  	[tilespmem:s2], [sflag:$0x4] =	stream.linear.gather [hbm4b:s18+s2], $0x200, $0x38;
	[tilespmem:$0x10680] =	vst v63  }
0x3a: {  	_ =	swait.ge [sflag:s3], $0x200  }
0x3b: {  	s20 =	sld [smem:$0x7FB]  }
0x3c: {  	[sflag:s3] =	ssyncset.done $0x0  }
0x3d: {  	s19 =	simm.s32 $0x200;
	[sflag:s3] =	ssyncadd.s32 $0xFFFFFE00  }
0x3e: {  	[tilespmem:s19], [sflag:$0x4] =	stream.linear.gather [hbm4b:s20+s2], $0x200, $0x38;
	[tilespmem:$0x10680] =	vst v63  }
0x3f: {  	_ =	swait.ge [sflag:s3], $0x200  }
0x40: {  	[sflag:s3] =	ssyncset.done $0x0  }
0x41: {  	s21 =	simm.s32 $0x3;
	[sflag:s3] =	ssyncadd.s32 $0xFFFFFE00  }
0x42: {  	_ =	swait.ge [sflag:s21], $0x80  }
0x43: {  	[sflag:s21] =	ssyncset.done $0x0  }
0x44: {  	[sflag:s21] =	ssyncadd.s32 $0xFFFFFF80  }
0x45: {  	v13 =	vld [tilespmem:s19+$0x0]  }
0x46: {  	v22 =	vld [tilespmem:s2+$0x0];
	_ =	sdelay $0x3  }
0x47: {  	v14 =	vnsel vm0, $0x0, v13  }
0x48: {  	v15 =	vnsel vm0, $0x0, v22;
	(xrf0) =	vadd.scan.msk.s32 $0xffff, v14  }
0x49: {  	v14 =	vsel vm1, $0x0, v22;
	(xrf0) =	vadd.scan.msk.s32 $0xffff, v15  }
0x4a: {  	v15 =	vsel vm11, $0x0, v13;
	(xrf0) =	vadd.scan.msk.s32 $0xffff, v14  }
0x4b: {  	v14 =	vsel vm2, $0x0, v13;
	(xrf0) =	vadd.scan.msk.s32 $0xffff, v15;
	v15 =	vsel vm3, $0x0, v13  }
0x4c: {  	(xrf0) =	vadd.scan.msk.s32 $0xffff, v14;
	v14 =	vsel vm2, $0x0, v22  }
0x4d: {  	(xrf0) =	vadd.scan.msk.s32 $0xffff, v15  }
0x4e: {  	v24 =	vsel vm5, $0x0, v13;
	v15, _, _ =	vpop (xrf0);
	(xrf0) =	vadd.scan.msk.s32 $0xffff, v14  }
0x4f: {  	v14, _, _ =	vpop (xrf0);
	(v2sf) =	vpush v15, $0xF;
	v15 =	vsel vm1, $0x0, v13;
	(xrf0) =	vadd.scan.msk.s32 $0xffff, v24;
	v24 =	vsel vm12, $0x0, v13  }
0x50: {  	(v2sf) =	vpush v14, $0xF;
	v14, _, _ =	vpop (xrf0);
	(xrf0) =	vadd.scan.msk.s32 $0xffff, v15;
	v15 =	vsel vm6, $0x0, v13  }
0x51: {  	(v2sf) =	vpush v14, $0xF;
	v14, _, _ =	vpop (xrf0)  }
0x52: {  	(xrf0) =	vadd.scan.msk.s32 $0xffff, v24;
	v24, _, _ =	vpop (xrf0);
	(v2sf) =	vpush v14, $0xF;
	v14 =	vsel vm13, $0x0, v13  }
0x53: {  	(xrf0) =	vadd.scan.msk.s32 $0xffff, v15;
	(v2sf) =	vpush v24, $0xF;
	v15, _, _ =	vpop (xrf0)  }
0x54: {  	(v2sf) =	vpush v15, $0xF  }
0x55: {  	(xrf0) =	vadd.scan.msk.s32 $0xffff, v14;
	v15 =	vsel vm4, $0x0, v22;
	v14, _, _ =	vpop (xrf0)  }
0x56: {  	v24 =	vsel vm3, $0x0, v22;
	(v2sf) =	vpush v14, $0xF  }
0x57: {  	s9 =	simm.s32 $0x8500;
	(xrf0) =	vadd.scan.msk.s32 $0xffff, v24;
	v26, _, _ =	vpop (xrf0)  }
0x58: {  	s31 =	simm.s32 $0x900;
	s8 =	simm.s32 $0x580;
	s6 =	simm.s32 $0x8580;
	v14 =	vsel vm7, $0x0, v13;
	(xrf0) =	vadd.scan.msk.s32 $0xffff, v15;
	v15, _, _ =	vpop (xrf0)  }
0x59: {  	s13 =	simm.s32 $0x400;
	s14 =	simm.s32 $0x480;
	s17 =	simm.s32 $0x8400;
	(xrf0) =	vadd.scan.msk.s32 $0xffff, v14;
	v14 =	vsel vm5, $0x0, v22;
	(v2sf) =	vpush v15, $0xF  }
0x5a: {  	s22 =	simm.s32 $0x8880;
	s7 =	simm.s32 $0x680;
	s23 =	simm.s32 $0x880;
	v28 =	vsel vm8, $0x0, v13;
	v24, _, _ =	vpop (xrf0)  }
0x5b: {  	s24 =	simm.s32 $0x800;
	s25 =	simm.s32 $0x780;
	[dreg:$0x7] =	wrdreg s22;
	(xrf0) =	vadd.scan.msk.s32 $0xffff, v28;
	v15, _, _ =	vpop (xrf0)  }
0x5c: {  	s26 =	simm.s32 $0x8700;
	s12 =	simm.s32 $0x8600;
	[dreg:$0x9] =	wrdreg s23;
	(v2sf) =	vpush v26, $0xF;
	(xrf0) =	vadd.scan.msk.s32 $0xffff, v14;
	v26 =	vsel vm9, $0x0, v13;
	v14, _, _ =	vpop (xrf0)  }
0x5d: {  	s0 =	simm.s32 $0x600;
	s18 =	simm.s32 $0x500;
	[dreg:$0xb] =	wrdreg s24;
	(v2sf) =	vpush v15, $0xF;
	v15, _, _ =	vpop (xrf0)  }
0x5e: {  	s20 =	simm.s32 $0x2000;
	[dreg:$0x11] =	wrdreg s25;
	(v2sf) =	vpush v15, $0xF;
	v15 =	vsel vm7, $0x0, v22;
	s22 =	spop (v2sf)  }
0x5f: {  	s3 =	simm.s32 $0x700;
	[dreg:$0x13] =	wrdreg s26;
	v28 =	vsel vm6, $0x0, v22;
	(xrf0) =	vadd.scan.msk.s32 $0xffff, v26;
	v26, _, _ =	vpop (xrf0);
	s11 =	spop (v2sf)  }
0x60: {  	s21 =	simm.s32 $0x8480;
	s19 =	simm.s32 $0x0;
	(xrf0) =	vadd.scan.msk.s32 $0xffff, v28;
	v28 =	vsel vm4, $0x0, v13;
	(v2sf) =	vpush v26, $0xF;
	s23 =	spop (v2sf)  }
0x61: {  	(xrf0) =	vadd.scan.msk.s32 $0xffff, v15;
	v15, _, _ =	vpop (xrf0);
	s22 =	sshll.u32 s22, $0x4;
	s24 =	sshll.u32 s11, $0x4;
	s11 =	spop (v2sf)  }
0x62: {  	(xrf0) =	vadd.scan.msk.s32 $0xffff, v28;
	v26, _, _ =	vpop (xrf0);
	(v2sf) =	vpush v15, $0xF;
	s22 =	sand.u32 $0x1FFFFFF0, s22;
	s24 =	sand.u32 $0x1FFFFFF0, s24;
	s25 =	spop (v2sf)  }
0x63: {  	v28, _, _ =	vpop (xrf0);
	s28 =	sshll.u32 s23, $0x4;
	s24 =	sadd.s32 s4, s24;
	s26 =	spop (v2sf)  }
0x64: {  	(v2sf) =	vpush v28, $0xF;
	[tilespmem:s13], [sflag:$0x1] =	stream.linear.gather [hbm4b:s24+s2], $0x80, $0x38;
	[tilespmem:$0x10680] =	vst v63  }
0x65: {  	s22 =	sadd.s32 s5, s22;
	v15, _, _ =	vpop (xrf0);
	s30 =	sand.u32 $0x1FFFFFF0, s28;
	s29 =	spop (v2sf)  }
0x66: {  	v28, _, _ =	vpop (xrf0);
	(v2sf) =	vpush v26, $0xF;
	[tilespmem:s17], [sflag:$0x2] =	stream.linear.gather [hbm4b:s22+s2], $0x80, $0x38;
	[tilespmem:$0x10680] =	vst v63  }
0x67: {  	v26, _, _ =	vpop (xrf0);
	s22 =	simm.s32 $0x10;
	s17 =	sadd.s32 s4, s30;
	s23 =	sshll.u32 s29, $0x4  }
0x68: {  	(v2sf) =	vpush v15, $0xF;
	v15, _, _ =	vpop (xrf0);
	s29 =	sshll.u32 s25, $0x4;
	s25 =	simm.s32 $0xA80;
	s1 =	spop (v2sf)  }
0x69: {  	(v2sf) =	vpush v15, $0xF;
	[tilespmem:s14], [sflag:$0x1] =	stream.linear.gather [hbm4b:s17+s2], $0x80, $0x38;
	[tilespmem:$0x10680] =	vst v63  }
0x6a: {  	s17 =	sand.u32 $0x1FFFFFF0, s23;
	[dreg:$0xe] =	wrdreg s25;
	s25 =	simm.s32 $0x8A00  }
0x6b: {  	s15 =	sshll.u32 s1, $0x4;
	s13 =	spop (v2sf);
	s17 =	sadd.s32 s4, s17  }
0x6c: {  	s1 =	sand.u32 $0x1FFFFFF0, s29;
	s24 =	sand.u32 $0x1FFFFFF0, s15;
	s14 =	spop (v2sf)  }
0x6d: {  	[dreg:$0x14] =	wrdreg s25;
	s23 =	sadd.s32 s5, s24;
	s28 =	spop (v2sf)  }
0x6e: {  	v15 =	vsel vm8, $0x0, v22;
	[tilespmem:s21], [sflag:$0x2] =	stream.linear.gather [hbm4b:s23+s2], $0x80, $0x38;
	[tilespmem:$0x10680] =	vst v63  }
0x6f: {  	(xrf0) =	vadd.scan.msk.s32 $0xffff, v15;
	s30 =	spop (v2sf);
	s15 =	sshll.u32 s28, $0x4;
	s28 =	sshll.u32 s26, $0x4  }
0x70: {  	v29 =	vsel vm9, $0x0, v22;
	[tilespmem:s18], [sflag:$0x1] =	stream.linear.gather [hbm4b:s17+s2], $0x80, $0x38;
	[tilespmem:$0x10680] =	vst v63  }
0x71: {  	(xrf0) =	vadd.scan.msk.s32 $0xffff, v29;
	s17 =	sadd.s32 s5, s1;
	s29 =	sand.u32 $0x1FFFFFF0, s15;
	s18 =	spop (v2sf)  }
0x72: {  	[tilespmem:s9], [sflag:$0x2] =	stream.linear.gather [hbm4b:s17+s2], $0x80, $0x38;
	[tilespmem:$0x10680] =	vst v63  }
0x73: {  	s9 =	sand.u32 $0x1FFFFFF0, s28;
	s17 =	sadd.s32 s4, s29;
	s24 =	spop (v2sf)  }
0x74: {  	[tilespmem:s8], [sflag:$0x1] =	stream.linear.gather [hbm4b:s17+s2], $0x80, $0x38;
	[tilespmem:$0x10680] =	vst v63  }
0x75: {  	s30 =	sshll.u32 s30, $0x4;
	(v2sf) =	vpush v28, $0xF;
	s9 =	sadd.s32 s5, s9;
	s21 =	spop (v2sf)  }
0x76: {  	v15, _, _ =	vpop (xrf0);
	(v2sf) =	vpush v26, $0xF;
	v26 =	vsel vm10, $0x0, v22;
	[tilespmem:s6], [sflag:$0x2] =	stream.linear.gather [hbm4b:s9+s2], $0x80, $0x38;
	[tilespmem:$0x10680] =	vst v63  }
0x77: {  	s23 =	simm.s32 $0x210;
	s28 =	sand.u32 $0x1FFFFFF0, s30;
	s26 =	spop (v2sf);
	(v2sf) =	vpush v15, $0xF;
	v15 =	vsel vm10, $0x0, v13;
	(xrf0) =	vadd.scan.msk.s32 $0xffff, v26  }
0x78: {  	v28, _, _ =	vpop (xrf0);
	s30 =	simm.s32 $0x8A80;
	s6 =	sadd.s32 s4, s28;
	(xrf0) =	vadd.scan.msk.s32 $0xffff, v15;
	s15 =	spop (v2sf)  }
0x79: {  	v15 =	vsel vm11, $0x0, v22;
	(v2sf) =	vpush v28, $0xF;
	[tilespmem:s0], [sflag:$0x1] =	stream.linear.gather [hbm4b:s6+s2], $0x80, $0x38;
	[tilespmem:$0x10680] =	vst v63  }
0x7a: {  	[dreg:$0xd] =	wrdreg s30;
	s30 =	sshll.u32 s14, $0x4;
	s28 =	sshll.u32 s11, $0x4;
	(xrf0) =	vadd.scan.msk.s32 $0xffff, v15;
	v15 =	vsel vm12, $0x0, v22  }
0x7b: {  	s17 =	simm.s32 $0xB00;
	v26 =	vsel vm13, $0x0, v22;
	s14 =	sand.u32 $0x1FFFFFF0, s28;
	s29 =	sshll.u32 s15, $0x4;
	(xrf0) =	vadd.scan.msk.s32 $0xffff, v15  }
0x7c: {  	s6 =	simm.s32 $0x8980;
	s0 =	sshll.u32 s24, $0x4;
	v15 =	vsel vm14, $0x0, v22;
	s8 =	sand.u32 $0x1FFFFFF0, s29;
	(xrf0) =	vadd.scan.msk.s32 $0xffff, v26  }
0x7d: {  	s24 =	sshll.u32 s18, $0x4;
	s15 =	simm.s32 $0xA00;
	s9 =	sadd.s32 s5, s8;
	(xrf0) =	vadd.scan.msk.s32 $0xffff, v15  }
0x7e: {  	v26 =	vsel vm14, $0x0, v13;
	[tilespmem:s12], [sflag:$0x2] =	stream.linear.gather [hbm4b:s9+s2], $0x80, $0x38;
	[tilespmem:$0x10680] =	vst v63  }
0x7f: {  	s1 =	sand.u32 $0x1FFFFFF0, s0;
	[dreg:$0x16] =	wrdreg s15;
	s29 =	sshll.u32 s13, $0x4;
	v15 =	vsel vm15, $0x0, v22;
	(xrf0) =	vadd.scan.msk.s32 $0xffff, v26  }
0x80: {  	s13 =	sand.u32 $0x1FFFFFF0, s30;
	s11 =	sadd.s32 s4, s1;
	s9 =	sand.u32 $0x1FFFFFF0, s29;
	v22, _, _ =	vpop (xrf0);
	(xrf0) =	vadd.scan.msk.s32 $0xffff, v15  }
0x81: {  	v13 =	vsel vm15, $0x0, v13;
	[tilespmem:s7], [sflag:$0x1] =	stream.linear.gather [hbm4b:s11+s2], $0x80, $0x38;
	[tilespmem:$0x10680] =	vst v63  }
0x82: {  	s15 =	sshll.u32 s21, $0x4;
	s12 =	simm.s32 $0x8680;
	v26, _, _ =	vpop (xrf0);
	s9 =	sadd.s32 s5, s9;
	(xrf0) =	vadd.scan.msk.s32 $0xffff, v13  }
0x83: {  	v15, _, _ =	vpop (xrf0);
	[tilespmem:s12], [sflag:$0x2] =	stream.linear.gather [hbm4b:s9+s2], $0x80, $0x38;
	[tilespmem:$0x10680] =	vst v63  }
0x84: {  	s21 =	sshll.u32 s26, $0x4;
	s8 =	sand.u32 $0x1FFFFFF0, s15;
	(v2sf) =	vpush v22, $0xF;
	v30, _, _ =	vpop (xrf0);
	s18 =	spop (v2sf)  }
0x85: {  	v29, _, _ =	vpop (xrf0);
	s9 =	simm.s32 $0x8900;
	s12 =	simm.s32 $0x8800;
	(v2sf) =	vpush v26, $0xF;
	s11 =	sshll.u32 s18, $0x4  }
0x86: {  	v28, _, _ =	vpop (xrf0);
	(v2sf) =	vpush v24, $0xF;
	s25 =	sand.u32 $0x1FFFFFF0, s11;
	s11 =	sand.u32 $0x1FFFFFF0, s21;
	s26 =	spop (v2sf)  }
0x87: {  	v26, _, _ =	vpop (xrf0);
	s21 =	sadd.s32 s4, s25;
	s28 =	spop (v2sf);
	s29 =	sshll.u32 s26, $0x4;
	(v2sf) =	vpush v15, $0xF  }
0x88: {  	v22, _, _ =	vpop (xrf0);
	s7 =	sshll.u32 s28, $0x4;
	s26 =	sand.u32 $0x1FFFFFF0, s29;
	(v2sf) =	vpush v14, $0xF;
	s30 =	spop (v2sf)  }
0x89: {  	v16 =	vmov v43;
	v13, _, _ =	vpop (xrf0);
	s25 =	sand.u32 $0x1FFFFFF0, s7;
	(v2sf) =	vpush v30, $0xF;
	s7 =	simm.s32 $0x980;
	s18 =	sshll.u32 s30, $0x4  }
.LBB2_2:
0x8a: {  	_ =	sdelay $0x4  }
0x8b: {  	s28 =	sadd.s32 $0x8780, s19;
	s29 =	sand.u32 $0x1FFFFFF0, s18  }
0x8c: {  	[tilespmem:s3], [sflag:$0x1] =	stream.linear.gather [hbm4b:s21+s2], $0x80, $0x38;
	[tilespmem:$0x10680] =	vst v63  }
0x8d: {  	s13 =	sadd.s32 s5, s13;
	s0 =	rddreg [dreg:$0x13];
	s1 =	sand.u32 $0x1FFFFFF0, s24  }
0x8e: {  	[tilespmem:s0], [sflag:$0x2] =	stream.linear.gather [hbm4b:s13+s2], $0x80, $0x38;
	[tilespmem:$0x10680] =	vst v63  }
0x8f: {  	s25 =	sadd.s32 s4, s25;
	s1 =	sadd.s32 s5, s1;
	s30 =	spop (v2sf)  }
0x90: {  	s0 =	sadd.s32 s4, s26;
	s15 =	sshll.u32 s30, $0x4;
	s30 =	spop (v2sf)  }
0x91: {  	(v2sf) =	vpush v29, $0xF;
	s21 =	sand.u32 $0x1FFFFFF0, s15;
	s15 =	rddreg [dreg:$0x11];
	s24 =	spop (v2sf)  }
0x92: {  	[tilespmem:s15], [sflag:$0x1] =	stream.linear.gather [hbm4b:s0+s2], $0x80, $0x38;
	[tilespmem:$0x10680] =	vst v63  }
0x93: {  	s3 =	sshll.u32 s30, $0x4;
	s30 =	sadd.s32 s5, s8;
	s13 =	sshll.u32 s24, $0x4  }
0x94: {  	s26 =	spop (v2sf);
	s15 =	sadd.s32 s4, s29;
	s3 =	sand.u32 $0x1FFFFFF0, s3  }
0x95: {  	(v2sf) =	vpush v28, $0xF;
	[tilespmem:s28], [sflag:$0x2] =	stream.linear.gather [hbm4b:s1+s2], $0x80, $0x38;
	[tilespmem:$0x10680] =	vst v63  }
0x96: {  	s0 =	sshll.u32 s26, $0x4;
	s13 =	sand.u32 $0x1FFFFFF0, s13;
	s28 =	rddreg [dreg:$0xb]  }
0x97: {  	(v2sf) =	vpush v26, $0xF;
	[tilespmem:s28], [sflag:$0x1] =	stream.linear.gather [hbm4b:s25+s2], $0x80, $0x38;
	[tilespmem:$0x10680] =	vst v63  }
0x98: {  	s24 =	spop (v2sf);
	s26 =	sadd.s32 s5, s11;
	s8 =	sand.u32 $0x1FFFFFF0, s0  }
0x99: {  	(v2sf) =	vpush v22, $0xF;
	[tilespmem:s12], [sflag:$0x2] =	stream.linear.gather [hbm4b:s30+s2], $0x80, $0x38;
	[tilespmem:$0x10680] =	vst v63  }
0x9a: {  	s29 =	spop (v2sf);
	s25 =	rddreg [dreg:$0x9];
	s28 =	sshll.u32 s24, $0x4  }
0x9b: {  	(v2sf) =	vpush v13, $0xF;
	[tilespmem:s25], [sflag:$0x1] =	stream.linear.gather [hbm4b:s15+s2], $0x80, $0x38;
	[tilespmem:$0x10680] =	vst v63  }
0x9c: {  	s24 =	sshll.u32 s29, $0x4;
	s29 =	sadd.s32 s5, s14;
	s30 =	rddreg [dreg:$0x7]  }
0x9d: {  	[tilespmem:s30], [sflag:$0x2] =	stream.linear.gather [hbm4b:s26+s2], $0x80, $0x38;
	[tilespmem:$0x10680] =	vst v63  }
0x9e: {  	s14 =	rddreg [dreg:$0x16];
	s11 =	sand.u32 $0x1FFFFFF0, s28;
	s15 =	sadd.s32 s4, s21  }
0x9f: {  	[tilespmem:s31], [sflag:$0x1] =	stream.linear.gather [hbm4b:s15+s2], $0x80, $0x38;
	[tilespmem:$0x10680] =	vst v63  }
0xa0: {  	s21 =	sadd.s32 s5, s3;
	s3 =	sand.u32 $0x1FFFFFF0, s24;
	s25 =	spop (v2sf)  }
0xa1: {  	[tilespmem:s9], [sflag:$0x2] =	stream.linear.gather [hbm4b:s21+s2], $0x80, $0x38;
	[tilespmem:$0x10680] =	vst v63  }
0xa2: {  	s26 =	sadd.s32 s4, s8;
	s15 =	sadd.s32 s5, s13;
	s28 =	sshll.u32 s25, $0x4  }
0xa3: {  	[tilespmem:s7], [sflag:$0x1] =	stream.linear.gather [hbm4b:s26+s2], $0x80, $0x38;
	[tilespmem:$0x10680] =	vst v63  }
0xa4: {  	s0 =	spop (v2sf);
	s21 =	rddreg [dreg:$0x14];
	s30 =	sand.u32 $0x1FFFFFF0, s28  }
0xa5: {  	[tilespmem:s6], [sflag:$0x2] =	stream.linear.gather [hbm4b:s29+s2], $0x80, $0x38;
	[tilespmem:$0x10680] =	vst v63  }
0xa6: {  	s9 =	sshll.u32 s0, $0x4;
	s12 =	spop (v2sf);
	s6 =	sadd.s32 s4, s3  }
0xa7: {  	[tilespmem:s14], [sflag:$0x1] =	stream.linear.gather [hbm4b:s6+s2], $0x80, $0x38;
	[tilespmem:$0x10680] =	vst v63  }
0xa8: {  	s28 =	rddreg [dreg:$0xe];
	s24 =	sadd.s32 s4, s30;
	s26 =	spop (v2sf)  }
0xa9: {  	[tilespmem:s21], [sflag:$0x2] =	stream.linear.gather [hbm4b:s15+s2], $0x80, $0x38;
	[tilespmem:$0x10680] =	vst v63  }
0xaa: {  	s30 =	spop (v2sf);
	s3 =	sand.u32 $0x1FFFFFF0, s9;
	s29 =	sadd.s32 s5, s11  }
0xab: {  	[tilespmem:s28], [sflag:$0x1] =	stream.linear.gather [hbm4b:s24+s2], $0x80, $0x38;
	[tilespmem:$0x10680] =	vst v63  }
0xac: {  	s9 =	rddreg [dreg:$0xd];
	s13 =	sshll.u32 s30, $0x4;
	s6 =	sshll.u32 s12, $0x4  }
0xad: {  	[tilespmem:s9], [sflag:$0x2] =	stream.linear.gather [hbm4b:s29+s2], $0x80, $0x38;
	[tilespmem:$0x10680] =	vst v63  }
0xae: {  	s11 =	sadd.s32 s4, s3;
	s25 =	sand.u32 $0x1FFFFFF0, s6;
	s6 =	sshll.u32 s26, $0x4  }
0xaf: {  	[tilespmem:s17], [sflag:$0x1] =	stream.linear.gather [hbm4b:s11+s2], $0x80, $0x38;
	[tilespmem:$0x10680] =	vst v63  }
0xb0: {  	s14 =	sadd.s32 $0x8B00, s19;
	s12 =	sand.u32 $0x1FFFFFF0, s6;
	s1 =	sadd.s32 s5, s25  }
0xb1: {  	[tilespmem:s14], [sflag:$0x2] =	stream.linear.gather [hbm4b:s1+s2], $0x80, $0x38;
	[tilespmem:$0x10680] =	vst v63  }
0xb2: {  	s6 =	sand.u32 $0x1FFFFFF0, s13;
	s15 =	sadd.s32 $0xB80, s19;
	s17 =	sadd.s32 s4, s12  }
0xb3: {  	[tilespmem:s15], [sflag:$0x1] =	stream.linear.gather [hbm4b:s17+s2], $0x80, $0x38;
	[tilespmem:$0x10680] =	vst v63  }
0xb4: {  	s21 =	sadd.s32 $0x8B80, s19;
	s24 =	sadd.s32 s5, s6  }
0xb5: {  	[tilespmem:s21], [sflag:$0x2] =	stream.linear.gather [hbm4b:s24+s2], $0x80, $0x38;
	[tilespmem:$0x10680] =	vst v63  }
0xb6: {  	v24 =	vld [tilespmem:s23+$0x0]  }
0xb7: {  	v14 =	vld [tilespmem:s22+$0x0];
	_ =	sdelay $0x3  }
0xb8: {  	v15 =	vnsel vm0, $0x0, v24  }
0xb9: {  	v28 =	vnsel vm0, $0x0, v14;
	(xrf0) =	vadd.scan.msk.s32 $0xffff, v15  }
0xba: {  	v22 =	vsel vm2, $0x0, v24;
	v29 =	vsel vm1, $0x0, v14;
	v30 =	vsel vm2, $0x0, v14;
	(xrf0) =	vadd.scan.msk.s32 $0xffff, v28  }
0xbb: {  	v33 =	vsel vm3, $0x0, v14;
	v35 =	vsel vm5, $0x0, v14;
	v36 =	vsel vm7, $0x0, v14  }
0xbc: {  	s18 =	smov.u32 s20;
	v37 =	vsel vm8, $0x0, v14;
	v38 =	vsel vm9, $0x0, v14;
	v15 =	vsel vm11, $0x0, v24;
	(xrf0) =	vadd.scan.msk.s32 $0xffff, v29  }
0xbd: {  	s19 =	sshra.s32 s18, $0x2;
	v39 =	vsel vm10, $0x0, v14;
	v40 =	vsel vm11, $0x0, v14;
	v41 =	vsel vm12, $0x0, v14;
	(xrf0) =	vadd.scan.msk.s32 $0xffff, v15  }
0xbe: {  	s25 =	sadd.s32 $0x8500, s19;
	v42 =	vsel vm13, $0x0, v14;
	v44 =	vsel vm14, $0x0, v14;
	v15 =	vsel vm3, $0x0, v24;
	(xrf0) =	vadd.scan.msk.s32 $0xffff, v22  }
0xbf: {  	s26 =	sadd.s32 $0x700, s19;
	[smem:$0x7F7] =	sst s25;
	v28 =	vsel vm4, $0x0, v14;
	v29 =	vsel vm6, $0x0, v14;
	(xrf0) =	vadd.scan.msk.s32 $0xffff, v15;
	v15 =	vsel vm15, $0x0, v14;
	v14, _, _ =	vpop (xrf0)  }
0xc0: {  	s30 =	sadd.s32 $0x8580, s19;
	[dreg:$0x19] =	wrdreg s26;
	v45, _, _ =	vpop (xrf0);
	(v2sf) =	vpush v14, $0xF  }
0xc1: {  	s3 =	sadd.s32 $0x500, s19;
	[dreg:$0x1c] =	wrdreg s30;
	v0 =	vsel vm5, $0x0, v24;
	(xrf0) =	vadd.scan.msk.s32 $0xffff, v30;
	(v2sf) =	vpush v45, $0xF  }
0xc2: {  	s7 =	sadd.s32 $0x680, s19;
	[smem:$0x7F6] =	sst s3;
	v30 =	vsel vm1, $0x0, v24;
	(xrf0) =	vadd.scan.msk.s32 $0xffff, v0;
	v43, _, _ =	vpop (xrf0)  }
0xc3: {  	s13 =	sadd.s32 $0x780, s19;
	[smem:$0x7F8] =	sst s7;
	v14 =	vsel vm12, $0x0, v24;
	(xrf0) =	vadd.scan.msk.s32 $0xffff, v30;
	(v2sf) =	vpush v43, $0xF;
	v56, _, _ =	vpop (xrf0)  }
0xc4: {  	s28 =	sadd.s32 $0x900, s19;
	[dreg:$0x11] =	wrdreg s13;
	v0 =	vsel vm6, $0x0, v24;
	(xrf0) =	vadd.scan.msk.s32 $0xffff, v14;
	v57, _, _ =	vpop (xrf0);
	(v2sf) =	vpush v56, $0xF  }
0xc5: {  	p0 =	sne.s32 s20, $0x1E000;
	s6 =	sadd.s32 $0x8880, s19;
	[smem:$0x7F5] =	sst s28;
	v1 =	vsel vm13, $0x0, v24;
	(xrf0) =	vadd.scan.msk.s32 $0xffff, v0;
	(v2sf) =	vpush v57, $0xF;
	v30, _, _ =	vpop (xrf0)  }
0xc6: {  	s20 =	sadd.s32 $0x2000, s20;
	s25 =	sadd.s32 $0xA00, s19;
	[dreg:$0x7] =	wrdreg s6;
	(xrf0) =	vadd.scan.msk.s32 $0xffff, v1;
	(v2sf) =	vpush v30, $0xF  }
0xc7: {  	s8 =	sadd.s32 $0x480, s19;
	s26 =	sadd.s32 $0x8A00, s19;
	[dreg:$0x16] =	wrdreg s25;
	v14, _, _ =	vpop (xrf0);
	(xrf0) =	vadd.scan.msk.s32 $0xffff, v33  }
0xc8: {  	s18 =	sadd.s32 $0x8600, s19;
	[dreg:$0x14] =	wrdreg s26;
	s29 =	sadd.s32 $0x580, s19;
	(xrf0) =	vadd.scan.msk.s32 $0xffff, v28;
	v28, _, _ =	vpop (xrf0);
	(v2sf) =	vpush v14, $0xF  }
0xc9: {  	s7 =	sadd.s32 $0x980, s19;
	s9 =	sadd.s32 $0x880, s19;
	[dreg:$0x1e] =	wrdreg s29;
	v59, _, _ =	vpop (xrf0)  }
0xca: {  	s6 =	sadd.s32 $0x8980, s19;
	[dreg:$0x9] =	wrdreg s9;
	s12 =	sadd.s32 $0x800, s19;
	(v2sf) =	vpush v59, $0xF  }
0xcb: {  	s9 =	sadd.s32 $0x8900, s19;
	[dreg:$0xb] =	wrdreg s12;
	s1 =	sadd.s32 $0x600, s19  }
0xcc: {  	s11 =	sadd.s32 $0x8480, s19;
	[dreg:$0x1a] =	wrdreg s1;
	s15 =	sadd.s32 $0x8700, s19;
	v30 =	vsel vm7, $0x0, v24;
	v14, _, _ =	vpop (xrf0)  }
0xcd: {  	s12 =	sadd.s32 $0x8800, s19;
	s17 =	sadd.s32 $0xA80, s19;
	[dreg:$0x13] =	wrdreg s15;
	v58 =	vsel vm8, $0x0, v24;
	(xrf0) =	vadd.scan.msk.s32 $0xffff, v30;
	(v2sf) =	vpush v28, $0xF;
	v28, _, _ =	vpop (xrf0)  }
0xce: {  	s14 =	sadd.s32 $0x400, s19;
	[dreg:$0xe] =	wrdreg s17;
	s15 =	sadd.s32 $0xB00, s19;
	v13 =	vsel vm14, $0x0, v24;
	v26 =	vsel vm10, $0x0, v24;
	(xrf0) =	vadd.scan.msk.s32 $0xffff, v58;
	(v2sf) =	vpush v28, $0xF  }
0xcf: {  	s24 =	sadd.s32 $0x8400, s19;
	s21 =	sadd.s32 $0x8A80, s19;
	v34 =	vsel vm4, $0x0, v24;
	v22 =	vsel vm15, $0x0, v24;
	v0 =	vsel vm9, $0x0, v24;
	(xrf0) =	vadd.scan.msk.s32 $0xffff, v35;
	v24, _, _ =	vpop (xrf0);
	s28 =	spop (v2sf)  }
0xd0: {  	s22 =	sadd.s32 $0x10, s22;
	s23 =	sadd.s32 $0x10, s23;
	v28, _, _ =	vpop (xrf0);
	s30 =	spop (v2sf)  }
0xd1: {  	[dreg:$0xd] =	wrdreg s21;
	(xrf0) =	vadd.scan.msk.s32 $0xffff, v0;
	(v2sf) =	vpush v28, $0xF;
	v28, _, _ =	vpop (xrf0);
	s29 =	sshll.u32 s28, $0x4;
	s21 =	sshll.u32 s30, $0x4  }
0xd2: {  	(xrf0) =	vadd.scan.msk.s32 $0xffff, v29;
	(v2sf) =	vpush v28, $0xF;
	s29 =	sand.u32 $0x1FFFFFF0, s29;
	s0 =	spop (v2sf);
	s21 =	sand.u32 $0x1FFFFFF0, s21  }
0xd3: {  	(xrf0) =	vadd.scan.msk.s32 $0xffff, v36;
	v28, _, _ =	vpop (xrf0);
	s13 =	sshll.u32 s0, $0x4;
	s1 =	spop (v2sf);
	s29 =	sadd.s32 s5, s29  }
0xd4: {  	(xrf0) =	vadd.scan.msk.s32 $0xffff, v34;
	v29, _, _ =	vpop (xrf0);
	s28 =	sand.u32 $0x1FFFFFF0, s13;
	s30 =	sshll.u32 s1, $0x4;
	s3 =	spop (v2sf)  }
0xd5: {  	(xrf0) =	vadd.scan.msk.s32 $0xffff, v37;
	v30, _, _ =	vpop (xrf0);
	(v2sf) =	vpush v28, $0xF;
	s21 =	sadd.s32 s4, s21;
	s13 =	sshll.u32 s3, $0x4;
	s17 =	spop (v2sf)  }
0xd6: {  	(v2sf) =	vpush v30, $0xF;
	[tilespmem:s14], [sflag:$0x1] =	stream.linear.gather [hbm4b:s21+s2], $0x80, $0x38;
	[tilespmem:$0x10680] =	vst v63  }
0xd7: {  	(xrf0) =	vadd.scan.msk.s32 $0xffff, v38;
	(v2sf) =	vpush v29, $0xF;
	s28 =	sadd.s32 s4, s28;
	s21 =	sand.u32 $0x1FFFFFF0, s13;
	s0 =	spop (v2sf)  }
0xd8: {  	v28, _, _ =	vpop (xrf0);
	[tilespmem:s24], [sflag:$0x2] =	stream.linear.gather [hbm4b:s29+s2], $0x80, $0x38;
	[tilespmem:$0x10680] =	vst v63  }
0xd9: {  	(xrf0) =	vadd.scan.msk.s32 $0xffff, v39;
	v30, _, _ =	vpop (xrf0);
	s26 =	sshll.u32 s17, $0x4;
	s14 =	sshll.u32 s0, $0x4;
	s1 =	spop (v2sf)  }
0xda: {  	(xrf0) =	vadd.scan.msk.s32 $0xffff, v26;
	v26, _, _ =	vpop (xrf0);
	(v2sf) =	vpush v28, $0xF;
	s26 =	sand.u32 $0x1FFFFFF0, s26;
	s31 =	sand.u32 $0x1FFFFFF0, s14;
	s13 =	sshll.u32 s1, $0x4  }
0xdb: {  	v29, _, _ =	vpop (xrf0);
	[tilespmem:s8], [sflag:$0x1] =	stream.linear.gather [hbm4b:s28+s2], $0x80, $0x38;
	[tilespmem:$0x10680] =	vst v63  }
0xdc: {  	(v2sf) =	vpush v29, $0xF;
	s3 =	spop (v2sf);
	s28 =	sadd.s32 $0x8680, s19;
	s13 =	sand.u32 $0x1FFFFFF0, s13  }
0xdd: {  	s14 =	sshll.u32 s3, $0x4;
	s17 =	spop (v2sf);
	s3 =	sadd.s32 s5, s13  }
0xde: {  	(v2sf) =	vpush v30, $0xF;
	s25 =	sand.u32 $0x1FFFFFF0, s14;
	s1 =	sshll.u32 s17, $0x4;
	s14 =	sand.u32 $0x1FFFFFF0, s30  }
0xdf: {  	[tilespmem:s11], [sflag:$0x2] =	stream.linear.gather [hbm4b:s3+s2], $0x80, $0x38;
	[tilespmem:$0x10680] =	vst v63  }
0xe0: {  	s13 =	sand.u32 $0x1FFFFFF0, s1;
	s0 =	spop (v2sf);
	(v2sf) =	vpush v26, $0xF;
	s11 =	sld [smem:$0x7F6]  }
0xe1: {  	s3 =	sadd.s32 s4, s31;
	s1 =	sshll.u32 s0, $0x4;
	s17 =	spop (v2sf)  }
0xe2: {  	s31 =	sld [smem:$0x7F5];
	s1 =	sand.u32 $0x1FFFFFF0, s1;
	s0 =	sshll.u32 s17, $0x4  }
0xe3: {  	[tilespmem:s11], [sflag:$0x1] =	stream.linear.gather [hbm4b:s3+s2], $0x80, $0x38;
	[tilespmem:$0x10680] =	vst v63  }
0xe4: {  	v60, _, _ =	vpop (xrf0);
	s17 =	spop (v2sf);
	s3 =	sadd.s32 s5, s21;
	s21 =	sld [smem:$0x7F7]  }
0xe5: {  	v61, _, _ =	vpop (xrf0);
	s30 =	sand.u32 $0x1FFFFFF0, s0;
	s1 =	sadd.s32 s4, s1;
	s0 =	spop (v2sf);
	(v2sf) =	vpush v60, $0xF  }
0xe6: {  	s24 =	sshll.u32 s17, $0x4;
	s30 =	sadd.s32 s4, s30;
	s17 =	spop (v2sf);
	(v2sf) =	vpush v61, $0xF  }
0xe7: {  	[tilespmem:s21], [sflag:$0x2] =	stream.linear.gather [hbm4b:s3+s2], $0x80, $0x38;
	[tilespmem:$0x10680] =	vst v63  }
0xe8: {  	s29 =	sshll.u32 s0, $0x4;
	s0 =	sshll.u32 s17, $0x4;
	s21 =	rddreg [dreg:$0x1e]  }
0xe9: {  	(xrf0) =	vadd.scan.msk.s32 $0xffff, v40;
	s29 =	sand.u32 $0x1FFFFFF0, s29;
	s17 =	spop (v2sf);
	s8 =	sand.u32 $0x1FFFFFF0, s0  }
0xea: {  	[tilespmem:s21], [sflag:$0x1] =	stream.linear.gather [hbm4b:s1+s2], $0x80, $0x38;
	[tilespmem:$0x10680] =	vst v63  }
0xeb: {  	(xrf0) =	vadd.scan.msk.s32 $0xffff, v41;
	s0 =	spop (v2sf);
	s21 =	sadd.s32 s5, s26;
	s26 =	rddreg [dreg:$0x1c]  }
0xec: {  	[tilespmem:s26], [sflag:$0x2] =	stream.linear.gather [hbm4b:s21+s2], $0x80, $0x38;
	[tilespmem:$0x10680] =	vst v63  }
0xed: {  	(xrf0) =	vadd.scan.msk.s32 $0xffff, v42;
	s11 =	sshll.u32 s17, $0x4;
	s1 =	sadd.s32 s4, s29;
	s17 =	spop (v2sf)  }
0xee: {  	(xrf0) =	vadd.scan.msk.s32 $0xffff, v44;
	s29 =	sld [smem:$0x7F8];
	s0 =	sshll.u32 s0, $0x4;
	s3 =	sshll.u32 s17, $0x4  }
0xef: {  	v62, _, _ =	vpop (xrf0);
	(xrf0) =	vadd.scan.msk.s32 $0xffff, v13;
	s0 =	sand.u32 $0x1FFFFFF0, s0;
	s3 =	sand.u32 $0x1FFFFFF0, s3;
	s17 =	spop (v2sf)  }
0xf0: {  	v30, _, _ =	vpop (xrf0);
	(xrf0) =	vadd.scan.msk.s32 $0xffff, v15;
	s26 =	sshll.u32 s17, $0x4;
	s17 =	smov.u32 s15;
	s15 =	rddreg [dreg:$0x1a]  }
0xf1: {  	[tilespmem:s15], [sflag:$0x1] =	stream.linear.gather [hbm4b:s30+s2], $0x80, $0x38;
	[tilespmem:$0x10680] =	vst v63  }
0xf2: {  	v15, _, _ =	vpop (xrf0);
	(xrf0) =	vadd.scan.msk.s32 $0xffff, v22;
	s11 =	sand.u32 $0x1FFFFFF0, s11;
	s0 =	sadd.s32 s5, s0;
	s21 =	sadd.s32 s4, s3  }
0xf3: {  	v63, _, _ =	vpop (xrf0);
	(v2sf) =	vpush v62, $0xF;
	[tilespmem:s18], [sflag:$0x2] =	stream.linear.gather [hbm4b:s0+s2], $0x80, $0x38;
	[tilespmem:$0x10680] =	vst v63  }
.Ltmp0:
0xf4: {  	v29, _, _ =	vpop (xrf0);
	(v2sf) =	vpush v30, $0xF;
	s26 =	sand.u32 $0x1FFFFFF0, s26;
	s30 =	spop (v2sf);
	(pc) =	sbr.rel @p0 .LBB2_2-.Ltmp0, $4  }
0xf5: {  	v28, _, _ =	vpop (xrf0);
	(v2sf) =	vpush v14, $0xF;
	s3 =	sshll.u32 s30, $0x4;
	s18 =	spop (v2sf);
	s30 =	sadd.s32 s5, s25  }
0xf6: {  	v26, _, _ =	vpop (xrf0);
	(v2sf) =	vpush v15, $0xF;
	[tilespmem:s29], [sflag:$0x1] =	stream.linear.gather [hbm4b:s1+s2], $0x80, $0x38;
	[tilespmem:$0x10680] =	vst v63  }
0xf7: {  	v22, _, _ =	vpop (xrf0);
	(v2sf) =	vpush v24, $0xF;
	s25 =	sand.u32 $0x1FFFFFF0, s3;
	s18 =	sshll.u32 s18, $0x4;
	s3 =	rddreg [dreg:$0x19]  }
0xf8: {  	v13, _, _ =	vpop (xrf0);
	(v2sf) =	vpush v63, $0xF;
	[tilespmem:s28], [sflag:$0x2] =	stream.linear.gather [hbm4b:s30+s2], $0x80, $0x38;
	[tilespmem:$0x10680] =	vst v63  }
0xf9: {  	[tilespmem:s3], [sflag:$0x1] =	stream.linear.gather [hbm4b:s21+s2], $0x80, $0x38;
	[tilespmem:$0x10680] =	vst v63  }
0xfa: {  	s0 =	sadd.s32 s5, s13;
	s1 =	rddreg [dreg:$0x13]  }
0xfb: {  	[tilespmem:s1], [sflag:$0x2] =	stream.linear.gather [hbm4b:s0+s2], $0x80, $0x38;
	[tilespmem:$0x10680] =	vst v63  }
0xfc: {  	s15 =	sadd.s32 s4, s26;
	s20 =	rddreg [dreg:$0x11];
	s21 =	sand.u32 $0x1FFFFFF0, s24  }
0xfd: {  	[tilespmem:s20], [sflag:$0x1] =	stream.linear.gather [hbm4b:s15+s2], $0x80, $0x38;
	[tilespmem:$0x10680] =	vst v63  }
0xfe: {  	s22 =	sadd.s32 $0x8780, s19;
	s0 =	sadd.s32 s5, s21  }
0xff: {  	[tilespmem:s22], [sflag:$0x2] =	stream.linear.gather [hbm4b:s0+s2], $0x80, $0x38;
	[tilespmem:$0x10680] =	vst v63  }
0x100: {  	s23 =	sadd.s32 s4, s25;
	s24 =	rddreg [dreg:$0xb]  }
0x101: {  	[tilespmem:s24], [sflag:$0x1] =	stream.linear.gather [hbm4b:s23+s2], $0x80, $0x38;
	[tilespmem:$0x10680] =	vst v63  }
0x102: {  	s25 =	sadd.s32 s5, s8;
	s26 =	sand.u32 $0x1FFFFFF0, s18  }
0x103: {  	[tilespmem:s12], [sflag:$0x2] =	stream.linear.gather [hbm4b:s25+s2], $0x80, $0x38;
	[tilespmem:$0x10680] =	vst v63  }
0x104: {  	s28 =	rddreg [dreg:$0x9];
	s0 =	sadd.s32 s4, s26;
	s3 =	spop (v2sf)  }
0x105: {  	[tilespmem:s28], [sflag:$0x1] =	stream.linear.gather [hbm4b:s0+s2], $0x80, $0x38;
	[tilespmem:$0x10680] =	vst v63  }
0x106: {  	s0 =	sshll.u32 s3, $0x4  }
0x107: {  	s29 =	sadd.s32 s5, s11;
	s30 =	rddreg [dreg:$0x7];
	s0 =	sand.u32 $0x1FFFFFF0, s0  }
0x108: {  	[tilespmem:s30], [sflag:$0x2] =	stream.linear.gather [hbm4b:s29+s2], $0x80, $0x38;
	[tilespmem:$0x10680] =	vst v63  }
0x109: {  	s8 =	spop (v2sf);
	s0 =	sadd.s32 s4, s0  }
0x10a: {  	(v2sf) =	vpush v29, $0xF;
	[tilespmem:s31], [sflag:$0x1] =	stream.linear.gather [hbm4b:s0+s2], $0x80, $0x38;
	[tilespmem:$0x10680] =	vst v63  }
0x10b: {  	s0 =	sshll.u32 s8, $0x4  }
0x10c: {  	s0 =	sand.u32 $0x1FFFFFF0, s0  }
0x10d: {  	s0 =	sadd.s32 s5, s0  }
0x10e: {  	[tilespmem:s9], [sflag:$0x2] =	stream.linear.gather [hbm4b:s0+s2], $0x80, $0x38;
	[tilespmem:$0x10680] =	vst v63  }
0x10f: {  	s9 =	spop (v2sf)  }
0x110: {  	s11 =	spop (v2sf)  }
0x111: {  	(v2sf) =	vpush v28, $0xF;
	s1 =	sshll.u32 s11, $0x4;
	s13 =	spop (v2sf)  }
0x112: {  	s12 =	sadd.s32 s5, s14;
	s1 =	sand.u32 $0x1FFFFFF0, s1;
	s14 =	spop (v2sf)  }
0x113: {  	s1 =	sadd.s32 s4, s1;
	s3 =	sshll.u32 s14, $0x4  }
0x114: {  	[tilespmem:s7], [sflag:$0x1] =	stream.linear.gather [hbm4b:s1+s2], $0x80, $0x38;
	[tilespmem:$0x10680] =	vst v63  }
0x115: {  	(v2sf) =	vpush v26, $0xF;
	s0 =	sshll.u32 s9, $0x4;
	s3 =	sand.u32 $0x1FFFFFF0, s3  }
0x116: {  	[tilespmem:s6], [sflag:$0x2] =	stream.linear.gather [hbm4b:s12+s2], $0x80, $0x38;
	[tilespmem:$0x10680] =	vst v63  }
0x117: {  	s15 =	rddreg [dreg:$0x16];
	s0 =	sand.u32 $0x1FFFFFF0, s0;
	s3 =	sadd.s32 s4, s3  }
0x118: {  	[tilespmem:s15], [sflag:$0x1] =	stream.linear.gather [hbm4b:s3+s2], $0x80, $0x38;
	[tilespmem:$0x10680] =	vst v63  }
0x119: {  	s18 =	rddreg [dreg:$0x14];
	s0 =	sadd.s32 s5, s0;
	s20 =	spop (v2sf);
	(v2sf) =	vpush v22, $0xF  }
0x11a: {  	[tilespmem:s18], [sflag:$0x2] =	stream.linear.gather [hbm4b:s0+s2], $0x80, $0x38;
	[tilespmem:$0x10680] =	vst v63  }
0x11b: {  	s0 =	sshll.u32 s20, $0x4  }
0x11c: {  	s0 =	sand.u32 $0x1FFFFFF0, s0  }
0x11d: {  	s21 =	rddreg [dreg:$0xe];
	s22 =	sshll.u32 s13, $0x4;
	(v2sf) =	vpush v13, $0xF;
	s0 =	sadd.s32 s4, s0  }
0x11e: {  	[tilespmem:s21], [sflag:$0x1] =	stream.linear.gather [hbm4b:s0+s2], $0x80, $0x38;
	[tilespmem:$0x10680] =	vst v63  }
0x11f: {  	s0 =	sand.u32 $0x1FFFFFF0, s22  }
0x120: {  	s23 =	rddreg [dreg:$0xd];
	s24 =	spop (v2sf);
	s0 =	sadd.s32 s5, s0  }
0x121: {  	[tilespmem:s23], [sflag:$0x2] =	stream.linear.gather [hbm4b:s0+s2], $0x80, $0x38;
	[tilespmem:$0x10680] =	vst v63  }
0x122: {  	s0 =	sshll.u32 s24, $0x4  }
0x123: {  	s0 =	sand.u32 $0x1FFFFFF0, s0  }
0x124: {  	s25 =	spop (v2sf);
	s0 =	sadd.s32 s4, s0  }
0x125: {  	[tilespmem:s17], [sflag:$0x1] =	stream.linear.gather [hbm4b:s0+s2], $0x80, $0x38;
	[tilespmem:$0x10680] =	vst v63  }
0x126: {  	s0 =	sshll.u32 s25, $0x4  }
0x127: {  	s0 =	sand.u32 $0x1FFFFFF0, s0  }
0x128: {  	s26 =	sadd.s32 $0x8B00, s19;
	s28 =	spop (v2sf);
	s0 =	sadd.s32 s5, s0  }
0x129: {  	[tilespmem:s26], [sflag:$0x2] =	stream.linear.gather [hbm4b:s0+s2], $0x80, $0x38;
	[tilespmem:$0x10680] =	vst v63  }
0x12a: {  	s0 =	sshll.u32 s28, $0x4  }
0x12b: {  	s0 =	sand.u32 $0x1FFFFFF0, s0  }
0x12c: {  	s29 =	sadd.s32 $0xB80, s19;
	s30 =	spop (v2sf);
	s0 =	sadd.s32 s4, s0  }
0x12d: {  	[tilespmem:s29], [sflag:$0x1] =	stream.linear.gather [hbm4b:s0+s2], $0x80, $0x38;
	[tilespmem:$0x10680] =	vst v63  }
0x12e: {  	s0 =	sshll.u32 s30, $0x4  }
0x12f: {  	s0 =	sand.u32 $0x1FFFFFF0, s0  }
0x130: {  	s31 =	sadd.s32 $0x8B80, s19;
	s1 =	simm.s32 $0x1;
	s0 =	sadd.s32 s5, s0  }
0x131: {  	[tilespmem:s31], [sflag:$0x2] =	stream.linear.gather [hbm4b:s0+s2], $0x80, $0x38;
	[tilespmem:$0x10680] =	vst v63  }
0x132: {  	_ =	swait.ge [sflag:s1], $0x80  }
0x133: {  	[sflag:s1] =	ssyncset.done $0x0  }
0x134: {  	s3 =	simm.s32 $0x2;
	[sflag:s1] =	ssyncadd.s32 $0xFFFFFF80  }
0x135: {  	_ =	swait.ge [sflag:s3], $0x80  }
0x136: {  	v41 =	vld [tilespmem:$0x1FDF0]  }
0x137: {  	v43 =	vld [tilespmem:$0x1FE10]  }
0x138: {  	v7 =	vlaneseq.u32;
	s0 =	simm.s32 $0xFF;
	[sflag:s3] =	ssyncset.done $0x0;
	v50 =	vld [tilespmem:$0x1FED0]  }
.LBB2_4:
0x139: {  	p0 =	sne.s32 s0, $0x1;
	s0 =	sadd.s32 $0xFFFFFFFF, s0;
	[sflag:s3] =	ssyncadd.s32 $0xFFFFFF80  }
.Ltmp1:
0x13a: {  	_ =	swait.ge [sflag:s1], $0x80;
	(pc) =	sbr.rel @p0 .LBB2_4-.Ltmp1, $4  }
0x13b: {  	[sflag:s1] =	ssyncset.done $0x0  }
0x13c: {  	[sflag:s1] =	ssyncadd.s32 $0xFFFFFF80  }
0x13d: {  	_ =	swait.ge [sflag:s3], $0x80  }
0x13e: {  	[sflag:s3] =	ssyncset.done $0x0  }
0x13f: {  	v2 =	vld [tilespmem:$0x1FF20]  }
0x140: {  	v8 =	vld [tilespmem:$0x1FEA0]  }
0x141: {  	v37 =	vld [tilespmem:$0x1FF00]  }
0x142: {  	v5 =	vld [tilespmem:$0x1FE70]  }
0x143: {  	v38 =	vld [tilespmem:$0x1FF70]  }
0x144: {  	v39 =	vld [tilespmem:$0x1FEE0]  }
0x145: {  	v4 =	vld [tilespmem:$0x1FE40]  }
0x146: {  	v40 =	vld [tilespmem:$0x1FF60]  }
0x147: {  	v42 =	vld [tilespmem:$0x1FEB0]  }
0x148: {  	v6 =	vld [tilespmem:$0x1FEC0]  }
0x149: {  	v44 =	vld [tilespmem:$0x1FF50]  }
0x14a: {  	v45 =	vld [tilespmem:$0x1FE80]  }
0x14b: {  	v47 =	vld [tilespmem:$0x1FF40]  }
0x14c: {  	v48 =	vld [tilespmem:$0x1FE50]  }
0x14d: {  	v49 =	vld [tilespmem:$0x1FF30]  }
0x14e: {  	v52 =	vld [tilespmem:$0x1FE20]  }
0x14f: {  	v54 =	vld [tilespmem:$0x1FF10]  }
0x150: {  	v56 =	vld [tilespmem:$0x1FEF0]  }
0x151: {  	v59 =	vld [tilespmem:$0x1FE90]  }
0x152: {  	v61 =	vld [tilespmem:$0x1FE60]  }
0x153: {  	v63 =	vld [tilespmem:$0x1FE30]  }
0x154: {  	[sflag:s3] =	ssyncadd.s32 $0xFFFFFF80;
	v0 =	vld [tilespmem:$0x1FF90]  }
0x155: {  	v53 =	vld.idx.msk [tilespmem:v17+s10+$0x0], $0xffff  }
0x156: {  	v1 =	vld.idx.msk [tilespmem:v3+s10+$0x0], $0xffff  }
0x157: {  	v55 =	vld.idx.msk [tilespmem:v51+s10+$0x0], $0xffff  }
0x158: {  	s0 =	simm.s32 $0x0;
	v34 =	vld.idx.msk [tilespmem:v23+s10+$0x0], $0xffff  }
0x159: {  	v35 =	vmov s0;
	v33 =	vld.idx.msk [tilespmem:v21+s10+$0x0], $0xffff  }
0x15a: {  	vm1 =	vcmask $0x1F10;
	v30 =	vld.idx.msk [tilespmem:v20+s10+$0x0], $0xffff;
	v35 =	vshll.u32 v35, $0x7  }
0x15b: {  	v28 =	vld.idx.msk [tilespmem:v18+s10+$0x0], $0xffff;
	v35 =	vor.u32 v31, v35;
	v14 =	vsel vm1, v2, v8  }
0x15c: {  	v31 =	vor.u32 v18, v35;
	v15 =	vsel vm1, v37, v5;
	v11 =	vcombine.low v59, v14;
	v59 =	vld.idx.msk [tilespmem:v16+s10+$0x0], $0xffff  }
0x15d: {  	v29 =	vsel vm1, v39, v4;
	[tilespmem:$0x1FD20] =	vst v1;
	v1 =	vcombine.low v61, v15;
	v61 =	vld.idx.msk [tilespmem:v41+s10+$0x0], $0xffff  }
0x15e: {  	v13 =	vsel vm1, v42, v6;
	v22 =	vsel vm1, v8, v45;
	v10 =	vcombine.low v15, v40;
	v40 =	vld [tilespmem:$0x1FF80]  }
0x15f: {  	v24 =	vsel vm1, v5, v48;
	v42 =	vor.u32 $0x10, v7;
	v2 =	vcombine.low v63, v29;
	v63 =	vld.idx.msk [tilespmem:v32+s10+$0x0], $0xffff  }
0x160: {  	v26 =	vsel vm1, v4, v52;
	v52 =	vadd.s32 $0xF, v7;
	v6 =	vcombine.low v29, v44;
	v29 =	vld.idx.msk [tilespmem:v19+s10+$0x0], $0xffff  }
0x161: {  	s15 =	simm.s32 $0x400;
	v45 =	vmov v17;
	v17 =	vor.u32 v7, v35;
	v5 =	vcombine.low v26, v56;
	v26 =	vld.idx.msk [tilespmem:v7+s10+$0x0], $0xffff  }
0x162: {  	v49 =	vcombine.low v22, v49;
	v22 =	vld.idx.msk [tilespmem:v31+s15+$0x0], $0xffff  }
0x163: {  	v8 =	vcombine.low v13, v47;
	v47 =	vadd.s32 $0xD, v7;
	v31 =	vld.idx.msk [tilespmem:v31+s16+$0x0], $0xffff  }
0x164: {  	v13 =	vor.u32 v19, v35;
	v39 =	vld.idx.msk [tilespmem:v42+s10+$0x0], $0xffff  }
0x165: {  	v9 =	vcombine.low v14, v38;
	v4 =	vcombine.low v24, v54;
	v54 =	vld.idx.msk [tilespmem:v52+s10+$0x0], $0xffff  }
0x166: {  	v48 =	vmov v16;
	v16 =	vld.idx.msk [tilespmem:v17+s15+$0x0], $0xffff  }
0x167: {  	v17 =	vld.idx.msk [tilespmem:v17+s16+$0x0], $0xffff  }
0x168: {  	v56 =	vld.idx.msk [tilespmem:v47+s10+$0x0], $0xffff  }
0x169: {  	v25 =	vld.idx.msk [tilespmem:v13+s15+$0x0], $0xffff  }
0x16a: {  	v24 =	vld.idx.msk [tilespmem:v13+s16+$0x0], $0xffff  }
0x16b: {  	v57 =	vld.idx.msk [tilespmem:v9+s10+$0x0], $0xffff  }
0x16c: {  	v58 =	vld.idx.msk [tilespmem:v10+s10+$0x0], $0xffff  }
0x16d: {  	v60 =	vld.idx.msk [tilespmem:v6+s10+$0x0], $0xffff  }
0x16e: {  	v13 =	vor.u32 v23, v35;
	v62 =	vld.idx.msk [tilespmem:v8+s10+$0x0], $0xffff  }
0x16f: {  	v12 =	vld.idx.msk [tilespmem:v49+s10+$0x0], $0xffff  }
0x170: {  	v36 =	vld.idx.msk [tilespmem:v11+s10+$0x0], $0xffff  }
0x171: {  	v37 =	vld.idx.msk [tilespmem:v1+s10+$0x0], $0xffff;
	v22 =	vmul.f32 v31, v22  }
0x172: {  	v38 =	vld.idx.msk [tilespmem:v2+s10+$0x0], $0xffff  }
0x173: {  	v22 =	vmul.f32 v22, v28;
	v28 =	vld.idx.msk [tilespmem:v13+s15+$0x0], $0xffff  }
0x174: {  	v14 =	vor.u32 v20, v35;
	v13 =	vld.idx.msk [tilespmem:v13+s16+$0x0], $0xffff  }
0x175: {  	[tilespmem:$0x1FCC0] =	vst v12;
	v12 =	vld.idx.msk [tilespmem:v4+s10+$0x0], $0xffff  }
0x176: {  	[tilespmem:$0x1FD00] =	vst v57;
	v57 =	vld.idx.msk [tilespmem:v43+s10+$0x0], $0xffff  }
0x177: {  	v15 =	vor.u32 v21, v35;
	[tilespmem:$0x1FCF0] =	vst v58;
	v58 =	vld.idx.msk [tilespmem:v27+s10+$0x0], $0xffff  }
0x178: {  	v16 =	vmul.f32 v17, v16;
	[tilespmem:$0x1FCE0] =	vst v60;
	v60 =	vld.idx.msk [tilespmem:v46+s10+$0x0], $0xffff  }
0x179: {  	v17 =	vor.u32 v32, v35;
	v27 =	vld.idx.msk [tilespmem:v14+s15+$0x0], $0xffff  }
0x17a: {  	v14 =	vld.idx.msk [tilespmem:v14+s16+$0x0], $0xffff;
	v16 =	vmul.f32 v16, v26  }
0x17b: {  	[tilespmem:$0x1FCD0] =	vst v62;
	v62 =	vld.idx.msk [tilespmem:v40+s10+$0x0], $0xffff  }
0x17c: {  	v31 =	vor.u32 v40, v35;
	v24 =	vmul.f32 v24, v25;
	v26 =	vld.idx.msk [tilespmem:v15+s15+$0x0], $0xffff;
	v16 =	vadd.f32 $0.0e+00, v16  }
0x17d: {  	v15 =	vld.idx.msk [tilespmem:v15+s16+$0x0], $0xffff  }
0x17e: {  	v25 =	vor.u32 v41, v35;
	v16 =	vadd.f32 v22, v16;
	v22 =	vmul.f32 v24, v29;
	v24 =	vld.idx.msk [tilespmem:v17+s15+$0x0], $0xffff  }
0x17f: {  	v17 =	vld.idx.msk [tilespmem:v17+s16+$0x0], $0xffff;
	v14 =	vmul.f32 v14, v27  }
0x180: {  	[tilespmem:$0x1FCB0] =	vst v12;
	v12 =	vld.idx.msk [tilespmem:v5+s10+$0x0], $0xffff  }
0x181: {  	v29 =	vld.idx.msk [tilespmem:v31+s16+$0x0], $0xffff;
	v27 =	vor.u32 v46, v35;
	v16 =	vadd.f32 v22, v16;
	v14 =	vmul.f32 v14, v30  }
0x182: {  	v15 =	vmul.f32 v15, v26;
	v22 =	vld.idx.msk [tilespmem:v31+s15+$0x0], $0xffff  }
0x183: {  	v14 =	vadd.f32 v14, v16;
	v16 =	vld.idx.msk [tilespmem:v25+s15+$0x0], $0xffff  }
0x184: {  	v26 =	vor.u32 v48, v35;
	v15 =	vmul.f32 v15, v33;
	v25 =	vld.idx.msk [tilespmem:v25+s16+$0x0], $0xffff  }
0x185: {  	v13 =	vmul.f32 v13, v28;
	[tilespmem:$0x1FCA0] =	vst v12;
	v12 =	vld.idx.msk [tilespmem:v50+s10+$0x0], $0xffff  }
0x186: {  	v28 =	vor.u32 v0, v35;
	v14 =	vadd.f32 v15, v14;
	v15 =	vld.idx.msk [tilespmem:v27+s15+$0x0], $0xffff  }
0x187: {  	v13 =	vmul.f32 v13, v34;
	v17 =	vmul.f32 v17, v24;
	v27 =	vld.idx.msk [tilespmem:v27+s16+$0x0], $0xffff  }
0x188: {  	v24 =	vor.u32 v43, v35;
	v34 =	vld [tilespmem:$0x1FCA0]  }
0x189: {  	v22 =	vmul.f32 v29, v22;
	v13 =	vadd.f32 v13, v14;
	v14 =	vmul.f32 v17, v63;
	v17 =	vld.idx.msk [tilespmem:v26+s15+$0x0], $0xffff  }
0x18a: {  	v26 =	vld.idx.msk [tilespmem:v26+s16+$0x0], $0xffff  }
0x18b: {  	v29 =	vor.u32 v47, v35;
	v13 =	vadd.f32 v14, v13;
	v14 =	vmul.f32 v22, v62;
	v22 =	vld.idx.msk [tilespmem:v28+s15+$0x0], $0xffff  }
0x18c: {  	v16 =	vmul.f32 v25, v16;
	[tilespmem:$0x1FC90] =	vst v12;
	v12 =	vadd.s32 $0xE, v7;
	v28 =	vld.idx.msk [tilespmem:v28+s16+$0x0], $0xffff  }
0x18d: {  	v25 =	vor.u32 v12, v35;
	v33 =	vld [tilespmem:$0x1FC90]  }
0x18e: {  	v15 =	vmul.f32 v27, v15;
	v13 =	vadd.f32 v14, v13;
	v14 =	vmul.f32 v16, v61;
	v16 =	vld.idx.msk [tilespmem:v24+s15+$0x0], $0xffff  }
0x18f: {  	v24 =	vld.idx.msk [tilespmem:v24+s16+$0x0], $0xffff  }
0x190: {  	v27 =	vor.u32 v52, v35;
	v13 =	vadd.f32 v14, v13;
	v14 =	vmul.f32 v15, v60;
	v15 =	vld.idx.msk [tilespmem:v29+s15+$0x0], $0xffff  }
0x191: {  	v17 =	vmul.f32 v26, v17;
	v29 =	vld.idx.msk [tilespmem:v29+s16+$0x0], $0xffff  }
0x192: {  	[tilespmem:$0x1FD10] =	vst v55;
	v26 =	vor.u32 v42, v35;
	v55 =	vld.idx.msk [tilespmem:v12+s10+$0x0], $0xffff  }
0x193: {  	v22 =	vmul.f32 v28, v22;
	v13 =	vadd.f32 v14, v13;
	v14 =	vmul.f32 v17, v59;
	v17 =	vld.idx.msk [tilespmem:v25+s15+$0x0], $0xffff  }
0x194: {  	v28 =	vor.u32 v2, v35;
	v25 =	vld.idx.msk [tilespmem:v25+s16+$0x0], $0xffff  }
0x195: {  	v16 =	vmul.f32 v24, v16;
	v13 =	vadd.f32 v14, v13;
	v14 =	vmul.f32 v22, v58;
	v22 =	vld.idx.msk [tilespmem:v27+s15+$0x0], $0xffff  }
0x196: {  	v24 =	vor.u32 v1, v35;
	v27 =	vld.idx.msk [tilespmem:v27+s16+$0x0], $0xffff  }
0x197: {  	v15 =	vmul.f32 v29, v15;
	v13 =	vadd.f32 v14, v13;
	v14 =	vmul.f32 v16, v57;
	v16 =	vld.idx.msk [tilespmem:v26+s15+$0x0], $0xffff  }
0x198: {  	v29 =	vor.u32 v11, v35;
	v26 =	vld.idx.msk [tilespmem:v26+s16+$0x0], $0xffff  }
0x199: {  	v17 =	vmul.f32 v25, v17;
	v13 =	vadd.f32 v14, v13;
	v14 =	vmul.f32 v15, v56;
	v15 =	vld.idx.msk [tilespmem:v28+s15+$0x0], $0xffff  }
0x19a: {  	v25 =	vor.u32 v50, v35;
	v28 =	vld.idx.msk [tilespmem:v28+s16+$0x0], $0xffff  }
0x19b: {  	v22 =	vmul.f32 v27, v22;
	v13 =	vadd.f32 v14, v13;
	v14 =	vmul.f32 v17, v55;
	v17 =	vld.idx.msk [tilespmem:v24+s15+$0x0], $0xffff  }
0x19c: {  	v27 =	vor.u32 v5, v35;
	v24 =	vld.idx.msk [tilespmem:v24+s16+$0x0], $0xffff  }
0x19d: {  	v16 =	vmul.f32 v26, v16;
	v13 =	vadd.f32 v14, v13;
	v14 =	vmul.f32 v22, v54;
	v22 =	vld.idx.msk [tilespmem:v29+s15+$0x0], $0xffff  }
0x19e: {  	v26 =	vor.u32 v4, v35;
	v29 =	vld.idx.msk [tilespmem:v29+s16+$0x0], $0xffff  }
0x19f: {  	v15 =	vmul.f32 v28, v15;
	v13 =	vadd.f32 v14, v13;
	v14 =	vmul.f32 v16, v39;
	v16 =	vld.idx.msk [tilespmem:v25+s15+$0x0], $0xffff  }
0x1a0: {  	v28 =	vor.u32 v49, v35;
	v25 =	vld.idx.msk [tilespmem:v25+s16+$0x0], $0xffff  }
0x1a1: {  	v17 =	vmul.f32 v24, v17;
	v13 =	vadd.f32 v14, v13;
	v14 =	vmul.f32 v15, v38;
	v15 =	vld.idx.msk [tilespmem:v27+s15+$0x0], $0xffff  }
0x1a2: {  	v27 =	vld.idx.msk [tilespmem:v27+s16+$0x0], $0xffff  }
0x1a3: {  	v17 =	vmul.f32 v17, v37;
	v37 =	vld [tilespmem:$0x1FCC0]  }
0x1a4: {  	v24 =	vor.u32 v8, v35;
	v13 =	vadd.f32 v14, v13;
	v14 =	vld.idx.msk [tilespmem:v26+s15+$0x0], $0xffff  }
0x1a5: {  	v22 =	vmul.f32 v29, v22;
	v26 =	vld.idx.msk [tilespmem:v26+s16+$0x0], $0xffff  }
0x1a6: {  	v30 =	vld.idx.msk [tilespmem:v28+s15+$0x0], $0xffff  }
0x1a7: {  	v16 =	vmul.f32 v25, v16;
	v25 =	vld.idx.msk [tilespmem:v28+s16+$0x0], $0xffff;
	v13 =	vadd.f32 v17, v13;
	v17 =	vmul.f32 v22, v36  }
0x1a8: {  	v36 =	vld [tilespmem:$0x1FCB0]  }
0x1a9: {  	v28 =	vld.idx.msk [tilespmem:v24+s15+$0x0], $0xffff;
	v16 =	vmul.f32 v16, v33;
	v15 =	vmul.f32 v27, v15;
	v13 =	vadd.f32 v17, v13  }
0x1aa: {  	v29 =	vor.u32 v6, v35;
	v24 =	vld.idx.msk [tilespmem:v24+s16+$0x0], $0xffff  }
0x1ab: {  	v15 =	vmul.f32 v15, v34;
	v14 =	vmul.f32 v26, v14;
	v13 =	vadd.f32 v16, v13  }
0x1ac: {  	v38 =	vld [tilespmem:$0x1FCD0]  }
0x1ad: {  	v14 =	vmul.f32 v14, v36;
	v13 =	vadd.f32 v15, v13;
	v15 =	vmul.f32 v25, v30;
	_ =	sdelay $0x1  }
0x1ae: {  	v13 =	vadd.f32 v14, v13;
	v14 =	vmul.f32 v15, v37;
	v15 =	vmul.f32 v24, v28  }
0x1af: {  	v27 =	vld.idx.msk [tilespmem:v29+s15+$0x0], $0xffff  }
0x1b0: {  	v26 =	vld.idx.msk [tilespmem:v29+s16+$0x0], $0xffff;
	v13 =	vadd.f32 v14, v13;
	v14 =	vmul.f32 v15, v38  }
0x1b1: {  	v22 =	vor.u32 v10, v35  }
0x1b2: {  	v13 =	vadd.f32 v14, v13;
	v14 =	vld [tilespmem:$0x1FCE0];
	_ =	sdelay $0x2  }
0x1b3: {  	v15 =	vmul.f32 v26, v27  }
0x1b4: {  	v29 =	vld.idx.msk [tilespmem:v22+s15+$0x0], $0xffff  }
0x1b5: {  	v22 =	vld.idx.msk [tilespmem:v22+s16+$0x0], $0xffff;
	v14 =	vmul.f32 v15, v14  }
0x1b6: {  	v17 =	vor.u32 v9, v35  }
0x1b7: {  	v13 =	vadd.f32 v14, v13;
	v14 =	vld [tilespmem:$0x1FCF0];
	_ =	sdelay $0x2  }
0x1b8: {  	v15 =	vmul.f32 v22, v29  }
0x1b9: {  	v30 =	vld.idx.msk [tilespmem:v17+s15+$0x0], $0xffff  }
0x1ba: {  	v16 =	vor.u32 v51, v35;
	v17 =	vld.idx.msk [tilespmem:v17+s16+$0x0], $0xffff;
	v14 =	vmul.f32 v15, v14  }
0x1bb: {  	v39 =	vld [tilespmem:$0x1FE00]  }
0x1bc: {  	v25 =	vor.u32 v3, v35;
	v13 =	vadd.f32 v14, v13;
	v14 =	vld [tilespmem:$0x1FD00];
	_ =	sdelay $0x1  }
0x1bd: {  	v44 =	vld [tilespmem:$0x1FD20]  }
0x1be: {  	v24 =	vor.u32 v45, v35;
	v28 =	vld.idx.msk [tilespmem:v16+s15+$0x0], $0xffff;
	v15 =	vmul.f32 v17, v30  }
0x1bf: {  	v16 =	vld.idx.msk [tilespmem:v16+s16+$0x0], $0xffff  }
0x1c0: {  	v26 =	vor.u32 v39, v35;
	v27 =	vld.idx.msk [tilespmem:v25+s15+$0x0], $0xffff;
	v14 =	vmul.f32 v15, v14  }
0x1c1: {  	v22 =	vld.idx.msk [tilespmem:v25+s16+$0x0], $0xffff  }
0x1c2: {  	v13 =	vadd.f32 v14, v13;
	v14 =	vld [tilespmem:$0x1FD10]  }
0x1c3: {  	v25 =	vld.idx.msk [tilespmem:v24+s15+$0x0], $0xffff  }
0x1c4: {  	v17 =	vld.idx.msk [tilespmem:v24+s16+$0x0], $0xffff  }
0x1c5: {  	v24 =	vld.idx.msk [tilespmem:v26+s15+$0x0], $0xffff;
	v15 =	vmul.f32 v16, v28  }
0x1c6: {  	v16 =	vld.idx.msk [tilespmem:v26+s16+$0x0], $0xffff  }
0x1c7: {  	v14 =	vmul.f32 v15, v14;
	v15 =	vmul.f32 v22, v27  }
0x1c8: {  	v22 =	vld.idx.msk [tilespmem:v39+s10+$0x0], $0xffff  }
0x1c9: {  	v13 =	vadd.f32 v14, v13;
	v14 =	vmul.f32 v15, v44;
	v15 =	vmul.f32 v17, v25;
	_ =	sdelay $0x1  }
0x1ca: {  	v13 =	vadd.f32 v14, v13;
	v14 =	vmul.f32 v15, v53;
	v15 =	vmul.f32 v16, v24;
	_ =	sdelay $0x1  }
0x1cb: {  	v13 =	vadd.f32 v14, v13;
	v14 =	vmul.f32 v15, v22;
	_ =	sdelay $0x1  }
0x1cc: {  	v13 =	vadd.f32 v14, v13  }
0x1cd: {  	s19 =	simm.s32 $0x10480  }
0x1ce: {  	v53 =	vld [tilespmem:$0x1FF90];
	[tilespmem:s19+$0x0] =	vst v13  }
0x1cf: {  	v54 =	vld.idx.msk [tilespmem:v45+s10+$0x0], $0xffff  }
0x1d0: {  	v55 =	vld.idx.msk [tilespmem:v3+s10+$0x0], $0xffff  }
0x1d1: {  	v56 =	vld.idx.msk [tilespmem:v51+s10+$0x0], $0xffff  }
0x1d2: {  	v57 =	vld.idx.msk [tilespmem:v9+s10+$0x0], $0xffff  }
0x1d3: {  	v58 =	vld.idx.msk [tilespmem:v10+s10+$0x0], $0xffff  }
0x1d4: {  	v59 =	vld.idx.msk [tilespmem:v6+s10+$0x0], $0xffff  }
0x1d5: {  	v60 =	vld.idx.msk [tilespmem:v8+s10+$0x0], $0xffff  }
0x1d6: {  	v61 =	vld.idx.msk [tilespmem:v49+s10+$0x0], $0xffff  }
0x1d7: {  	v62 =	vld.idx.msk [tilespmem:v4+s10+$0x0], $0xffff  }
0x1d8: {  	v63 =	vld.idx.msk [tilespmem:v5+s10+$0x0], $0xffff  }
0x1d9: {  	v24 =	vld.idx.msk [tilespmem:v50+s10+$0x0], $0xffff  }
0x1da: {  	v26 =	vld.idx.msk [tilespmem:v11+s10+$0x0], $0xffff  }
0x1db: {  	v30 =	vld.idx.msk [tilespmem:v1+s10+$0x0], $0xffff  }
0x1dc: {  	[tilespmem:$0x1FDC0] =	vst v42;
	v33 =	vld.idx.msk [tilespmem:v2+s10+$0x0], $0xffff  }
0x1dd: {  	[tilespmem:$0x1FDD0] =	vst v52;
	v13 =	vld.idx.msk [tilespmem:v42+s10+$0x0], $0xffff  }
0x1de: {  	[tilespmem:$0x1FD30] =	vst v9;
	v34 =	vld.idx.msk [tilespmem:v52+s10+$0x0], $0xffff  }
0x1df: {  	[tilespmem:$0x1FD40] =	vst v10;
	v35 =	vld.idx.msk [tilespmem:v12+s10+$0x0], $0xffff  }
0x1e0: {  	[tilespmem:$0x1FD50] =	vst v6;
	v36 =	vld.idx.msk [tilespmem:v47+s10+$0x0], $0xffff  }
0x1e1: {  	[tilespmem:$0x1FD60] =	vst v8;
	v37 =	vld.idx.msk [tilespmem:v43+s10+$0x0], $0xffff  }
0x1e2: {  	[tilespmem:$0x1FD70] =	vst v4;
	v22 =	vld.idx.msk [tilespmem:v48+s10+$0x0], $0xffff  }
0x1e3: {  	[tilespmem:$0x1FD80] =	vst v5;
	v28 =	vld.idx.msk [tilespmem:v46+s10+$0x0], $0xffff  }
0x1e4: {  	s31 =	simm.s32 $0x10;
	[tilespmem:$0x1FD90] =	vst v11;
	v29 =	vld.idx.msk [tilespmem:v41+s10+$0x0], $0xffff  }
0x1e5: {  	[tilespmem:$0x1FDA0] =	vst v1;
	v15 =	vmov s31;
	v14 =	vld.idx.msk [tilespmem:v40+s10+$0x0], $0xffff  }
0x1e6: {  	[tilespmem:$0x1FDB0] =	vst v2;
	v39 =	vshll.u32 v15, $0x7;
	v15 =	vld.idx.msk [tilespmem:v32+s10+$0x0], $0xffff  }
0x1e7: {  	s0 =	simm.s32 $0x20;
	[tilespmem:$0x1FDE0] =	vst v12;
	v51 =	vmov v47;
	v45 =	vmov v48;
	v50 =	vmov v46;
	v38 =	vld.idx.msk [tilespmem:v53+s10+$0x0], $0xffff  }
.LBB2_6:
0x1e8: {  	v0 =	vld [tilespmem:$0x1FFD0];
	_ =	sdelay $0x4  }
0x1e9: {  	v39 =	vor.u32 v0, v39  }
0x1ea: {  	v16 =	vld.idx.msk [tilespmem:v23+s10+$0x0], $0xffff;
	v17 =	vor.u32 v7, v39  }
0x1eb: {  	v25 =	vld.idx.msk [tilespmem:v21+s10+$0x0], $0xffff  }
0x1ec: {  	v27 =	vld.idx.msk [tilespmem:v20+s10+$0x0], $0xffff;
	v31 =	vor.u32 v18, v39  }
0x1ed: {  	v1 =	vld.idx.msk [tilespmem:v19+s10+$0x0], $0xffff;
	v5 =	vor.u32 v20, v39  }
0x1ee: {  	v2 =	vld.idx.msk [tilespmem:v7+s10+$0x0], $0xffff  }
0x1ef: {  	v4 =	vld.idx.msk [tilespmem:v17+s15+$0x0], $0xffff  }
0x1f0: {  	v17 =	vld.idx.msk [tilespmem:v17+s16+$0x0], $0xffff  }
0x1f1: {  	v3 =	vor.u32 v19, v39;
	v6 =	vld.idx.msk [tilespmem:v31+s15+$0x0], $0xffff  }
0x1f2: {  	v10 =	vld.idx.msk [tilespmem:v5+s15+$0x0], $0xffff  }
0x1f3: {  	v7 =	vor.u32 v21, v39;
	v5 =	vld.idx.msk [tilespmem:v5+s16+$0x0], $0xffff  }
0x1f4: {  	v31 =	vld.idx.msk [tilespmem:v31+s16+$0x0], $0xffff  }
0x1f5: {  	v52 =	vld.idx.msk [tilespmem:v18+s10+$0x0], $0xffff;
	v9 =	vor.u32 v23, v39  }
0x1f6: {  	v8 =	vld.idx.msk [tilespmem:v3+s15+$0x0], $0xffff  }
0x1f7: {  	v3 =	vld.idx.msk [tilespmem:v3+s16+$0x0], $0xffff;
	v4 =	vmul.f32 v17, v4  }
0x1f8: {  	v11 =	vld.idx.msk [tilespmem:v7+s15+$0x0], $0xffff;
	v17 =	vor.u32 v32, v39;
	v53 =	vmul.f32 v5, v10  }
0x1f9: {  	v2 =	vmul.f32 v4, v2;
	v4 =	vmul.f32 v31, v6;
	v6 =	vld.idx.msk [tilespmem:v7+s16+$0x0], $0xffff  }
0x1fa: {  	v7 =	vor.u32 v40, v39;
	v31 =	vld.idx.msk [tilespmem:v9+s15+$0x0], $0xffff  }
0x1fb: {  	v44 =	vmul.f32 v53, v27;
	v27 =	vld [tilespmem:$0x1FF90]  }
0x1fc: {  	v12 =	vor.u32 v41, v39;
	v0 =	vmul.f32 v4, v52;
	v4 =	vld.idx.msk [tilespmem:v9+s16+$0x0], $0xffff  }
0x1fd: {  	v3 =	vmul.f32 v3, v8;
	v8 =	vld.idx.msk [tilespmem:v17+s15+$0x0], $0xffff  }
0x1fe: {  	v42 =	vld.idx.msk [tilespmem:v17+s16+$0x0], $0xffff  }
0x1ff: {  	v9 =	vor.u32 v50, v39;
	v5 =	vld.idx.msk [tilespmem:v7+s15+$0x0], $0xffff  }
0x200: {  	v46 =	vmul.f32 v6, v11;
	v6 =	vld.idx.msk [tilespmem:v7+s16+$0x0], $0xffff  }
0x201: {  	v7 =	vld.idx.msk [tilespmem:v12+s15+$0x0], $0xffff  }
0x202: {  	v10 =	vor.u32 v45, v39;
	v2 =	vadd.f32 $0.0e+00, v2;
	v48 =	vmul.f32 v4, v31;
	v31 =	vld [tilespmem:$0x1FE00]  }
0x203: {  	v4 =	vld.idx.msk [tilespmem:v12+s16+$0x0], $0xffff  }
0x204: {  	v1 =	vmul.f32 v3, v1;
	v0 =	vadd.f32 v0, v2;
	v12 =	vld.idx.msk [tilespmem:v9+s15+$0x0], $0xffff  }
0x205: {  	v3 =	vld.idx.msk [tilespmem:v9+s16+$0x0], $0xffff  }
0x206: {  	v11 =	vor.u32 v27, v39;
	v0 =	vadd.f32 v1, v0;
	v47 =	vmul.f32 v46, v25;
	v25 =	vld [tilespmem:$0x1FD80]  }
0x207: {  	v53 =	vmul.f32 v42, v8;
	v8 =	vld.idx.msk [tilespmem:v10+s15+$0x0], $0xffff  }
0x208: {  	v0 =	vadd.f32 v44, v0;
	v44 =	vld [tilespmem:$0x1FDD0]  }
0x209: {  	v52 =	vmul.f32 v48, v16;
	v16 =	vld [tilespmem:$0x1FD50]  }
0x20a: {  	v17 =	vor.u32 v43, v39;
	v48 =	vmul.f32 v6, v5;
	v5 =	vld.idx.msk [tilespmem:v10+s16+$0x0], $0xffff  }
0x20b: {  	v6 =	vld.idx.msk [tilespmem:v11+s15+$0x0], $0xffff  }
0x20c: {  	v9 =	vor.u32 v51, v39;
	v0 =	vadd.f32 v47, v0;
	v47 =	vld [tilespmem:$0x1FDE0]  }
0x20d: {  	v42 =	vmul.f32 v53, v15;
	v15 =	vld [tilespmem:$0x1FD40]  }
0x20e: {  	v53 =	vmul.f32 v4, v7;
	v4 =	vld.idx.msk [tilespmem:v11+s16+$0x0], $0xffff  }
0x20f: {  	v7 =	vld.idx.msk [tilespmem:v17+s15+$0x0], $0xffff  }
0x210: {  	v46 =	vmul.f32 v3, v12;
	v3 =	vld.idx.msk [tilespmem:v17+s16+$0x0], $0xffff  }
0x211: {  	v0 =	vadd.f32 v52, v0;
	v12 =	vld.idx.msk [tilespmem:v9+s15+$0x0], $0xffff  }
0x212: {  	v52 =	vmul.f32 v48, v14;
	v17 =	vld [tilespmem:$0x1FD60]  }
0x213: {  	v0 =	vadd.f32 v42, v0;
	v42 =	vmul.f32 v53, v29;
	v29 =	vld [tilespmem:$0x1FDA0];
	v10 =	vor.u32 v47, v39  }
0x214: {  	v48 =	vmul.f32 v46, v28;
	v28 =	vld [tilespmem:$0x1FD90]  }
0x215: {  	v53 =	vmul.f32 v5, v8;
	v5 =	vld.idx.msk [tilespmem:v9+s16+$0x0], $0xffff;
	v0 =	vadd.f32 v52, v0  }
0x216: {  	v11 =	vor.u32 v44, v39;
	v52 =	vld [tilespmem:$0x1FDC0]  }
0x217: {  	v0 =	vadd.f32 v42, v0;
	v42 =	vld [tilespmem:$0x1FDB0]  }
0x218: {  	v8 =	vld.idx.msk [tilespmem:v10+s15+$0x0], $0xffff  }
0x219: {  	v0 =	vadd.f32 v48, v0;
	v48 =	vmul.f32 v4, v6;
	v4 =	vld.idx.msk [tilespmem:v10+s16+$0x0], $0xffff;
	v10 =	vor.u32 v29, v39  }
0x21a: {  	v46 =	vmul.f32 v53, v22;
	v22 =	vld [tilespmem:$0x1FD70]  }
0x21b: {  	v6 =	vld.idx.msk [tilespmem:v11+s15+$0x0], $0xffff;
	v14 =	vor.u32 v52, v39;
	v53 =	vmul.f32 v48, v38;
	v38 =	vmul.f32 v3, v7  }
0x21c: {  	v0 =	vadd.f32 v46, v0;
	v3 =	vld.idx.msk [tilespmem:v11+s16+$0x0], $0xffff;
	v48 =	vmul.f32 v5, v12  }
0x21d: {  	v9 =	vor.u32 v42, v39;
	v46 =	vmul.f32 v38, v37;
	v37 =	vld [tilespmem:$0x1FED0]  }
0x21e: {  	v0 =	vadd.f32 v53, v0;
	v53 =	vmul.f32 v48, v36;
	v36 =	vmul.f32 v4, v8;
	v8 =	vld.idx.msk [tilespmem:v10+s15+$0x0], $0xffff  }
0x21f: {  	v11 =	vor.u32 v28, v39;
	v48 =	vld.idx.msk [tilespmem:v10+s16+$0x0], $0xffff  }
0x220: {  	v10 =	vor.u32 v22, v39;
	v7 =	vld.idx.msk [tilespmem:v14+s15+$0x0], $0xffff  }
0x221: {  	v5 =	vld.idx.msk [tilespmem:v14+s16+$0x0], $0xffff;
	v0 =	vadd.f32 v46, v0  }
0x222: {  	v38 =	vmul.f32 v36, v35;
	v12 =	vld.idx.msk [tilespmem:v9+s15+$0x0], $0xffff  }
0x223: {  	v46 =	vmul.f32 v3, v6;
	v4 =	vld.idx.msk [tilespmem:v9+s16+$0x0], $0xffff;
	v9 =	vor.u32 v25, v39;
	v0 =	vadd.f32 v53, v0  }
0x224: {  	v6 =	vld.idx.msk [tilespmem:v11+s15+$0x0], $0xffff;
	v14 =	vor.u32 v37, v39  }
0x225: {  	v53 =	vmul.f32 v46, v34;
	v0 =	vadd.f32 v38, v0;
	v46 =	vmul.f32 v48, v8;
	v8 =	vld.idx.msk [tilespmem:v10+s15+$0x0], $0xffff  }
0x226: {  	v34 =	vmul.f32 v5, v7;
	v5 =	vld.idx.msk [tilespmem:v11+s16+$0x0], $0xffff  }
0x227: {  	v0 =	vadd.f32 v53, v0;
	v53 =	vmul.f32 v46, v30;
	v30 =	vld [tilespmem:$0x1FFC0]  }
0x228: {  	v36 =	vmul.f32 v4, v12;
	v12 =	vld.idx.msk [tilespmem:v9+s15+$0x0], $0xffff  }
0x229: {  	v11 =	vor.u32 v49, v39;
	v48 =	vld.idx.msk [tilespmem:v9+s16+$0x0], $0xffff  }
0x22a: {  	v35 =	vmul.f32 v34, v13;
	v13 =	vor.u32 v17, v39;
	v7 =	vld.idx.msk [tilespmem:v14+s15+$0x0], $0xffff  }
0x22b: {  	v9 =	vor.u32 v16, v39;
	v4 =	vld.idx.msk [tilespmem:v14+s16+$0x0], $0xffff  }
0x22c: {  	v14 =	vld [tilespmem:$0x1FD30];
	v0 =	vadd.f32 v35, v0;
	v38 =	vmul.f32 v36, v33  }
0x22d: {  	v33 =	vmul.f32 v5, v6;
	v5 =	vld.idx.msk [tilespmem:v10+s16+$0x0], $0xffff  }
0x22e: {  	v6 =	vld.idx.msk [tilespmem:v11+s15+$0x0], $0xffff;
	v0 =	vadd.f32 v38, v0  }
0x22f: {  	v34 =	vmul.f32 v33, v26;
	v46 =	vld.idx.msk [tilespmem:v13+s16+$0x0], $0xffff  }
0x230: {  	v38 =	vmul.f32 v48, v12;
	v12 =	vld.idx.msk [tilespmem:v9+s15+$0x0], $0xffff;
	v0 =	vadd.f32 v53, v0;
	v35 =	vmul.f32 v4, v7  }
0x231: {  	v10 =	vor.u32 v15, v39;
	v4 =	vld.idx.msk [tilespmem:v11+s16+$0x0], $0xffff  }
0x232: {  	v26 =	vld [tilespmem:$0x1FFB0];
	v0 =	vadd.f32 v34, v0;
	v36 =	vmul.f32 v35, v24  }
0x233: {  	v7 =	vld.idx.msk [tilespmem:v13+s15+$0x0], $0xffff;
	v11 =	vor.u32 v14, v39  }
0x234: {  	v48 =	vmul.f32 v38, v63;
	v53 =	vmul.f32 v5, v8;
	v24 =	vld [tilespmem:$0x1FFA0];
	v0 =	vadd.f32 v36, v0  }
0x235: {  	v13 =	vor.u32 v30, v39;
	v5 =	vld.idx.msk [tilespmem:v9+s16+$0x0], $0xffff  }
0x236: {  	v8 =	vld.idx.msk [tilespmem:v10+s15+$0x0], $0xffff;
	v63 =	vmul.f32 v53, v62;
	v33 =	vmul.f32 v4, v6;
	v0 =	vadd.f32 v48, v0  }
0x237: {  	v9 =	vor.u32 v26, v39;
	v4 =	vld.idx.msk [tilespmem:v10+s16+$0x0], $0xffff  }
0x238: {  	v6 =	vld.idx.msk [tilespmem:v11+s15+$0x0], $0xffff;
	v36 =	vmul.f32 v46, v7;
	v35 =	vmul.f32 v33, v61;
	v0 =	vadd.f32 v63, v0  }
0x239: {  	v38 =	vld.idx.msk [tilespmem:v11+s16+$0x0], $0xffff;
	v34 =	vor.u32 v24, v39  }
0x23a: {  	v7 =	vld.idx.msk [tilespmem:v13+s15+$0x0], $0xffff;
	v48 =	vmul.f32 v36, v60;
	v53 =	vmul.f32 v5, v12;
	v0 =	vadd.f32 v35, v0  }
0x23b: {  	v46 =	vor.u32 v31, v39;
	v5 =	vld.idx.msk [tilespmem:v13+s16+$0x0], $0xffff  }
0x23c: {  	v12 =	vld.idx.msk [tilespmem:v9+s15+$0x0], $0xffff;
	v60 =	vmul.f32 v53, v59;
	v61 =	vmul.f32 v4, v8;
	v0 =	vadd.f32 v48, v0  }
0x23d: {  	v4 =	vld.idx.msk [tilespmem:v9+s16+$0x0], $0xffff  }
0x23e: {  	v63 =	vmul.f32 v38, v6;
	v8 =	vld.idx.msk [tilespmem:v34+s15+$0x0], $0xffff;
	v62 =	vmul.f32 v61, v58;
	v0 =	vadd.f32 v60, v0  }
0x23f: {  	v9 =	vld.idx.msk [tilespmem:v34+s16+$0x0], $0xffff  }
0x240: {  	v6 =	vld.idx.msk [tilespmem:v46+s15+$0x0], $0xffff;
	v10 =	vmul.f32 v63, v57;
	v33 =	vmul.f32 v5, v7;
	v0 =	vadd.f32 v62, v0  }
0x241: {  	v5 =	vld.idx.msk [tilespmem:v46+s16+$0x0], $0xffff  }
0x242: {  	v34 =	vmul.f32 v33, v56;
	v35 =	vmul.f32 v4, v12;
	v0 =	vadd.f32 v10, v0  }
0x243: {  	v4 =	vld.idx.msk [tilespmem:v31+s10+$0x0], $0xffff  }
0x244: {  	v36 =	vmul.f32 v35, v55;
	v38 =	vmul.f32 v9, v8;
	v0 =	vadd.f32 v34, v0;
	_ =	sdelay $0x1  }
0x245: {  	v46 =	vmul.f32 v5, v6;
	v39 =	vmul.f32 v38, v54;
	v0 =	vadd.f32 v36, v0;
	_ =	sdelay $0x1  }
0x246: {  	v48 =	vmul.f32 v46, v4;
	v0 =	vadd.f32 v39, v0;
	_ =	sdelay $0x1  }
0x247: {  	v0 =	vadd.f32 v48, v0  }
0x248: {  	s19 =	sadd.s32 $0x10, s19  }
0x249: {  	[tilespmem:s19+$0x0] =	vst v0  }
0x24a: {  	v54 =	vld.idx.msk [tilespmem:v24+s10+$0x0], $0xffff  }
0x24b: {  	v55 =	vld.idx.msk [tilespmem:v26+s10+$0x0], $0xffff  }
0x24c: {  	v56 =	vld.idx.msk [tilespmem:v30+s10+$0x0], $0xffff  }
0x24d: {  	v57 =	vld.idx.msk [tilespmem:v14+s10+$0x0], $0xffff  }
0x24e: {  	v58 =	vld.idx.msk [tilespmem:v15+s10+$0x0], $0xffff  }
0x24f: {  	v59 =	vld.idx.msk [tilespmem:v16+s10+$0x0], $0xffff  }
0x250: {  	v60 =	vld.idx.msk [tilespmem:v17+s10+$0x0], $0xffff  }
0x251: {  	v61 =	vld.idx.msk [tilespmem:v49+s10+$0x0], $0xffff  }
0x252: {  	v62 =	vld.idx.msk [tilespmem:v22+s10+$0x0], $0xffff  }
0x253: {  	v63 =	vld.idx.msk [tilespmem:v25+s10+$0x0], $0xffff  }
0x254: {  	v24 =	vld.idx.msk [tilespmem:v37+s10+$0x0], $0xffff  }
0x255: {  	v26 =	vld.idx.msk [tilespmem:v28+s10+$0x0], $0xffff  }
0x256: {  	v30 =	vld.idx.msk [tilespmem:v29+s10+$0x0], $0xffff  }
0x257: {  	v33 =	vld.idx.msk [tilespmem:v42+s10+$0x0], $0xffff  }
0x258: {  	v13 =	vld.idx.msk [tilespmem:v52+s10+$0x0], $0xffff  }
0x259: {  	v34 =	vld.idx.msk [tilespmem:v44+s10+$0x0], $0xffff  }
0x25a: {  	v35 =	vld.idx.msk [tilespmem:v47+s10+$0x0], $0xffff  }
0x25b: {  	v36 =	vld.idx.msk [tilespmem:v51+s10+$0x0], $0xffff  }
0x25c: {  	v37 =	vld.idx.msk [tilespmem:v43+s10+$0x0], $0xffff  }
0x25d: {  	p0 =	sne.s32 s0, $0xF0;
	v38 =	vld.idx.msk [tilespmem:v27+s10+$0x0], $0xffff  }
.Ltmp2:
0x25e: {  	v22 =	vld.idx.msk [tilespmem:v45+s10+$0x0], $0xffff;
	(pc) =	sbr.rel @p0 .LBB2_6-.Ltmp2, $4  }
0x25f: {  	v28 =	vld.idx.msk [tilespmem:v50+s10+$0x0], $0xffff  }
0x260: {  	v29 =	vld.idx.msk [tilespmem:v41+s10+$0x0], $0xffff  }
0x261: {  	v53 =	vmov s0;
	v14 =	vld.idx.msk [tilespmem:v40+s10+$0x0], $0xffff  }
0x262: {  	s0 =	sadd.s32 $0x10, s0;
	v7 =	vlaneseq.u32;
	v39 =	vshll.u32 v53, $0x7;
	v15 =	vld.idx.msk [tilespmem:v32+s10+$0x0], $0xffff  }
0x263: {  	v48 =	vld [tilespmem:$0x1FFD0];
	_ =	sdelay $0x4  }
0x264: {  	v0 =	vld.idx.msk [tilespmem:v23+s10+$0x0], $0xffff;
	v11 =	vlaneseq.u32;
	v39 =	vor.u32 v48, v39  }
0x265: {  	v2 =	vld.idx.msk [tilespmem:v21+s10+$0x0], $0xffff;
	v1 =	vor.u32 v7, v39  }
0x266: {  	v3 =	vld.idx.msk [tilespmem:v20+s10+$0x0], $0xffff;
	v4 =	vor.u32 v18, v39  }
0x267: {  	v5 =	vld.idx.msk [tilespmem:v19+s10+$0x0], $0xffff  }
0x268: {  	v6 =	vld.idx.msk [tilespmem:v18+s10+$0x0], $0xffff;
	v8 =	vor.u32 v19, v39  }
0x269: {  	v7 =	vld.idx.msk [tilespmem:v11+s10+$0x0], $0xffff  }
0x26a: {  	v12 =	vor.u32 v21, v39;
	v9 =	vld.idx.msk [tilespmem:v1+s15+$0x0], $0xffff  }
0x26b: {  	v11 =	vld.idx.msk [tilespmem:v4+s15+$0x0], $0xffff  }
0x26c: {  	v4 =	vld.idx.msk [tilespmem:v4+s16+$0x0], $0xffff  }
0x26d: {  	v10 =	vor.u32 v20, v39;
	v16 =	vld.idx.msk [tilespmem:v8+s15+$0x0], $0xffff  }
0x26e: {  	v8 =	vld.idx.msk [tilespmem:v8+s16+$0x0], $0xffff  }
0x26f: {  	v44 =	vor.u32 v32, v39;
	v46 =	vld.idx.msk [tilespmem:v12+s15+$0x0], $0xffff  }
0x270: {  	v47 =	vld.idx.msk [tilespmem:v12+s16+$0x0], $0xffff;
	v12 =	vor.u32 v40, v39  }
0x271: {  	v17 =	vor.u32 v23, v39;
	v1 =	vld.idx.msk [tilespmem:v1+s16+$0x0], $0xffff  }
0x272: {  	v25 =	vld.idx.msk [tilespmem:v10+s15+$0x0], $0xffff  }
0x273: {  	v42 =	vld.idx.msk [tilespmem:v10+s16+$0x0], $0xffff  }
0x274: {  	v10 =	vld.idx.msk [tilespmem:v44+s16+$0x0], $0xffff;
	v4 =	vmul.f32 v4, v11  }
0x275: {  	v8 =	vmul.f32 v8, v16;
	v16 =	vor.u32 v41, v39;
	v41 =	vld.idx.msk [tilespmem:v12+s15+$0x0], $0xffff  }
0x276: {  	v1 =	vmul.f32 v1, v9;
	v9 =	vor.u32 v50, v39;
	v4 =	vmul.f32 v4, v6;
	v6 =	vld.idx.msk [tilespmem:v17+s15+$0x0], $0xffff  }
0x277: {  	v52 =	vmul.f32 v8, v5;
	v5 =	vld.idx.msk [tilespmem:v44+s15+$0x0], $0xffff  }
0x278: {  	v1 =	vmul.f32 v1, v7;
	v7 =	vmul.f32 v47, v46;
	v46 =	vld.idx.msk [tilespmem:v12+s16+$0x0], $0xffff  }
0x279: {  	v53 =	vmul.f32 v42, v25;
	v17 =	vld.idx.msk [tilespmem:v17+s16+$0x0], $0xffff  }
0x27a: {  	v8 =	vor.u32 v45, v39;
	v1 =	vadd.f32 $0.0e+00, v1;
	v12 =	vld.idx.msk [tilespmem:v16+s16+$0x0], $0xffff  }
0x27b: {  	v3 =	vmul.f32 v53, v3;
	v53 =	vld.idx.msk [tilespmem:v9+s15+$0x0], $0xffff  }
0x27c: {  	v47 =	vor.u32 v43, v39;
	v9 =	vld.idx.msk [tilespmem:v9+s16+$0x0], $0xffff;
	v1 =	vadd.f32 v4, v1  }
0x27d: {  	v5 =	vmul.f32 v10, v5;
	v4 =	vmul.f32 v46, v41;
	v41 =	vmovc v51;
	v46 =	vor.u32 v51, v39;
	v51 =	vld [tilespmem:$0x1FDB0]  }
0x27e: {  	v1 =	vadd.f32 v52, v1;
	v52 =	vor.u32 v27, v39;
	v27 =	vld [tilespmem:$0x1FDE0]  }
0x27f: {  	v44 =	vmov v45;
	v6 =	vmul.f32 v17, v6;
	v45 =	vmul.f32 v5, v15;
	v5 =	vld.idx.msk [tilespmem:v8+s15+$0x0], $0xffff  }
0x280: {  	v8 =	vld.idx.msk [tilespmem:v8+s16+$0x0], $0xffff  }
0x281: {  	v2 =	vmul.f32 v7, v2;
	v0 =	vmul.f32 v6, v0;
	v6 =	vld.idx.msk [tilespmem:v47+s16+$0x0], $0xffff;
	v1 =	vadd.f32 v3, v1  }
0x282: {  	v3 =	vld.idx.msk [tilespmem:v16+s15+$0x0], $0xffff  }
0x283: {  	v1 =	vadd.f32 v2, v1;
	v2 =	vmul.f32 v9, v53;
	v53 =	vld [tilespmem:$0x1FDD0]  }
0x284: {  	v10 =	vld.idx.msk [tilespmem:v46+s16+$0x0], $0xffff  }
0x285: {  	v42 =	vmul.f32 v4, v14;
	v4 =	vld.idx.msk [tilespmem:v52+s15+$0x0], $0xffff  }
0x286: {  	v11 =	vor.u32 v27, v39;
	v7 =	vld.idx.msk [tilespmem:v52+s16+$0x0], $0xffff;
	v0 =	vadd.f32 v0, v1  }
0x287: {  	v52 =	vld [tilespmem:$0x1FDC0];
	v3 =	vmul.f32 v12, v3  }
0x288: {  	v12 =	vld [tilespmem:$0x1FD90];
	v0 =	vadd.f32 v45, v0  }
0x289: {  	v5 =	vmul.f32 v8, v5;
	v43 =	vmul.f32 v3, v29;
	v3 =	vld.idx.msk [tilespmem:v47+s15+$0x0], $0xffff;
	v45 =	vor.u32 v53, v39  }
0x28a: {  	v47 =	vmul.f32 v2, v28;
	v2 =	vld.idx.msk [tilespmem:v46+s15+$0x0], $0xffff;
	v0 =	vadd.f32 v42, v0  }
0x28b: {  	v46 =	vmul.f32 v5, v22;
	v5 =	vld.idx.msk [tilespmem:v11+s15+$0x0], $0xffff;
	v4 =	vmul.f32 v7, v4  }
0x28c: {  	v42 =	vor.u32 v52, v39;
	v11 =	vld.idx.msk [tilespmem:v11+s16+$0x0], $0xffff;
	v0 =	vadd.f32 v43, v0  }
0x28d: {  	v43 =	vmul.f32 v4, v38;
	v38 =	vld [tilespmem:$0x1FDA0]  }
0x28e: {  	v0 =	vadd.f32 v47, v0;
	v47 =	vor.u32 v51, v39;
	v4 =	vld.idx.msk [tilespmem:v45+s15+$0x0], $0xffff  }
0x28f: {  	v9 =	vld.idx.msk [tilespmem:v45+s16+$0x0], $0xffff  }
0x290: {  	v25 =	vld [tilespmem:$0x1FED0];
	v3 =	vmul.f32 v6, v3  }
0x291: {  	v2 =	vmul.f32 v10, v2;
	v8 =	vld.idx.msk [tilespmem:v42+s16+$0x0], $0xffff;
	v0 =	vadd.f32 v46, v0;
	v46 =	vor.u32 v12, v39  }
0x292: {  	v45 =	vmul.f32 v3, v37;
	v3 =	vld.idx.msk [tilespmem:v42+s15+$0x0], $0xffff  }
0x293: {  	v5 =	vmul.f32 v11, v5;
	v42 =	vmul.f32 v2, v36;
	v2 =	vld.idx.msk [tilespmem:v47+s15+$0x0], $0xffff  }
0x294: {  	v6 =	vor.u32 v38, v39;
	v7 =	vld.idx.msk [tilespmem:v47+s16+$0x0], $0xffff;
	v4 =	vmul.f32 v9, v4  }
0x295: {  	v0 =	vadd.f32 v43, v0;
	v47 =	vmul.f32 v5, v35;
	v35 =	vld [tilespmem:$0x1FD80]  }
0x296: {  	v43 =	vor.u32 v25, v39;
	v37 =	vmul.f32 v4, v34;
	v4 =	vld.idx.msk [tilespmem:v46+s15+$0x0], $0xffff  }
0x297: {  	v0 =	vadd.f32 v45, v0;
	v34 =	vld [tilespmem:$0x1FD70]  }
0x298: {  	v10 =	vld.idx.msk [tilespmem:v46+s16+$0x0], $0xffff  }
0x299: {  	v3 =	vmul.f32 v8, v3;
	v0 =	vadd.f32 v42, v0;
	v36 =	vld.idx.msk [tilespmem:v6+s15+$0x0], $0xffff  }
0x29a: {  	v6 =	vld.idx.msk [tilespmem:v6+s16+$0x0], $0xffff  }
0x29b: {  	v46 =	vmul.f32 v3, v13;
	v3 =	vld.idx.msk [tilespmem:v43+s15+$0x0], $0xffff;
	v45 =	vor.u32 v35, v39;
	v0 =	vadd.f32 v47, v0  }
0x29c: {  	v11 =	vld.idx.msk [tilespmem:v43+s16+$0x0], $0xffff;
	v2 =	vmul.f32 v7, v2  }
0x29d: {  	v47 =	vor.u32 v49, v39;
	v0 =	vadd.f32 v37, v0;
	v37 =	vld [tilespmem:$0x1FD60]  }
0x29e: {  	v43 =	vmul.f32 v2, v33;
	v33 =	vld [tilespmem:$0x1FD40]  }
0x29f: {  	v42 =	vor.u32 v34, v39;
	v5 =	vmul.f32 v6, v36;
	v36 =	vld [tilespmem:$0x1FD50]  }
0x2a0: {  	v0 =	vadd.f32 v46, v0;
	v2 =	vld.idx.msk [tilespmem:v45+s15+$0x0], $0xffff  }
0x2a1: {  	v4 =	vmul.f32 v10, v4;
	v9 =	vld.idx.msk [tilespmem:v45+s16+$0x0], $0xffff  }
0x2a2: {  	v45 =	vmul.f32 v5, v30;
	v7 =	vld.idx.msk [tilespmem:v47+s16+$0x0], $0xffff;
	v0 =	vadd.f32 v43, v0  }
0x2a3: {  	[tilespmem:$0x1FC80] =	vst v49;
	v49 =	vmul.f32 v4, v26;
	v30 =	vld [tilespmem:$0x1FD30]  }
0x2a4: {  	v3 =	vmul.f32 v11, v3;
	v6 =	vor.u32 v37, v39;
	v46 =	vld.idx.msk [tilespmem:v42+s15+$0x0], $0xffff;
	v0 =	vadd.f32 v45, v0  }
0x2a5: {  	v8 =	vld.idx.msk [tilespmem:v42+s16+$0x0], $0xffff  }
0x2a6: {  	v42 =	vld.idx.msk [tilespmem:v47+s15+$0x0], $0xffff;
	v47 =	vmul.f32 v3, v24;
	v0 =	vadd.f32 v49, v0  }
0x2a7: {  	v10 =	vor.u32 v36, v39;
	v45 =	vld [tilespmem:$0x1FFB0]  }
0x2a8: {  	v0 =	vadd.f32 v47, v0;
	v47 =	vld [tilespmem:$0x1FFC0]  }
0x2a9: {  	v43 =	vor.u32 v33, v39;
	v3 =	vld.idx.msk [tilespmem:v6+s15+$0x0], $0xffff  }
0x2aa: {  	v2 =	vmul.f32 v9, v2;
	v6 =	vld.idx.msk [tilespmem:v6+s16+$0x0], $0xffff  }
0x2ab: {  	v9 =	vor.u32 v30, v39;
	v5 =	vmul.f32 v8, v46;
	v46 =	vld [tilespmem:$0x1FFA0]  }
0x2ac: {  	v49 =	vmul.f32 v2, v63;
	v2 =	vld.idx.msk [tilespmem:v10+s15+$0x0], $0xffff  }
0x2ad: {  	v10 =	vld.idx.msk [tilespmem:v10+s16+$0x0], $0xffff;
	v8 =	vor.u32 v47, v39  }
0x2ae: {  	v4 =	vmul.f32 v7, v42;
	v11 =	vld.idx.msk [tilespmem:v43+s16+$0x0], $0xffff;
	v0 =	vadd.f32 v49, v0;
	v63 =	vmul.f32 v5, v62  }
0x2af: {  	v42 =	vor.u32 v45, v39;
	v5 =	vld.idx.msk [tilespmem:v43+s15+$0x0], $0xffff  }
0x2b0: {  	v43 =	vmul.f32 v4, v61;
	v49 =	vld.idx.msk [tilespmem:v9+s15+$0x0], $0xffff;
	v0 =	vadd.f32 v63, v0;
	v3 =	vmul.f32 v6, v3  }
0x2b1: {  	v9 =	vld.idx.msk [tilespmem:v9+s16+$0x0], $0xffff;
	v6 =	vor.u32 v46, v39  }
0x2b2: {  	v0 =	vadd.f32 v43, v0;
	v2 =	vmul.f32 v10, v2;
	v60 =	vmul.f32 v3, v60;
	v61 =	vld.idx.msk [tilespmem:v8+s15+$0x0], $0xffff  }
0x2b3: {  	v62 =	vor.u32 v31, v39;
	v8 =	vld.idx.msk [tilespmem:v8+s16+$0x0], $0xffff  }
0x2b4: {  	v39 =	vld.idx.msk [tilespmem:v42+s15+$0x0], $0xffff;
	v11 =	vmul.f32 v11, v5;
	v63 =	vmul.f32 v2, v59;
	v0 =	vadd.f32 v60, v0  }
0x2b5: {  	v7 =	vld.idx.msk [tilespmem:v42+s16+$0x0], $0xffff  }
0x2b6: {  	v43 =	vmul.f32 v9, v49;
	v42 =	vmul.f32 v11, v58;
	v49 =	vld.idx.msk [tilespmem:v6+s15+$0x0], $0xffff;
	v0 =	vadd.f32 v63, v0  }
0x2b7: {  	v6 =	vld.idx.msk [tilespmem:v6+s16+$0x0], $0xffff  }
0x2b8: {  	v59 =	vld.idx.msk [tilespmem:v62+s15+$0x0], $0xffff;
	v57 =	vmul.f32 v43, v57;
	v0 =	vadd.f32 v42, v0;
	v58 =	vmul.f32 v8, v61  }
0x2b9: {  	v60 =	vld.idx.msk [tilespmem:v62+s16+$0x0], $0xffff  }
0x2ba: {  	v62 =	vmul.f32 v7, v39;
	v0 =	vadd.f32 v57, v0;
	v61 =	vmul.f32 v58, v56  }
0x2bb: {  	v63 =	vld.idx.msk [tilespmem:v31+s10+$0x0], $0xffff  }
0x2bc: {  	v9 =	vmul.f32 v62, v55;
	v10 =	vmul.f32 v6, v49;
	v0 =	vadd.f32 v61, v0;
	_ =	sdelay $0x1  }
0x2bd: {  	v39 =	vmul.f32 v60, v59;
	v11 =	vmul.f32 v10, v54;
	v0 =	vadd.f32 v9, v0;
	_ =	sdelay $0x1  }
0x2be: {  	v42 =	vmul.f32 v39, v63;
	v0 =	vadd.f32 v11, v0;
	_ =	sdelay $0x1  }
0x2bf: {  	v0 =	vadd.f32 v42, v0  }
0x2c0: {  	s0 =	sadd.s32 $0x10, s19  }
0x2c1: {  	s21 =	simm.s32 $0x300;
	[tilespmem:s0+$0x0] =	vst v0  }
0x2c2: {  	s1 =	simm.s32 $0x100;
	v13 =	vld [tilespmem:s21+$0x0]  }
0x2c3: {  	v22 =	vld [tilespmem:s1+$0x0];
	_ =	sdelay $0x3  }
0x2c4: {  	v43 =	vnsel vm0, $0x0, v13  }
0x2c5: {  	vm1 =	vcmask $0x308;
	v49 =	vnsel vm0, $0x0, v22;
	(xrf0) =	vadd.scan.msk.s32 $0xffff, v43  }
0x2c6: {  	v54 =	vsel vm1, $0x0, v22;
	(xrf0) =	vadd.scan.msk.s32 $0xffff, v49  }
0x2c7: {  	v55 =	vsel vm11, $0x0, v13;
	(xrf0) =	vadd.scan.msk.s32 $0xffff, v54  }
0x2c8: {  	v56 =	vsel vm2, $0x0, v13;
	(xrf0) =	vadd.scan.msk.s32 $0xffff, v55  }
0x2c9: {  	v57 =	vsel vm3, $0x0, v13;
	(xrf0) =	vadd.scan.msk.s32 $0xffff, v56  }
0x2ca: {  	(xrf0) =	vadd.scan.msk.s32 $0xffff, v57  }
0x2cb: {  	v58 =	vsel vm2, $0x0, v22;
	v59, _, _ =	vpop (xrf0)  }
0x2cc: {  	(xrf0) =	vadd.scan.msk.s32 $0xffff, v58;
	v61, _, _ =	vpop (xrf0);
	(v2sf) =	vpush v59, $0xF  }
0x2cd: {  	v60 =	vsel vm5, $0x0, v13;
	(v2sf) =	vpush v61, $0xF;
	v63, _, _ =	vpop (xrf0)  }
0x2ce: {  	v62 =	vsel vm1, $0x0, v13;
	(xrf0) =	vadd.scan.msk.s32 $0xffff, v60;
	(v2sf) =	vpush v63, $0xF;
	v5, _, _ =	vpop (xrf0)  }
0x2cf: {  	(xrf0) =	vadd.scan.msk.s32 $0xffff, v62;
	v7, _, _ =	vpop (xrf0);
	(v2sf) =	vpush v5, $0xF  }
0x2d0: {  	(v2sf) =	vpush v7, $0xF;
	v9, _, _ =	vpop (xrf0)  }
0x2d1: {  	v4 =	vsel vm12, $0x0, v13;
	(v2sf) =	vpush v9, $0xF  }
0x2d2: {  	v6 =	vsel vm6, $0x0, v13;
	(xrf0) =	vadd.scan.msk.s32 $0xffff, v4;
	v11, _, _ =	vpop (xrf0)  }
0x2d3: {  	v8 =	vsel vm13, $0x0, v13;
	(xrf0) =	vadd.scan.msk.s32 $0xffff, v6;
	(v2sf) =	vpush v11, $0xF  }
0x2d4: {  	s20 =	simm.s32 $0x2000;
	v10 =	vsel vm3, $0x0, v22;
	(xrf0) =	vadd.scan.msk.s32 $0xffff, v8;
	v42, _, _ =	vpop (xrf0)  }
0x2d5: {  	s19 =	simm.s32 $0x0;
	s9 =	simm.s32 $0x8500;
	s3 =	simm.s32 $0x700;
	v39 =	vsel vm4, $0x0, v22;
	(xrf0) =	vadd.scan.msk.s32 $0xffff, v10;
	v49, _, _ =	vpop (xrf0)  }
0x2d6: {  	s31 =	simm.s32 $0x900;
	s8 =	simm.s32 $0x580;
	s6 =	simm.s32 $0x8580;
	(xrf0) =	vadd.scan.msk.s32 $0xffff, v39;
	(v2sf) =	vpush v49, $0xF  }
0x2d7: {  	s13 =	simm.s32 $0x400;
	s14 =	simm.s32 $0x480;
	s22 =	simm.s32 $0x8880  }
0x2d8: {  	s17 =	simm.s32 $0x8400;
	s23 =	simm.s32 $0x880;
	[dreg:$0x6] =	wrdreg s22;
	v43 =	vsel vm7, $0x0, v13;
	v14, _, _ =	vpop (xrf0)  }
0x2d9: {  	s18 =	simm.s32 $0x500;
	s24 =	simm.s32 $0x800;
	[dreg:$0x8] =	wrdreg s23;
	v54 =	vsel vm8, $0x0, v13;
	(xrf0) =	vadd.scan.msk.s32 $0xffff, v43;
	(v2sf) =	vpush v42, $0xF;
	v56, _, _ =	vpop (xrf0)  }
0x2da: {  	s7 =	simm.s32 $0x680;
	s25 =	simm.s32 $0x780;
	[dreg:$0xa] =	wrdreg s24;
	v55 =	vsel vm5, $0x0, v22;
	(xrf0) =	vadd.scan.msk.s32 $0xffff, v54;
	v24, _, _ =	vpop (xrf0);
	(v2sf) =	vpush v56, $0xF  }
0x2db: {  	s26 =	simm.s32 $0x8700;
	[dreg:$0x10] =	wrdreg s25;
	(xrf0) =	vadd.scan.msk.s32 $0xffff, v55;
	v58, _, _ =	vpop (xrf0);
	s22 =	spop (v2sf)  }
0x2dc: {  	s12 =	simm.s32 $0x8600;
	[dreg:$0x12] =	wrdreg s26;
	v57 =	vsel vm9, $0x0, v13;
	(v2sf) =	vpush v58, $0xF;
	v61, _, _ =	vpop (xrf0);
	s11 =	spop (v2sf)  }
0x2dd: {  	s0 =	simm.s32 $0x600;
	s21 =	simm.s32 $0x8480;
	v59 =	vsel vm6, $0x0, v22;
	(xrf0) =	vadd.scan.msk.s32 $0xffff, v57;
	(v2sf) =	vpush v61, $0xF;
	s23 =	spop (v2sf)  }
0x2de: {  	v60 =	vsel vm7, $0x0, v22;
	(xrf0) =	vadd.scan.msk.s32 $0xffff, v59;
	s22 =	sshll.u32 s22, $0x4;
	s24 =	sshll.u32 s11, $0x4;
	s11 =	spop (v2sf)  }
0x2df: {  	v62 =	vsel vm4, $0x0, v13;
	(xrf0) =	vadd.scan.msk.s32 $0xffff, v60;
	v63, _, _ =	vpop (xrf0);
	s22 =	sand.u32 $0x1FFFFFF0, s22;
	s24 =	sand.u32 $0x1FFFFFF0, s24;
	s25 =	spop (v2sf)  }
0x2e0: {  	(xrf0) =	vadd.scan.msk.s32 $0xffff, v62;
	v4, _, _ =	vpop (xrf0);
	s28 =	sshll.u32 s23, $0x4;
	s24 =	sadd.s32 s4, s24;
	s26 =	spop (v2sf)  }
0x2e1: {  	v5, _, _ =	vpop (xrf0);
	(v2sf) =	vpush v63, $0xF;
	[tilespmem:s13], [sflag:$0x1] =	stream.linear.gather [hbm4b:s24+s2], $0x80, $0x38;
	[tilespmem:$0x10680] =	vst v63  }
0x2e2: {  	(v2sf) =	vpush v5, $0xF;
	s22 =	sadd.s32 s5, s22;
	s30 =	sand.u32 $0x1FFFFFF0, s28;
	s29 =	spop (v2sf)  }
0x2e3: {  	v6, _, _ =	vpop (xrf0);
	(v2sf) =	vpush v4, $0xF;
	[tilespmem:s17], [sflag:$0x2] =	stream.linear.gather [hbm4b:s22+s2], $0x80, $0x38;
	[tilespmem:$0x10680] =	vst v63  }
0x2e4: {  	v7, _, _ =	vpop (xrf0);
	s22 =	simm.s32 $0x110;
	s17 =	sadd.s32 s4, s30;
	s23 =	sshll.u32 s29, $0x4  }
0x2e5: {  	v8, _, _ =	vpop (xrf0);
	(v2sf) =	vpush v6, $0xF;
	s29 =	sshll.u32 s25, $0x4;
	s25 =	simm.s32 $0xA80;
	s1 =	spop (v2sf)  }
0x2e6: {  	v9, _, _ =	vpop (xrf0);
	[dreg:$0xf] =	wrdreg s25;
	s25 =	sshll.u32 s11, $0x4;
	s10 =	sshll.u32 s1, $0x4  }
0x2e7: {  	(v2sf) =	vpush v9, $0xF;
	[tilespmem:s14], [sflag:$0x1] =	stream.linear.gather [hbm4b:s17+s2], $0x80, $0x38;
	[tilespmem:$0x10680] =	vst v63  }
0x2e8: {  	s13 =	spop (v2sf);
	s17 =	sand.u32 $0x1FFFFFF0, s23;
	s24 =	sand.u32 $0x1FFFFFF0, s10  }
0x2e9: {  	s1 =	sand.u32 $0x1FFFFFF0, s29;
	s14 =	spop (v2sf);
	s23 =	sadd.s32 s5, s24  }
0x2ea: {  	[tilespmem:s21], [sflag:$0x2] =	stream.linear.gather [hbm4b:s23+s2], $0x80, $0x38;
	[tilespmem:$0x10680] =	vst v63  }
0x2eb: {  	v10 =	vsel vm8, $0x0, v22;
	s17 =	sadd.s32 s4, s17;
	s28 =	spop (v2sf);
	s23 =	simm.s32 $0x310  }
0x2ec: {  	(xrf0) =	vadd.scan.msk.s32 $0xffff, v10;
	s30 =	spop (v2sf);
	s10 =	sshll.u32 s28, $0x4;
	s28 =	sshll.u32 s26, $0x4  }
0x2ed: {  	v11 =	vsel vm9, $0x0, v22;
	[tilespmem:s18], [sflag:$0x1] =	stream.linear.gather [hbm4b:s17+s2], $0x80, $0x38;
	[tilespmem:$0x10680] =	vst v63  }
0x2ee: {  	(xrf0) =	vadd.scan.msk.s32 $0xffff, v11;
	s17 =	sadd.s32 s5, s1;
	s29 =	sand.u32 $0x1FFFFFF0, s10;
	s30 =	sshll.u32 s30, $0x4  }
0x2ef: {  	[tilespmem:s9], [sflag:$0x2] =	stream.linear.gather [hbm4b:s17+s2], $0x80, $0x38;
	[tilespmem:$0x10680] =	vst v63  }
0x2f0: {  	s18 =	spop (v2sf);
	s9 =	sand.u32 $0x1FFFFFF0, s28;
	s17 =	sadd.s32 s4, s29  }
0x2f1: {  	v42 =	vsel vm10, $0x0, v22;
	s28 =	sand.u32 $0x1FFFFFF0, s30;
	s30 =	simm.s32 $0x8A80;
	s24 =	spop (v2sf)  }
0x2f2: {  	(xrf0) =	vadd.scan.msk.s32 $0xffff, v42;
	(v2sf) =	vpush v7, $0xF;
	s9 =	sadd.s32 s5, s9;
	[dreg:$0xc] =	wrdreg s30;
	s21 =	spop (v2sf)  }
0x2f3: {  	v49 =	vsel vm10, $0x0, v13;
	(v2sf) =	vpush v8, $0xF;
	[tilespmem:s8], [sflag:$0x1] =	stream.linear.gather [hbm4b:s17+s2], $0x80, $0x38;
	[tilespmem:$0x10680] =	vst v63  }
0x2f4: {  	(xrf0) =	vadd.scan.msk.s32 $0xffff, v49;
	v39, _, _ =	vpop (xrf0);
	s17 =	simm.s32 $0xB00;
	s30 =	sshll.u32 s24, $0x4;
	s26 =	spop (v2sf)  }
0x2f5: {  	v54 =	vsel vm11, $0x0, v22;
	v43, _, _ =	vpop (xrf0);
	(v2sf) =	vpush v39, $0xF;
	[tilespmem:s6], [sflag:$0x2] =	stream.linear.gather [hbm4b:s9+s2], $0x80, $0x38;
	[tilespmem:$0x10680] =	vst v63  }
0x2f6: {  	v55 =	vsel vm12, $0x0, v22;
	(xrf0) =	vadd.scan.msk.s32 $0xffff, v54;
	s24 =	sshll.u32 s18, $0x4;
	s10 =	spop (v2sf);
	(v2sf) =	vpush v43, $0xF;
	s6 =	sadd.s32 s4, s28  }
0x2f7: {  	(xrf0) =	vadd.scan.msk.s32 $0xffff, v55;
	s28 =	sshll.u32 s13, $0x4;
	s29 =	sshll.u32 s10, $0x4;
	s10 =	simm.s32 $0xA00  }
0x2f8: {  	v56 =	vsel vm13, $0x0, v22;
	[tilespmem:s0], [sflag:$0x1] =	stream.linear.gather [hbm4b:s6+s2], $0x80, $0x38;
	[tilespmem:$0x10680] =	vst v63  }
0x2f9: {  	v57 =	vsel vm14, $0x0, v22;
	(xrf0) =	vadd.scan.msk.s32 $0xffff, v56;
	s8 =	sand.u32 $0x1FFFFFF0, s29;
	s6 =	simm.s32 $0x8980;
	[dreg:$0x17] =	wrdreg s10  }
0x2fa: {  	v58 =	vsel vm14, $0x0, v13;
	(xrf0) =	vadd.scan.msk.s32 $0xffff, v57;
	s29 =	sshll.u32 s14, $0x4;
	s0 =	sand.u32 $0x1FFFFFF0, s30;
	s14 =	sand.u32 $0x1FFFFFF0, s25  }
0x2fb: {  	(xrf0) =	vadd.scan.msk.s32 $0xffff, v58;
	s10 =	simm.s32 $0x8680;
	s9 =	sadd.s32 s5, s8;
	s13 =	sand.u32 $0x1FFFFFF0, s29  }
0x2fc: {  	v59 =	vsel vm15, $0x0, v22;
	[tilespmem:s12], [sflag:$0x2] =	stream.linear.gather [hbm4b:s9+s2], $0x80, $0x38;
	[tilespmem:$0x10680] =	vst v63  }
0x2fd: {  	v1, _, _ =	vpop (xrf0);
	(xrf0) =	vadd.scan.msk.s32 $0xffff, v59;
	s1 =	sadd.s32 s4, s0;
	s12 =	simm.s32 $0x8A00;
	s9 =	sand.u32 $0x1FFFFFF0, s28  }
0x2fe: {  	v60 =	vsel vm15, $0x0, v13;
	v61, _, _ =	vpop (xrf0);
	[tilespmem:s7], [sflag:$0x1] =	stream.linear.gather [hbm4b:s1+s2], $0x80, $0x38;
	[tilespmem:$0x10680] =	vst v63  }
0x2ff: {  	(xrf0) =	vadd.scan.msk.s32 $0xffff, v60;
	v62, _, _ =	vpop (xrf0);
	[dreg:$0x15] =	wrdreg s12;
	s12 =	sshll.u32 s21, $0x4;
	s9 =	sadd.s32 s5, s9  }
0x300: {  	v63, _, _ =	vpop (xrf0);
	[tilespmem:s10], [sflag:$0x2] =	stream.linear.gather [hbm4b:s9+s2], $0x80, $0x38;
	[tilespmem:$0x10680] =	vst v63  }
0x301: {  	v29, _, _ =	vpop (xrf0);
	(v2sf) =	vpush v1, $0xF;
	s21 =	sshll.u32 s26, $0x4;
	s8 =	sand.u32 $0x1FFFFFF0, s12;
	s18 =	spop (v2sf)  }
0x302: {  	v28, _, _ =	vpop (xrf0);
	s12 =	simm.s32 $0x8800;
	s11 =	sshll.u32 s18, $0x4;
	s26 =	spop (v2sf);
	(v2sf) =	vpush v61, $0xF  }
0x303: {  	v26, _, _ =	vpop (xrf0);
	s9 =	simm.s32 $0x8900;
	s25 =	sand.u32 $0x1FFFFFF0, s11;
	s11 =	sand.u32 $0x1FFFFFF0, s21;
	(v2sf) =	vpush v14, $0xF  }
0x304: {  	v31 =	vmov v48;
	v22, _, _ =	vpop (xrf0);
	s21 =	sadd.s32 s4, s25;
	s28 =	spop (v2sf);
	s29 =	sshll.u32 s26, $0x4;
	(v2sf) =	vpush v62, $0xF  }
0x305: {  	v42 =	vmov v50;
	v50 =	vmov v25;
	v13, _, _ =	vpop (xrf0);
	s7 =	sshll.u32 s28, $0x4;
	s30 =	spop (v2sf);
	s26 =	sand.u32 $0x1FFFFFF0, s29;
	(v2sf) =	vpush v24, $0xF  }
0x306: {  	v49 =	vmovc v12;
	v43 =	vmovc v44;
	v44 =	vmov v47;
	v47 =	vmov v27;
	s25 =	sand.u32 $0x1FFFFFF0, s7;
	s18 =	sshll.u32 s30, $0x4;
	s7 =	simm.s32 $0x980;
	(v2sf) =	vpush v63, $0xF  }
.LBB2_8:
0x307: {  	_ =	sdelay $0x4  }
0x308: {  	s28 =	sadd.s32 $0x8780, s19;
	s29 =	sand.u32 $0x1FFFFFF0, s18  }
0x309: {  	[tilespmem:s3], [sflag:$0x1] =	stream.linear.gather [hbm4b:s21+s2], $0x80, $0x38;
	[tilespmem:$0x10680] =	vst v63  }
0x30a: {  	s13 =	sadd.s32 s5, s13;
	s0 =	rddreg [dreg:$0x12];
	s1 =	sand.u32 $0x1FFFFFF0, s24  }
0x30b: {  	[tilespmem:s0], [sflag:$0x2] =	stream.linear.gather [hbm4b:s13+s2], $0x80, $0x38;
	[tilespmem:$0x10680] =	vst v63  }
0x30c: {  	s8 =	sadd.s32 s5, s8;
	s1 =	sadd.s32 s5, s1;
	s30 =	spop (v2sf)  }
0x30d: {  	s0 =	sadd.s32 s4, s26;
	s26 =	sadd.s32 s4, s25;
	s10 =	sshll.u32 s30, $0x4  }
0x30e: {  	s30 =	spop (v2sf);
	s21 =	sand.u32 $0x1FFFFFF0, s10;
	s10 =	rddreg [dreg:$0x10]  }
0x30f: {  	[tilespmem:s10], [sflag:$0x1] =	stream.linear.gather [hbm4b:s0+s2], $0x80, $0x38;
	[tilespmem:$0x10680] =	vst v63  }
0x310: {  	s25 =	rddreg [dreg:$0x8];
	(v2sf) =	vpush v29, $0xF;
	s3 =	sshll.u32 s30, $0x4;
	s24 =	spop (v2sf)  }
0x311: {  	[tilespmem:s28], [sflag:$0x2] =	stream.linear.gather [hbm4b:s1+s2], $0x80, $0x38;
	[tilespmem:$0x10680] =	vst v63  }
0x312: {  	(v2sf) =	vpush v28, $0xF;
	s30 =	rddreg [dreg:$0xa];
	s13 =	sshll.u32 s24, $0x4;
	s28 =	spop (v2sf)  }
0x313: {  	s3 =	sand.u32 $0x1FFFFFF0, s3;
	s13 =	sand.u32 $0x1FFFFFF0, s13;
	s24 =	spop (v2sf)  }
0x314: {  	[tilespmem:s30], [sflag:$0x1] =	stream.linear.gather [hbm4b:s26+s2], $0x80, $0x38;
	[tilespmem:$0x10680] =	vst v63  }
0x315: {  	s10 =	sshll.u32 s28, $0x4;
	s26 =	sadd.s32 s5, s11;
	s28 =	sshll.u32 s24, $0x4  }
0x316: {  	(v2sf) =	vpush v26, $0xF;
	[tilespmem:s12], [sflag:$0x2] =	stream.linear.gather [hbm4b:s8+s2], $0x80, $0x38;
	[tilespmem:$0x10680] =	vst v63  }
0x317: {  	s30 =	rddreg [dreg:$0x6];
	s11 =	sand.u32 $0x1FFFFFF0, s28;
	s12 =	sadd.s32 s4, s29  }
0x318: {  	[tilespmem:s25], [sflag:$0x1] =	stream.linear.gather [hbm4b:s12+s2], $0x80, $0x38;
	[tilespmem:$0x10680] =	vst v63  }
0x319: {  	s8 =	sand.u32 $0x1FFFFFF0, s10;
	s29 =	spop (v2sf);
	s10 =	sadd.s32 s4, s21  }
0x31a: {  	(v2sf) =	vpush v22, $0xF;
	[tilespmem:s30], [sflag:$0x2] =	stream.linear.gather [hbm4b:s26+s2], $0x80, $0x38;
	[tilespmem:$0x10680] =	vst v63  }
0x31b: {  	s21 =	sadd.s32 s5, s3;
	s24 =	sshll.u32 s29, $0x4;
	s29 =	sadd.s32 s5, s14  }
0x31c: {  	(v2sf) =	vpush v13, $0xF;
	[tilespmem:s31], [sflag:$0x1] =	stream.linear.gather [hbm4b:s10+s2], $0x80, $0x38;
	[tilespmem:$0x10680] =	vst v63  }
0x31d: {  	s3 =	sand.u32 $0x1FFFFFF0, s24;
	s24 =	sadd.s32 s5, s13;
	s26 =	sadd.s32 s4, s8  }
0x31e: {  	[tilespmem:s9], [sflag:$0x2] =	stream.linear.gather [hbm4b:s21+s2], $0x80, $0x38;
	[tilespmem:$0x10680] =	vst v63  }
0x31f: {  	s8 =	sadd.s32 s5, s11;
	s10 =	sadd.s32 s4, s3;
	s25 =	spop (v2sf)  }
0x320: {  	[tilespmem:s7], [sflag:$0x1] =	stream.linear.gather [hbm4b:s26+s2], $0x80, $0x38;
	[tilespmem:$0x10680] =	vst v63  }
0x321: {  	s28 =	sshll.u32 s25, $0x4;
	s9 =	spop (v2sf);
	s21 =	rddreg [dreg:$0x17]  }
0x322: {  	[tilespmem:s6], [sflag:$0x2] =	stream.linear.gather [hbm4b:s29+s2], $0x80, $0x38;
	[tilespmem:$0x10680] =	vst v63  }
0x323: {  	s25 =	rddreg [dreg:$0x15];
	s30 =	sand.u32 $0x1FFFFFF0, s28;
	s12 =	sshll.u32 s9, $0x4  }
0x324: {  	[tilespmem:s21], [sflag:$0x1] =	stream.linear.gather [hbm4b:s10+s2], $0x80, $0x38;
	[tilespmem:$0x10680] =	vst v63  }
0x325: {  	s3 =	sand.u32 $0x1FFFFFF0, s12;
	s26 =	sadd.s32 s4, s30;
	s14 =	spop (v2sf)  }
0x326: {  	[tilespmem:s25], [sflag:$0x2] =	stream.linear.gather [hbm4b:s24+s2], $0x80, $0x38;
	[tilespmem:$0x10680] =	vst v63  }
0x327: {  	s30 =	rddreg [dreg:$0xf];
	s11 =	sadd.s32 s4, s3;
	s6 =	sshll.u32 s14, $0x4  }
0x328: {  	[tilespmem:s30], [sflag:$0x1] =	stream.linear.gather [hbm4b:s26+s2], $0x80, $0x38;
	[tilespmem:$0x10680] =	vst v63  }
0x329: {  	s29 =	spop (v2sf);
	s14 =	sadd.s32 $0x8B00, s19;
	s10 =	rddreg [dreg:$0xc]  }
0x32a: {  	[tilespmem:s10], [sflag:$0x2] =	stream.linear.gather [hbm4b:s8+s2], $0x80, $0x38;
	[tilespmem:$0x10680] =	vst v63  }
0x32b: {  	s28 =	sand.u32 $0x1FFFFFF0, s6;
	s6 =	sshll.u32 s29, $0x4;
	s9 =	spop (v2sf)  }
0x32c: {  	[tilespmem:s17], [sflag:$0x1] =	stream.linear.gather [hbm4b:s11+s2], $0x80, $0x38;
	[tilespmem:$0x10680] =	vst v63  }
0x32d: {  	s12 =	sand.u32 $0x1FFFFFF0, s6;
	s1 =	sadd.s32 s5, s28;
	s13 =	sshll.u32 s9, $0x4  }
0x32e: {  	[tilespmem:s14], [sflag:$0x2] =	stream.linear.gather [hbm4b:s1+s2], $0x80, $0x38;
	[tilespmem:$0x10680] =	vst v63  }
0x32f: {  	s21 =	sadd.s32 s4, s12;
	s6 =	sand.u32 $0x1FFFFFF0, s13;
	s17 =	sadd.s32 $0xB80, s19  }
0x330: {  	[tilespmem:s17], [sflag:$0x1] =	stream.linear.gather [hbm4b:s21+s2], $0x80, $0x38;
	[tilespmem:$0x10680] =	vst v63  }
0x331: {  	s24 =	sadd.s32 $0x8B80, s19;
	s25 =	sadd.s32 s5, s6  }
0x332: {  	[tilespmem:s24], [sflag:$0x2] =	stream.linear.gather [hbm4b:s25+s2], $0x80, $0x38;
	[tilespmem:$0x10680] =	vst v63  }
0x333: {  	v0 =	vld [tilespmem:s23+$0x0]  }
0x334: {  	v1 =	vld [tilespmem:s22+$0x0];
	_ =	sdelay $0x3  }
0x335: {  	v2 =	vnsel vm0, $0x0, v0  }
0x336: {  	v4 =	vnsel vm0, $0x0, v1;
	(xrf0) =	vadd.scan.msk.s32 $0xffff, v2  }
0x337: {  	v5 =	vsel vm1, $0x0, v1;
	(xrf0) =	vadd.scan.msk.s32 $0xffff, v4  }
0x338: {  	v9 =	vsel vm11, $0x0, v0;
	(xrf0) =	vadd.scan.msk.s32 $0xffff, v5  }
0x339: {  	s18 =	smov.u32 s20;
	v3 =	vsel vm2, $0x0, v0;
	(xrf0) =	vadd.scan.msk.s32 $0xffff, v9  }
0x33a: {  	s19 =	sshra.s32 s18, $0x2;
	v63 =	vsel vm3, $0x0, v0;
	(xrf0) =	vadd.scan.msk.s32 $0xffff, v3  }
0x33b: {  	s26 =	sadd.s32 $0x8500, s19;
	(xrf0) =	vadd.scan.msk.s32 $0xffff, v63  }
0x33c: {  	s28 =	sadd.s32 $0x700, s19;
	[smem:$0x7F3] =	sst s26;
	v61 =	vsel vm2, $0x0, v1;
	v39, _, _ =	vpop (xrf0)  }
0x33d: {  	s29 =	sadd.s32 $0x900, s19;
	[dreg:$0x18] =	wrdreg s28;
	(xrf0) =	vadd.scan.msk.s32 $0xffff, v61;
	v14, _, _ =	vpop (xrf0);
	(v2sf) =	vpush v39, $0xF  }
0x33e: {  	s30 =	sadd.s32 $0x580, s19;
	[smem:$0x7F1] =	sst s29;
	v24 =	vsel vm5, $0x0, v0;
	(v2sf) =	vpush v14, $0xF;
	v55, _, _ =	vpop (xrf0)  }
0x33f: {  	p0 =	sne.s32 s20, $0x1E000;
	s3 =	sadd.s32 $0x500, s19;
	[dreg:$0x1f] =	wrdreg s30;
	v48 =	vsel vm1, $0x0, v0;
	(xrf0) =	vadd.scan.msk.s32 $0xffff, v24;
	(v2sf) =	vpush v55, $0xF;
	v56, _, _ =	vpop (xrf0)  }
0x340: {  	s20 =	sadd.s32 $0x2000, s20;
	s6 =	sadd.s32 $0x8880, s19;
	[smem:$0x7F2] =	sst s3;
	(xrf0) =	vadd.scan.msk.s32 $0xffff, v48;
	v14, _, _ =	vpop (xrf0);
	(v2sf) =	vpush v56, $0xF  }
0x341: {  	s8 =	sadd.s32 $0x480, s19;
	s7 =	sadd.s32 $0x680, s19;
	[dreg:$0x6] =	wrdreg s6;
	v54 =	vsel vm12, $0x0, v0;
	(v2sf) =	vpush v14, $0xF;
	v57, _, _ =	vpop (xrf0)  }
0x342: {  	s11 =	sadd.s32 $0x8480, s19;
	s9 =	sadd.s32 $0x880, s19;
	[smem:$0x7F4] =	sst s7;
	v24 =	vsel vm6, $0x0, v0;
	(xrf0) =	vadd.scan.msk.s32 $0xffff, v54;
	(v2sf) =	vpush v57, $0xF  }
0x343: {  	s10 =	sadd.s32 $0x800, s19;
	s12 =	sadd.s32 $0x780, s19;
	[dreg:$0x8] =	wrdreg s9;
	v62 =	vsel vm4, $0x0, v1;
	v28 =	vsel vm13, $0x0, v0;
	(xrf0) =	vadd.scan.msk.s32 $0xffff, v24;
	v58, _, _ =	vpop (xrf0)  }
0x344: {  	s13 =	sadd.s32 $0x8700, s19;
	s18 =	sadd.s32 $0x8600, s19;
	[dreg:$0xa] =	wrdreg s10;
	v6 =	vsel vm3, $0x0, v1;
	(xrf0) =	vadd.scan.msk.s32 $0xffff, v28;
	(v2sf) =	vpush v58, $0xF  }
0x345: {  	s1 =	sadd.s32 $0x8580, s19;
	s14 =	sadd.s32 $0x400, s19;
	[dreg:$0x10] =	wrdreg s12;
	(xrf0) =	vadd.scan.msk.s32 $0xffff, v6;
	v60, _, _ =	vpop (xrf0)  }
0x346: {  	[dreg:$0x12] =	wrdreg s13;
	s6 =	simm.s32 $0x0;
	s10 =	sadd.s32 $0x8980, s19;
	(xrf0) =	vadd.scan.msk.s32 $0xffff, v62;
	v62, _, _ =	vpop (xrf0)  }
0x347: {  	s26 =	sadd.s32 $0x8A00, s19;
	s9 =	sadd.s32 $0x8900, s19;
	[dreg:$0x1d] =	wrdreg s1;
	(v2sf) =	vpush v62, $0xF  }
0x348: {  	s7 =	sadd.s32 $0x980, s19;
	[dreg:$0x15] =	wrdreg s26;
	s17 =	sadd.s32 $0xA80, s19;
	v8 =	vsel vm5, $0x0, v1;
	v59 =	vsel vm7, $0x0, v0;
	v14, _, _ =	vpop (xrf0)  }
0x349: {  	s12 =	sadd.s32 $0x8800, s19;
	s21 =	sadd.s32 $0x8A80, s19;
	[dreg:$0xf] =	wrdreg s17;
	v61 =	vsel vm8, $0x0, v0;
	(xrf0) =	vadd.scan.msk.s32 $0xffff, v59;
	(v2sf) =	vpush v60, $0xF;
	v6, _, _ =	vpop (xrf0)  }
0x34a: {  	[dreg:$0xc] =	wrdreg s21;
	s2 =	sadd.s32 $0x600, s19;
	s24 =	sadd.s32 $0x8400, s19;
	(xrf0) =	vadd.scan.msk.s32 $0xffff, v61;
	(v2sf) =	vpush v6, $0xF;
	v24, _, _ =	vpop (xrf0)  }
0x34b: {  	s25 =	sadd.s32 $0xA00, s19;
	[dreg:$0x1b] =	wrdreg s2;
	s22 =	sadd.s32 $0x10, s22;
	(xrf0) =	vadd.scan.msk.s32 $0xffff, v8;
	v8, _, _ =	vpop (xrf0)  }
0x34c: {  	s23 =	sadd.s32 $0x10, s23;
	s2 =	sadd.s32 $0xB00, s19;
	v10 =	vsel vm7, $0x0, v1;
	v63 =	vsel vm9, $0x0, v0;
	(v2sf) =	vpush v8, $0xF;
	s28 =	spop (v2sf)  }
0x34d: {  	[dreg:$0x17] =	wrdreg s25;
	v5 =	vsel vm6, $0x0, v1;
	(xrf0) =	vadd.scan.msk.s32 $0xffff, v63;
	v9, _, _ =	vpop (xrf0);
	s29 =	sshll.u32 s28, $0x4;
	s30 =	spop (v2sf)  }
0x34e: {  	(xrf0) =	vadd.scan.msk.s32 $0xffff, v5;
	(v2sf) =	vpush v9, $0xF;
	s21 =	sshll.u32 s30, $0x4;
	s29 =	sand.u32 $0x1FFFFFF0, s29;
	s0 =	spop (v2sf)  }
0x34f: {  	v7 =	vsel vm4, $0x0, v0;
	(xrf0) =	vadd.scan.msk.s32 $0xffff, v10;
	v10, _, _ =	vpop (xrf0);
	s21 =	sand.u32 $0x1FFFFFF0, s21;
	s13 =	sshll.u32 s0, $0x4;
	s1 =	spop (v2sf)  }
0x350: {  	(xrf0) =	vadd.scan.msk.s32 $0xffff, v7;
	v39, _, _ =	vpop (xrf0);
	(v2sf) =	vpush v10, $0xF;
	s29 =	sadd.s32 s5, s29;
	s28 =	sand.u32 $0x1FFFFFF0, s13;
	s3 =	spop (v2sf)  }
0x351: {  	v48, _, _ =	vpop (xrf0);
	s30 =	sshll.u32 s1, $0x4;
	s21 =	sadd.s32 s4, s21;
	s17 =	spop (v2sf)  }
0x352: {  	(v2sf) =	vpush v48, $0xF;
	[tilespmem:s14], [sflag:$0x1] =	stream.linear.gather [hbm4b:s21+s6], $0x80, $0x38;
	[tilespmem:$0x10680] =	vst v63  }
0x353: {  	v54, _, _ =	vpop (xrf0);
	(v2sf) =	vpush v39, $0xF;
	s13 =	sshll.u32 s3, $0x4;
	s28 =	sadd.s32 s4, s28;
	s0 =	spop (v2sf)  }
0x354: {  	v55, _, _ =	vpop (xrf0);
	s21 =	sand.u32 $0x1FFFFFF0, s13;
	s26 =	sshll.u32 s17, $0x4;
	s14 =	sshll.u32 s0, $0x4  }
0x355: {  	v56, _, _ =	vpop (xrf0);
	[tilespmem:s24], [sflag:$0x2] =	stream.linear.gather [hbm4b:s29+s6], $0x80, $0x38;
	[tilespmem:$0x10680] =	vst v63  }
0x356: {  	v57, _, _ =	vpop (xrf0);
	(v2sf) =	vpush v54, $0xF;
	s26 =	sand.u32 $0x1FFFFFF0, s26;
	s1 =	spop (v2sf);
	s31 =	sand.u32 $0x1FFFFFF0, s14  }
0x357: {  	(v2sf) =	vpush v57, $0xF;
	[tilespmem:s8], [sflag:$0x1] =	stream.linear.gather [hbm4b:s28+s6], $0x80, $0x38;
	[tilespmem:$0x10680] =	vst v63  }
0x358: {  	s13 =	sshll.u32 s1, $0x4;
	s3 =	spop (v2sf);
	s28 =	sadd.s32 $0x8680, s19  }
0x359: {  	v11 =	vsel vm8, $0x0, v1;
	s13 =	sand.u32 $0x1FFFFFF0, s13;
	s14 =	sshll.u32 s3, $0x4;
	s17 =	spop (v2sf)  }
0x35a: {  	v12 =	vsel vm9, $0x0, v1;
	(xrf0) =	vadd.scan.msk.s32 $0xffff, v11;
	s3 =	sadd.s32 s5, s13;
	s25 =	sand.u32 $0x1FFFFFF0, s14;
	s1 =	sshll.u32 s17, $0x4  }
0x35b: {  	(xrf0) =	vadd.scan.msk.s32 $0xffff, v12;
	(v2sf) =	vpush v55, $0xF;
	s14 =	sand.u32 $0x1FFFFFF0, s30;
	s13 =	sand.u32 $0x1FFFFFF0, s1;
	s0 =	spop (v2sf)  }
0x35c: {  	[tilespmem:s11], [sflag:$0x2] =	stream.linear.gather [hbm4b:s3+s6], $0x80, $0x38;
	[tilespmem:$0x10680] =	vst v63  }
0x35d: {  	(v2sf) =	vpush v56, $0xF;
	s3 =	sadd.s32 s4, s31;
	s11 =	sld [smem:$0x7F2];
	s17 =	spop (v2sf)  }
0x35e: {  	s31 =	sld [smem:$0x7F1];
	s1 =	sshll.u32 s0, $0x4;
	s0 =	sshll.u32 s17, $0x4  }
0x35f: {  	s1 =	sand.u32 $0x1FFFFFF0, s1;
	s17 =	spop (v2sf);
	s30 =	sand.u32 $0x1FFFFFF0, s0  }
0x360: {  	[tilespmem:s11], [sflag:$0x1] =	stream.linear.gather [hbm4b:s3+s6], $0x80, $0x38;
	[tilespmem:$0x10680] =	vst v63  }
0x361: {  	v58, _, _ =	vpop (xrf0);
	s3 =	sadd.s32 s5, s21;
	s21 =	sld [smem:$0x7F3];
	s0 =	spop (v2sf)  }
0x362: {  	v16 =	vsel vm10, $0x0, v1;
	v59, _, _ =	vpop (xrf0);
	s1 =	sadd.s32 s4, s1;
	s24 =	sshll.u32 s17, $0x4;
	(v2sf) =	vpush v58, $0xF;
	s17 =	spop (v2sf)  }
0x363: {  	(xrf0) =	vadd.scan.msk.s32 $0xffff, v16;
	s30 =	sadd.s32 s4, s30;
	s29 =	sshll.u32 s0, $0x4;
	(v2sf) =	vpush v59, $0xF;
	s0 =	sshll.u32 s17, $0x4  }
0x364: {  	v26 =	vsel vm10, $0x0, v0;
	[tilespmem:s21], [sflag:$0x2] =	stream.linear.gather [hbm4b:s3+s6], $0x80, $0x38;
	[tilespmem:$0x10680] =	vst v63  }
0x365: {  	v3 =	vsel vm11, $0x0, v1;
	(xrf0) =	vadd.scan.msk.s32 $0xffff, v26;
	s21 =	rddreg [dreg:$0x1f];
	s29 =	sand.u32 $0x1FFFFFF0, s29;
	s17 =	spop (v2sf)  }
0x366: {  	(xrf0) =	vadd.scan.msk.s32 $0xffff, v3;
	s8 =	sand.u32 $0x1FFFFFF0, s0;
	s0 =	spop (v2sf);
	s11 =	sshll.u32 s17, $0x4  }
0x367: {  	v17 =	vsel vm12, $0x0, v1;
	[tilespmem:s21], [sflag:$0x1] =	stream.linear.gather [hbm4b:s1+s6], $0x80, $0x38;
	[tilespmem:$0x10680] =	vst v63  }
0x368: {  	(xrf0) =	vadd.scan.msk.s32 $0xffff, v17;
	s21 =	sadd.s32 s5, s26;
	s26 =	rddreg [dreg:$0x1d];
	s1 =	sadd.s32 s4, s29  }
0x369: {  	v25 =	vsel vm13, $0x0, v1;
	[tilespmem:s26], [sflag:$0x2] =	stream.linear.gather [hbm4b:s21+s6], $0x80, $0x38;
	[tilespmem:$0x10680] =	vst v63  }
0x36a: {  	v27 =	vsel vm14, $0x0, v1;
	(xrf0) =	vadd.scan.msk.s32 $0xffff, v25;
	s29 =	sld [smem:$0x7F4];
	s0 =	sshll.u32 s0, $0x4;
	s17 =	spop (v2sf)  }
0x36b: {  	v13 =	vsel vm14, $0x0, v0;
	(xrf0) =	vadd.scan.msk.s32 $0xffff, v27;
	s6 =	smov.u32 s10;
	s0 =	sand.u32 $0x1FFFFFF0, s0;
	s3 =	sshll.u32 s17, $0x4  }
0x36c: {  	v15 =	vsel vm15, $0x0, v1;
	v60, _, _ =	vpop (xrf0);
	(xrf0) =	vadd.scan.msk.s32 $0xffff, v13;
	s10 =	rddreg [dreg:$0x1b];
	s3 =	sand.u32 $0x1FFFFFF0, s3;
	s17 =	spop (v2sf)  }
0x36d: {  	v61, _, _ =	vpop (xrf0);
	(xrf0) =	vadd.scan.msk.s32 $0xffff, v15;
	s26 =	sshll.u32 s17, $0x4;
	s17 =	smov.u32 s2;
	s2 =	simm.s32 $0x0  }
0x36e: {  	v22 =	vsel vm15, $0x0, v0;
	[tilespmem:s10], [sflag:$0x1] =	stream.linear.gather [hbm4b:s30+s2], $0x80, $0x38;
	[tilespmem:$0x10680] =	vst v63  }
0x36f: {  	v62, _, _ =	vpop (xrf0);
	(xrf0) =	vadd.scan.msk.s32 $0xffff, v22;
	s11 =	sand.u32 $0x1FFFFFF0, s11;
	s0 =	sadd.s32 s5, s0;
	s21 =	sadd.s32 s4, s3  }
0x370: {  	v63, _, _ =	vpop (xrf0);
	(v2sf) =	vpush v60, $0xF;
	[tilespmem:s18], [sflag:$0x2] =	stream.linear.gather [hbm4b:s0+s2], $0x80, $0x38;
	[tilespmem:$0x10680] =	vst v63  }
.Ltmp3:
0x371: {  	v29, _, _ =	vpop (xrf0);
	(v2sf) =	vpush v61, $0xF;
	s26 =	sand.u32 $0x1FFFFFF0, s26;
	s30 =	spop (v2sf);
	(pc) =	sbr.rel @p0 .LBB2_8-.Ltmp3, $4  }
0x372: {  	v28, _, _ =	vpop (xrf0);
	(v2sf) =	vpush v14, $0xF;
	s3 =	sshll.u32 s30, $0x4;
	s18 =	spop (v2sf);
	s30 =	sadd.s32 s5, s25  }
0x373: {  	v26, _, _ =	vpop (xrf0);
	(v2sf) =	vpush v62, $0xF;
	[tilespmem:s29], [sflag:$0x1] =	stream.linear.gather [hbm4b:s1+s2], $0x80, $0x38;
	[tilespmem:$0x10680] =	vst v63  }
0x374: {  	v22, _, _ =	vpop (xrf0);
	(v2sf) =	vpush v24, $0xF;
	s25 =	sand.u32 $0x1FFFFFF0, s3;
	s18 =	sshll.u32 s18, $0x4;
	s3 =	rddreg [dreg:$0x18]  }
0x375: {  	v13, _, _ =	vpop (xrf0);
	(v2sf) =	vpush v63, $0xF;
	[tilespmem:s28], [sflag:$0x2] =	stream.linear.gather [hbm4b:s30+s2], $0x80, $0x38;
	[tilespmem:$0x10680] =	vst v63  }
0x376: {  	[tilespmem:s3], [sflag:$0x1] =	stream.linear.gather [hbm4b:s21+s2], $0x80, $0x38;
	[tilespmem:$0x10680] =	vst v63  }
0x377: {  	s0 =	sadd.s32 s5, s13;
	s1 =	rddreg [dreg:$0x12]  }
0x378: {  	[tilespmem:s1], [sflag:$0x2] =	stream.linear.gather [hbm4b:s0+s2], $0x80, $0x38;
	[tilespmem:$0x10680] =	vst v63  }
0x379: {  	s13 =	sadd.s32 s4, s26;
	s20 =	rddreg [dreg:$0x10];
	s21 =	sand.u32 $0x1FFFFFF0, s24  }
0x37a: {  	[tilespmem:s20], [sflag:$0x1] =	stream.linear.gather [hbm4b:s13+s2], $0x80, $0x38;
	[tilespmem:$0x10680] =	vst v63  }
0x37b: {  	s22 =	sadd.s32 $0x8780, s19;
	s0 =	sadd.s32 s5, s21  }
0x37c: {  	[tilespmem:s22], [sflag:$0x2] =	stream.linear.gather [hbm4b:s0+s2], $0x80, $0x38;
	[tilespmem:$0x10680] =	vst v63  }
0x37d: {  	s23 =	sadd.s32 s4, s25;
	s24 =	rddreg [dreg:$0xa]  }
0x37e: {  	[tilespmem:s24], [sflag:$0x1] =	stream.linear.gather [hbm4b:s23+s2], $0x80, $0x38;
	[tilespmem:$0x10680] =	vst v63  }
0x37f: {  	s25 =	sadd.s32 s5, s8;
	s26 =	sand.u32 $0x1FFFFFF0, s18  }
0x380: {  	[tilespmem:s12], [sflag:$0x2] =	stream.linear.gather [hbm4b:s25+s2], $0x80, $0x38;
	[tilespmem:$0x10680] =	vst v63  }
0x381: {  	s28 =	rddreg [dreg:$0x8];
	s0 =	sadd.s32 s4, s26;
	s3 =	spop (v2sf)  }
0x382: {  	[tilespmem:s28], [sflag:$0x1] =	stream.linear.gather [hbm4b:s0+s2], $0x80, $0x38;
	[tilespmem:$0x10680] =	vst v63  }
0x383: {  	s0 =	sshll.u32 s3, $0x4  }
0x384: {  	s29 =	sadd.s32 s5, s11;
	s30 =	rddreg [dreg:$0x6];
	s0 =	sand.u32 $0x1FFFFFF0, s0  }
0x385: {  	[tilespmem:s30], [sflag:$0x2] =	stream.linear.gather [hbm4b:s29+s2], $0x80, $0x38;
	[tilespmem:$0x10680] =	vst v63  }
0x386: {  	s8 =	spop (v2sf);
	s0 =	sadd.s32 s4, s0  }
0x387: {  	(v2sf) =	vpush v29, $0xF;
	[tilespmem:s31], [sflag:$0x1] =	stream.linear.gather [hbm4b:s0+s2], $0x80, $0x38;
	[tilespmem:$0x10680] =	vst v63  }
0x388: {  	s0 =	sshll.u32 s8, $0x4  }
0x389: {  	s0 =	sand.u32 $0x1FFFFFF0, s0  }
0x38a: {  	s0 =	sadd.s32 s5, s0  }
0x38b: {  	[tilespmem:s9], [sflag:$0x2] =	stream.linear.gather [hbm4b:s0+s2], $0x80, $0x38;
	[tilespmem:$0x10680] =	vst v63  }
0x38c: {  	s9 =	spop (v2sf)  }
0x38d: {  	s10 =	spop (v2sf)  }
0x38e: {  	s1 =	sshll.u32 s10, $0x4;
	s12 =	spop (v2sf)  }
0x38f: {  	s1 =	sand.u32 $0x1FFFFFF0, s1;
	s13 =	spop (v2sf)  }
0x390: {  	(v2sf) =	vpush v28, $0xF;
	s1 =	sadd.s32 s4, s1;
	s3 =	sshll.u32 s13, $0x4  }
0x391: {  	[tilespmem:s7], [sflag:$0x1] =	stream.linear.gather [hbm4b:s1+s2], $0x80, $0x38;
	[tilespmem:$0x10680] =	vst v63  }
0x392: {  	s11 =	sadd.s32 s5, s14;
	s0 =	sshll.u32 s9, $0x4;
	s3 =	sand.u32 $0x1FFFFFF0, s3  }
0x393: {  	(v2sf) =	vpush v26, $0xF;
	[tilespmem:s6], [sflag:$0x2] =	stream.linear.gather [hbm4b:s11+s2], $0x80, $0x38;
	[tilespmem:$0x10680] =	vst v63  }
0x394: {  	s14 =	rddreg [dreg:$0x17];
	s0 =	sand.u32 $0x1FFFFFF0, s0;
	s3 =	sadd.s32 s4, s3  }
0x395: {  	[tilespmem:s14], [sflag:$0x1] =	stream.linear.gather [hbm4b:s3+s2], $0x80, $0x38;
	[tilespmem:$0x10680] =	vst v63  }
0x396: {  	s18 =	rddreg [dreg:$0x15];
	s0 =	sadd.s32 s5, s0;
	s20 =	spop (v2sf)  }
0x397: {  	(v2sf) =	vpush v22, $0xF;
	[tilespmem:s18], [sflag:$0x2] =	stream.linear.gather [hbm4b:s0+s2], $0x80, $0x38;
	[tilespmem:$0x10680] =	vst v63  }
0x398: {  	s0 =	sshll.u32 s20, $0x4  }
0x399: {  	s0 =	sand.u32 $0x1FFFFFF0, s0  }
0x39a: {  	s21 =	rddreg [dreg:$0xf];
	s22 =	sshll.u32 s12, $0x4;
	s0 =	sadd.s32 s4, s0  }
0x39b: {  	(v2sf) =	vpush v13, $0xF;
	[tilespmem:s21], [sflag:$0x1] =	stream.linear.gather [hbm4b:s0+s2], $0x80, $0x38;
	[tilespmem:$0x10680] =	vst v63  }
0x39c: {  	s0 =	sand.u32 $0x1FFFFFF0, s22  }
0x39d: {  	s23 =	rddreg [dreg:$0xc];
	s0 =	sadd.s32 s5, s0  }
0x39e: {  	[tilespmem:s23], [sflag:$0x2] =	stream.linear.gather [hbm4b:s0+s2], $0x80, $0x38;
	[tilespmem:$0x10680] =	vst v63  }
0x39f: {  	s24 =	spop (v2sf)  }
0x3a0: {  	s0 =	sshll.u32 s24, $0x4  }
0x3a1: {  	s0 =	sand.u32 $0x1FFFFFF0, s0  }
0x3a2: {  	s25 =	spop (v2sf);
	s0 =	sadd.s32 s4, s0  }
0x3a3: {  	[tilespmem:s17], [sflag:$0x1] =	stream.linear.gather [hbm4b:s0+s2], $0x80, $0x38;
	[tilespmem:$0x10680] =	vst v63  }
0x3a4: {  	s0 =	sshll.u32 s25, $0x4  }
0x3a5: {  	s0 =	sand.u32 $0x1FFFFFF0, s0  }
0x3a6: {  	s26 =	sadd.s32 $0x8B00, s19;
	s28 =	spop (v2sf);
	s0 =	sadd.s32 s5, s0  }
0x3a7: {  	[tilespmem:s26], [sflag:$0x2] =	stream.linear.gather [hbm4b:s0+s2], $0x80, $0x38;
	[tilespmem:$0x10680] =	vst v63  }
0x3a8: {  	s0 =	sshll.u32 s28, $0x4  }
0x3a9: {  	s0 =	sand.u32 $0x1FFFFFF0, s0  }
0x3aa: {  	s29 =	sadd.s32 $0xB80, s19;
	s30 =	spop (v2sf);
	s0 =	sadd.s32 s4, s0  }
0x3ab: {  	[tilespmem:s29], [sflag:$0x1] =	stream.linear.gather [hbm4b:s0+s2], $0x80, $0x38;
	[tilespmem:$0x10680] =	vst v63  }
0x3ac: {  	s0 =	sshll.u32 s30, $0x4  }
0x3ad: {  	s0 =	sand.u32 $0x1FFFFFF0, s0  }
0x3ae: {  	s31 =	sadd.s32 $0x8B80, s19;
	s1 =	simm.s32 $0x1;
	s0 =	sadd.s32 s5, s0  }
0x3af: {  	[tilespmem:s31], [sflag:$0x2] =	stream.linear.gather [hbm4b:s0+s2], $0x80, $0x38;
	[tilespmem:$0x10680] =	vst v63  }
0x3b0: {  	_ =	swait.ge [sflag:s1], $0x80  }
0x3b1: {  	[sflag:s1] =	ssyncset.done $0x0  }
0x3b2: {  	s3 =	simm.s32 $0x2;
	[sflag:s1] =	ssyncadd.s32 $0xFFFFFF80  }
0x3b3: {  	_ =	swait.ge [sflag:s3], $0x80  }
0x3b4: {  	s0 =	simm.s32 $0xFF;
	[sflag:s3] =	ssyncset.done $0x0  }
.LBB2_10:
0x3b5: {  	p0 =	sne.s32 s0, $0x1;
	s0 =	sadd.s32 $0xFFFFFFFF, s0;
	[sflag:s3] =	ssyncadd.s32 $0xFFFFFF80  }
.Ltmp4:
0x3b6: {  	_ =	swait.ge [sflag:s1], $0x80;
	(pc) =	sbr.rel @p0 .LBB2_10-.Ltmp4, $4  }
0x3b7: {  	[sflag:s1] =	ssyncset.done $0x0  }
0x3b8: {  	[sflag:s1] =	ssyncadd.s32 $0xFFFFFF80  }
0x3b9: {  	_ =	swait.ge [sflag:s3], $0x80  }
0x3ba: {  	[sflag:s3] =	ssyncset.done $0x0  }
0x3bb: {  	_ = 	snop  }
0x3bc: {  	v5 =	vld [tilespmem:$0x1FC80]  }
0x3bd: {  	v1 =	vld [tilespmem:$0x1FE10]  }
0x3be: {  	[sflag:s3] =	ssyncadd.s32 $0xFFFFFF80;
	s10 =	simm.s32 $0x10400;
	v0 =	vld [tilespmem:$0x1FF90]  }
0x3bf: {  	v54 =	vld.idx.msk [tilespmem:v46+s10+$0x0], $0xffff  }
0x3c0: {  	v55 =	vld.idx.msk [tilespmem:v45+s10+$0x0], $0xffff  }
0x3c1: {  	v56 =	vld.idx.msk [tilespmem:v44+s10+$0x0], $0xffff  }
0x3c2: {  	v57 =	vld.idx.msk [tilespmem:v30+s10+$0x0], $0xffff  }
0x3c3: {  	v58 =	vld.idx.msk [tilespmem:v33+s10+$0x0], $0xffff  }
0x3c4: {  	v59 =	vld.idx.msk [tilespmem:v36+s10+$0x0], $0xffff  }
0x3c5: {  	v60 =	vld.idx.msk [tilespmem:v37+s10+$0x0], $0xffff  }
0x3c6: {  	v62 =	vld.idx.msk [tilespmem:v34+s10+$0x0], $0xffff  }
0x3c7: {  	v63 =	vld.idx.msk [tilespmem:v35+s10+$0x0], $0xffff  }
0x3c8: {  	v24 =	vld.idx.msk [tilespmem:v50+s10+$0x0], $0xffff  }
0x3c9: {  	v26 =	vld.idx.msk [tilespmem:v49+s10+$0x0], $0xffff  }
0x3ca: {  	v30 =	vld.idx.msk [tilespmem:v38+s10+$0x0], $0xffff  }
0x3cb: {  	v33 =	vld.idx.msk [tilespmem:v51+s10+$0x0], $0xffff  }
0x3cc: {  	v13 =	vld.idx.msk [tilespmem:v52+s10+$0x0], $0xffff  }
0x3cd: {  	v34 =	vld.idx.msk [tilespmem:v53+s10+$0x0], $0xffff  }
0x3ce: {  	v44 =	vmov v35;
	v35 =	vld.idx.msk [tilespmem:v47+s10+$0x0], $0xffff  }
0x3cf: {  	v36 =	vld.idx.msk [tilespmem:v41+s10+$0x0], $0xffff  }
0x3d0: {  	v48 =	vmov v41;
	v41 =	vld [tilespmem:$0x1FDF0]  }
0x3d1: {  	v39 =	vld.idx.msk [tilespmem:v43+s10+$0x0], $0xffff  }
0x3d2: {  	v28 =	vld.idx.msk [tilespmem:v42+s10+$0x0], $0xffff  }
0x3d3: {  	v14 =	vld.idx.msk [tilespmem:v40+s10+$0x0], $0xffff  }
0x3d4: {  	s19 =	simm.s32 $0x0;
	v15 =	vld.idx.msk [tilespmem:v32+s10+$0x0], $0xffff  }
0x3d5: {  	v43 =	vmov v47;
	v47 =	vmov s19;
	v61 =	vld.idx.msk [tilespmem:v5+s10+$0x0], $0xffff  }
0x3d6: {  	v37 =	vld.idx.msk [tilespmem:v1+s10+$0x0], $0xffff  }
0x3d7: {  	v46 =	vmov v50;
	v50 =	vmov v38;
	v38 =	vld.idx.msk [tilespmem:v0+s10+$0x0], $0xffff  }
0x3d8: {  	s0 =	simm.s32 $0x10;
	v7 =	vlaneseq.u32;
	s3 =	simm.s32 $0x4;
	v22 =	vshll.u32 v47, $0x7;
	v47 =	vmovc v1;
	v42 =	vmov v5;
	v29 =	vld.idx.msk [tilespmem:v41+s10+$0x0], $0xffff  }
.LBB2_12:
0x3d9: {  	v22 =	vor.u32 v31, v22;
	v0 =	vld.idx.msk [tilespmem:v23+s10+$0x0], $0xffff  }
0x3da: {  	v2 =	vld.idx.msk [tilespmem:v21+s10+$0x0], $0xffff;
	v1 =	vor.u32 v7, v22;
	v7 =	vlaneseq.u32  }
0x3db: {  	v3 =	vld.idx.msk [tilespmem:v20+s10+$0x0], $0xffff  }
0x3dc: {  	v5 =	vld.idx.msk [tilespmem:v19+s10+$0x0], $0xffff  }
0x3dd: {  	v6 =	vld.idx.msk [tilespmem:v18+s10+$0x0], $0xffff;
	v4 =	vor.u32 v18, v22  }
0x3de: {  	v45 =	vld [tilespmem:$0x1FFE0]  }
0x3df: {  	v8 =	vor.u32 v19, v22;
	v7 =	vld.idx.msk [tilespmem:v7+s10+$0x0], $0xffff  }
0x3e0: {  	v9 =	vld.idx.msk [tilespmem:v1+s15+$0x0], $0xffff  }
0x3e1: {  	v10 =	vor.u32 v20, v22;
	v1 =	vld.idx.msk [tilespmem:v1+s16+$0x0], $0xffff  }
0x3e2: {  	v11 =	vld.idx.msk [tilespmem:v4+s15+$0x0], $0xffff  }
0x3e3: {  	v12 =	vor.u32 v21, v22;
	v4 =	vld.idx.msk [tilespmem:v4+s16+$0x0], $0xffff  }
0x3e4: {  	v16 =	vld.idx.msk [tilespmem:v8+s15+$0x0], $0xffff  }
0x3e5: {  	v17 =	vor.u32 v23, v22;
	v8 =	vld.idx.msk [tilespmem:v8+s16+$0x0], $0xffff  }
0x3e6: {  	v25 =	vld.idx.msk [tilespmem:v10+s15+$0x0], $0xffff  }
0x3e7: {  	v1 =	vmul.f32 v1, v9;
	v9 =	vld.idx.msk [tilespmem:v10+s16+$0x0], $0xffff;
	v10 =	vor.u32 v32, v22  }
0x3e8: {  	v27 =	vld.idx.msk [tilespmem:v12+s15+$0x0], $0xffff  }
0x3e9: {  	v4 =	vmul.f32 v4, v11;
	v1 =	vmul.f32 v1, v7;
	v7 =	vld.idx.msk [tilespmem:v12+s16+$0x0], $0xffff  }
0x3ea: {  	v11 =	vor.u32 v40, v22;
	v40 =	vmov v32;
	v12 =	vld.idx.msk [tilespmem:v17+s15+$0x0], $0xffff  }
0x3eb: {  	v32 =	vmovc v23;
	v4 =	vmul.f32 v4, v6;
	v6 =	vmul.f32 v8, v16;
	v8 =	vld.idx.msk [tilespmem:v17+s16+$0x0], $0xffff;
	v1 =	vadd.f32 $0.0e+00, v1  }
0x3ec: {  	v23 =	vmovc v21;
	v21 =	vmovc v20;
	v20 =	vmov v19;
	v19 =	vmov v18;
	v18 =	vmov v31;
	v16 =	vld.idx.msk [tilespmem:v10+s15+$0x0], $0xffff  }
0x3ed: {  	v31 =	vor.u32 v41, v22;
	v1 =	vadd.f32 v4, v1;
	v4 =	vmul.f32 v6, v5;
	v6 =	vld.idx.msk [tilespmem:v10+s16+$0x0], $0xffff  }
0x3ee: {  	v5 =	vmul.f32 v9, v25;
	v25 =	vld [tilespmem:$0x1FFF0]  }
0x3ef: {  	v17 =	vor.u32 v45, v22;
	v9 =	vld.idx.msk [tilespmem:v11+s15+$0x0], $0xffff  }
0x3f0: {  	v1 =	vadd.f32 v4, v1;
	v3 =	vmul.f32 v5, v3;
	v4 =	vmul.f32 v7, v27;
	v27 =	vld [tilespmem:$0x1FF90]  }
0x3f1: {  	v5 =	vld.idx.msk [tilespmem:v11+s16+$0x0], $0xffff  }
0x3f2: {  	v7 =	vld.idx.msk [tilespmem:v31+s15+$0x0], $0xffff;
	v1 =	vadd.f32 v3, v1  }
0x3f3: {  	v2 =	vmul.f32 v4, v2;
	v3 =	vmul.f32 v8, v12;
	v4 =	vld.idx.msk [tilespmem:v31+s16+$0x0], $0xffff;
	v10 =	vor.u32 v25, v22  }
0x3f4: {  	v8 =	vld.idx.msk [tilespmem:v17+s15+$0x0], $0xffff;
	v12 =	vor.u32 v47, v22  }
0x3f5: {  	v1 =	vadd.f32 v2, v1;
	v0 =	vmul.f32 v3, v0;
	v2 =	vmul.f32 v6, v16;
	v3 =	vld.idx.msk [tilespmem:v17+s16+$0x0], $0xffff  }
0x3f6: {  	v17 =	vld [tilespmem:$0x1FE00];
	v11 =	vor.u32 v27, v22  }
0x3f7: {  	v0 =	vadd.f32 v0, v1;
	v1 =	vmul.f32 v2, v15;
	v15 =	vld [tilespmem:$0x1FFB0]  }
0x3f8: {  	v2 =	vmul.f32 v5, v9;
	v6 =	vld.idx.msk [tilespmem:v10+s15+$0x0], $0xffff  }
0x3f9: {  	v16 =	vor.u32 v48, v22;
	v5 =	vld.idx.msk [tilespmem:v10+s16+$0x0], $0xffff  }
0x3fa: {  	v0 =	vadd.f32 v1, v0;
	v1 =	vmul.f32 v2, v14;
	v2 =	vmul.f32 v4, v7;
	v7 =	vld.idx.msk [tilespmem:v12+s15+$0x0], $0xffff  }
0x3fb: {  	v9 =	vld.idx.msk [tilespmem:v11+s15+$0x0], $0xffff  }
0x3fc: {  	v10 =	vor.u32 v43, v22;
	v4 =	vld.idx.msk [tilespmem:v11+s16+$0x0], $0xffff  }
0x3fd: {  	v0 =	vadd.f32 v1, v0;
	v1 =	vmul.f32 v2, v29;
	v2 =	vmul.f32 v3, v8;
	v3 =	vld.idx.msk [tilespmem:v12+s16+$0x0], $0xffff  }
0x3fe: {  	v8 =	vld.idx.msk [tilespmem:v16+s15+$0x0], $0xffff  }
0x3ff: {  	v29 =	vld [tilespmem:$0x1FD50]  }
0x400: {  	v11 =	vor.u32 v53, v22;
	v0 =	vadd.f32 v1, v0;
	v1 =	vmul.f32 v2, v28;
	v28 =	vld [tilespmem:$0x1FD40]  }
0x401: {  	v2 =	vmul.f32 v5, v6;
	v5 =	vld.idx.msk [tilespmem:v16+s16+$0x0], $0xffff  }
0x402: {  	v12 =	vor.u32 v52, v22;
	v6 =	vld.idx.msk [tilespmem:v10+s15+$0x0], $0xffff  }
0x403: {  	v14 =	vor.u32 v51, v22;
	v16 =	vld [tilespmem:$0x1FFC0]  }
0x404: {  	v0 =	vadd.f32 v1, v0;
	v1 =	vmul.f32 v2, v39;
	v39 =	vmul.f32 v4, v9;
	v4 =	vld.idx.msk [tilespmem:v10+s16+$0x0], $0xffff  }
0x405: {  	v9 =	vld.idx.msk [tilespmem:v11+s15+$0x0], $0xffff;
	v10 =	vor.u32 v50, v22  }
0x406: {  	v0 =	vadd.f32 v1, v0;
	v38 =	vmul.f32 v39, v38;
	v39 =	vmul.f32 v3, v7;
	v3 =	vld.idx.msk [tilespmem:v11+s16+$0x0], $0xffff  }
0x407: {  	v7 =	vld.idx.msk [tilespmem:v12+s15+$0x0], $0xffff  }
0x408: {  	v0 =	vadd.f32 v38, v0;
	v38 =	vmul.f32 v39, v37;
	v39 =	vmul.f32 v5, v8;
	v5 =	vld.idx.msk [tilespmem:v12+s16+$0x0], $0xffff  }
0x409: {  	v11 =	vor.u32 v49, v22;
	v8 =	vld.idx.msk [tilespmem:v14+s15+$0x0], $0xffff  }
0x40a: {  	v0 =	vadd.f32 v38, v0;
	v38 =	vmul.f32 v4, v6;
	v4 =	vld.idx.msk [tilespmem:v14+s16+$0x0], $0xffff  }
0x40b: {  	v12 =	vor.u32 v46, v22;
	v6 =	vld.idx.msk [tilespmem:v10+s15+$0x0], $0xffff  }
0x40c: {  	v37 =	vmul.f32 v39, v36;
	v36 =	vmul.f32 v3, v9;
	v3 =	vld.idx.msk [tilespmem:v10+s16+$0x0], $0xffff  }
0x40d: {  	v39 =	vmul.f32 v38, v35;
	v35 =	vld [tilespmem:$0x1FD70]  }
0x40e: {  	v14 =	vor.u32 v44, v22;
	v9 =	vld.idx.msk [tilespmem:v11+s15+$0x0], $0xffff  }
0x40f: {  	v0 =	vadd.f32 v37, v0;
	v38 =	vmul.f32 v5, v7;
	v5 =	vld.idx.msk [tilespmem:v11+s16+$0x0], $0xffff  }
0x410: {  	v7 =	vld.idx.msk [tilespmem:v12+s15+$0x0], $0xffff  }
0x411: {  	v37 =	vmul.f32 v36, v34;
	v34 =	vld [tilespmem:$0x1FD60];
	v0 =	vadd.f32 v39, v0  }
0x412: {  	v36 =	vmul.f32 v4, v8;
	v4 =	vld.idx.msk [tilespmem:v12+s16+$0x0], $0xffff;
	v10 =	vor.u32 v35, v22  }
0x413: {  	v39 =	vmul.f32 v38, v13;
	v8 =	vld.idx.msk [tilespmem:v14+s15+$0x0], $0xffff;
	v0 =	vadd.f32 v37, v0;
	v38 =	vmul.f32 v3, v6  }
0x414: {  	v11 =	vor.u32 v42, v22;
	v3 =	vld.idx.msk [tilespmem:v14+s16+$0x0], $0xffff;
	v37 =	vmul.f32 v36, v33;
	v33 =	vmul.f32 v5, v9  }
0x415: {  	v14 =	vld [tilespmem:$0x1FFA0];
	v0 =	vadd.f32 v39, v0  }
0x416: {  	v12 =	vor.u32 v34, v22;
	v36 =	vmul.f32 v33, v26;
	v26 =	vld [tilespmem:$0x1FD30]  }
0x417: {  	v39 =	vmul.f32 v38, v30;
	v0 =	vadd.f32 v37, v0;
	v6 =	vld.idx.msk [tilespmem:v10+s15+$0x0], $0xffff  }
0x418: {  	v13 =	vor.u32 v29, v22;
	v5 =	vld.idx.msk [tilespmem:v10+s16+$0x0], $0xffff  }
0x419: {  	v9 =	vld.idx.msk [tilespmem:v11+s15+$0x0], $0xffff;
	v37 =	vmul.f32 v4, v7;
	v0 =	vadd.f32 v39, v0  }
0x41a: {  	v4 =	vld.idx.msk [tilespmem:v11+s16+$0x0], $0xffff;
	v10 =	vor.u32 v28, v22  }
0x41b: {  	v38 =	vmul.f32 v37, v24;
	v39 =	vmul.f32 v3, v8;
	v7 =	vld.idx.msk [tilespmem:v12+s15+$0x0], $0xffff;
	v0 =	vadd.f32 v36, v0  }
0x41c: {  	v33 =	vld.idx.msk [tilespmem:v12+s16+$0x0], $0xffff;
	v11 =	vor.u32 v26, v22  }
0x41d: {  	v8 =	vld.idx.msk [tilespmem:v13+s15+$0x0], $0xffff;
	v36 =	vmul.f32 v39, v63;
	v0 =	vadd.f32 v38, v0;
	v37 =	vmul.f32 v5, v6  }
0x41e: {  	v12 =	vor.u32 v16, v22;
	v5 =	vld.idx.msk [tilespmem:v13+s16+$0x0], $0xffff  }
0x41f: {  	v39 =	vmul.f32 v4, v9;
	v6 =	vld.idx.msk [tilespmem:v10+s15+$0x0], $0xffff;
	v0 =	vadd.f32 v36, v0;
	v38 =	vmul.f32 v37, v62  }
0x420: {  	v13 =	vor.u32 v15, v22;
	v4 =	vld.idx.msk [tilespmem:v10+s16+$0x0], $0xffff  }
0x421: {  	v61 =	vmul.f32 v39, v61;
	v62 =	vmul.f32 v33, v7;
	v9 =	vld.idx.msk [tilespmem:v11+s15+$0x0], $0xffff;
	v0 =	vadd.f32 v38, v0  }
0x422: {  	v10 =	vor.u32 v14, v22;
	v63 =	vld.idx.msk [tilespmem:v11+s16+$0x0], $0xffff  }
0x423: {  	v7 =	vld.idx.msk [tilespmem:v12+s15+$0x0], $0xffff;
	v36 =	vmul.f32 v62, v60;
	v37 =	vmul.f32 v5, v8;
	v0 =	vadd.f32 v61, v0  }
0x424: {  	v33 =	vor.u32 v17, v22;
	v5 =	vld.idx.msk [tilespmem:v12+s16+$0x0], $0xffff  }
0x425: {  	v8 =	vld.idx.msk [tilespmem:v13+s15+$0x0], $0xffff;
	v39 =	vmul.f32 v4, v6;
	v38 =	vmul.f32 v37, v59;
	v0 =	vadd.f32 v36, v0  }
0x426: {  	v4 =	vld.idx.msk [tilespmem:v13+s16+$0x0], $0xffff  }
0x427: {  	v6 =	vld.idx.msk [tilespmem:v10+s15+$0x0], $0xffff;
	v58 =	vmul.f32 v39, v58;
	v59 =	vmul.f32 v63, v9;
	v0 =	vadd.f32 v38, v0  }
0x428: {  	v60 =	vld.idx.msk [tilespmem:v10+s16+$0x0], $0xffff  }
0x429: {  	v61 =	vld.idx.msk [tilespmem:v33+s15+$0x0], $0xffff;
	v62 =	vmul.f32 v59, v57;
	v63 =	vmul.f32 v5, v7;
	v0 =	vadd.f32 v58, v0  }
0x42a: {  	v5 =	vld.idx.msk [tilespmem:v33+s16+$0x0], $0xffff  }
0x42b: {  	v11 =	vmul.f32 v4, v8;
	v10 =	vmul.f32 v63, v56;
	v0 =	vadd.f32 v62, v0  }
0x42c: {  	v4 =	vld.idx.msk [tilespmem:v17+s10+$0x0], $0xffff  }
0x42d: {  	v36 =	vmul.f32 v60, v6;
	v33 =	vmul.f32 v11, v55;
	v0 =	vadd.f32 v10, v0;
	_ =	sdelay $0x1  }
0x42e: {  	v37 =	vmul.f32 v36, v54;
	v38 =	vmul.f32 v5, v61;
	v0 =	vadd.f32 v33, v0;
	_ =	sdelay $0x1  }
0x42f: {  	v39 =	vmul.f32 v38, v4;
	v0 =	vadd.f32 v37, v0;
	_ =	sdelay $0x1  }
0x430: {  	v0 =	vadd.f32 v39, v0  }
0x431: {  	s1 =	sand.u32 $0xF0, s19;
	v31 =	vmov v18;
	v18 =	vmov v19  }
0x432: {  	v19 =	vmovc v20;
	v20 =	vmovc v21;
	v21 =	vmov v23;
	v23 =	vmov v32;
	v32 =	vmov v40;
	v40 =	vld [tilespmem:$0x1FF80];
	[tilespmem:s1+$0x10580] =	vst v0  }
0x433: {  	v54 =	vld.idx.msk [tilespmem:v14+s10+$0x0], $0xffff  }
0x434: {  	v55 =	vld.idx.msk [tilespmem:v15+s10+$0x0], $0xffff  }
0x435: {  	v56 =	vld.idx.msk [tilespmem:v16+s10+$0x0], $0xffff  }
0x436: {  	v57 =	vld.idx.msk [tilespmem:v26+s10+$0x0], $0xffff  }
0x437: {  	v58 =	vld.idx.msk [tilespmem:v28+s10+$0x0], $0xffff  }
0x438: {  	v59 =	vld.idx.msk [tilespmem:v29+s10+$0x0], $0xffff  }
0x439: {  	v60 =	vld.idx.msk [tilespmem:v34+s10+$0x0], $0xffff  }
0x43a: {  	v61 =	vld.idx.msk [tilespmem:v42+s10+$0x0], $0xffff  }
0x43b: {  	v62 =	vld.idx.msk [tilespmem:v35+s10+$0x0], $0xffff  }
0x43c: {  	v63 =	vld.idx.msk [tilespmem:v44+s10+$0x0], $0xffff  }
0x43d: {  	v24 =	vld.idx.msk [tilespmem:v46+s10+$0x0], $0xffff  }
0x43e: {  	v26 =	vld.idx.msk [tilespmem:v49+s10+$0x0], $0xffff  }
0x43f: {  	v30 =	vld.idx.msk [tilespmem:v50+s10+$0x0], $0xffff  }
0x440: {  	v33 =	vld.idx.msk [tilespmem:v51+s10+$0x0], $0xffff  }
0x441: {  	v13 =	vld.idx.msk [tilespmem:v52+s10+$0x0], $0xffff  }
0x442: {  	v34 =	vld.idx.msk [tilespmem:v53+s10+$0x0], $0xffff  }
0x443: {  	v35 =	vld.idx.msk [tilespmem:v43+s10+$0x0], $0xffff  }
0x444: {  	v36 =	vld.idx.msk [tilespmem:v48+s10+$0x0], $0xffff  }
0x445: {  	v37 =	vld.idx.msk [tilespmem:v47+s10+$0x0], $0xffff  }
0x446: {  	p0 =	sne.s32 s0, $0xF0;
	v38 =	vld.idx.msk [tilespmem:v27+s10+$0x0], $0xffff  }
.Ltmp5:
0x447: {  	v39 =	vld.idx.msk [tilespmem:v25+s10+$0x0], $0xffff;
	(pc) =	sbr.rel @p0 .LBB2_12-.Ltmp5, $4  }
0x448: {  	v28 =	vld.idx.msk [tilespmem:v45+s10+$0x0], $0xffff  }
0x449: {  	v29 =	vld.idx.msk [tilespmem:v41+s10+$0x0], $0xffff  }
0x44a: {  	v45 =	vmov s0;
	v14 =	vld.idx.msk [tilespmem:v40+s10+$0x0], $0xffff  }
0x44b: {  	s19 =	smov.u32 s0;
	v7 =	vlaneseq.u32;
	v15 =	vld.idx.msk [tilespmem:v32+s10+$0x0], $0xffff;
	s0 =	sadd.s32 $0x10, s0;
	v22 =	vshll.u32 v45, $0x7  }
0x44c: {  	_ =	sdelay $0x2  }
0x44d: {  	v22 =	vor.u32 v31, v22;
	v12 =	vlaneseq.u32  }
0x44e: {  	v0 =	vld.idx.msk [tilespmem:v23+s10+$0x0], $0xffff;
	v1 =	vor.u32 v7, v22  }
0x44f: {  	v2 =	vld.idx.msk [tilespmem:v21+s10+$0x0], $0xffff  }
0x450: {  	v3 =	vld.idx.msk [tilespmem:v20+s10+$0x0], $0xffff;
	v4 =	vor.u32 v18, v22  }
0x451: {  	v5 =	vld.idx.msk [tilespmem:v19+s10+$0x0], $0xffff  }
0x452: {  	v8 =	vor.u32 v19, v22;
	v7 =	vld.idx.msk [tilespmem:v12+s10+$0x0], $0xffff  }
0x453: {  	v9 =	vld.idx.msk [tilespmem:v1+s15+$0x0], $0xffff  }
0x454: {  	v1 =	vld.idx.msk [tilespmem:v1+s16+$0x0], $0xffff  }
0x455: {  	v11 =	vld.idx.msk [tilespmem:v4+s15+$0x0], $0xffff  }
0x456: {  	v10 =	vor.u32 v20, v22;
	v4 =	vld.idx.msk [tilespmem:v4+s16+$0x0], $0xffff  }
0x457: {  	v16 =	vld.idx.msk [tilespmem:v8+s15+$0x0], $0xffff  }
0x458: {  	v12 =	vor.u32 v21, v22;
	v8 =	vld.idx.msk [tilespmem:v8+s16+$0x0], $0xffff  }
0x459: {  	v6 =	vld.idx.msk [tilespmem:v18+s10+$0x0], $0xffff;
	v17 =	vor.u32 v23, v22  }
0x45a: {  	v45 =	vor.u32 v40, v22;
	v40 =	vor.u32 v47, v22;
	v47 =	vor.u32 v43, v22;
	v43 =	vld [tilespmem:$0x1FD70]  }
0x45b: {  	v25 =	vld.idx.msk [tilespmem:v10+s15+$0x0], $0xffff  }
0x45c: {  	v1 =	vmul.f32 v1, v9;
	v9 =	vld.idx.msk [tilespmem:v10+s16+$0x0], $0xffff  }
0x45d: {  	v4 =	vmul.f32 v4, v11;
	v11 =	vld.idx.msk [tilespmem:v12+s16+$0x0], $0xffff;
	v8 =	vmul.f32 v8, v16;
	v16 =	vor.u32 v41, v22  }
0x45e: {  	v10 =	vor.u32 v32, v22;
	v1 =	vmul.f32 v1, v7;
	v7 =	vld.idx.msk [tilespmem:v12+s15+$0x0], $0xffff  }
0x45f: {  	v4 =	vmul.f32 v4, v6;
	v6 =	vld.idx.msk [tilespmem:v17+s15+$0x0], $0xffff  }
0x460: {  	v17 =	vld.idx.msk [tilespmem:v17+s16+$0x0], $0xffff  }
0x461: {  	v1 =	vadd.f32 $0.0e+00, v1;
	v41 =	vmul.f32 v9, v25;
	v25 =	vld [tilespmem:$0x1FFE0]  }
0x462: {  	v12 =	vld.idx.msk [tilespmem:v16+s16+$0x0], $0xffff  }
0x463: {  	v1 =	vadd.f32 v4, v1;
	v4 =	vmul.f32 v8, v5;
	v5 =	vld.idx.msk [tilespmem:v10+s15+$0x0], $0xffff  }
0x464: {  	v10 =	vld.idx.msk [tilespmem:v10+s16+$0x0], $0xffff  }
0x465: {  	v3 =	vmul.f32 v41, v3;
	v41 =	vld [tilespmem:$0x1FFF0]  }
0x466: {  	v7 =	vmul.f32 v11, v7;
	v11 =	vld.idx.msk [tilespmem:v47+s16+$0x0], $0xffff  }
0x467: {  	v1 =	vadd.f32 v4, v1;
	v4 =	vld.idx.msk [tilespmem:v45+s15+$0x0], $0xffff;
	v9 =	vor.u32 v25, v22  }
0x468: {  	v6 =	vmul.f32 v17, v6;
	v45 =	vld.idx.msk [tilespmem:v45+s16+$0x0], $0xffff  }
0x469: {  	v2 =	vmul.f32 v7, v2;
	v1 =	vadd.f32 v3, v1;
	v3 =	vld.idx.msk [tilespmem:v16+s15+$0x0], $0xffff  }
0x46a: {  	v17 =	vld [tilespmem:$0x1FFA0];
	v7 =	vor.u32 v27, v22;
	v0 =	vmul.f32 v6, v0  }
0x46b: {  	v6 =	vld.idx.msk [tilespmem:v40+s16+$0x0], $0xffff;
	v5 =	vmul.f32 v10, v5;
	v8 =	vor.u32 v41, v22;
	v1 =	vadd.f32 v2, v1  }
0x46c: {  	v2 =	vld.idx.msk [tilespmem:v9+s15+$0x0], $0xffff  }
0x46d: {  	v4 =	vmul.f32 v45, v4;
	v0 =	vadd.f32 v0, v1;
	v1 =	vmul.f32 v5, v15;
	v9 =	vld.idx.msk [tilespmem:v9+s16+$0x0], $0xffff  }
0x46e: {  	v3 =	vmul.f32 v12, v3;
	v12 =	vor.u32 v51, v22;
	v51 =	vld [tilespmem:$0x1FFC0]  }
0x46f: {  	v45 =	vor.u32 v48, v22;
	v0 =	vadd.f32 v1, v0;
	v1 =	vmul.f32 v4, v14;
	v4 =	vld.idx.msk [tilespmem:v7+s15+$0x0], $0xffff  }
0x470: {  	v48 =	vor.u32 v53, v22;
	v5 =	vld.idx.msk [tilespmem:v8+s15+$0x0], $0xffff  }
0x471: {  	v8 =	vld.idx.msk [tilespmem:v8+s16+$0x0], $0xffff  }
0x472: {  	v53 =	vor.u32 v52, v22;
	v7 =	vld.idx.msk [tilespmem:v7+s16+$0x0], $0xffff  }
0x473: {  	v0 =	vadd.f32 v1, v0;
	v1 =	vmul.f32 v3, v29;
	v3 =	vld.idx.msk [tilespmem:v40+s15+$0x0], $0xffff  }
0x474: {  	v10 =	vld.idx.msk [tilespmem:v45+s16+$0x0], $0xffff;
	v2 =	vmul.f32 v9, v2  }
0x475: {  	v9 =	vld.idx.msk [tilespmem:v48+s16+$0x0], $0xffff  }
0x476: {  	v0 =	vadd.f32 v1, v0;
	v1 =	vmul.f32 v2, v28;
	v2 =	vmul.f32 v8, v5;
	v5 =	vld.idx.msk [tilespmem:v45+s15+$0x0], $0xffff  }
0x477: {  	v8 =	vld.idx.msk [tilespmem:v53+s16+$0x0], $0xffff  }
0x478: {  	v45 =	vld [tilespmem:$0x1FD60]  }
0x479: {  	v0 =	vadd.f32 v1, v0;
	v1 =	vmul.f32 v2, v39;
	v2 =	vmul.f32 v7, v4;
	v4 =	vld.idx.msk [tilespmem:v47+s15+$0x0], $0xffff  }
0x47a: {  	v14 =	vor.u32 v50, v22;
	v39 =	vor.u32 v46, v22;
	v7 =	vld.idx.msk [tilespmem:v12+s16+$0x0], $0xffff  }
0x47b: {  	v46 =	vld [tilespmem:$0x1FD50];
	v0 =	vadd.f32 v1, v0;
	v1 =	vmul.f32 v2, v38;
	v2 =	vmul.f32 v6, v3  }
0x47c: {  	v3 =	vld.idx.msk [tilespmem:v48+s15+$0x0], $0xffff  }
0x47d: {  	v47 =	vld [tilespmem:$0x1FD40];
	v0 =	vadd.f32 v1, v0;
	v1 =	vmul.f32 v2, v37;
	v2 =	vmul.f32 v10, v5  }
0x47e: {  	v38 =	vor.u32 v49, v22;
	v5 =	vld.idx.msk [tilespmem:v53+s15+$0x0], $0xffff  }
0x47f: {  	v6 =	vld.idx.msk [tilespmem:v14+s16+$0x0], $0xffff;
	v4 =	vmul.f32 v11, v4;
	v0 =	vadd.f32 v1, v0;
	v1 =	vmul.f32 v2, v36  }
0x480: {  	v2 =	vld.idx.msk [tilespmem:v12+s15+$0x0], $0xffff  }
0x481: {  	v48 =	vld [tilespmem:$0x1FD30];
	v3 =	vmul.f32 v9, v3;
	v0 =	vadd.f32 v1, v0;
	v1 =	vmul.f32 v4, v35  }
0x482: {  	v40 =	vor.u32 v44, v22;
	v4 =	vld.idx.msk [tilespmem:v14+s15+$0x0], $0xffff  }
0x483: {  	v10 =	vld.idx.msk [tilespmem:v38+s16+$0x0], $0xffff;
	v0 =	vadd.f32 v1, v0;
	v1 =	vmul.f32 v3, v34;
	v3 =	vmul.f32 v8, v5  }
0x484: {  	v5 =	vld.idx.msk [tilespmem:v38+s15+$0x0], $0xffff;
	v8 =	vor.u32 v43, v22  }
0x485: {  	v11 =	vld.idx.msk [tilespmem:v39+s16+$0x0], $0xffff;
	v2 =	vmul.f32 v7, v2;
	v0 =	vadd.f32 v1, v0;
	v1 =	vmul.f32 v3, v13  }
0x486: {  	v44 =	vor.u32 v42, v22;
	v3 =	vld.idx.msk [tilespmem:v39+s15+$0x0], $0xffff  }
0x487: {  	v9 =	vld.idx.msk [tilespmem:v40+s16+$0x0], $0xffff;
	v0 =	vadd.f32 v1, v0;
	v1 =	vmul.f32 v2, v33;
	v2 =	vmul.f32 v6, v4  }
0x488: {  	v4 =	vld.idx.msk [tilespmem:v40+s15+$0x0], $0xffff;
	v6 =	vor.u32 v45, v22  }
0x489: {  	v0 =	vadd.f32 v1, v0;
	v1 =	vmul.f32 v2, v30;
	v2 =	vmul.f32 v10, v5;
	v5 =	vld.idx.msk [tilespmem:v8+s15+$0x0], $0xffff  }
0x48a: {  	v10 =	vor.u32 v46, v22;
	v8 =	vld.idx.msk [tilespmem:v8+s16+$0x0], $0xffff  }
0x48b: {  	v7 =	vld.idx.msk [tilespmem:v44+s16+$0x0], $0xffff;
	v0 =	vadd.f32 v1, v0;
	v1 =	vmul.f32 v2, v26;
	v2 =	vmul.f32 v11, v3  }
0x48c: {  	v3 =	vld.idx.msk [tilespmem:v44+s15+$0x0], $0xffff;
	v11 =	vor.u32 v47, v22  }
0x48d: {  	v50 =	vld [tilespmem:$0x1FFB0];
	v0 =	vadd.f32 v1, v0;
	v1 =	vmul.f32 v2, v24;
	v2 =	vmul.f32 v9, v4  }
0x48e: {  	v4 =	vld.idx.msk [tilespmem:v6+s15+$0x0], $0xffff  }
0x48f: {  	v6 =	vld.idx.msk [tilespmem:v6+s16+$0x0], $0xffff;
	v5 =	vmul.f32 v8, v5;
	v0 =	vadd.f32 v1, v0;
	v1 =	vmul.f32 v2, v63  }
0x490: {  	v9 =	vor.u32 v48, v22;
	v2 =	vld.idx.msk [tilespmem:v10+s15+$0x0], $0xffff  }
0x491: {  	v10 =	vld.idx.msk [tilespmem:v10+s16+$0x0], $0xffff;
	v3 =	vmul.f32 v7, v3;
	v0 =	vadd.f32 v1, v0;
	v1 =	vmul.f32 v5, v62  }
0x492: {  	v49 =	vor.u32 v51, v22;
	v5 =	vld.idx.msk [tilespmem:v11+s15+$0x0], $0xffff  }
0x493: {  	v0 =	vadd.f32 v1, v0;
	v1 =	vmul.f32 v3, v61;
	v61 =	vld [tilespmem:$0x1FE00]  }
0x494: {  	v52 =	vor.u32 v50, v22;
	v11 =	vld.idx.msk [tilespmem:v11+s16+$0x0], $0xffff  }
0x495: {  	v4 =	vmul.f32 v6, v4;
	v3 =	vld.idx.msk [tilespmem:v9+s15+$0x0], $0xffff  }
0x496: {  	v53 =	vor.u32 v17, v22;
	v9 =	vld.idx.msk [tilespmem:v9+s16+$0x0], $0xffff  }
0x497: {  	v8 =	vld.idx.msk [tilespmem:v49+s16+$0x0], $0xffff;
	v2 =	vmul.f32 v10, v2;
	v0 =	vadd.f32 v1, v0;
	v1 =	vmul.f32 v4, v60  }
0x498: {  	v4 =	vld.idx.msk [tilespmem:v49+s15+$0x0], $0xffff;
	v62 =	vor.u32 v61, v22  }
0x499: {  	v7 =	vld.idx.msk [tilespmem:v52+s16+$0x0], $0xffff;
	v0 =	vadd.f32 v1, v0;
	v1 =	vmul.f32 v2, v59;
	v2 =	vmul.f32 v11, v5  }
0x49a: {  	v5 =	vld.idx.msk [tilespmem:v52+s15+$0x0], $0xffff  }
0x49b: {  	v6 =	vld.idx.msk [tilespmem:v53+s16+$0x0], $0xffff;
	v0 =	vadd.f32 v1, v0;
	v1 =	vmul.f32 v2, v58;
	v2 =	vmul.f32 v9, v3  }
0x49c: {  	v3 =	vld.idx.msk [tilespmem:v53+s15+$0x0], $0xffff  }
0x49d: {  	v0 =	vadd.f32 v1, v0;
	v1 =	vmul.f32 v2, v57;
	v2 =	vmul.f32 v8, v4;
	v4 =	vld.idx.msk [tilespmem:v62+s15+$0x0], $0xffff  }
0x49e: {  	v63 =	vld.idx.msk [tilespmem:v62+s16+$0x0], $0xffff  }
0x49f: {  	v0 =	vadd.f32 v1, v0;
	v1 =	vmul.f32 v2, v56;
	v2 =	vmul.f32 v7, v5  }
0x4a0: {  	v5 =	vld.idx.msk [tilespmem:v61+s10+$0x0], $0xffff  }
0x4a1: {  	v0 =	vadd.f32 v1, v0;
	v1 =	vmul.f32 v2, v55;
	v2 =	vmul.f32 v6, v3;
	_ =	sdelay $0x1  }
0x4a2: {  	v0 =	vadd.f32 v1, v0;
	v1 =	vmul.f32 v2, v54;
	v2 =	vmul.f32 v63, v4;
	_ =	sdelay $0x1  }
0x4a3: {  	v0 =	vadd.f32 v1, v0;
	v1 =	vmul.f32 v2, v5;
	_ =	sdelay $0x1  }
0x4a4: {  	s29 =	sld [smem:$0x7FC];
	v0 =	vadd.f32 v1, v0  }
0x4a5: {  	s0 =	sand.u32 $0xF0, s19  }
0x4a6: {  	s1 =	simm.s32 $0x10480;
	[tilespmem:s0+$0x10580] =	vst v0  }
0x4a7: {  	[hbm4b:s29+s2] =	stream.linear.scatter [tilespmem:s1], [sflag:$0x4], $0x200, $0x38;
	[tilespmem:$0x10680] =	vst v63  }
0x4a8: {  	_ =	swait.ge [sflag:s3], $0x200  }
0x4a9: {  	s30 =	sld [smem:$0x7F9]  }
0x4aa: {  	s31 =	sld [smem:$0x7FD];
	_ =	sdelay $0x1  }
0x4ab: {  	s1 =	sadd.s32 $0x1, s30  }
0x4ac: {  	p0 =	sne.s32 s1, s31  }
.Ltmp6:
0x4ad: {  	_ = 	snop;
	(pc) =	sbr.rel @p0 .LBB2_1-.Ltmp6, $3  }
0x4ae: {  	_ =	sdelay $0x1  }
0x4af: {  	[sflag:s3] =	ssyncset.done $0x0  }
0x4b0: {  	v43 =	vmov v41;
	v46 =	vmov v25;
	v3 =	vmov v50;
	[sflag:s3] =	ssyncadd.s32 $0xFFFFFE00  }
0x4b1: {  	_ =	sfence.sel $0x180000  }
0x4b2: {  	[bflag:$0x0] =	sbarrier.arrive $0xFFFF  }
0x4b3: {  	_ =	strace $0x90000047  }
0x4b4: {  	s0 =	stileid.u32;
	[bflag:$0x2] =	sbarrier.arrive $0xFFFF  }
0x4b5: {  	p0 =	sne.s32 s0, $0x0;
	s0 =	rddreg [dreg:$0x5]  }
0x4b6: {  	s0 =	sadd.s32 @!p0 $0x100000, s0  }
0x4b7: {  	[sflag:s0] =	ssyncadd.tile.s32 @!p0 $0x1;
	_ =	shalt  }
.Lfunc_end2:
_tile_overlayer_lowered:
.L_overlay_start_2:
0x4b8: {  	(tag) =	ssettag $0x2  }
0x4b9: {  	s0 =	rddreg [dreg:$0x0];
	s2 =	stileid.u32  }
0x4ba: {  	s1 =	rddreg [dreg:$0x1];
	p0 =	sne.s32 s2, $0x0  }
0x4bb: {  	s3 =	rddreg [dreg:$0x2];
	[bflag:$0x3] =	sbarrier.arrive $0xFFFF;
	s2 =	simm.s32 @!p0 $0x1C04  }
0x4bc: {  	[timem:s3], [sflag:s2] =	dma.local @!p0 [hbm:s0], s1  }
0x4bd: {  	s0 =	simm.s32 @!p0 $0x4  }
0x4be: {  	_ =	swait.ge @!p0 [sflag:s0], s1  }
0x4bf: {  	s1 =	ssub.s32 @!p0 $0x0, s1;
	[sflag:s0] =	ssyncset.done @!p0 $0x0  }
0x4c0: {  	[sflag:s0] =	ssyncadd.s32 @!p0 s1  }
0x4c1: {  	[bflag:$0x3] =	sbarrier.arrive $0xFFFF  }
0x4c2: {  	_ =	shalt  }

</sc_bundles>
